<compile_context>
chip_gen: v7x
topology: tpu7x:2x2x1
jax: 0.10.2.dev20260603
libtpu: 0.0.44.dev20260713+nightly
codegen_flags: <defaults>
</compile_context>

<pallas_src>
import functools

import jax
import jax.numpy as jnp
from jax import lax
from jax.experimental import pallas as pl
from jax.experimental.pallas import tpu as pltpu
from jax.experimental.pallas import tpu_sc as plsc

BATCH = 16384
FIELDS = 26
EMBED_DIM = 16
VOCAB = 1000000

NUM_CORES = 2
NUM_SUBCORES = 16
NUM_WORKERS = NUM_CORES * NUM_SUBCORES
TOTAL = BATCH * FIELDS
PER_WORKER = TOTAL // NUM_WORKERS
CHUNK = 1664
NUM_CHUNKS = PER_WORKER // CHUNK
LANES = 16

VT_FULL = 7812
B_VT = 6
UNITS_PER_TABLE = VT_FULL // B_VT
UNITS = 2 * UNITS_PER_TABLE
UNIT_V = B_VT * 128
UNIT_ROWS = UNIT_V * EMBED_DIM // 128
S_ROWS = VOCAB * EMBED_DIM // 128

_mesh = plsc.VectorSubcoreMesh(
    core_axis_name="c", subcore_axis_name="s",
    num_cores=NUM_CORES, num_subcores=NUM_SUBCORES)


UNIT_W = UNIT_V * EMBED_DIM
VGRP = UNIT_V // LANES


@functools.partial(
    pl.kernel,
    out_type=(jax.ShapeDtypeStruct((VOCAB * EMBED_DIM,), jnp.float32),
              jax.ShapeDtypeStruct((VOCAB * EMBED_DIM,), jnp.float32)),
    mesh=_mesh,
    scratch_types=[
        pltpu.VMEM((EMBED_DIM, UNIT_V), jnp.float32),
        pltpu.VMEM((EMBED_DIM, UNIT_V), jnp.float32),
        pltpu.VMEM((UNIT_W,), jnp.float32),
        pltpu.VMEM((UNIT_W,), jnp.float32),
        pltpu.VMEM((1024,), jnp.float32),
        pltpu.SemaphoreType.DMA,
        pltpu.SemaphoreType.DMA,
        pltpu.SemaphoreType.DMA,
        pltpu.SemaphoreType.DMA,
    ],
    compiler_params=pltpu.CompilerParams(needs_layout_passes=False,
                                         disable_bounds_checks=True),
)
def _convert(t0_hbm, t1_hbm, tail0_hbm, tail1_hbm, s0_hbm, s1_hbm,
             tbufa, tbufb, rbufa, rbufb, tailbuf, in0, in1, out0, out1):
    wid = lax.axis_index("s") * NUM_CORES + lax.axis_index("c")
    q, r = UNITS // NUM_WORKERS, UNITS % NUM_WORKERS
    lo = wid * q + jnp.minimum(wid, r)
    cnt = q + jnp.where(wid < r, 1, 0)
    iota16 = lax.iota(jnp.int32, LANES) * EMBED_DIM
    in_sems = (in0, in1)
    out_sems = (out0, out1)
    tbufs = (tbufa, tbufb)
    rbufs = (rbufa, rbufb)

    def start_in(u, slot):
        in_t1 = u >= UNITS_PER_TABLE
        v0 = jnp.where(in_t1, u - UNITS_PER_TABLE, u) * UNIT_V

        @pl.when(jnp.logical_not(in_t1))
        def _():
            pltpu.async_copy(t0_hbm.at[:, pl.ds(v0, UNIT_V)],
                             tbufs[slot], in_sems[slot])

        @pl.when(in_t1)
        def _():
            pltpu.async_copy(t1_hbm.at[:, pl.ds(v0, UNIT_V)],
                             tbufs[slot], in_sems[slot])

    def wait_in(slot):
        pltpu.make_async_copy(t0_hbm.at[:, pl.ds(0, UNIT_V)],
                              tbufs[slot], in_sems[slot]).wait()

    def start_out(u, slot):
        in_t1 = u >= UNITS_PER_TABLE
        wo = jnp.where(in_t1, u - UNITS_PER_TABLE, u) * UNIT_W

        @pl.when(jnp.logical_not(in_t1))
        def _():
            pltpu.async_copy(rbufs[slot],
                             s0_hbm.at[pl.ds(wo, UNIT_W)],
                             out_sems[slot])

        @pl.when(in_t1)
        def _():
            pltpu.async_copy(rbufs[slot],
                             s1_hbm.at[pl.ds(wo, UNIT_W)],
                             out_sems[slot])

    def wait_out(slot):
        pltpu.make_async_copy(rbufs[slot],
                              s0_hbm.at[pl.ds(0, UNIT_W)],
                              out_sems[slot]).wait()

    bases = [iota16 + d for d in range(EMBED_DIM)]

    def transpose_unit(slot):
        @plsc.parallel_loop(0, VGRP, unroll=4)
        def _(vg):
            col = vg * (LANES * EMBED_DIM)
            for d in range(EMBED_DIM):
                vals = tbufs[slot][d, pl.ds(vg * LANES, LANES)]
                plsc.store_scatter(rbufs[slot], [bases[d] + col], vals)

    for k in range(2):
        @pl.when(k < cnt)
        def _():
            start_in(lo + k, k)

    def unit_body(i, carry):
        u = lo + i
        islot = i % 2
        for slot in range(2):
            @pl.when(islot == slot)
            def _():
                wait_in(slot)

                @pl.when(i >= 2)
                def _():
                    wait_out(slot)

                transpose_unit(slot)
                start_out(u, slot)

                @pl.when(i + 2 < cnt)
                def _():
                    start_in(u + 2, slot)
        return carry

    lax.fori_loop(0, cnt, unit_body, 0)
    for slot in range(2):
        @pl.when((cnt >= 1) & ((cnt - 1) % 2 == slot))
        def _():
            wait_out(slot)

        @pl.when((cnt >= 2) & ((cnt - 2) % 2 == slot))
        def _():
            wait_out(slot)

    @pl.when(wid == NUM_WORKERS - 1)
    def _():
        pltpu.sync_copy(tail0_hbm, tailbuf)
        pltpu.sync_copy(tailbuf, s0_hbm.at[pl.ds(VT_FULL * 128 * EMBED_DIM,
                                                 1024)])
        pltpu.sync_copy(tail1_hbm, tailbuf)
        pltpu.sync_copy(tailbuf, s1_hbm.at[pl.ds(VT_FULL * 128 * EMBED_DIM,
                                                 1024)])


BT_UNITS = BATCH // 128
BT_PER_W = BT_UNITS // NUM_WORKERS
XIN = 128 * FIELDS
OUT_WORDS = BATCH * FIELDS * 2 * EMBED_DIM
FBLK = 4 * 8 * 128


@functools.partial(
    pl.kernel,
    out_type=jax.ShapeDtypeStruct((OUT_WORDS,), jnp.float32),
    mesh=_mesh,
    scratch_types=[
        pltpu.VMEM((XIN,), jnp.int32),
        pltpu.VMEM((XIN,), jnp.int32),
        pltpu.VMEM((128, EMBED_DIM), jnp.float32),
        pltpu.VMEM((128, EMBED_DIM), jnp.float32),
        pltpu.VMEM((128, EMBED_DIM), jnp.float32),
        pltpu.VMEM((128, EMBED_DIM), jnp.float32),
        pltpu.VMEM((FBLK,), jnp.float32),
        pltpu.VMEM((FBLK,), jnp.float32),
        pltpu.SemaphoreType.DMA,
        pltpu.SemaphoreType.DMA,
        pltpu.SemaphoreType.DMA,
        pltpu.SemaphoreType.DMA,
        pltpu.SemaphoreType.DMA,
        pltpu.SemaphoreType.DMA,
    ],
    compiler_params=pltpu.CompilerParams(use_tc_tiling_on_sc=False,
                                         needs_layout_passes=False,
                                         disable_bounds_checks=True),
)
def _stack_embed(x_hbm, t0_hbm, t1_hbm, out_hbm,
                 xin, xcols, r0a, r0b, r1a, r1b, obla, oblb,
                 g0a, g0b, g1a, g1b, oa, ob):
    wid = lax.axis_index("s") * NUM_CORES + lax.axis_index("c")
    iota = lax.iota(jnp.int32, LANES)
    colbase = [iota * FIELDS + 416 * g for g in range(8)]
    bidx = [iota + LANES * g for g in range(8)]
    r0s, r1s = (r0a, r0b), (r1a, r1b)
    obls = (obla, oblb)
    gsem0, gsem1 = (g0a, g0b), (g1a, g1b)
    osems = (oa, ob)

    def start_gather(f, slot):
        idxr = xcols.at[pl.ds(f * 128, 128)]
        pltpu.async_copy(t0_hbm.at[idxr], r0s[slot], gsem0[slot])
        pltpu.async_copy(t1_hbm.at[idxr], r1s[slot], gsem1[slot])

    def wait_gather(slot):
        pltpu.make_async_copy(t0_hbm.at[pl.ds(0, 128), :],
                              r0s[slot], gsem0[slot]).wait()
        pltpu.make_async_copy(t1_hbm.at[pl.ds(0, 128), :],
                              r1s[slot], gsem1[slot]).wait()

    def start_outs(f, bt, slot):
        for dt in range(4):
            off = ((f * 4 + dt) * BT_UNITS + bt) * 1024
            pltpu.async_copy(obls[slot].at[pl.ds(dt * 1024, 1024)],
                             out_hbm.at[pl.ds(off, 1024)], osems[slot])

    def wait_outs(slot):
        pltpu.make_async_copy(obls[slot], out_hbm.at[pl.ds(0, FBLK)],
                              osems[slot]).wait()

    def assemble(slot):
        @plsc.parallel_loop(0, EMBED_DIM, unroll=4)
        def _(d):
            dv = jnp.broadcast_to(d, (LANES,))
            for g in range(8):
                v0 = plsc.load_gather(r0s[slot], [bidx[g], dv])
                obls[slot][pl.ds(d * 128 + g * LANES, LANES)] = v0
                v1 = plsc.load_gather(r1s[slot], [bidx[g], dv])
                obls[slot][pl.ds((EMBED_DIM + d) * 128 + g * LANES,
                                 LANES)] = v1

    def bt_body(j, carry):
        bt = wid * BT_PER_W + j
        pltpu.sync_copy(x_hbm.at[pl.ds(bt * XIN, XIN)], xin)

        @plsc.parallel_loop(0, FIELDS, unroll=2)
        def _(f):
            for g in range(8):
                vals = plsc.load_gather(xin, [colbase[g] + f])
                xcols[pl.ds(f * 128 + g * LANES, LANES)] = vals

        for k in range(2):
            start_gather(k, k)

        def f_body(f, c):
            for slot in range(2):
                @pl.when(f % 2 == slot)
                def _():
                    wait_gather(slot)

                    @pl.when(f >= 2)
                    def _():
                        wait_outs(slot)

                    assemble(slot)
                    start_outs(f, bt, slot)

                    @pl.when(f + 2 < FIELDS)
                    def _():
                        start_gather(f + 2, slot)
            return c

        lax.fori_loop(0, FIELDS, f_body, 0)
        for slot in range(2):
            wait_outs(slot)
        return carry

    lax.fori_loop(0, BT_PER_W, bt_body, 0)


def kernel(x, table0, table1):
    t0t = table0.T
    t1t = table1.T
    tail0 = lax.slice(table0, (VT_FULL * 128, 0), (VOCAB, EMBED_DIM))
    tail1 = lax.slice(table1, (VT_FULL * 128, 0), (VOCAB, EMBED_DIM))
    s0, s1 = _convert(t0t, t1t, tail0.reshape(1024), tail1.reshape(1024))
    out = _stack_embed(x.reshape(TOTAL),
                       s0.reshape(VOCAB, EMBED_DIM),
                       s1.reshape(VOCAB, EMBED_DIM))
    return (out.reshape(FIELDS, 4, BT_UNITS, 8, 128)
            .transpose(2, 4, 0, 1, 3)
            .reshape(BATCH, FIELDS, 2 * EMBED_DIM))

# --- scband reference (transcript-rebuilt; emitter-appended) ---
"""Pipeline reference for scband-stack-embeddings-59210419142849 (READ-ONLY COPY).

The authoritative reference and input builder live on the scoring server;
editing this copy changes nothing except your own understanding.
"""

import jax, jax.numpy as jnp
import numpy as np

VOCAB = 1000000
EMBED_DIM = 16
BATCH = 16384
FIELDS = 26

def setup_inputs(seed: int = 0) -> dict:
    key = jax.random.key(seed)
    k_idx, k_t0, k_t1 = jax.random.split(key, 3)
    x = jax.random.randint(k_idx, (BATCH, FIELDS), 0, VOCAB, dtype=jnp.int64 if jax.config.jax_enable_x64 else jnp.int32)
    table0 = jax.random.normal(k_t0, (VOCAB, EMBED_DIM), dtype=jnp.float32) * 0.02
    table1 = jax.random.normal(k_t1, (VOCAB, EMBED_DIM), dtype=jnp.float32) * 0.02
    return {"x": x, "table0": table0, "table1": table1}

def reference(x, table0, table1):
    # StackEmbeddings.forward: torch.cat([embed(x) for embed in self.embeddings], dim=-1)
    e0 = jnp.take(table0, x, axis=0)  # [B, F, D]
    e1 = jnp.take(table1, x, axis=0)  # [B, F, D]
    return jnp.concatenate([e0, e1], axis=-1)  # [B, F, 2D]

if __name__ == "__main__":
    import jax
    _d = setup_inputs()
    print(jax.jit(kernel)(*tuple(_d.values())))

</pallas_src>

<mosaic_0001>
#map = affine_map<(d0, d1) -> (0)>
#map1 = affine_map<(d0, d1) -> (0, 0)>
module attributes {stable_mosaic.version = 14 : i64} {
  func.func @_stack_embed(%arg0: i32, %arg1: i32, %arg2: memref<425984xi32, #tpu.memory_space<hbm>>, %arg3: memref<1000000x16xf32, #tpu.memory_space<hbm>>, %arg4: memref<1000000x16xf32, #tpu.memory_space<hbm>>, %arg5: memref<13631488xf32, #tpu.memory_space<hbm>>, %arg6: memref<3328xi32, #tpu.memory_space<vmem>>, %arg7: memref<3328xi32, #tpu.memory_space<vmem>>, %arg8: memref<128x16xf32, #tpu.memory_space<vmem>>, %arg9: memref<128x16xf32, #tpu.memory_space<vmem>>, %arg10: memref<128x16xf32, #tpu.memory_space<vmem>>, %arg11: memref<128x16xf32, #tpu.memory_space<vmem>>, %arg12: memref<4096xf32, #tpu.memory_space<vmem>>, %arg13: memref<4096xf32, #tpu.memory_space<vmem>>, %arg14: memref<!tpu.dma_semaphore, #tpu.memory_space<semaphore_mem>>, %arg15: memref<!tpu.dma_semaphore, #tpu.memory_space<semaphore_mem>>, %arg16: memref<!tpu.dma_semaphore, #tpu.memory_space<semaphore_mem>>, %arg17: memref<!tpu.dma_semaphore, #tpu.memory_space<semaphore_mem>>, %arg18: memref<!tpu.dma_semaphore, #tpu.memory_space<semaphore_mem>>, %arg19: memref<!tpu.dma_semaphore, #tpu.memory_space<semaphore_mem>>) attributes {dimension_semantics = [#tpu.dimension_semantics<core_parallel>, #tpu.dimension_semantics<subcore_parallel>], iteration_bounds = array<i64: 2, 16>, scalar_prefetch = 0 : i64, scratch_operands = 14 : i64, tpu.core_type = #tpu.core_type<sc_vector_subcore>, window_params = [{transform_indices = #map}, {transform_indices = #map1}, {transform_indices = #map1}, {transform_indices = #map}]} {
    %mul3A = arith.constant 2 : i32
    %mul3A_0 = arith.muli %arg1, %mul3A : i32
    %add3A = arith.addi %mul3A_0, %arg0 : i32
    %iota3A = tpu.iota {dimensions = array<i32: 0>} : vector<16xi32>
    %mul3A_1 = arith.constant 26 : i32
    %mul3A_2 = vector.broadcast %mul3A_1 : i32 to vector<16xi32>
    %mul3A_3 = arith.muli %iota3A, %mul3A_2 : vector<16xi32>
    %add3A_4 = arith.constant 0 : i32
    %add3A_5 = vector.broadcast %add3A_4 : i32 to vector<16xi32>
    %add3A_6 = arith.addi %mul3A_3, %add3A_5 : vector<16xi32>
    %mul3A_7 = arith.constant 26 : i32
    %mul3A_8 = vector.broadcast %mul3A_7 : i32 to vector<16xi32>
    %mul3A_9 = arith.muli %iota3A, %mul3A_8 : vector<16xi32>
    %add3A_10 = arith.constant 416 : i32
    %add3A_11 = vector.broadcast %add3A_10 : i32 to vector<16xi32>
    %add3A_12 = arith.addi %mul3A_9, %add3A_11 : vector<16xi32>
    %mul3A_13 = arith.constant 26 : i32
    %mul3A_14 = vector.broadcast %mul3A_13 : i32 to vector<16xi32>
    %mul3A_15 = arith.muli %iota3A, %mul3A_14 : vector<16xi32>
    %add3A_16 = arith.constant 832 : i32
    %add3A_17 = vector.broadcast %add3A_16 : i32 to vector<16xi32>
    %add3A_18 = arith.addi %mul3A_15, %add3A_17 : vector<16xi32>
    %mul3A_19 = arith.constant 26 : i32
    %mul3A_20 = vector.broadcast %mul3A_19 : i32 to vector<16xi32>
    %mul3A_21 = arith.muli %iota3A, %mul3A_20 : vector<16xi32>
    %add3A_22 = arith.constant 1248 : i32
    %add3A_23 = vector.broadcast %add3A_22 : i32 to vector<16xi32>
    %add3A_24 = arith.addi %mul3A_21, %add3A_23 : vector<16xi32>
    %mul3A_25 = arith.constant 26 : i32
    %mul3A_26 = vector.broadcast %mul3A_25 : i32 to vector<16xi32>
    %mul3A_27 = arith.muli %iota3A, %mul3A_26 : vector<16xi32>
    %add3A_28 = arith.constant 1664 : i32
    %add3A_29 = vector.broadcast %add3A_28 : i32 to vector<16xi32>
    %add3A_30 = arith.addi %mul3A_27, %add3A_29 : vector<16xi32>
    %mul3A_31 = arith.constant 26 : i32
    %mul3A_32 = vector.broadcast %mul3A_31 : i32 to vector<16xi32>
    %mul3A_33 = arith.muli %iota3A, %mul3A_32 : vector<16xi32>
    %add3A_34 = arith.constant 2080 : i32
    %add3A_35 = vector.broadcast %add3A_34 : i32 to vector<16xi32>
    %add3A_36 = arith.addi %mul3A_33, %add3A_35 : vector<16xi32>
    %mul3A_37 = arith.constant 26 : i32
    %mul3A_38 = vector.broadcast %mul3A_37 : i32 to vector<16xi32>
    %mul3A_39 = arith.muli %iota3A, %mul3A_38 : vector<16xi32>
    %add3A_40 = arith.constant 2496 : i32
    %add3A_41 = vector.broadcast %add3A_40 : i32 to vector<16xi32>
    %add3A_42 = arith.addi %mul3A_39, %add3A_41 : vector<16xi32>
    %mul3A_43 = arith.constant 26 : i32
    %mul3A_44 = vector.broadcast %mul3A_43 : i32 to vector<16xi32>
    %mul3A_45 = arith.muli %iota3A, %mul3A_44 : vector<16xi32>
    %add3A_46 = arith.constant 2912 : i32
    %add3A_47 = vector.broadcast %add3A_46 : i32 to vector<16xi32>
    %add3A_48 = arith.addi %mul3A_45, %add3A_47 : vector<16xi32>
    %add3A_49 = arith.constant 0 : i32
    %add3A_50 = vector.broadcast %add3A_49 : i32 to vector<16xi32>
    %add3A_51 = arith.addi %iota3A, %add3A_50 : vector<16xi32>
    %add3A_52 = arith.constant 16 : i32
    %add3A_53 = vector.broadcast %add3A_52 : i32 to vector<16xi32>
    %add3A_54 = arith.addi %iota3A, %add3A_53 : vector<16xi32>
    %add3A_55 = arith.constant 32 : i32
    %add3A_56 = vector.broadcast %add3A_55 : i32 to vector<16xi32>
    %add3A_57 = arith.addi %iota3A, %add3A_56 : vector<16xi32>
    %add3A_58 = arith.constant 48 : i32
    %add3A_59 = vector.broadcast %add3A_58 : i32 to vector<16xi32>
    %add3A_60 = arith.addi %iota3A, %add3A_59 : vector<16xi32>
    %add3A_61 = arith.constant 64 : i32
    %add3A_62 = vector.broadcast %add3A_61 : i32 to vector<16xi32>
    %add3A_63 = arith.addi %iota3A, %add3A_62 : vector<16xi32>
    %add3A_64 = arith.constant 80 : i32
    %add3A_65 = vector.broadcast %add3A_64 : i32 to vector<16xi32>
    %add3A_66 = arith.addi %iota3A, %add3A_65 : vector<16xi32>
    %add3A_67 = arith.constant 96 : i32
    %add3A_68 = vector.broadcast %add3A_67 : i32 to vector<16xi32>
    %add3A_69 = arith.addi %iota3A, %add3A_68 : vector<16xi32>
    %add3A_70 = arith.constant 112 : i32
    %add3A_71 = vector.broadcast %add3A_70 : i32 to vector<16xi32>
    %add3A_72 = arith.addi %iota3A, %add3A_71 : vector<16xi32>
    %scan3A = arith.constant 0 : i32
    %scan3A_73 = arith.constant 0 : i32
    %scan3A_74 = arith.constant 4 : i32
    %scan3A_75 = arith.addi %scan3A_73, %scan3A_74 : i32
    %scan3A_76 = arith.constant 1 : i32
    scf.for %scan3A_78 = %scan3A_73 to %scan3A_75 step %scan3A_76  : i32 {
      %mul3A_79 = arith.constant 4 : i32
      %mul3A_80 = arith.muli %add3A, %mul3A_79 : i32
      %add3A_81 = arith.addi %mul3A_80, %scan3A_78 : i32
      %mul3A_82 = arith.constant 3328 : i32
      %mul3A_83 = arith.muli %add3A_81, %mul3A_82 : i32
      "tpu.region"() ({
        %run_scoped3A = tpu.sem_alloc : memref<!tpu.dma_semaphore, #tpu.memory_space<semaphore_mem>>
        %dma_start3A_118 = tpu.memref_slice %arg2[%mul3A_83] : memref<425984xi32, #tpu.memory_space<hbm>> -> memref<3328xi32, #tpu.memory_space<hbm>>
        %dma_start3A_119 = tpu.memref_slice %arg2[%mul3A_83] : memref<425984xi32, #tpu.memory_space<hbm>> -> memref<3328xi32, #tpu.memory_space<hbm>>
        tpu.enqueue_dma source(%dma_start3A_119 : memref<3328xi32, #tpu.memory_space<hbm>>) target(%arg6 : memref<3328xi32, #tpu.memory_space<vmem>>) target_semaphore(%run_scoped3A : memref<!tpu.dma_semaphore, #tpu.memory_space<semaphore_mem>>)
        %dma_wait3A_120 = tpu.memref_slice %arg2[%mul3A_83] : memref<425984xi32, #tpu.memory_space<hbm>> -> memref<3328xi32, #tpu.memory_space<hbm>>
        %dma_wait3A_121 = tpu.memref_slice %arg2[%mul3A_83] : memref<425984xi32, #tpu.memory_space<hbm>> -> memref<3328xi32, #tpu.memory_space<hbm>>
        tpu.wait_dma2 semaphore(%run_scoped3A : memref<!tpu.dma_semaphore, #tpu.memory_space<semaphore_mem>>) src(%dma_wait3A_121 : memref<3328xi32, #tpu.memory_space<hbm>>) dst(%arg6 : memref<3328xi32, #tpu.memory_space<vmem>>)
        tpu.yield
      }) : () -> ()
      %parallel_loop3A = arith.constant 0 : i32
      %parallel_loop3A_84 = arith.constant 26 : i32
      %parallel_loop3A_85 = arith.constant 1 : i32
      scf.for %parallel_loop3A_118 = %parallel_loop3A to %parallel_loop3A_84 step %parallel_loop3A_85  : i32 {
        %parallel_loop3A_119 = vector.broadcast %parallel_loop3A_118 : i32 to vector<16xi32>
        %parallel_loop3A_120 = arith.addi %add3A_6, %parallel_loop3A_119 : vector<16xi32>
        %parallel_loop3A_121 = tpu.vector_load_idx %arg6[%parallel_loop3A_120] : memref<3328xi32, #tpu.memory_space<vmem>>[vector<16xi32>], vector<16xi32>,
        %parallel_loop3A_122 = arith.constant 128 : i32
        %parallel_loop3A_123 = arith.muli %parallel_loop3A_118, %parallel_loop3A_122 : i32
        %parallel_loop3A_124 = arith.constant 0 : i32
        %parallel_loop3A_125 = arith.addi %parallel_loop3A_123, %parallel_loop3A_124 : i32
        %parallel_loop3A_126 = arith.index_cast %parallel_loop3A_125 : i32 to index
        %parallel_loop3A_127 = tpu.vector_load %arg7[%parallel_loop3A_126] {strides = array<i32>} : memref<3328xi32, #tpu.memory_space<vmem>>, vector<16xi32>,
        tpu.vector_store %arg7[%parallel_loop3A_126], %parallel_loop3A_121 {strides = array<i32>} : memref<3328xi32, #tpu.memory_space<vmem>>, vector<16xi32>,
        %parallel_loop3A_128 = vector.broadcast %parallel_loop3A_118 : i32 to vector<16xi32>
        %parallel_loop3A_129 = arith.addi %add3A_12, %parallel_loop3A_128 : vector<16xi32>
        %parallel_loop3A_130 = tpu.vector_load_idx %arg6[%parallel_loop3A_129] : memref<3328xi32, #tpu.memory_space<vmem>>[vector<16xi32>], vector<16xi32>,
        %parallel_loop3A_131 = arith.constant 128 : i32
        %parallel_loop3A_132 = arith.muli %parallel_loop3A_118, %parallel_loop3A_131 : i32
        %parallel_loop3A_133 = arith.constant 16 : i32
        %parallel_loop3A_134 = arith.addi %parallel_loop3A_132, %parallel_loop3A_133 : i32
        %parallel_loop3A_135 = arith.index_cast %parallel_loop3A_134 : i32 to index
        %parallel_loop3A_136 = tpu.vector_load %arg7[%parallel_loop3A_135] {strides = array<i32>} : memref<3328xi32, #tpu.memory_space<vmem>>, vector<16xi32>,
        tpu.vector_store %arg7[%parallel_loop3A_135], %parallel_loop3A_130 {strides = array<i32>} : memref<3328xi32, #tpu.memory_space<vmem>>, vector<16xi32>,
        %parallel_loop3A_137 = vector.broadcast %parallel_loop3A_118 : i32 to vector<16xi32>
        %parallel_loop3A_138 = arith.addi %add3A_18, %parallel_loop3A_137 : vector<16xi32>
        %parallel_loop3A_139 = tpu.vector_load_idx %arg6[%parallel_loop3A_138] : memref<3328xi32, #tpu.memory_space<vmem>>[vector<16xi32>], vector<16xi32>,
        %parallel_loop3A_140 = arith.constant 128 : i32
        %parallel_loop3A_141 = arith.muli %parallel_loop3A_118, %parallel_loop3A_140 : i32
        %parallel_loop3A_142 = arith.constant 32 : i32
        %parallel_loop3A_143 = arith.addi %parallel_loop3A_141, %parallel_loop3A_142 : i32
        %parallel_loop3A_144 = arith.index_cast %parallel_loop3A_143 : i32 to index
        %parallel_loop3A_145 = tpu.vector_load %arg7[%parallel_loop3A_144] {strides = array<i32>} : memref<3328xi32, #tpu.memory_space<vmem>>, vector<16xi32>,
        tpu.vector_store %arg7[%parallel_loop3A_144], %parallel_loop3A_139 {strides = array<i32>} : memref<3328xi32, #tpu.memory_space<vmem>>, vector<16xi32>,
        %parallel_loop3A_146 = vector.broadcast %parallel_loop3A_118 : i32 to vector<16xi32>
        %parallel_loop3A_147 = arith.addi %add3A_24, %parallel_loop3A_146 : vector<16xi32>
        %parallel_loop3A_148 = tpu.vector_load_idx %arg6[%parallel_loop3A_147] : memref<3328xi32, #tpu.memory_space<vmem>>[vector<16xi32>], vector<16xi32>,
        %parallel_loop3A_149 = arith.constant 128 : i32
        %parallel_loop3A_150 = arith.muli %parallel_loop3A_118, %parallel_loop3A_149 : i32
        %parallel_loop3A_151 = arith.constant 48 : i32
        %parallel_loop3A_152 = arith.addi %parallel_loop3A_150, %parallel_loop3A_151 : i32
        %parallel_loop3A_153 = arith.index_cast %parallel_loop3A_152 : i32 to index
        %parallel_loop3A_154 = tpu.vector_load %arg7[%parallel_loop3A_153] {strides = array<i32>} : memref<3328xi32, #tpu.memory_space<vmem>>, vector<16xi32>,
        tpu.vector_store %arg7[%parallel_loop3A_153], %parallel_loop3A_148 {strides = array<i32>} : memref<3328xi32, #tpu.memory_space<vmem>>, vector<16xi32>,
        %parallel_loop3A_155 = vector.broadcast %parallel_loop3A_118 : i32 to vector<16xi32>
        %parallel_loop3A_156 = arith.addi %add3A_30, %parallel_loop3A_155 : vector<16xi32>
        %parallel_loop3A_157 = tpu.vector_load_idx %arg6[%parallel_loop3A_156] : memref<3328xi32, #tpu.memory_space<vmem>>[vector<16xi32>], vector<16xi32>,
        %parallel_loop3A_158 = arith.constant 128 : i32
        %parallel_loop3A_159 = arith.muli %parallel_loop3A_118, %parallel_loop3A_158 : i32
        %parallel_loop3A_160 = arith.constant 64 : i32
        %parallel_loop3A_161 = arith.addi %parallel_loop3A_159, %parallel_loop3A_160 : i32
        %parallel_loop3A_162 = arith.index_cast %parallel_loop3A_161 : i32 to index
        %parallel_loop3A_163 = tpu.vector_load %arg7[%parallel_loop3A_162] {strides = array<i32>} : memref<3328xi32, #tpu.memory_space<vmem>>, vector<16xi32>,
        tpu.vector_store %arg7[%parallel_loop3A_162], %parallel_loop3A_157 {strides = array<i32>} : memref<3328xi32, #tpu.memory_space<vmem>>, vector<16xi32>,
        %parallel_loop3A_164 = vector.broadcast %parallel_loop3A_118 : i32 to vector<16xi32>
        %parallel_loop3A_165 = arith.addi %add3A_36, %parallel_loop3A_164 : vector<16xi32>
        %parallel_loop3A_166 = tpu.vector_load_idx %arg6[%parallel_loop3A_165] : memref<3328xi32, #tpu.memory_space<vmem>>[vector<16xi32>], vector<16xi32>,
        %parallel_loop3A_167 = arith.constant 128 : i32
        %parallel_loop3A_168 = arith.muli %parallel_loop3A_118, %parallel_loop3A_167 : i32
        %parallel_loop3A_169 = arith.constant 80 : i32
        %parallel_loop3A_170 = arith.addi %parallel_loop3A_168, %parallel_loop3A_169 : i32
        %parallel_loop3A_171 = arith.index_cast %parallel_loop3A_170 : i32 to index
        %parallel_loop3A_172 = tpu.vector_load %arg7[%parallel_loop3A_171] {strides = array<i32>} : memref<3328xi32, #tpu.memory_space<vmem>>, vector<16xi32>,
        tpu.vector_store %arg7[%parallel_loop3A_171], %parallel_loop3A_166 {strides = array<i32>} : memref<3328xi32, #tpu.memory_space<vmem>>, vector<16xi32>,
        %parallel_loop3A_173 = vector.broadcast %parallel_loop3A_118 : i32 to vector<16xi32>
        %parallel_loop3A_174 = arith.addi %add3A_42, %parallel_loop3A_173 : vector<16xi32>
        %parallel_loop3A_175 = tpu.vector_load_idx %arg6[%parallel_loop3A_174] : memref<3328xi32, #tpu.memory_space<vmem>>[vector<16xi32>], vector<16xi32>,
        %parallel_loop3A_176 = arith.constant 128 : i32
        %parallel_loop3A_177 = arith.muli %parallel_loop3A_118, %parallel_loop3A_176 : i32
        %parallel_loop3A_178 = arith.constant 96 : i32
        %parallel_loop3A_179 = arith.addi %parallel_loop3A_177, %parallel_loop3A_178 : i32
        %parallel_loop3A_180 = arith.index_cast %parallel_loop3A_179 : i32 to index
        %parallel_loop3A_181 = tpu.vector_load %arg7[%parallel_loop3A_180] {strides = array<i32>} : memref<3328xi32, #tpu.memory_space<vmem>>, vector<16xi32>,
        tpu.vector_store %arg7[%parallel_loop3A_180], %parallel_loop3A_175 {strides = array<i32>} : memref<3328xi32, #tpu.memory_space<vmem>>, vector<16xi32>,
        %parallel_loop3A_182 = vector.broadcast %parallel_loop3A_118 : i32 to vector<16xi32>
        %parallel_loop3A_183 = arith.addi %add3A_48, %parallel_loop3A_182 : vector<16xi32>
        %parallel_loop3A_184 = tpu.vector_load_idx %arg6[%parallel_loop3A_183] : memref<3328xi32, #tpu.memory_space<vmem>>[vector<16xi32>], vector<16xi32>,
        %parallel_loop3A_185 = arith.constant 128 : i32
        %parallel_loop3A_186 = arith.muli %parallel_loop3A_118, %parallel_loop3A_185 : i32
        %parallel_loop3A_187 = arith.constant 112 : i32
        %parallel_loop3A_188 = arith.addi %parallel_loop3A_186, %parallel_loop3A_187 : i32
        %parallel_loop3A_189 = arith.index_cast %parallel_loop3A_188 : i32 to index
        %parallel_loop3A_190 = tpu.vector_load %arg7[%parallel_loop3A_189] {strides = array<i32>} : memref<3328xi32, #tpu.memory_space<vmem>>, vector<16xi32>,
        tpu.vector_store %arg7[%parallel_loop3A_189], %parallel_loop3A_184 {strides = array<i32>} : memref<3328xi32, #tpu.memory_space<vmem>>, vector<16xi32>,
      } {sc.loop_unroll_factor = 2 : i64, sc.parallel_access}
      %dma_start3A = arith.constant 0 : i32
      %dma_start3A_86 = tpu.memref_slice %arg7[%dma_start3A] : memref<3328xi32, #tpu.memory_space<vmem>> -> memref<128xi32, #tpu.memory_space<vmem>>
      %dma_start3A_87 = arith.constant 0 : i32
      %dma_start3A_88 = arith.constant 0 : i32
      %dma_start3A_89 = tpu.memref_slice %arg3[%dma_start3A_87, %dma_start3A_88] : memref<1000000x16xf32, #tpu.memory_space<hbm>> -> memref<1000000x16xf32, #tpu.memory_space<hbm>>
      tpu.enqueue_indirect_dma source(%dma_start3A_89 : memref<1000000x16xf32, #tpu.memory_space<hbm>>) target(%arg8 : memref<128x16xf32, #tpu.memory_space<vmem>>) offsets(%dma_start3A_86 : memref<128xi32, #tpu.memory_space<vmem>>) semaphore(%arg14 : memref<!tpu.dma_semaphore, #tpu.memory_space<semaphore_mem>>)
      %dma_start3A_90 = arith.constant 0 : i32
      %dma_start3A_91 = tpu.memref_slice %arg7[%dma_start3A_90] : memref<3328xi32, #tpu.memory_space<vmem>> -> memref<128xi32, #tpu.memory_space<vmem>>
      %dma_start3A_92 = arith.constant 0 : i32
      %dma_start3A_93 = arith.constant 0 : i32
      %dma_start3A_94 = tpu.memref_slice %arg4[%dma_start3A_92, %dma_start3A_93] : memref<1000000x16xf32, #tpu.memory_space<hbm>> -> memref<1000000x16xf32, #tpu.memory_space<hbm>>
      tpu.enqueue_indirect_dma source(%dma_start3A_94 : memref<1000000x16xf32, #tpu.memory_space<hbm>>) target(%arg10 : memref<128x16xf32, #tpu.memory_space<vmem>>) offsets(%dma_start3A_91 : memref<128xi32, #tpu.memory_space<vmem>>) semaphore(%arg16 : memref<!tpu.dma_semaphore, #tpu.memory_space<semaphore_mem>>)
      %dma_start3A_95 = arith.constant 128 : i32
      %dma_start3A_96 = tpu.memref_slice %arg7[%dma_start3A_95] : memref<3328xi32, #tpu.memory_space<vmem>> -> memref<128xi32, #tpu.memory_space<vmem>>
      %dma_start3A_97 = arith.constant 0 : i32
      %dma_start3A_98 = arith.constant 0 : i32
      %dma_start3A_99 = tpu.memref_slice %arg3[%dma_start3A_97, %dma_start3A_98] : memref<1000000x16xf32, #tpu.memory_space<hbm>> -> memref<1000000x16xf32, #tpu.memory_space<hbm>>
      tpu.enqueue_indirect_dma source(%dma_start3A_99 : memref<1000000x16xf32, #tpu.memory_space<hbm>>) target(%arg9 : memref<128x16xf32, #tpu.memory_space<vmem>>) offsets(%dma_start3A_96 : memref<128xi32, #tpu.memory_space<vmem>>) semaphore(%arg15 : memref<!tpu.dma_semaphore, #tpu.memory_space<semaphore_mem>>)
      %dma_start3A_100 = arith.constant 128 : i32
      %dma_start3A_101 = tpu.memref_slice %arg7[%dma_start3A_100] : memref<3328xi32, #tpu.memory_space<vmem>> -> memref<128xi32, #tpu.memory_space<vmem>>
      %dma_start3A_102 = arith.constant 0 : i32
      %dma_start3A_103 = arith.constant 0 : i32
      %dma_start3A_104 = tpu.memref_slice %arg4[%dma_start3A_102, %dma_start3A_103] : memref<1000000x16xf32, #tpu.memory_space<hbm>> -> memref<1000000x16xf32, #tpu.memory_space<hbm>>
      tpu.enqueue_indirect_dma source(%dma_start3A_104 : memref<1000000x16xf32, #tpu.memory_space<hbm>>) target(%arg11 : memref<128x16xf32, #tpu.memory_space<vmem>>) offsets(%dma_start3A_101 : memref<128xi32, #tpu.memory_space<vmem>>) semaphore(%arg17 : memref<!tpu.dma_semaphore, #tpu.memory_space<semaphore_mem>>)
      %scan3A_105 = arith.constant 0 : i32
      %scan3A_106 = arith.constant 0 : i32
      %scan3A_107 = arith.constant 26 : i32
      %scan3A_108 = arith.addi %scan3A_106, %scan3A_107 : i32
      %scan3A_109 = arith.constant 1 : i32
      scf.for %scan3A_118 = %scan3A_106 to %scan3A_108 step %scan3A_109  : i32 {
        %jit3A = arith.constant 2 : i32
        %eq3A = arith.constant 0 : i32
        %eq3A_119 = arith.cmpi eq, %jit3A, %eq3A : i32
        %jit3A_120 = arith.constant 1 : i32
        %select_n3A = arith.select %eq3A_119, %jit3A_120, %jit3A : i32
        %rem3A = arith.remsi %scan3A_118, %select_n3A : i32
        %ne3A = arith.constant 0 : i32
        %ne3A_121 = arith.cmpi ne, %rem3A, %ne3A : i32
        %lt3A = arith.constant 0 : i32
        %lt3A_122 = arith.cmpi slt, %rem3A, %lt3A : i32
        %lt3A_123 = arith.constant 0 : i32
        %lt3A_124 = arith.cmpi slt, %select_n3A, %lt3A_123 : i32
        %ne3A_125 = arith.xori %lt3A_122, %lt3A_124 : i1
        %and3A = arith.andi %ne3A_125, %ne3A_121 : i1
        %add3A_126 = arith.addi %rem3A, %select_n3A : i32
        %select_n3A_127 = arith.select %and3A, %add3A_126, %rem3A : i32
        %eq3A_128 = arith.constant 0 : i32
        %eq3A_129 = arith.cmpi eq, %select_n3A_127, %eq3A_128 : i32
        %convert_element_type3A = arith.extui %eq3A_129 : i1 to i32
        %cond3A = arith.constant 0 : i32
        %cond3A_130 = arith.cmpi ne, %convert_element_type3A, %cond3A : i32
        scf.if %cond3A_130 {
          %dma_wait3A_152 = arith.constant 0 : i32
          %dma_wait3A_153 = arith.constant 0 : i32
          %dma_wait3A_154 = tpu.memref_slice %arg3[%dma_wait3A_152, %dma_wait3A_153] : memref<1000000x16xf32, #tpu.memory_space<hbm>> -> memref<128x16xf32, #tpu.memory_space<hbm>>
          %dma_wait3A_155 = arith.constant 0 : i32
          %dma_wait3A_156 = arith.constant 0 : i32
          %dma_wait3A_157 = tpu.memref_slice %arg3[%dma_wait3A_155, %dma_wait3A_156] : memref<1000000x16xf32, #tpu.memory_space<hbm>> -> memref<128x16xf32, #tpu.memory_space<hbm>>
          tpu.wait_dma2 semaphore(%arg14 : memref<!tpu.dma_semaphore, #tpu.memory_space<semaphore_mem>>) src(%dma_wait3A_157 : memref<128x16xf32, #tpu.memory_space<hbm>>) dst(%arg8 : memref<128x16xf32, #tpu.memory_space<vmem>>)
          %dma_wait3A_158 = arith.constant 0 : i32
          %dma_wait3A_159 = arith.constant 0 : i32
          %dma_wait3A_160 = tpu.memref_slice %arg4[%dma_wait3A_158, %dma_wait3A_159] : memref<1000000x16xf32, #tpu.memory_space<hbm>> -> memref<128x16xf32, #tpu.memory_space<hbm>>
          %dma_wait3A_161 = arith.constant 0 : i32
          %dma_wait3A_162 = arith.constant 0 : i32
          %dma_wait3A_163 = tpu.memref_slice %arg4[%dma_wait3A_161, %dma_wait3A_162] : memref<1000000x16xf32, #tpu.memory_space<hbm>> -> memref<128x16xf32, #tpu.memory_space<hbm>>
          tpu.wait_dma2 semaphore(%arg16 : memref<!tpu.dma_semaphore, #tpu.memory_space<semaphore_mem>>) src(%dma_wait3A_163 : memref<128x16xf32, #tpu.memory_space<hbm>>) dst(%arg10 : memref<128x16xf32, #tpu.memory_space<vmem>>)
          %ge3A = arith.constant 2 : i32
          %ge3A_164 = arith.cmpi sge, %scan3A_118, %ge3A : i32
          %convert_element_type3A_165 = arith.extui %ge3A_164 : i1 to i32
          %cond3A_166 = arith.constant 0 : i32
          %cond3A_167 = arith.cmpi ne, %convert_element_type3A_165, %cond3A_166 : i32
          scf.if %cond3A_167 {
            %dma_wait3A_238 = arith.constant 0 : i32
            %dma_wait3A_239 = tpu.memref_slice %arg5[%dma_wait3A_238] : memref<13631488xf32, #tpu.memory_space<hbm>> -> memref<4096xf32, #tpu.memory_space<hbm>>
            %dma_wait3A_240 = arith.constant 0 : i32
            %dma_wait3A_241 = tpu.memref_slice %arg5[%dma_wait3A_240] : memref<13631488xf32, #tpu.memory_space<hbm>> -> memref<4096xf32, #tpu.memory_space<hbm>>
            tpu.wait_dma2 semaphore(%arg18 : memref<!tpu.dma_semaphore, #tpu.memory_space<semaphore_mem>>) src(%arg12 : memref<4096xf32, #tpu.memory_space<vmem>>) dst(%dma_wait3A_241 : memref<4096xf32, #tpu.memory_space<hbm>>)
          } else {
          }
          %parallel_loop3A_168 = arith.constant 0 : i32
          %parallel_loop3A_169 = arith.constant 16 : i32
          %parallel_loop3A_170 = arith.constant 1 : i32
          scf.for %parallel_loop3A_238 = %parallel_loop3A_168 to %parallel_loop3A_169 step %parallel_loop3A_170  : i32 {
            %parallel_loop3A_239 = vector.broadcast %parallel_loop3A_238 : i32 to vector<16xi32>
            %parallel_loop3A_240 = tpu.vector_load_idx %arg8[%add3A_51, %parallel_loop3A_239] : memref<128x16xf32, #tpu.memory_space<vmem>>[vector<16xi32>, vector<16xi32>], vector<16xf32>,
            %parallel_loop3A_241 = arith.constant 128 : i32
            %parallel_loop3A_242 = arith.muli %parallel_loop3A_238, %parallel_loop3A_241 : i32
            %parallel_loop3A_243 = arith.constant 0 : i32
            %parallel_loop3A_244 = arith.addi %parallel_loop3A_242, %parallel_loop3A_243 : i32
            %parallel_loop3A_245 = arith.index_cast %parallel_loop3A_244 : i32 to index
            %parallel_loop3A_246 = tpu.vector_load %arg12[%parallel_loop3A_245] {strides = array<i32>} : memref<4096xf32, #tpu.memory_space<vmem>>, vector<16xf32>,
            tpu.vector_store %arg12[%parallel_loop3A_245], %parallel_loop3A_240 {strides = array<i32>} : memref<4096xf32, #tpu.memory_space<vmem>>, vector<16xf32>,
            %parallel_loop3A_247 = tpu.vector_load_idx %arg10[%add3A_51, %parallel_loop3A_239] : memref<128x16xf32, #tpu.memory_space<vmem>>[vector<16xi32>, vector<16xi32>], vector<16xf32>,
            %parallel_loop3A_248 = arith.constant 16 : i32
            %parallel_loop3A_249 = arith.addi %parallel_loop3A_248, %parallel_loop3A_238 : i32
            %parallel_loop3A_250 = arith.constant 128 : i32
            %parallel_loop3A_251 = arith.muli %parallel_loop3A_249, %parallel_loop3A_250 : i32
            %parallel_loop3A_252 = arith.constant 0 : i32
            %parallel_loop3A_253 = arith.addi %parallel_loop3A_251, %parallel_loop3A_252 : i32
            %parallel_loop3A_254 = arith.index_cast %parallel_loop3A_253 : i32 to index
            %parallel_loop3A_255 = tpu.vector_load %arg12[%parallel_loop3A_254] {strides = array<i32>} : memref<4096xf32, #tpu.memory_space<vmem>>, vector<16xf32>,
            tpu.vector_store %arg12[%parallel_loop3A_254], %parallel_loop3A_247 {strides = array<i32>} : memref<4096xf32, #tpu.memory_space<vmem>>, vector<16xf32>,
            %parallel_loop3A_256 = tpu.vector_load_idx %arg8[%add3A_54, %parallel_loop3A_239] : memref<128x16xf32, #tpu.memory_space<vmem>>[vector<16xi32>, vector<16xi32>], vector<16xf32>,
            %parallel_loop3A_257 = arith.constant 128 : i32
            %parallel_loop3A_258 = arith.muli %parallel_loop3A_238, %parallel_loop3A_257 : i32
            %parallel_loop3A_259 = arith.constant 16 : i32
            %parallel_loop3A_260 = arith.addi %parallel_loop3A_258, %parallel_loop3A_259 : i32
            %parallel_loop3A_261 = arith.index_cast %parallel_loop3A_260 : i32 to index
            %parallel_loop3A_262 = tpu.vector_load %arg12[%parallel_loop3A_261] {strides = array<i32>} : memref<4096xf32, #tpu.memory_space<vmem>>, vector<16xf32>,
            tpu.vector_store %arg12[%parallel_loop3A_261], %parallel_loop3A_256 {strides = array<i32>} : memref<4096xf32, #tpu.memory_space<vmem>>, vector<16xf32>,
            %parallel_loop3A_263 = tpu.vector_load_idx %arg10[%add3A_54, %parallel_loop3A_239] : memref<128x16xf32, #tpu.memory_space<vmem>>[vector<16xi32>, vector<16xi32>], vector<16xf32>,
            %parallel_loop3A_264 = arith.constant 16 : i32
            %parallel_loop3A_265 = arith.addi %parallel_loop3A_264, %parallel_loop3A_238 : i32
            %parallel_loop3A_266 = arith.constant 128 : i32
            %parallel_loop3A_267 = arith.muli %parallel_loop3A_265, %parallel_loop3A_266 : i32
            %parallel_loop3A_268 = arith.constant 16 : i32
            %parallel_loop3A_269 = arith.addi %parallel_loop3A_267, %parallel_loop3A_268 : i32
            %parallel_loop3A_270 = arith.index_cast %parallel_loop3A_269 : i32 to index
            %parallel_loop3A_271 = tpu.vector_load %arg12[%parallel_loop3A_270] {strides = array<i32>} : memref<4096xf32, #tpu.memory_space<vmem>>, vector<16xf32>,
            tpu.vector_store %arg12[%parallel_loop3A_270], %parallel_loop3A_263 {strides = array<i32>} : memref<4096xf32, #tpu.memory_space<vmem>>, vector<16xf32>,
            %parallel_loop3A_272 = tpu.vector_load_idx %arg8[%add3A_57, %parallel_loop3A_239] : memref<128x16xf32, #tpu.memory_space<vmem>>[vector<16xi32>, vector<16xi32>], vector<16xf32>,
            %parallel_loop3A_273 = arith.constant 128 : i32
            %parallel_loop3A_274 = arith.muli %parallel_loop3A_238, %parallel_loop3A_273 : i32
            %parallel_loop3A_275 = arith.constant 32 : i32
            %parallel_loop3A_276 = arith.addi %parallel_loop3A_274, %parallel_loop3A_275 : i32
            %parallel_loop3A_277 = arith.index_cast %parallel_loop3A_276 : i32 to index
            %parallel_loop3A_278 = tpu.vector_load %arg12[%parallel_loop3A_277] {strides = array<i32>} : memref<4096xf32, #tpu.memory_space<vmem>>, vector<16xf32>,
            tpu.vector_store %arg12[%parallel_loop3A_277], %parallel_loop3A_272 {strides = array<i32>} : memref<4096xf32, #tpu.memory_space<vmem>>, vector<16xf32>,
            %parallel_loop3A_279 = tpu.vector_load_idx %arg10[%add3A_57, %parallel_loop3A_239] : memref<128x16xf32, #tpu.memory_space<vmem>>[vector<16xi32>, vector<16xi32>], vector<16xf32>,
            %parallel_loop3A_280 = arith.constant 16 : i32
            %parallel_loop3A_281 = arith.addi %parallel_loop3A_280, %parallel_loop3A_238 : i32
            %parallel_loop3A_282 = arith.constant 128 : i32
            %parallel_loop3A_283 = arith.muli %parallel_loop3A_281, %parallel_loop3A_282 : i32
            %parallel_loop3A_284 = arith.constant 32 : i32
            %parallel_loop3A_285 = arith.addi %parallel_loop3A_283, %parallel_loop3A_284 : i32
            %parallel_loop3A_286 = arith.index_cast %parallel_loop3A_285 : i32 to index
            %parallel_loop3A_287 = tpu.vector_load %arg12[%parallel_loop3A_286] {strides = array<i32>} : memref<4096xf32, #tpu.memory_space<vmem>>, vector<16xf32>,
            tpu.vector_store %arg12[%parallel_loop3A_286], %parallel_loop3A_279 {strides = array<i32>} : memref<4096xf32, #tpu.memory_space<vmem>>, vector<16xf32>,
            %parallel_loop3A_288 = tpu.vector_load_idx %arg8[%add3A_60, %parallel_loop3A_239] : memref<128x16xf32, #tpu.memory_space<vmem>>[vector<16xi32>, vector<16xi32>], vector<16xf32>,
            %parallel_loop3A_289 = arith.constant 128 : i32
            %parallel_loop3A_290 = arith.muli %parallel_loop3A_238, %parallel_loop3A_289 : i32
            %parallel_loop3A_291 = arith.constant 48 : i32
            %parallel_loop3A_292 = arith.addi %parallel_loop3A_290, %parallel_loop3A_291 : i32
            %parallel_loop3A_293 = arith.index_cast %parallel_loop3A_292 : i32 to index
            %parallel_loop3A_294 = tpu.vector_load %arg12[%parallel_loop3A_293] {strides = array<i32>} : memref<4096xf32, #tpu.memory_space<vmem>>, vector<16xf32>,
            tpu.vector_store %arg12[%parallel_loop3A_293], %parallel_loop3A_288 {strides = array<i32>} : memref<4096xf32, #tpu.memory_space<vmem>>, vector<16xf32>,
            %parallel_loop3A_295 = tpu.vector_load_idx %arg10[%add3A_60, %parallel_loop3A_239] : memref<128x16xf32, #tpu.memory_space<vmem>>[vector<16xi32>, vector<16xi32>], vector<16xf32>,
            %parallel_loop3A_296 = arith.constant 16 : i32
            %parallel_loop3A_297 = arith.addi %parallel_loop3A_296, %parallel_loop3A_238 : i32
            %parallel_loop3A_298 = arith.constant 128 : i32
            %parallel_loop3A_299 = arith.muli %parallel_loop3A_297, %parallel_loop3A_298 : i32
            %parallel_loop3A_300 = arith.constant 48 : i32
            %parallel_loop3A_301 = arith.addi %parallel_loop3A_299, %parallel_loop3A_300 : i32
            %parallel_loop3A_302 = arith.index_cast %parallel_loop3A_301 : i32 to index
            %parallel_loop3A_303 = tpu.vector_load %arg12[%parallel_loop3A_302] {strides = array<i32>} : memref<4096xf32, #tpu.memory_space<vmem>>, vector<16xf32>,
            tpu.vector_store %arg12[%parallel_loop3A_302], %parallel_loop3A_295 {strides = array<i32>} : memref<4096xf32, #tpu.memory_space<vmem>>, vector<16xf32>,
            %parallel_loop3A_304 = tpu.vector_load_idx %arg8[%add3A_63, %parallel_loop3A_239] : memref<128x16xf32, #tpu.memory_space<vmem>>[vector<16xi32>, vector<16xi32>], vector<16xf32>,
            %parallel_loop3A_305 = arith.constant 128 : i32
            %parallel_loop3A_306 = arith.muli %parallel_loop3A_238, %parallel_loop3A_305 : i32
            %parallel_loop3A_307 = arith.constant 64 : i32
            %parallel_loop3A_308 = arith.addi %parallel_loop3A_306, %parallel_loop3A_307 : i32
            %parallel_loop3A_309 = arith.index_cast %parallel_loop3A_308 : i32 to index
            %parallel_loop3A_310 = tpu.vector_load %arg12[%parallel_loop3A_309] {strides = array<i32>} : memref<4096xf32, #tpu.memory_space<vmem>>, vector<16xf32>,
            tpu.vector_store %arg12[%parallel_loop3A_309], %parallel_loop3A_304 {strides = array<i32>} : memref<4096xf32, #tpu.memory_space<vmem>>, vector<16xf32>,
            %parallel_loop3A_311 = tpu.vector_load_idx %arg10[%add3A_63, %parallel_loop3A_239] : memref<128x16xf32, #tpu.memory_space<vmem>>[vector<16xi32>, vector<16xi32>], vector<16xf32>,
            %parallel_loop3A_312 = arith.constant 16 : i32
            %parallel_loop3A_313 = arith.addi %parallel_loop3A_312, %parallel_loop3A_238 : i32
            %parallel_loop3A_314 = arith.constant 128 : i32
            %parallel_loop3A_315 = arith.muli %parallel_loop3A_313, %parallel_loop3A_314 : i32
            %parallel_loop3A_316 = arith.constant 64 : i32
            %parallel_loop3A_317 = arith.addi %parallel_loop3A_315, %parallel_loop3A_316 : i32
            %parallel_loop3A_318 = arith.index_cast %parallel_loop3A_317 : i32 to index
            %parallel_loop3A_319 = tpu.vector_load %arg12[%parallel_loop3A_318] {strides = array<i32>} : memref<4096xf32, #tpu.memory_space<vmem>>, vector<16xf32>,
            tpu.vector_store %arg12[%parallel_loop3A_318], %parallel_loop3A_311 {strides = array<i32>} : memref<4096xf32, #tpu.memory_space<vmem>>, vector<16xf32>,
            %parallel_loop3A_320 = tpu.vector_load_idx %arg8[%add3A_66, %parallel_loop3A_239] : memref<128x16xf32, #tpu.memory_space<vmem>>[vector<16xi32>, vector<16xi32>], vector<16xf32>,
            %parallel_loop3A_321 = arith.constant 128 : i32
            %parallel_loop3A_322 = arith.muli %parallel_loop3A_238, %parallel_loop3A_321 : i32
            %parallel_loop3A_323 = arith.constant 80 : i32
            %parallel_loop3A_324 = arith.addi %parallel_loop3A_322, %parallel_loop3A_323 : i32
            %parallel_loop3A_325 = arith.index_cast %parallel_loop3A_324 : i32 to index
            %parallel_loop3A_326 = tpu.vector_load %arg12[%parallel_loop3A_325] {strides = array<i32>} : memref<4096xf32, #tpu.memory_space<vmem>>, vector<16xf32>,
            tpu.vector_store %arg12[%parallel_loop3A_325], %parallel_loop3A_320 {strides = array<i32>} : memref<4096xf32, #tpu.memory_space<vmem>>, vector<16xf32>,
            %parallel_loop3A_327 = tpu.vector_load_idx %arg10[%add3A_66, %parallel_loop3A_239] : memref<128x16xf32, #tpu.memory_space<vmem>>[vector<16xi32>, vector<16xi32>], vector<16xf32>,
            %parallel_loop3A_328 = arith.constant 16 : i32
            %parallel_loop3A_329 = arith.addi %parallel_loop3A_328, %parallel_loop3A_238 : i32
            %parallel_loop3A_330 = arith.constant 128 : i32
            %parallel_loop3A_331 = arith.muli %parallel_loop3A_329, %parallel_loop3A_330 : i32
            %parallel_loop3A_332 = arith.constant 80 : i32
            %parallel_loop3A_333 = arith.addi %parallel_loop3A_331, %parallel_loop3A_332 : i32
            %parallel_loop3A_334 = arith.index_cast %parallel_loop3A_333 : i32 to index
            %parallel_loop3A_335 = tpu.vector_load %arg12[%parallel_loop3A_334] {strides = array<i32>} : memref<4096xf32, #tpu.memory_space<vmem>>, vector<16xf32>,
            tpu.vector_store %arg12[%parallel_loop3A_334], %parallel_loop3A_327 {strides = array<i32>} : memref<4096xf32, #tpu.memory_space<vmem>>, vector<16xf32>,
            %parallel_loop3A_336 = tpu.vector_load_idx %arg8[%add3A_69, %parallel_loop3A_239] : memref<128x16xf32, #tpu.memory_space<vmem>>[vector<16xi32>, vector<16xi32>], vector<16xf32>,
            %parallel_loop3A_337 = arith.constant 128 : i32
            %parallel_loop3A_338 = arith.muli %parallel_loop3A_238, %parallel_loop3A_337 : i32
            %parallel_loop3A_339 = arith.constant 96 : i32
            %parallel_loop3A_340 = arith.addi %parallel_loop3A_338, %parallel_loop3A_339 : i32
            %parallel_loop3A_341 = arith.index_cast %parallel_loop3A_340 : i32 to index
            %parallel_loop3A_342 = tpu.vector_load %arg12[%parallel_loop3A_341] {strides = array<i32>} : memref<4096xf32, #tpu.memory_space<vmem>>, vector<16xf32>,
            tpu.vector_store %arg12[%parallel_loop3A_341], %parallel_loop3A_336 {strides = array<i32>} : memref<4096xf32, #tpu.memory_space<vmem>>, vector<16xf32>,
            %parallel_loop3A_343 = tpu.vector_load_idx %arg10[%add3A_69, %parallel_loop3A_239] : memref<128x16xf32, #tpu.memory_space<vmem>>[vector<16xi32>, vector<16xi32>], vector<16xf32>,
            %parallel_loop3A_344 = arith.constant 16 : i32
            %parallel_loop3A_345 = arith.addi %parallel_loop3A_344, %parallel_loop3A_238 : i32
            %parallel_loop3A_346 = arith.constant 128 : i32
            %parallel_loop3A_347 = arith.muli %parallel_loop3A_345, %parallel_loop3A_346 : i32
            %parallel_loop3A_348 = arith.constant 96 : i32
            %parallel_loop3A_349 = arith.addi %parallel_loop3A_347, %parallel_loop3A_348 : i32
            %parallel_loop3A_350 = arith.index_cast %parallel_loop3A_349 : i32 to index
            %parallel_loop3A_351 = tpu.vector_load %arg12[%parallel_loop3A_350] {strides = array<i32>} : memref<4096xf32, #tpu.memory_space<vmem>>, vector<16xf32>,
            tpu.vector_store %arg12[%parallel_loop3A_350], %parallel_loop3A_343 {strides = array<i32>} : memref<4096xf32, #tpu.memory_space<vmem>>, vector<16xf32>,
            %parallel_loop3A_352 = tpu.vector_load_idx %arg8[%add3A_72, %parallel_loop3A_239] : memref<128x16xf32, #tpu.memory_space<vmem>>[vector<16xi32>, vector<16xi32>], vector<16xf32>,
            %parallel_loop3A_353 = arith.constant 128 : i32
            %parallel_loop3A_354 = arith.muli %parallel_loop3A_238, %parallel_loop3A_353 : i32
            %parallel_loop3A_355 = arith.constant 112 : i32
            %parallel_loop3A_356 = arith.addi %parallel_loop3A_354, %parallel_loop3A_355 : i32
            %parallel_loop3A_357 = arith.index_cast %parallel_loop3A_356 : i32 to index
            %parallel_loop3A_358 = tpu.vector_load %arg12[%parallel_loop3A_357] {strides = array<i32>} : memref<4096xf32, #tpu.memory_space<vmem>>, vector<16xf32>,
            tpu.vector_store %arg12[%parallel_loop3A_357], %parallel_loop3A_352 {strides = array<i32>} : memref<4096xf32, #tpu.memory_space<vmem>>, vector<16xf32>,
            %parallel_loop3A_359 = tpu.vector_load_idx %arg10[%add3A_72, %parallel_loop3A_239] : memref<128x16xf32, #tpu.memory_space<vmem>>[vector<16xi32>, vector<16xi32>], vector<16xf32>,
            %parallel_loop3A_360 = arith.constant 16 : i32
            %parallel_loop3A_361 = arith.addi %parallel_loop3A_360, %parallel_loop3A_238 : i32
            %parallel_loop3A_362 = arith.constant 128 : i32
            %parallel_loop3A_363 = arith.muli %parallel_loop3A_361, %parallel_loop3A_362 : i32
            %parallel_loop3A_364 = arith.constant 112 : i32
            %parallel_loop3A_365 = arith.addi %parallel_loop3A_363, %parallel_loop3A_364 : i32
            %parallel_loop3A_366 = arith.index_cast %parallel_loop3A_365 : i32 to index
            %parallel_loop3A_367 = tpu.vector_load %arg12[%parallel_loop3A_366] {strides = array<i32>} : memref<4096xf32, #tpu.memory_space<vmem>>, vector<16xf32>,
            tpu.vector_store %arg12[%parallel_loop3A_366], %parallel_loop3A_359 {strides = array<i32>} : memref<4096xf32, #tpu.memory_space<vmem>>, vector<16xf32>,
          } {sc.loop_unroll_factor = 4 : i64, sc.parallel_access}
          %mul3A_171 = arith.constant 4 : i32
          %mul3A_172 = arith.muli %scan3A_118, %mul3A_171 : i32
          %add3A_173 = arith.constant 0 : i32
          %add3A_174 = arith.addi %mul3A_172, %add3A_173 : i32
          %mul3A_175 = arith.constant 128 : i32
          %mul3A_176 = arith.muli %add3A_174, %mul3A_175 : i32
          %add3A_177 = arith.addi %mul3A_176, %add3A_81 : i32
          %mul3A_178 = arith.constant 1024 : i32
          %mul3A_179 = arith.muli %add3A_177, %mul3A_178 : i32
          %dma_start3A_180 = arith.constant 0 : i32
          %dma_start3A_181 = tpu.memref_slice %arg12[%dma_start3A_180] : memref<4096xf32, #tpu.memory_space<vmem>> -> memref<1024xf32, #tpu.memory_space<vmem>>
          %dma_start3A_182 = tpu.memref_slice %arg5[%mul3A_179] : memref<13631488xf32, #tpu.memory_space<hbm>> -> memref<1024xf32, #tpu.memory_space<hbm>>
          %dma_start3A_183 = tpu.memref_slice %arg5[%mul3A_179] : memref<13631488xf32, #tpu.memory_space<hbm>> -> memref<1024xf32, #tpu.memory_space<hbm>>
          %dma_start3A_184 = arith.constant 0 : i32
          %dma_start3A_185 = tpu.memref_slice %arg12[%dma_start3A_184] : memref<4096xf32, #tpu.memory_space<vmem>> -> memref<1024xf32, #tpu.memory_space<vmem>>
          tpu.enqueue_dma source(%dma_start3A_185 : memref<1024xf32, #tpu.memory_space<vmem>>) target(%dma_start3A_183 : memref<1024xf32, #tpu.memory_space<hbm>>) target_semaphore(%arg18 : memref<!tpu.dma_semaphore, #tpu.memory_space<semaphore_mem>>)
          %mul3A_186 = arith.constant 4 : i32
          %mul3A_187 = arith.muli %scan3A_118, %mul3A_186 : i32
          %add3A_188 = arith.constant 1 : i32
          %add3A_189 = arith.addi %mul3A_187, %add3A_188 : i32
          %mul3A_190 = arith.constant 128 : i32
          %mul3A_191 = arith.muli %add3A_189, %mul3A_190 : i32
          %add3A_192 = arith.addi %mul3A_191, %add3A_81 : i32
          %mul3A_193 = arith.constant 1024 : i32
          %mul3A_194 = arith.muli %add3A_192, %mul3A_193 : i32
          %dma_start3A_195 = arith.constant 1024 : i32
          %dma_start3A_196 = tpu.memref_slice %arg12[%dma_start3A_195] : memref<4096xf32, #tpu.memory_space<vmem>> -> memref<1024xf32, #tpu.memory_space<vmem>>
          %dma_start3A_197 = tpu.memref_slice %arg5[%mul3A_194] : memref<13631488xf32, #tpu.memory_space<hbm>> -> memref<1024xf32, #tpu.memory_space<hbm>>
          %dma_start3A_198 = tpu.memref_slice %arg5[%mul3A_194] : memref<13631488xf32, #tpu.memory_space<hbm>> -> memref<1024xf32, #tpu.memory_space<hbm>>
          %dma_start3A_199 = arith.constant 1024 : i32
          %dma_start3A_200 = tpu.memref_slice %arg12[%dma_start3A_199] : memref<4096xf32, #tpu.memory_space<vmem>> -> memref<1024xf32, #tpu.memory_space<vmem>>
          tpu.enqueue_dma source(%dma_start3A_200 : memref<1024xf32, #tpu.memory_space<vmem>>) target(%dma_start3A_198 : memref<1024xf32, #tpu.memory_space<hbm>>) target_semaphore(%arg18 : memref<!tpu.dma_semaphore, #tpu.memory_space<semaphore_mem>>)
          %mul3A_201 = arith.constant 4 : i32
          %mul3A_202 = arith.muli %scan3A_118, %mul3A_201 : i32
          %add3A_203 = arith.constant 2 : i32
          %add3A_204 = arith.addi %mul3A_202, %add3A_203 : i32
          %mul3A_205 = arith.constant 128 : i32
          %mul3A_206 = arith.muli %add3A_204, %mul3A_205 : i32
          %add3A_207 = arith.addi %mul3A_206, %add3A_81 : i32
          %mul3A_208 = arith.constant 1024 : i32
          %mul3A_209 = arith.muli %add3A_207, %mul3A_208 : i32
          %dma_start3A_210 = arith.constant 2048 : i32
          %dma_start3A_211 = tpu.memref_slice %arg12[%dma_start3A_210] : memref<4096xf32, #tpu.memory_space<vmem>> -> memref<1024xf32, #tpu.memory_space<vmem>>
          %dma_start3A_212 = tpu.memref_slice %arg5[%mul3A_209] : memref<13631488xf32, #tpu.memory_space<hbm>> -> memref<1024xf32, #tpu.memory_space<hbm>>
          %dma_start3A_213 = tpu.memref_slice %arg5[%mul3A_209] : memref<13631488xf32, #tpu.memory_space<hbm>> -> memref<1024xf32, #tpu.memory_space<hbm>>
          %dma_start3A_214 = arith.constant 2048 : i32
          %dma_start3A_215 = tpu.memref_slice %arg12[%dma_start3A_214] : memref<4096xf32, #tpu.memory_space<vmem>> -> memref<1024xf32, #tpu.memory_space<vmem>>
          tpu.enqueue_dma source(%dma_start3A_215 : memref<1024xf32, #tpu.memory_space<vmem>>) target(%dma_start3A_213 : memref<1024xf32, #tpu.memory_space<hbm>>) target_semaphore(%arg18 : memref<!tpu.dma_semaphore, #tpu.memory_space<semaphore_mem>>)
          %mul3A_216 = arith.constant 4 : i32
          %mul3A_217 = arith.muli %scan3A_118, %mul3A_216 : i32
          %add3A_218 = arith.constant 3 : i32
          %add3A_219 = arith.addi %mul3A_217, %add3A_218 : i32
          %mul3A_220 = arith.constant 128 : i32
          %mul3A_221 = arith.muli %add3A_219, %mul3A_220 : i32
          %add3A_222 = arith.addi %mul3A_221, %add3A_81 : i32
          %mul3A_223 = arith.constant 1024 : i32
          %mul3A_224 = arith.muli %add3A_222, %mul3A_223 : i32
          %dma_start3A_225 = arith.constant 3072 : i32
          %dma_start3A_226 = tpu.memref_slice %arg12[%dma_start3A_225] : memref<4096xf32, #tpu.memory_space<vmem>> -> memref<1024xf32, #tpu.memory_space<vmem>>
          %dma_start3A_227 = tpu.memref_slice %arg5[%mul3A_224] : memref<13631488xf32, #tpu.memory_space<hbm>> -> memref<1024xf32, #tpu.memory_space<hbm>>
          %dma_start3A_228 = tpu.memref_slice %arg5[%mul3A_224] : memref<13631488xf32, #tpu.memory_space<hbm>> -> memref<1024xf32, #tpu.memory_space<hbm>>
          %dma_start3A_229 = arith.constant 3072 : i32
          %dma_start3A_230 = tpu.memref_slice %arg12[%dma_start3A_229] : memref<4096xf32, #tpu.memory_space<vmem>> -> memref<1024xf32, #tpu.memory_space<vmem>>
          tpu.enqueue_dma source(%dma_start3A_230 : memref<1024xf32, #tpu.memory_space<vmem>>) target(%dma_start3A_228 : memref<1024xf32, #tpu.memory_space<hbm>>) target_semaphore(%arg18 : memref<!tpu.dma_semaphore, #tpu.memory_space<semaphore_mem>>)
          %add3A_231 = arith.constant 2 : i32
          %add3A_232 = arith.addi %scan3A_118, %add3A_231 : i32
          %lt3A_233 = arith.constant 26 : i32
          %lt3A_234 = arith.cmpi slt, %add3A_232, %lt3A_233 : i32
          %convert_element_type3A_235 = arith.extui %lt3A_234 : i1 to i32
          %cond3A_236 = arith.constant 0 : i32
          %cond3A_237 = arith.cmpi ne, %convert_element_type3A_235, %cond3A_236 : i32
          scf.if %cond3A_237 {
            %add3A_238 = arith.constant 2 : i32
            %add3A_239 = arith.addi %scan3A_118, %add3A_238 : i32
            %mul3A_240 = arith.constant 128 : i32
            %mul3A_241 = arith.muli %add3A_239, %mul3A_240 : i32
            %dma_start3A_242 = tpu.memref_slice %arg7[%mul3A_241] : memref<3328xi32, #tpu.memory_space<vmem>> -> memref<128xi32, #tpu.memory_space<vmem>>
            %dma_start3A_243 = arith.constant 0 : i32
            %dma_start3A_244 = arith.constant 0 : i32
            %dma_start3A_245 = tpu.memref_slice %arg3[%dma_start3A_243, %dma_start3A_244] : memref<1000000x16xf32, #tpu.memory_space<hbm>> -> memref<1000000x16xf32, #tpu.memory_space<hbm>>
            tpu.enqueue_indirect_dma source(%dma_start3A_245 : memref<1000000x16xf32, #tpu.memory_space<hbm>>) target(%arg8 : memref<128x16xf32, #tpu.memory_space<vmem>>) offsets(%dma_start3A_242 : memref<128xi32, #tpu.memory_space<vmem>>) semaphore(%arg14 : memref<!tpu.dma_semaphore, #tpu.memory_space<semaphore_mem>>)
            %dma_start3A_246 = tpu.memref_slice %arg7[%mul3A_241] : memref<3328xi32, #tpu.memory_space<vmem>> -> memref<128xi32, #tpu.memory_space<vmem>>
            %dma_start3A_247 = arith.constant 0 : i32
            %dma_start3A_248 = arith.constant 0 : i32
            %dma_start3A_249 = tpu.memref_slice %arg4[%dma_start3A_247, %dma_start3A_248] : memref<1000000x16xf32, #tpu.memory_space<hbm>> -> memref<1000000x16xf32, #tpu.memory_space<hbm>>
            tpu.enqueue_indirect_dma source(%dma_start3A_249 : memref<1000000x16xf32, #tpu.memory_space<hbm>>) target(%arg10 : memref<128x16xf32, #tpu.memory_space<vmem>>) offsets(%dma_start3A_246 : memref<128xi32, #tpu.memory_space<vmem>>) semaphore(%arg16 : memref<!tpu.dma_semaphore, #tpu.memory_space<semaphore_mem>>)
          } else {
          }
        } else {
        }
        %jit3A_131 = arith.constant 2 : i32
        %eq3A_132 = arith.constant 0 : i32
        %eq3A_133 = arith.cmpi eq, %jit3A_131, %eq3A_132 : i32
        %jit3A_134 = arith.constant 1 : i32
        %select_n3A_135 = arith.select %eq3A_133, %jit3A_134, %jit3A_131 : i32
        %rem3A_136 = arith.remsi %scan3A_118, %select_n3A_135 : i32
        %ne3A_137 = arith.constant 0 : i32
        %ne3A_138 = arith.cmpi ne, %rem3A_136, %ne3A_137 : i32
        %lt3A_139 = arith.constant 0 : i32
        %lt3A_140 = arith.cmpi slt, %rem3A_136, %lt3A_139 : i32
        %lt3A_141 = arith.constant 0 : i32
        %lt3A_142 = arith.cmpi slt, %select_n3A_135, %lt3A_141 : i32
        %ne3A_143 = arith.xori %lt3A_140, %lt3A_142 : i1
        %and3A_144 = arith.andi %ne3A_143, %ne3A_138 : i1
        %add3A_145 = arith.addi %rem3A_136, %select_n3A_135 : i32
        %select_n3A_146 = arith.select %and3A_144, %add3A_145, %rem3A_136 : i32
        %eq3A_147 = arith.constant 1 : i32
        %eq3A_148 = arith.cmpi eq, %select_n3A_146, %eq3A_147 : i32
        %convert_element_type3A_149 = arith.extui %eq3A_148 : i1 to i32
        %cond3A_150 = arith.constant 0 : i32
        %cond3A_151 = arith.cmpi ne, %convert_element_type3A_149, %cond3A_150 : i32
        scf.if %cond3A_151 {
          %dma_wait3A_152 = arith.constant 0 : i32
          %dma_wait3A_153 = arith.constant 0 : i32
          %dma_wait3A_154 = tpu.memref_slice %arg3[%dma_wait3A_152, %dma_wait3A_153] : memref<1000000x16xf32, #tpu.memory_space<hbm>> -> memref<128x16xf32, #tpu.memory_space<hbm>>
          %dma_wait3A_155 = arith.constant 0 : i32
          %dma_wait3A_156 = arith.constant 0 : i32
          %dma_wait3A_157 = tpu.memref_slice %arg3[%dma_wait3A_155, %dma_wait3A_156] : memref<1000000x16xf32, #tpu.memory_space<hbm>> -> memref<128x16xf32, #tpu.memory_space<hbm>>
          tpu.wait_dma2 semaphore(%arg15 : memref<!tpu.dma_semaphore, #tpu.memory_space<semaphore_mem>>) src(%dma_wait3A_157 : memref<128x16xf32, #tpu.memory_space<hbm>>) dst(%arg9 : memref<128x16xf32, #tpu.memory_space<vmem>>)
          %dma_wait3A_158 = arith.constant 0 : i32
          %dma_wait3A_159 = arith.constant 0 : i32
          %dma_wait3A_160 = tpu.memref_slice %arg4[%dma_wait3A_158, %dma_wait3A_159] : memref<1000000x16xf32, #tpu.memory_space<hbm>> -> memref<128x16xf32, #tpu.memory_space<hbm>>
          %dma_wait3A_161 = arith.constant 0 : i32
          %dma_wait3A_162 = arith.constant 0 : i32
          %dma_wait3A_163 = tpu.memref_slice %arg4[%dma_wait3A_161, %dma_wait3A_162] : memref<1000000x16xf32, #tpu.memory_space<hbm>> -> memref<128x16xf32, #tpu.memory_space<hbm>>
          tpu.wait_dma2 semaphore(%arg17 : memref<!tpu.dma_semaphore, #tpu.memory_space<semaphore_mem>>) src(%dma_wait3A_163 : memref<128x16xf32, #tpu.memory_space<hbm>>) dst(%arg11 : memref<128x16xf32, #tpu.memory_space<vmem>>)
          %ge3A = arith.constant 2 : i32
          %ge3A_164 = arith.cmpi sge, %scan3A_118, %ge3A : i32
          %convert_element_type3A_165 = arith.extui %ge3A_164 : i1 to i32
          %cond3A_166 = arith.constant 0 : i32
          %cond3A_167 = arith.cmpi ne, %convert_element_type3A_165, %cond3A_166 : i32
          scf.if %cond3A_167 {
            %dma_wait3A_238 = arith.constant 0 : i32
            %dma_wait3A_239 = tpu.memref_slice %arg5[%dma_wait3A_238] : memref<13631488xf32, #tpu.memory_space<hbm>> -> memref<4096xf32, #tpu.memory_space<hbm>>
            %dma_wait3A_240 = arith.constant 0 : i32
            %dma_wait3A_241 = tpu.memref_slice %arg5[%dma_wait3A_240] : memref<13631488xf32, #tpu.memory_space<hbm>> -> memref<4096xf32, #tpu.memory_space<hbm>>
            tpu.wait_dma2 semaphore(%arg19 : memref<!tpu.dma_semaphore, #tpu.memory_space<semaphore_mem>>) src(%arg13 : memref<4096xf32, #tpu.memory_space<vmem>>) dst(%dma_wait3A_241 : memref<4096xf32, #tpu.memory_space<hbm>>)
          } else {
          }
          %parallel_loop3A_168 = arith.constant 0 : i32
          %parallel_loop3A_169 = arith.constant 16 : i32
          %parallel_loop3A_170 = arith.constant 1 : i32
          scf.for %parallel_loop3A_238 = %parallel_loop3A_168 to %parallel_loop3A_169 step %parallel_loop3A_170  : i32 {
            %parallel_loop3A_239 = vector.broadcast %parallel_loop3A_238 : i32 to vector<16xi32>
            %parallel_loop3A_240 = tpu.vector_load_idx %arg9[%add3A_51, %parallel_loop3A_239] : memref<128x16xf32, #tpu.memory_space<vmem>>[vector<16xi32>, vector<16xi32>], vector<16xf32>,
            %parallel_loop3A_241 = arith.constant 128 : i32
            %parallel_loop3A_242 = arith.muli %parallel_loop3A_238, %parallel_loop3A_241 : i32
            %parallel_loop3A_243 = arith.constant 0 : i32
            %parallel_loop3A_244 = arith.addi %parallel_loop3A_242, %parallel_loop3A_243 : i32
            %parallel_loop3A_245 = arith.index_cast %parallel_loop3A_244 : i32 to index
            %parallel_loop3A_246 = tpu.vector_load %arg13[%parallel_loop3A_245] {strides = array<i32>} : memref<4096xf32, #tpu.memory_space<vmem>>, vector<16xf32>,
            tpu.vector_store %arg13[%parallel_loop3A_245], %parallel_loop3A_240 {strides = array<i32>} : memref<4096xf32, #tpu.memory_space<vmem>>, vector<16xf32>,
            %parallel_loop3A_247 = tpu.vector_load_idx %arg11[%add3A_51, %parallel_loop3A_239] : memref<128x16xf32, #tpu.memory_space<vmem>>[vector<16xi32>, vector<16xi32>], vector<16xf32>,
            %parallel_loop3A_248 = arith.constant 16 : i32
            %parallel_loop3A_249 = arith.addi %parallel_loop3A_248, %parallel_loop3A_238 : i32
            %parallel_loop3A_250 = arith.constant 128 : i32
            %parallel_loop3A_251 = arith.muli %parallel_loop3A_249, %parallel_loop3A_250 : i32
            %parallel_loop3A_252 = arith.constant 0 : i32
            %parallel_loop3A_253 = arith.addi %parallel_loop3A_251, %parallel_loop3A_252 : i32
            %parallel_loop3A_254 = arith.index_cast %parallel_loop3A_253 : i32 to index
            %parallel_loop3A_255 = tpu.vector_load %arg13[%parallel_loop3A_254] {strides = array<i32>} : memref<4096xf32, #tpu.memory_space<vmem>>, vector<16xf32>,
            tpu.vector_store %arg13[%parallel_loop3A_254], %parallel_loop3A_247 {strides = array<i32>} : memref<4096xf32, #tpu.memory_space<vmem>>, vector<16xf32>,
            %parallel_loop3A_256 = tpu.vector_load_idx %arg9[%add3A_54, %parallel_loop3A_239] : memref<128x16xf32, #tpu.memory_space<vmem>>[vector<16xi32>, vector<16xi32>], vector<16xf32>,
            %parallel_loop3A_257 = arith.constant 128 : i32
            %parallel_loop3A_258 = arith.muli %parallel_loop3A_238, %parallel_loop3A_257 : i32
            %parallel_loop3A_259 = arith.constant 16 : i32
            %parallel_loop3A_260 = arith.addi %parallel_loop3A_258, %parallel_loop3A_259 : i32
            %parallel_loop3A_261 = arith.index_cast %parallel_loop3A_260 : i32 to index
            %parallel_loop3A_262 = tpu.vector_load %arg13[%parallel_loop3A_261] {strides = array<i32>} : memref<4096xf32, #tpu.memory_space<vmem>>, vector<16xf32>,
            tpu.vector_store %arg13[%parallel_loop3A_261], %parallel_loop3A_256 {strides = array<i32>} : memref<4096xf32, #tpu.memory_space<vmem>>, vector<16xf32>,
            %parallel_loop3A_263 = tpu.vector_load_idx %arg11[%add3A_54, %parallel_loop3A_239] : memref<128x16xf32, #tpu.memory_space<vmem>>[vector<16xi32>, vector<16xi32>], vector<16xf32>,
            %parallel_loop3A_264 = arith.constant 16 : i32
            %parallel_loop3A_265 = arith.addi %parallel_loop3A_264, %parallel_loop3A_238 : i32
            %parallel_loop3A_266 = arith.constant 128 : i32
            %parallel_loop3A_267 = arith.muli %parallel_loop3A_265, %parallel_loop3A_266 : i32
            %parallel_loop3A_268 = arith.constant 16 : i32
            %parallel_loop3A_269 = arith.addi %parallel_loop3A_267, %parallel_loop3A_268 : i32
            %parallel_loop3A_270 = arith.index_cast %parallel_loop3A_269 : i32 to index
            %parallel_loop3A_271 = tpu.vector_load %arg13[%parallel_loop3A_270] {strides = array<i32>} : memref<4096xf32, #tpu.memory_space<vmem>>, vector<16xf32>,
            tpu.vector_store %arg13[%parallel_loop3A_270], %parallel_loop3A_263 {strides = array<i32>} : memref<4096xf32, #tpu.memory_space<vmem>>, vector<16xf32>,
            %parallel_loop3A_272 = tpu.vector_load_idx %arg9[%add3A_57, %parallel_loop3A_239] : memref<128x16xf32, #tpu.memory_space<vmem>>[vector<16xi32>, vector<16xi32>], vector<16xf32>,
            %parallel_loop3A_273 = arith.constant 128 : i32
            %parallel_loop3A_274 = arith.muli %parallel_loop3A_238, %parallel_loop3A_273 : i32
            %parallel_loop3A_275 = arith.constant 32 : i32
            %parallel_loop3A_276 = arith.addi %parallel_loop3A_274, %parallel_loop3A_275 : i32
            %parallel_loop3A_277 = arith.index_cast %parallel_loop3A_276 : i32 to index
            %parallel_loop3A_278 = tpu.vector_load %arg13[%parallel_loop3A_277] {strides = array<i32>} : memref<4096xf32, #tpu.memory_space<vmem>>, vector<16xf32>,
            tpu.vector_store %arg13[%parallel_loop3A_277], %parallel_loop3A_272 {strides = array<i32>} : memref<4096xf32, #tpu.memory_space<vmem>>, vector<16xf32>,
            %parallel_loop3A_279 = tpu.vector_load_idx %arg11[%add3A_57, %parallel_loop3A_239] : memref<128x16xf32, #tpu.memory_space<vmem>>[vector<16xi32>, vector<16xi32>], vector<16xf32>,
            %parallel_loop3A_280 = arith.constant 16 : i32
            %parallel_loop3A_281 = arith.addi %parallel_loop3A_280, %parallel_loop3A_238 : i32
            %parallel_loop3A_282 = arith.constant 128 : i32
            %parallel_loop3A_283 = arith.muli %parallel_loop3A_281, %parallel_loop3A_282 : i32
            %parallel_loop3A_284 = arith.constant 32 : i32
            %parallel_loop3A_285 = arith.addi %parallel_loop3A_283, %parallel_loop3A_284 : i32
            %parallel_loop3A_286 = arith.index_cast %parallel_loop3A_285 : i32 to index
            %parallel_loop3A_287 = tpu.vector_load %arg13[%parallel_loop3A_286] {strides = array<i32>} : memref<4096xf32, #tpu.memory_space<vmem>>, vector<16xf32>,
            tpu.vector_store %arg13[%parallel_loop3A_286], %parallel_loop3A_279 {strides = array<i32>} : memref<4096xf32, #tpu.memory_space<vmem>>, vector<16xf32>,
            %parallel_loop3A_288 = tpu.vector_load_idx %arg9[%add3A_60, %parallel_loop3A_239] : memref<128x16xf32, #tpu.memory_space<vmem>>[vector<16xi32>, vector<16xi32>], vector<16xf32>,
            %parallel_loop3A_289 = arith.constant 128 : i32
            %parallel_loop3A_290 = arith.muli %parallel_loop3A_238, %parallel_loop3A_289 : i32
            %parallel_loop3A_291 = arith.constant 48 : i32
            %parallel_loop3A_292 = arith.addi %parallel_loop3A_290, %parallel_loop3A_291 : i32
            %parallel_loop3A_293 = arith.index_cast %parallel_loop3A_292 : i32 to index
            %parallel_loop3A_294 = tpu.vector_load %arg13[%parallel_loop3A_293] {strides = array<i32>} : memref<4096xf32, #tpu.memory_space<vmem>>, vector<16xf32>,
            tpu.vector_store %arg13[%parallel_loop3A_293], %parallel_loop3A_288 {strides = array<i32>} : memref<4096xf32, #tpu.memory_space<vmem>>, vector<16xf32>,
            %parallel_loop3A_295 = tpu.vector_load_idx %arg11[%add3A_60, %parallel_loop3A_239] : memref<128x16xf32, #tpu.memory_space<vmem>>[vector<16xi32>, vector<16xi32>], vector<16xf32>,
            %parallel_loop3A_296 = arith.constant 16 : i32
            %parallel_loop3A_297 = arith.addi %parallel_loop3A_296, %parallel_loop3A_238 : i32
            %parallel_loop3A_298 = arith.constant 128 : i32
            %parallel_loop3A_299 = arith.muli %parallel_loop3A_297, %parallel_loop3A_298 : i32
            %parallel_loop3A_300 = arith.constant 48 : i32
            %parallel_loop3A_301 = arith.addi %parallel_loop3A_299, %parallel_loop3A_300 : i32
            %parallel_loop3A_302 = arith.index_cast %parallel_loop3A_301 : i32 to index
            %parallel_loop3A_303 = tpu.vector_load %arg13[%parallel_loop3A_302] {strides = array<i32>} : memref<4096xf32, #tpu.memory_space<vmem>>, vector<16xf32>,
            tpu.vector_store %arg13[%parallel_loop3A_302], %parallel_loop3A_295 {strides = array<i32>} : memref<4096xf32, #tpu.memory_space<vmem>>, vector<16xf32>,
            %parallel_loop3A_304 = tpu.vector_load_idx %arg9[%add3A_63, %parallel_loop3A_239] : memref<128x16xf32, #tpu.memory_space<vmem>>[vector<16xi32>, vector<16xi32>], vector<16xf32>,
            %parallel_loop3A_305 = arith.constant 128 : i32
            %parallel_loop3A_306 = arith.muli %parallel_loop3A_238, %parallel_loop3A_305 : i32
            %parallel_loop3A_307 = arith.constant 64 : i32
            %parallel_loop3A_308 = arith.addi %parallel_loop3A_306, %parallel_loop3A_307 : i32
            %parallel_loop3A_309 = arith.index_cast %parallel_loop3A_308 : i32 to index
            %parallel_loop3A_310 = tpu.vector_load %arg13[%parallel_loop3A_309] {strides = array<i32>} : memref<4096xf32, #tpu.memory_space<vmem>>, vector<16xf32>,
            tpu.vector_store %arg13[%parallel_loop3A_309], %parallel_loop3A_304 {strides = array<i32>} : memref<4096xf32, #tpu.memory_space<vmem>>, vector<16xf32>,
            %parallel_loop3A_311 = tpu.vector_load_idx %arg11[%add3A_63, %parallel_loop3A_239] : memref<128x16xf32, #tpu.memory_space<vmem>>[vector<16xi32>, vector<16xi32>], vector<16xf32>,
            %parallel_loop3A_312 = arith.constant 16 : i32
            %parallel_loop3A_313 = arith.addi %parallel_loop3A_312, %parallel_loop3A_238 : i32
            %parallel_loop3A_314 = arith.constant 128 : i32
            %parallel_loop3A_315 = arith.muli %parallel_loop3A_313, %parallel_loop3A_314 : i32
            %parallel_loop3A_316 = arith.constant 64 : i32
            %parallel_loop3A_317 = arith.addi %parallel_loop3A_315, %parallel_loop3A_316 : i32
            %parallel_loop3A_318 = arith.index_cast %parallel_loop3A_317 : i32 to index
            %parallel_loop3A_319 = tpu.vector_load %arg13[%parallel_loop3A_318] {strides = array<i32>} : memref<4096xf32, #tpu.memory_space<vmem>>, vector<16xf32>,
            tpu.vector_store %arg13[%parallel_loop3A_318], %parallel_loop3A_311 {strides = array<i32>} : memref<4096xf32, #tpu.memory_space<vmem>>, vector<16xf32>,
            %parallel_loop3A_320 = tpu.vector_load_idx %arg9[%add3A_66, %parallel_loop3A_239] : memref<128x16xf32, #tpu.memory_space<vmem>>[vector<16xi32>, vector<16xi32>], vector<16xf32>,
            %parallel_loop3A_321 = arith.constant 128 : i32
            %parallel_loop3A_322 = arith.muli %parallel_loop3A_238, %parallel_loop3A_321 : i32
            %parallel_loop3A_323 = arith.constant 80 : i32
            %parallel_loop3A_324 = arith.addi %parallel_loop3A_322, %parallel_loop3A_323 : i32
            %parallel_loop3A_325 = arith.index_cast %parallel_loop3A_324 : i32 to index
            %parallel_loop3A_326 = tpu.vector_load %arg13[%parallel_loop3A_325] {strides = array<i32>} : memref<4096xf32, #tpu.memory_space<vmem>>, vector<16xf32>,
            tpu.vector_store %arg13[%parallel_loop3A_325], %parallel_loop3A_320 {strides = array<i32>} : memref<4096xf32, #tpu.memory_space<vmem>>, vector<16xf32>,
            %parallel_loop3A_327 = tpu.vector_load_idx %arg11[%add3A_66, %parallel_loop3A_239] : memref<128x16xf32, #tpu.memory_space<vmem>>[vector<16xi32>, vector<16xi32>], vector<16xf32>,
            %parallel_loop3A_328 = arith.constant 16 : i32
            %parallel_loop3A_329 = arith.addi %parallel_loop3A_328, %parallel_loop3A_238 : i32
            %parallel_loop3A_330 = arith.constant 128 : i32
            %parallel_loop3A_331 = arith.muli %parallel_loop3A_329, %parallel_loop3A_330 : i32
            %parallel_loop3A_332 = arith.constant 80 : i32
            %parallel_loop3A_333 = arith.addi %parallel_loop3A_331, %parallel_loop3A_332 : i32
            %parallel_loop3A_334 = arith.index_cast %parallel_loop3A_333 : i32 to index
            %parallel_loop3A_335 = tpu.vector_load %arg13[%parallel_loop3A_334] {strides = array<i32>} : memref<4096xf32, #tpu.memory_space<vmem>>, vector<16xf32>,
            tpu.vector_store %arg13[%parallel_loop3A_334], %parallel_loop3A_327 {strides = array<i32>} : memref<4096xf32, #tpu.memory_space<vmem>>, vector<16xf32>,
            %parallel_loop3A_336 = tpu.vector_load_idx %arg9[%add3A_69, %parallel_loop3A_239] : memref<128x16xf32, #tpu.memory_space<vmem>>[vector<16xi32>, vector<16xi32>], vector<16xf32>,
            %parallel_loop3A_337 = arith.constant 128 : i32
            %parallel_loop3A_338 = arith.muli %parallel_loop3A_238, %parallel_loop3A_337 : i32
            %parallel_loop3A_339 = arith.constant 96 : i32
            %parallel_loop3A_340 = arith.addi %parallel_loop3A_338, %parallel_loop3A_339 : i32
            %parallel_loop3A_341 = arith.index_cast %parallel_loop3A_340 : i32 to index
            %parallel_loop3A_342 = tpu.vector_load %arg13[%parallel_loop3A_341] {strides = array<i32>} : memref<4096xf32, #tpu.memory_space<vmem>>, vector<16xf32>,
            tpu.vector_store %arg13[%parallel_loop3A_341], %parallel_loop3A_336 {strides = array<i32>} : memref<4096xf32, #tpu.memory_space<vmem>>, vector<16xf32>,
            %parallel_loop3A_343 = tpu.vector_load_idx %arg11[%add3A_69, %parallel_loop3A_239] : memref<128x16xf32, #tpu.memory_space<vmem>>[vector<16xi32>, vector<16xi32>], vector<16xf32>,
            %parallel_loop3A_344 = arith.constant 16 : i32
            %parallel_loop3A_345 = arith.addi %parallel_loop3A_344, %parallel_loop3A_238 : i32
            %parallel_loop3A_346 = arith.constant 128 : i32
            %parallel_loop3A_347 = arith.muli %parallel_loop3A_345, %parallel_loop3A_346 : i32
            %parallel_loop3A_348 = arith.constant 96 : i32
            %parallel_loop3A_349 = arith.addi %parallel_loop3A_347, %parallel_loop3A_348 : i32
            %parallel_loop3A_350 = arith.index_cast %parallel_loop3A_349 : i32 to index
            %parallel_loop3A_351 = tpu.vector_load %arg13[%parallel_loop3A_350] {strides = array<i32>} : memref<4096xf32, #tpu.memory_space<vmem>>, vector<16xf32>,
            tpu.vector_store %arg13[%parallel_loop3A_350], %parallel_loop3A_343 {strides = array<i32>} : memref<4096xf32, #tpu.memory_space<vmem>>, vector<16xf32>,
            %parallel_loop3A_352 = tpu.vector_load_idx %arg9[%add3A_72, %parallel_loop3A_239] : memref<128x16xf32, #tpu.memory_space<vmem>>[vector<16xi32>, vector<16xi32>], vector<16xf32>,
            %parallel_loop3A_353 = arith.constant 128 : i32
            %parallel_loop3A_354 = arith.muli %parallel_loop3A_238, %parallel_loop3A_353 : i32
            %parallel_loop3A_355 = arith.constant 112 : i32
            %parallel_loop3A_356 = arith.addi %parallel_loop3A_354, %parallel_loop3A_355 : i32
            %parallel_loop3A_357 = arith.index_cast %parallel_loop3A_356 : i32 to index
            %parallel_loop3A_358 = tpu.vector_load %arg13[%parallel_loop3A_357] {strides = array<i32>} : memref<4096xf32, #tpu.memory_space<vmem>>, vector<16xf32>,
            tpu.vector_store %arg13[%parallel_loop3A_357], %parallel_loop3A_352 {strides = array<i32>} : memref<4096xf32, #tpu.memory_space<vmem>>, vector<16xf32>,
            %parallel_loop3A_359 = tpu.vector_load_idx %arg11[%add3A_72, %parallel_loop3A_239] : memref<128x16xf32, #tpu.memory_space<vmem>>[vector<16xi32>, vector<16xi32>], vector<16xf32>,
            %parallel_loop3A_360 = arith.constant 16 : i32
            %parallel_loop3A_361 = arith.addi %parallel_loop3A_360, %parallel_loop3A_238 : i32
            %parallel_loop3A_362 = arith.constant 128 : i32
            %parallel_loop3A_363 = arith.muli %parallel_loop3A_361, %parallel_loop3A_362 : i32
            %parallel_loop3A_364 = arith.constant 112 : i32
            %parallel_loop3A_365 = arith.addi %parallel_loop3A_363, %parallel_loop3A_364 : i32
            %parallel_loop3A_366 = arith.index_cast %parallel_loop3A_365 : i32 to index
            %parallel_loop3A_367 = tpu.vector_load %arg13[%parallel_loop3A_366] {strides = array<i32>} : memref<4096xf32, #tpu.memory_space<vmem>>, vector<16xf32>,
            tpu.vector_store %arg13[%parallel_loop3A_366], %parallel_loop3A_359 {strides = array<i32>} : memref<4096xf32, #tpu.memory_space<vmem>>, vector<16xf32>,
          } {sc.loop_unroll_factor = 4 : i64, sc.parallel_access}
          %mul3A_171 = arith.constant 4 : i32
          %mul3A_172 = arith.muli %scan3A_118, %mul3A_171 : i32
          %add3A_173 = arith.constant 0 : i32
          %add3A_174 = arith.addi %mul3A_172, %add3A_173 : i32
          %mul3A_175 = arith.constant 128 : i32
          %mul3A_176 = arith.muli %add3A_174, %mul3A_175 : i32
          %add3A_177 = arith.addi %mul3A_176, %add3A_81 : i32
          %mul3A_178 = arith.constant 1024 : i32
          %mul3A_179 = arith.muli %add3A_177, %mul3A_178 : i32
          %dma_start3A_180 = arith.constant 0 : i32
          %dma_start3A_181 = tpu.memref_slice %arg13[%dma_start3A_180] : memref<4096xf32, #tpu.memory_space<vmem>> -> memref<1024xf32, #tpu.memory_space<vmem>>
          %dma_start3A_182 = tpu.memref_slice %arg5[%mul3A_179] : memref<13631488xf32, #tpu.memory_space<hbm>> -> memref<1024xf32, #tpu.memory_space<hbm>>
          %dma_start3A_183 = tpu.memref_slice %arg5[%mul3A_179] : memref<13631488xf32, #tpu.memory_space<hbm>> -> memref<1024xf32, #tpu.memory_space<hbm>>
          %dma_start3A_184 = arith.constant 0 : i32
          %dma_start3A_185 = tpu.memref_slice %arg13[%dma_start3A_184] : memref<4096xf32, #tpu.memory_space<vmem>> -> memref<1024xf32, #tpu.memory_space<vmem>>
          tpu.enqueue_dma source(%dma_start3A_185 : memref<1024xf32, #tpu.memory_space<vmem>>) target(%dma_start3A_183 : memref<1024xf32, #tpu.memory_space<hbm>>) target_semaphore(%arg19 : memref<!tpu.dma_semaphore, #tpu.memory_space<semaphore_mem>>)
          %mul3A_186 = arith.constant 4 : i32
          %mul3A_187 = arith.muli %scan3A_118, %mul3A_186 : i32
          %add3A_188 = arith.constant 1 : i32
          %add3A_189 = arith.addi %mul3A_187, %add3A_188 : i32
          %mul3A_190 = arith.constant 128 : i32
          %mul3A_191 = arith.muli %add3A_189, %mul3A_190 : i32
          %add3A_192 = arith.addi %mul3A_191, %add3A_81 : i32
          %mul3A_193 = arith.constant 1024 : i32
          %mul3A_194 = arith.muli %add3A_192, %mul3A_193 : i32
          %dma_start3A_195 = arith.constant 1024 : i32
          %dma_start3A_196 = tpu.memref_slice %arg13[%dma_start3A_195] : memref<4096xf32, #tpu.memory_space<vmem>> -> memref<1024xf32, #tpu.memory_space<vmem>>
          %dma_start3A_197 = tpu.memref_slice %arg5[%mul3A_194] : memref<13631488xf32, #tpu.memory_space<hbm>> -> memref<1024xf32, #tpu.memory_space<hbm>>
          %dma_start3A_198 = tpu.memref_slice %arg5[%mul3A_194] : memref<13631488xf32, #tpu.memory_space<hbm>> -> memref<1024xf32, #tpu.memory_space<hbm>>
          %dma_start3A_199 = arith.constant 1024 : i32
          %dma_start3A_200 = tpu.memref_slice %arg13[%dma_start3A_199] : memref<4096xf32, #tpu.memory_space<vmem>> -> memref<1024xf32, #tpu.memory_space<vmem>>
          tpu.enqueue_dma source(%dma_start3A_200 : memref<1024xf32, #tpu.memory_space<vmem>>) target(%dma_start3A_198 : memref<1024xf32, #tpu.memory_space<hbm>>) target_semaphore(%arg19 : memref<!tpu.dma_semaphore, #tpu.memory_space<semaphore_mem>>)
          %mul3A_201 = arith.constant 4 : i32
          %mul3A_202 = arith.muli %scan3A_118, %mul3A_201 : i32
          %add3A_203 = arith.constant 2 : i32
          %add3A_204 = arith.addi %mul3A_202, %add3A_203 : i32
          %mul3A_205 = arith.constant 128 : i32
          %mul3A_206 = arith.muli %add3A_204, %mul3A_205 : i32
          %add3A_207 = arith.addi %mul3A_206, %add3A_81 : i32
          %mul3A_208 = arith.constant 1024 : i32
          %mul3A_209 = arith.muli %add3A_207, %mul3A_208 : i32
          %dma_start3A_210 = arith.constant 2048 : i32
          %dma_start3A_211 = tpu.memref_slice %arg13[%dma_start3A_210] : memref<4096xf32, #tpu.memory_space<vmem>> -> memref<1024xf32, #tpu.memory_space<vmem>>
          %dma_start3A_212 = tpu.memref_slice %arg5[%mul3A_209] : memref<13631488xf32, #tpu.memory_space<hbm>> -> memref<1024xf32, #tpu.memory_space<hbm>>
          %dma_start3A_213 = tpu.memref_slice %arg5[%mul3A_209] : memref<13631488xf32, #tpu.memory_space<hbm>> -> memref<1024xf32, #tpu.memory_space<hbm>>
          %dma_start3A_214 = arith.constant 2048 : i32
          %dma_start3A_215 = tpu.memref_slice %arg13[%dma_start3A_214] : memref<4096xf32, #tpu.memory_space<vmem>> -> memref<1024xf32, #tpu.memory_space<vmem>>
          tpu.enqueue_dma source(%dma_start3A_215 : memref<1024xf32, #tpu.memory_space<vmem>>) target(%dma_start3A_213 : memref<1024xf32, #tpu.memory_space<hbm>>) target_semaphore(%arg19 : memref<!tpu.dma_semaphore, #tpu.memory_space<semaphore_mem>>)
          %mul3A_216 = arith.constant 4 : i32
          %mul3A_217 = arith.muli %scan3A_118, %mul3A_216 : i32
          %add3A_218 = arith.constant 3 : i32
          %add3A_219 = arith.addi %mul3A_217, %add3A_218 : i32
          %mul3A_220 = arith.constant 128 : i32
          %mul3A_221 = arith.muli %add3A_219, %mul3A_220 : i32
          %add3A_222 = arith.addi %mul3A_221, %add3A_81 : i32
          %mul3A_223 = arith.constant 1024 : i32
          %mul3A_224 = arith.muli %add3A_222, %mul3A_223 : i32
          %dma_start3A_225 = arith.constant 3072 : i32
          %dma_start3A_226 = tpu.memref_slice %arg13[%dma_start3A_225] : memref<4096xf32, #tpu.memory_space<vmem>> -> memref<1024xf32, #tpu.memory_space<vmem>>
          %dma_start3A_227 = tpu.memref_slice %arg5[%mul3A_224] : memref<13631488xf32, #tpu.memory_space<hbm>> -> memref<1024xf32, #tpu.memory_space<hbm>>
          %dma_start3A_228 = tpu.memref_slice %arg5[%mul3A_224] : memref<13631488xf32, #tpu.memory_space<hbm>> -> memref<1024xf32, #tpu.memory_space<hbm>>
          %dma_start3A_229 = arith.constant 3072 : i32
          %dma_start3A_230 = tpu.memref_slice %arg13[%dma_start3A_229] : memref<4096xf32, #tpu.memory_space<vmem>> -> memref<1024xf32, #tpu.memory_space<vmem>>
          tpu.enqueue_dma source(%dma_start3A_230 : memref<1024xf32, #tpu.memory_space<vmem>>) target(%dma_start3A_228 : memref<1024xf32, #tpu.memory_space<hbm>>) target_semaphore(%arg19 : memref<!tpu.dma_semaphore, #tpu.memory_space<semaphore_mem>>)
          %add3A_231 = arith.constant 2 : i32
          %add3A_232 = arith.addi %scan3A_118, %add3A_231 : i32
          %lt3A_233 = arith.constant 26 : i32
          %lt3A_234 = arith.cmpi slt, %add3A_232, %lt3A_233 : i32
          %convert_element_type3A_235 = arith.extui %lt3A_234 : i1 to i32
          %cond3A_236 = arith.constant 0 : i32
          %cond3A_237 = arith.cmpi ne, %convert_element_type3A_235, %cond3A_236 : i32
          scf.if %cond3A_237 {
            %add3A_238 = arith.constant 2 : i32
            %add3A_239 = arith.addi %scan3A_118, %add3A_238 : i32
            %mul3A_240 = arith.constant 128 : i32
            %mul3A_241 = arith.muli %add3A_239, %mul3A_240 : i32
            %dma_start3A_242 = tpu.memref_slice %arg7[%mul3A_241] : memref<3328xi32, #tpu.memory_space<vmem>> -> memref<128xi32, #tpu.memory_space<vmem>>
            %dma_start3A_243 = arith.constant 0 : i32
            %dma_start3A_244 = arith.constant 0 : i32
            %dma_start3A_245 = tpu.memref_slice %arg3[%dma_start3A_243, %dma_start3A_244] : memref<1000000x16xf32, #tpu.memory_space<hbm>> -> memref<1000000x16xf32, #tpu.memory_space<hbm>>
            tpu.enqueue_indirect_dma source(%dma_start3A_245 : memref<1000000x16xf32, #tpu.memory_space<hbm>>) target(%arg9 : memref<128x16xf32, #tpu.memory_space<vmem>>) offsets(%dma_start3A_242 : memref<128xi32, #tpu.memory_space<vmem>>) semaphore(%arg15 : memref<!tpu.dma_semaphore, #tpu.memory_space<semaphore_mem>>)
            %dma_start3A_246 = tpu.memref_slice %arg7[%mul3A_241] : memref<3328xi32, #tpu.memory_space<vmem>> -> memref<128xi32, #tpu.memory_space<vmem>>
            %dma_start3A_247 = arith.constant 0 : i32
            %dma_start3A_248 = arith.constant 0 : i32
            %dma_start3A_249 = tpu.memref_slice %arg4[%dma_start3A_247, %dma_start3A_248] : memref<1000000x16xf32, #tpu.memory_space<hbm>> -> memref<1000000x16xf32, #tpu.memory_space<hbm>>
            tpu.enqueue_indirect_dma source(%dma_start3A_249 : memref<1000000x16xf32, #tpu.memory_space<hbm>>) target(%arg11 : memref<128x16xf32, #tpu.memory_space<vmem>>) offsets(%dma_start3A_246 : memref<128xi32, #tpu.memory_space<vmem>>) semaphore(%arg17 : memref<!tpu.dma_semaphore, #tpu.memory_space<semaphore_mem>>)
          } else {
          }
        } else {
        }
      }
      %scan3A_110 = arith.constant 26 : i32
      %dma_wait3A = arith.constant 0 : i32
      %dma_wait3A_111 = tpu.memref_slice %arg5[%dma_wait3A] : memref<13631488xf32, #tpu.memory_space<hbm>> -> memref<4096xf32, #tpu.memory_space<hbm>>
      %dma_wait3A_112 = arith.constant 0 : i32
      %dma_wait3A_113 = tpu.memref_slice %arg5[%dma_wait3A_112] : memref<13631488xf32, #tpu.memory_space<hbm>> -> memref<4096xf32, #tpu.memory_space<hbm>>
      tpu.wait_dma2 semaphore(%arg18 : memref<!tpu.dma_semaphore, #tpu.memory_space<semaphore_mem>>) src(%arg12 : memref<4096xf32, #tpu.memory_space<vmem>>) dst(%dma_wait3A_113 : memref<4096xf32, #tpu.memory_space<hbm>>)
      %dma_wait3A_114 = arith.constant 0 : i32
      %dma_wait3A_115 = tpu.memref_slice %arg5[%dma_wait3A_114] : memref<13631488xf32, #tpu.memory_space<hbm>> -> memref<4096xf32, #tpu.memory_space<hbm>>
      %dma_wait3A_116 = arith.constant 0 : i32
      %dma_wait3A_117 = tpu.memref_slice %arg5[%dma_wait3A_116] : memref<13631488xf32, #tpu.memory_space<hbm>> -> memref<4096xf32, #tpu.memory_space<hbm>>
      tpu.wait_dma2 semaphore(%arg19 : memref<!tpu.dma_semaphore, #tpu.memory_space<semaphore_mem>>) src(%arg13 : memref<4096xf32, #tpu.memory_space<vmem>>) dst(%dma_wait3A_117 : memref<4096xf32, #tpu.memory_space<hbm>>)
    }
    %scan3A_77 = arith.constant 4 : i32
    return
  }
}

#map = affine_map<(d0, d1) -> (0, 0)>
#map1 = affine_map<(d0, d1) -> (0)>
module attributes {stable_mosaic.version = 14 : i64} {
  func.func @_convert(%arg0: i32, %arg1: i32, %arg2: memref<16x1000000xf32, #tpu.memory_space<hbm>>, %arg3: memref<16x1000000xf32, #tpu.memory_space<hbm>>, %arg4: memref<1024xf32, #tpu.memory_space<hbm>>, %arg5: memref<1024xf32, #tpu.memory_space<hbm>>, %arg6: memref<16000000xf32, #tpu.memory_space<hbm>>, %arg7: memref<16000000xf32, #tpu.memory_space<hbm>>, %arg8: memref<16x768xf32, #tpu.memory_space<vmem>>, %arg9: memref<16x768xf32, #tpu.memory_space<vmem>>, %arg10: memref<12288xf32, #tpu.memory_space<vmem>>, %arg11: memref<12288xf32, #tpu.memory_space<vmem>>, %arg12: memref<1024xf32, #tpu.memory_space<vmem>>, %arg13: memref<!tpu.dma_semaphore, #tpu.memory_space<semaphore_mem>>, %arg14: memref<!tpu.dma_semaphore, #tpu.memory_space<semaphore_mem>>, %arg15: memref<!tpu.dma_semaphore, #tpu.memory_space<semaphore_mem>>, %arg16: memref<!tpu.dma_semaphore, #tpu.memory_space<semaphore_mem>>) attributes {dimension_semantics = [#tpu.dimension_semantics<core_parallel>, #tpu.dimension_semantics<subcore_parallel>], iteration_bounds = array<i64: 2, 16>, scalar_prefetch = 0 : i64, scratch_operands = 9 : i64, tpu.core_type = #tpu.core_type<sc_vector_subcore>, window_params = [{transform_indices = #map}, {transform_indices = #map}, {transform_indices = #map1}, {transform_indices = #map1}, {transform_indices = #map1}, {transform_indices = #map1}]} {
    %mul3A = arith.constant 2 : i32
    %mul3A_0 = arith.muli %arg1, %mul3A : i32
    %add3A = arith.addi %mul3A_0, %arg0 : i32
    %mul3A_1 = arith.constant 81 : i32
    %mul3A_2 = arith.muli %add3A, %mul3A_1 : i32
    %min3A = arith.constant 12 : i32
    %min3A_3 = arith.minsi %add3A, %min3A : i32
    %add3A_4 = arith.addi %mul3A_2, %min3A_3 : i32
    %lt3A = arith.constant 12 : i32
    %lt3A_5 = arith.cmpi slt, %add3A, %lt3A : i32
    %jit3A = arith.constant 1 : i32
    %jit3A_6 = arith.constant 0 : i32
    %select_n3A = arith.select %lt3A_5, %jit3A, %jit3A_6 : i32
    %add3A_7 = arith.constant 81 : i32
    %add3A_8 = arith.addi %add3A_7, %select_n3A : i32
    %iota3A = tpu.iota {dimensions = array<i32: 0>} : vector<16xi32>
    %mul3A_9 = arith.constant 16 : i32
    %mul3A_10 = vector.broadcast %mul3A_9 : i32 to vector<16xi32>
    %mul3A_11 = arith.muli %iota3A, %mul3A_10 : vector<16xi32>
    %add3A_12 = arith.constant 0 : i32
    %add3A_13 = vector.broadcast %add3A_12 : i32 to vector<16xi32>
    %add3A_14 = arith.addi %mul3A_11, %add3A_13 : vector<16xi32>
    %add3A_15 = arith.constant 1 : i32
    %add3A_16 = vector.broadcast %add3A_15 : i32 to vector<16xi32>
    %add3A_17 = arith.addi %mul3A_11, %add3A_16 : vector<16xi32>
    %add3A_18 = arith.constant 2 : i32
    %add3A_19 = vector.broadcast %add3A_18 : i32 to vector<16xi32>
    %add3A_20 = arith.addi %mul3A_11, %add3A_19 : vector<16xi32>
    %add3A_21 = arith.constant 3 : i32
    %add3A_22 = vector.broadcast %add3A_21 : i32 to vector<16xi32>
    %add3A_23 = arith.addi %mul3A_11, %add3A_22 : vector<16xi32>
    %add3A_24 = arith.constant 4 : i32
    %add3A_25 = vector.broadcast %add3A_24 : i32 to vector<16xi32>
    %add3A_26 = arith.addi %mul3A_11, %add3A_25 : vector<16xi32>
    %add3A_27 = arith.constant 5 : i32
    %add3A_28 = vector.broadcast %add3A_27 : i32 to vector<16xi32>
    %add3A_29 = arith.addi %mul3A_11, %add3A_28 : vector<16xi32>
    %add3A_30 = arith.constant 6 : i32
    %add3A_31 = vector.broadcast %add3A_30 : i32 to vector<16xi32>
    %add3A_32 = arith.addi %mul3A_11, %add3A_31 : vector<16xi32>
    %add3A_33 = arith.constant 7 : i32
    %add3A_34 = vector.broadcast %add3A_33 : i32 to vector<16xi32>
    %add3A_35 = arith.addi %mul3A_11, %add3A_34 : vector<16xi32>
    %add3A_36 = arith.constant 8 : i32
    %add3A_37 = vector.broadcast %add3A_36 : i32 to vector<16xi32>
    %add3A_38 = arith.addi %mul3A_11, %add3A_37 : vector<16xi32>
    %add3A_39 = arith.constant 9 : i32
    %add3A_40 = vector.broadcast %add3A_39 : i32 to vector<16xi32>
    %add3A_41 = arith.addi %mul3A_11, %add3A_40 : vector<16xi32>
    %add3A_42 = arith.constant 10 : i32
    %add3A_43 = vector.broadcast %add3A_42 : i32 to vector<16xi32>
    %add3A_44 = arith.addi %mul3A_11, %add3A_43 : vector<16xi32>
    %add3A_45 = arith.constant 11 : i32
    %add3A_46 = vector.broadcast %add3A_45 : i32 to vector<16xi32>
    %add3A_47 = arith.addi %mul3A_11, %add3A_46 : vector<16xi32>
    %add3A_48 = arith.constant 12 : i32
    %add3A_49 = vector.broadcast %add3A_48 : i32 to vector<16xi32>
    %add3A_50 = arith.addi %mul3A_11, %add3A_49 : vector<16xi32>
    %add3A_51 = arith.constant 13 : i32
    %add3A_52 = vector.broadcast %add3A_51 : i32 to vector<16xi32>
    %add3A_53 = arith.addi %mul3A_11, %add3A_52 : vector<16xi32>
    %add3A_54 = arith.constant 14 : i32
    %add3A_55 = vector.broadcast %add3A_54 : i32 to vector<16xi32>
    %add3A_56 = arith.addi %mul3A_11, %add3A_55 : vector<16xi32>
    %add3A_57 = arith.constant 15 : i32
    %add3A_58 = vector.broadcast %add3A_57 : i32 to vector<16xi32>
    %add3A_59 = arith.addi %mul3A_11, %add3A_58 : vector<16xi32>
    %gt3A = arith.constant 0 : i32
    %gt3A_60 = arith.cmpi sgt, %add3A_8, %gt3A : i32
    %convert_element_type3A = arith.extui %gt3A_60 : i1 to i32
    %cond3A = arith.constant 0 : i32
    %cond3A_61 = arith.cmpi ne, %convert_element_type3A, %cond3A : i32
    scf.if %cond3A_61 {
      %add3A_179 = arith.constant 0 : i32
      %add3A_180 = arith.addi %add3A_4, %add3A_179 : i32
      %ge3A_181 = arith.constant 1302 : i32
      %ge3A_182 = arith.cmpi sge, %add3A_180, %ge3A_181 : i32
      %sub3A_183 = arith.constant 1302 : i32
      %sub3A_184 = arith.subi %add3A_180, %sub3A_183 : i32
      %select_n3A_185 = arith.select %ge3A_182, %sub3A_184, %add3A_180 : i32
      %mul3A_186 = arith.constant 768 : i32
      %mul3A_187 = arith.muli %select_n3A_185, %mul3A_186 : i32
      %not3A = arith.constant true
      %not3A_188 = arith.xori %ge3A_182, %not3A : i1
      %convert_element_type3A_189 = arith.extui %not3A_188 : i1 to i32
      %cond3A_190 = arith.constant 0 : i32
      %cond3A_191 = arith.cmpi ne, %convert_element_type3A_189, %cond3A_190 : i32
      scf.if %cond3A_191 {
        %dma_start3A = arith.constant 0 : i32
        %dma_start3A_195 = tpu.memref_slice %arg2[%dma_start3A, %mul3A_187] : memref<16x1000000xf32, #tpu.memory_space<hbm>> -> memref<16x768xf32, #tpu.memory_space<hbm>>
        %dma_start3A_196 = arith.constant 0 : i32
        %dma_start3A_197 = tpu.memref_slice %arg2[%dma_start3A_196, %mul3A_187] : memref<16x1000000xf32, #tpu.memory_space<hbm>> -> memref<16x768xf32, #tpu.memory_space<hbm>>
        tpu.enqueue_dma source(%dma_start3A_197 : memref<16x768xf32, #tpu.memory_space<hbm>>) target(%arg8 : memref<16x768xf32, #tpu.memory_space<vmem>>) target_semaphore(%arg13 : memref<!tpu.dma_semaphore, #tpu.memory_space<semaphore_mem>>)
      } else {
      }
      %convert_element_type3A_192 = arith.extui %ge3A_182 : i1 to i32
      %cond3A_193 = arith.constant 0 : i32
      %cond3A_194 = arith.cmpi ne, %convert_element_type3A_192, %cond3A_193 : i32
      scf.if %cond3A_194 {
        %dma_start3A = arith.constant 0 : i32
        %dma_start3A_195 = tpu.memref_slice %arg3[%dma_start3A, %mul3A_187] : memref<16x1000000xf32, #tpu.memory_space<hbm>> -> memref<16x768xf32, #tpu.memory_space<hbm>>
        %dma_start3A_196 = arith.constant 0 : i32
        %dma_start3A_197 = tpu.memref_slice %arg3[%dma_start3A_196, %mul3A_187] : memref<16x1000000xf32, #tpu.memory_space<hbm>> -> memref<16x768xf32, #tpu.memory_space<hbm>>
        tpu.enqueue_dma source(%dma_start3A_197 : memref<16x768xf32, #tpu.memory_space<hbm>>) target(%arg8 : memref<16x768xf32, #tpu.memory_space<vmem>>) target_semaphore(%arg13 : memref<!tpu.dma_semaphore, #tpu.memory_space<semaphore_mem>>)
      } else {
      }
    } else {
    }
    %gt3A_62 = arith.constant 1 : i32
    %gt3A_63 = arith.cmpi sgt, %add3A_8, %gt3A_62 : i32
    %convert_element_type3A_64 = arith.extui %gt3A_63 : i1 to i32
    %cond3A_65 = arith.constant 0 : i32
    %cond3A_66 = arith.cmpi ne, %convert_element_type3A_64, %cond3A_65 : i32
    scf.if %cond3A_66 {
      %add3A_179 = arith.constant 1 : i32
      %add3A_180 = arith.addi %add3A_4, %add3A_179 : i32
      %ge3A_181 = arith.constant 1302 : i32
      %ge3A_182 = arith.cmpi sge, %add3A_180, %ge3A_181 : i32
      %sub3A_183 = arith.constant 1302 : i32
      %sub3A_184 = arith.subi %add3A_180, %sub3A_183 : i32
      %select_n3A_185 = arith.select %ge3A_182, %sub3A_184, %add3A_180 : i32
      %mul3A_186 = arith.constant 768 : i32
      %mul3A_187 = arith.muli %select_n3A_185, %mul3A_186 : i32
      %not3A = arith.constant true
      %not3A_188 = arith.xori %ge3A_182, %not3A : i1
      %convert_element_type3A_189 = arith.extui %not3A_188 : i1 to i32
      %cond3A_190 = arith.constant 0 : i32
      %cond3A_191 = arith.cmpi ne, %convert_element_type3A_189, %cond3A_190 : i32
      scf.if %cond3A_191 {
        %dma_start3A = arith.constant 0 : i32
        %dma_start3A_195 = tpu.memref_slice %arg2[%dma_start3A, %mul3A_187] : memref<16x1000000xf32, #tpu.memory_space<hbm>> -> memref<16x768xf32, #tpu.memory_space<hbm>>
        %dma_start3A_196 = arith.constant 0 : i32
        %dma_start3A_197 = tpu.memref_slice %arg2[%dma_start3A_196, %mul3A_187] : memref<16x1000000xf32, #tpu.memory_space<hbm>> -> memref<16x768xf32, #tpu.memory_space<hbm>>
        tpu.enqueue_dma source(%dma_start3A_197 : memref<16x768xf32, #tpu.memory_space<hbm>>) target(%arg9 : memref<16x768xf32, #tpu.memory_space<vmem>>) target_semaphore(%arg14 : memref<!tpu.dma_semaphore, #tpu.memory_space<semaphore_mem>>)
      } else {
      }
      %convert_element_type3A_192 = arith.extui %ge3A_182 : i1 to i32
      %cond3A_193 = arith.constant 0 : i32
      %cond3A_194 = arith.cmpi ne, %convert_element_type3A_192, %cond3A_193 : i32
      scf.if %cond3A_194 {
        %dma_start3A = arith.constant 0 : i32
        %dma_start3A_195 = tpu.memref_slice %arg3[%dma_start3A, %mul3A_187] : memref<16x1000000xf32, #tpu.memory_space<hbm>> -> memref<16x768xf32, #tpu.memory_space<hbm>>
        %dma_start3A_196 = arith.constant 0 : i32
        %dma_start3A_197 = tpu.memref_slice %arg3[%dma_start3A_196, %mul3A_187] : memref<16x1000000xf32, #tpu.memory_space<hbm>> -> memref<16x768xf32, #tpu.memory_space<hbm>>
        tpu.enqueue_dma source(%dma_start3A_197 : memref<16x768xf32, #tpu.memory_space<hbm>>) target(%arg9 : memref<16x768xf32, #tpu.memory_space<vmem>>) target_semaphore(%arg14 : memref<!tpu.dma_semaphore, #tpu.memory_space<semaphore_mem>>)
      } else {
      }
    } else {
    }
    %while3A = arith.constant 0 : i32
    %while3A_67 = arith.constant 0 : i32
    %while3A_68 = arith.subi %add3A_8, %while3A_67 : i32
    %while3A_69 = arith.addi %while3A_67, %while3A_68 : i32
    %while3A_70 = arith.constant 1 : i32
    %while3A_71 = arith.divsi %while3A_68, %while3A_70 : i32
    %while3A_72 = arith.muli %while3A_71, %while3A_70 : i32
    %while3A_73 = arith.addi %while3A_67, %while3A_72 : i32
    %while3A_74 = arith.constant 1 : i32
    scf.for %while3A_179 = %while3A_67 to %while3A_73 step %while3A_74  : i32 {
      %add3A_180 = arith.addi %add3A_4, %while3A_179 : i32
      %jit3A_181 = arith.constant 2 : i32
      %eq3A_182 = arith.constant 0 : i32
      %eq3A_183 = arith.cmpi eq, %jit3A_181, %eq3A_182 : i32
      %jit3A_184 = arith.constant 1 : i32
      %select_n3A_185 = arith.select %eq3A_183, %jit3A_184, %jit3A_181 : i32
      %rem3A_186 = arith.remsi %while3A_179, %select_n3A_185 : i32
      %ne3A_187 = arith.constant 0 : i32
      %ne3A_188 = arith.cmpi ne, %rem3A_186, %ne3A_187 : i32
      %lt3A_189 = arith.constant 0 : i32
      %lt3A_190 = arith.cmpi slt, %rem3A_186, %lt3A_189 : i32
      %lt3A_191 = arith.constant 0 : i32
      %lt3A_192 = arith.cmpi slt, %select_n3A_185, %lt3A_191 : i32
      %ne3A_193 = arith.xori %lt3A_190, %lt3A_192 : i1
      %and3A_194 = arith.andi %ne3A_193, %ne3A_188 : i1
      %add3A_195 = arith.addi %rem3A_186, %select_n3A_185 : i32
      %select_n3A_196 = arith.select %and3A_194, %add3A_195, %rem3A_186 : i32
      %eq3A_197 = arith.constant 0 : i32
      %eq3A_198 = arith.cmpi eq, %select_n3A_196, %eq3A_197 : i32
      %convert_element_type3A_199 = arith.extui %eq3A_198 : i1 to i32
      %cond3A_200 = arith.constant 0 : i32
      %cond3A_201 = arith.cmpi ne, %convert_element_type3A_199, %cond3A_200 : i32
      scf.if %cond3A_201 {
        %dma_wait3A = arith.constant 0 : i32
        %dma_wait3A_207 = arith.constant 0 : i32
        %dma_wait3A_208 = tpu.memref_slice %arg2[%dma_wait3A, %dma_wait3A_207] : memref<16x1000000xf32, #tpu.memory_space<hbm>> -> memref<16x768xf32, #tpu.memory_space<hbm>>
        %dma_wait3A_209 = arith.constant 0 : i32
        %dma_wait3A_210 = arith.constant 0 : i32
        %dma_wait3A_211 = tpu.memref_slice %arg2[%dma_wait3A_209, %dma_wait3A_210] : memref<16x1000000xf32, #tpu.memory_space<hbm>> -> memref<16x768xf32, #tpu.memory_space<hbm>>
        tpu.wait_dma2 semaphore(%arg13 : memref<!tpu.dma_semaphore, #tpu.memory_space<semaphore_mem>>) src(%dma_wait3A_211 : memref<16x768xf32, #tpu.memory_space<hbm>>) dst(%arg8 : memref<16x768xf32, #tpu.memory_space<vmem>>)
        %ge3A_212 = arith.constant 2 : i32
        %ge3A_213 = arith.cmpi sge, %while3A_179, %ge3A_212 : i32
        %convert_element_type3A_214 = arith.extui %ge3A_213 : i1 to i32
        %cond3A_215 = arith.constant 0 : i32
        %cond3A_216 = arith.cmpi ne, %convert_element_type3A_214, %cond3A_215 : i32
        scf.if %cond3A_216 {
          %dma_wait3A_239 = arith.constant 0 : i32
          %dma_wait3A_240 = tpu.memref_slice %arg6[%dma_wait3A_239] : memref<16000000xf32, #tpu.memory_space<hbm>> -> memref<12288xf32, #tpu.memory_space<hbm>>
          %dma_wait3A_241 = arith.constant 0 : i32
          %dma_wait3A_242 = tpu.memref_slice %arg6[%dma_wait3A_241] : memref<16000000xf32, #tpu.memory_space<hbm>> -> memref<12288xf32, #tpu.memory_space<hbm>>
          tpu.wait_dma2 semaphore(%arg15 : memref<!tpu.dma_semaphore, #tpu.memory_space<semaphore_mem>>) src(%arg10 : memref<12288xf32, #tpu.memory_space<vmem>>) dst(%dma_wait3A_242 : memref<12288xf32, #tpu.memory_space<hbm>>)
        } else {
        }
        %parallel_loop3A = arith.constant 0 : i32
        %parallel_loop3A_217 = arith.constant 48 : i32
        %parallel_loop3A_218 = arith.constant 1 : i32
        scf.for %parallel_loop3A_239 = %parallel_loop3A to %parallel_loop3A_217 step %parallel_loop3A_218  : i32 {
          %parallel_loop3A_240 = arith.constant 256 : i32
          %parallel_loop3A_241 = arith.muli %parallel_loop3A_239, %parallel_loop3A_240 : i32
          %parallel_loop3A_242 = arith.constant 16 : i32
          %parallel_loop3A_243 = arith.muli %parallel_loop3A_239, %parallel_loop3A_242 : i32
          %parallel_loop3A_244 = arith.constant 0 : i32
          %parallel_loop3A_245 = arith.index_cast %parallel_loop3A_244 : i32 to index
          %parallel_loop3A_246 = arith.index_cast %parallel_loop3A_243 : i32 to index
          %parallel_loop3A_247 = tpu.vector_load %arg8[%parallel_loop3A_245, %parallel_loop3A_246] {strides = array<i32>} : memref<16x768xf32, #tpu.memory_space<vmem>>, vector<16xf32>,
          %parallel_loop3A_248 = vector.broadcast %parallel_loop3A_241 : i32 to vector<16xi32>
          %parallel_loop3A_249 = arith.addi %add3A_14, %parallel_loop3A_248 : vector<16xi32>
          tpu.vector_store_idx %arg10[%parallel_loop3A_249], %parallel_loop3A_247 : memref<12288xf32, #tpu.memory_space<vmem>>[vector<16xi32>], vector<16xf32>,
          %parallel_loop3A_250 = arith.constant 16 : i32
          %parallel_loop3A_251 = arith.muli %parallel_loop3A_239, %parallel_loop3A_250 : i32
          %parallel_loop3A_252 = arith.constant 1 : i32
          %parallel_loop3A_253 = arith.index_cast %parallel_loop3A_252 : i32 to index
          %parallel_loop3A_254 = arith.index_cast %parallel_loop3A_251 : i32 to index
          %parallel_loop3A_255 = tpu.vector_load %arg8[%parallel_loop3A_253, %parallel_loop3A_254] {strides = array<i32>} : memref<16x768xf32, #tpu.memory_space<vmem>>, vector<16xf32>,
          %parallel_loop3A_256 = vector.broadcast %parallel_loop3A_241 : i32 to vector<16xi32>
          %parallel_loop3A_257 = arith.addi %add3A_17, %parallel_loop3A_256 : vector<16xi32>
          tpu.vector_store_idx %arg10[%parallel_loop3A_257], %parallel_loop3A_255 : memref<12288xf32, #tpu.memory_space<vmem>>[vector<16xi32>], vector<16xf32>,
          %parallel_loop3A_258 = arith.constant 16 : i32
          %parallel_loop3A_259 = arith.muli %parallel_loop3A_239, %parallel_loop3A_258 : i32
          %parallel_loop3A_260 = arith.constant 2 : i32
          %parallel_loop3A_261 = arith.index_cast %parallel_loop3A_260 : i32 to index
          %parallel_loop3A_262 = arith.index_cast %parallel_loop3A_259 : i32 to index
          %parallel_loop3A_263 = tpu.vector_load %arg8[%parallel_loop3A_261, %parallel_loop3A_262] {strides = array<i32>} : memref<16x768xf32, #tpu.memory_space<vmem>>, vector<16xf32>,
          %parallel_loop3A_264 = vector.broadcast %parallel_loop3A_241 : i32 to vector<16xi32>
          %parallel_loop3A_265 = arith.addi %add3A_20, %parallel_loop3A_264 : vector<16xi32>
          tpu.vector_store_idx %arg10[%parallel_loop3A_265], %parallel_loop3A_263 : memref<12288xf32, #tpu.memory_space<vmem>>[vector<16xi32>], vector<16xf32>,
          %parallel_loop3A_266 = arith.constant 16 : i32
          %parallel_loop3A_267 = arith.muli %parallel_loop3A_239, %parallel_loop3A_266 : i32
          %parallel_loop3A_268 = arith.constant 3 : i32
          %parallel_loop3A_269 = arith.index_cast %parallel_loop3A_268 : i32 to index
          %parallel_loop3A_270 = arith.index_cast %parallel_loop3A_267 : i32 to index
          %parallel_loop3A_271 = tpu.vector_load %arg8[%parallel_loop3A_269, %parallel_loop3A_270] {strides = array<i32>} : memref<16x768xf32, #tpu.memory_space<vmem>>, vector<16xf32>,
          %parallel_loop3A_272 = vector.broadcast %parallel_loop3A_241 : i32 to vector<16xi32>
          %parallel_loop3A_273 = arith.addi %add3A_23, %parallel_loop3A_272 : vector<16xi32>
          tpu.vector_store_idx %arg10[%parallel_loop3A_273], %parallel_loop3A_271 : memref<12288xf32, #tpu.memory_space<vmem>>[vector<16xi32>], vector<16xf32>,
          %parallel_loop3A_274 = arith.constant 16 : i32
          %parallel_loop3A_275 = arith.muli %parallel_loop3A_239, %parallel_loop3A_274 : i32
          %parallel_loop3A_276 = arith.constant 4 : i32
          %parallel_loop3A_277 = arith.index_cast %parallel_loop3A_276 : i32 to index
          %parallel_loop3A_278 = arith.index_cast %parallel_loop3A_275 : i32 to index
          %parallel_loop3A_279 = tpu.vector_load %arg8[%parallel_loop3A_277, %parallel_loop3A_278] {strides = array<i32>} : memref<16x768xf32, #tpu.memory_space<vmem>>, vector<16xf32>,
          %parallel_loop3A_280 = vector.broadcast %parallel_loop3A_241 : i32 to vector<16xi32>
          %parallel_loop3A_281 = arith.addi %add3A_26, %parallel_loop3A_280 : vector<16xi32>
          tpu.vector_store_idx %arg10[%parallel_loop3A_281], %parallel_loop3A_279 : memref<12288xf32, #tpu.memory_space<vmem>>[vector<16xi32>], vector<16xf32>,
          %parallel_loop3A_282 = arith.constant 16 : i32
          %parallel_loop3A_283 = arith.muli %parallel_loop3A_239, %parallel_loop3A_282 : i32
          %parallel_loop3A_284 = arith.constant 5 : i32
          %parallel_loop3A_285 = arith.index_cast %parallel_loop3A_284 : i32 to index
          %parallel_loop3A_286 = arith.index_cast %parallel_loop3A_283 : i32 to index
          %parallel_loop3A_287 = tpu.vector_load %arg8[%parallel_loop3A_285, %parallel_loop3A_286] {strides = array<i32>} : memref<16x768xf32, #tpu.memory_space<vmem>>, vector<16xf32>,
          %parallel_loop3A_288 = vector.broadcast %parallel_loop3A_241 : i32 to vector<16xi32>
          %parallel_loop3A_289 = arith.addi %add3A_29, %parallel_loop3A_288 : vector<16xi32>
          tpu.vector_store_idx %arg10[%parallel_loop3A_289], %parallel_loop3A_287 : memref<12288xf32, #tpu.memory_space<vmem>>[vector<16xi32>], vector<16xf32>,
          %parallel_loop3A_290 = arith.constant 16 : i32
          %parallel_loop3A_291 = arith.muli %parallel_loop3A_239, %parallel_loop3A_290 : i32
          %parallel_loop3A_292 = arith.constant 6 : i32
          %parallel_loop3A_293 = arith.index_cast %parallel_loop3A_292 : i32 to index
          %parallel_loop3A_294 = arith.index_cast %parallel_loop3A_291 : i32 to index
          %parallel_loop3A_295 = tpu.vector_load %arg8[%parallel_loop3A_293, %parallel_loop3A_294] {strides = array<i32>} : memref<16x768xf32, #tpu.memory_space<vmem>>, vector<16xf32>,
          %parallel_loop3A_296 = vector.broadcast %parallel_loop3A_241 : i32 to vector<16xi32>
          %parallel_loop3A_297 = arith.addi %add3A_32, %parallel_loop3A_296 : vector<16xi32>
          tpu.vector_store_idx %arg10[%parallel_loop3A_297], %parallel_loop3A_295 : memref<12288xf32, #tpu.memory_space<vmem>>[vector<16xi32>], vector<16xf32>,
          %parallel_loop3A_298 = arith.constant 16 : i32
          %parallel_loop3A_299 = arith.muli %parallel_loop3A_239, %parallel_loop3A_298 : i32
          %parallel_loop3A_300 = arith.constant 7 : i32
          %parallel_loop3A_301 = arith.index_cast %parallel_loop3A_300 : i32 to index
          %parallel_loop3A_302 = arith.index_cast %parallel_loop3A_299 : i32 to index
          %parallel_loop3A_303 = tpu.vector_load %arg8[%parallel_loop3A_301, %parallel_loop3A_302] {strides = array<i32>} : memref<16x768xf32, #tpu.memory_space<vmem>>, vector<16xf32>,
          %parallel_loop3A_304 = vector.broadcast %parallel_loop3A_241 : i32 to vector<16xi32>
          %parallel_loop3A_305 = arith.addi %add3A_35, %parallel_loop3A_304 : vector<16xi32>
          tpu.vector_store_idx %arg10[%parallel_loop3A_305], %parallel_loop3A_303 : memref<12288xf32, #tpu.memory_space<vmem>>[vector<16xi32>], vector<16xf32>,
          %parallel_loop3A_306 = arith.constant 16 : i32
          %parallel_loop3A_307 = arith.muli %parallel_loop3A_239, %parallel_loop3A_306 : i32
          %parallel_loop3A_308 = arith.constant 8 : i32
          %parallel_loop3A_309 = arith.index_cast %parallel_loop3A_308 : i32 to index
          %parallel_loop3A_310 = arith.index_cast %parallel_loop3A_307 : i32 to index
          %parallel_loop3A_311 = tpu.vector_load %arg8[%parallel_loop3A_309, %parallel_loop3A_310] {strides = array<i32>} : memref<16x768xf32, #tpu.memory_space<vmem>>, vector<16xf32>,
          %parallel_loop3A_312 = vector.broadcast %parallel_loop3A_241 : i32 to vector<16xi32>
          %parallel_loop3A_313 = arith.addi %add3A_38, %parallel_loop3A_312 : vector<16xi32>
          tpu.vector_store_idx %arg10[%parallel_loop3A_313], %parallel_loop3A_311 : memref<12288xf32, #tpu.memory_space<vmem>>[vector<16xi32>], vector<16xf32>,
          %parallel_loop3A_314 = arith.constant 16 : i32
          %parallel_loop3A_315 = arith.muli %parallel_loop3A_239, %parallel_loop3A_314 : i32
          %parallel_loop3A_316 = arith.constant 9 : i32
          %parallel_loop3A_317 = arith.index_cast %parallel_loop3A_316 : i32 to index
          %parallel_loop3A_318 = arith.index_cast %parallel_loop3A_315 : i32 to index
          %parallel_loop3A_319 = tpu.vector_load %arg8[%parallel_loop3A_317, %parallel_loop3A_318] {strides = array<i32>} : memref<16x768xf32, #tpu.memory_space<vmem>>, vector<16xf32>,
          %parallel_loop3A_320 = vector.broadcast %parallel_loop3A_241 : i32 to vector<16xi32>
          %parallel_loop3A_321 = arith.addi %add3A_41, %parallel_loop3A_320 : vector<16xi32>
          tpu.vector_store_idx %arg10[%parallel_loop3A_321], %parallel_loop3A_319 : memref<12288xf32, #tpu.memory_space<vmem>>[vector<16xi32>], vector<16xf32>,
          %parallel_loop3A_322 = arith.constant 16 : i32
          %parallel_loop3A_323 = arith.muli %parallel_loop3A_239, %parallel_loop3A_322 : i32
          %parallel_loop3A_324 = arith.constant 10 : i32
          %parallel_loop3A_325 = arith.index_cast %parallel_loop3A_324 : i32 to index
          %parallel_loop3A_326 = arith.index_cast %parallel_loop3A_323 : i32 to index
          %parallel_loop3A_327 = tpu.vector_load %arg8[%parallel_loop3A_325, %parallel_loop3A_326] {strides = array<i32>} : memref<16x768xf32, #tpu.memory_space<vmem>>, vector<16xf32>,
          %parallel_loop3A_328 = vector.broadcast %parallel_loop3A_241 : i32 to vector<16xi32>
          %parallel_loop3A_329 = arith.addi %add3A_44, %parallel_loop3A_328 : vector<16xi32>
          tpu.vector_store_idx %arg10[%parallel_loop3A_329], %parallel_loop3A_327 : memref<12288xf32, #tpu.memory_space<vmem>>[vector<16xi32>], vector<16xf32>,
          %parallel_loop3A_330 = arith.constant 16 : i32
          %parallel_loop3A_331 = arith.muli %parallel_loop3A_239, %parallel_loop3A_330 : i32
          %parallel_loop3A_332 = arith.constant 11 : i32
          %parallel_loop3A_333 = arith.index_cast %parallel_loop3A_332 : i32 to index
          %parallel_loop3A_334 = arith.index_cast %parallel_loop3A_331 : i32 to index
          %parallel_loop3A_335 = tpu.vector_load %arg8[%parallel_loop3A_333, %parallel_loop3A_334] {strides = array<i32>} : memref<16x768xf32, #tpu.memory_space<vmem>>, vector<16xf32>,
          %parallel_loop3A_336 = vector.broadcast %parallel_loop3A_241 : i32 to vector<16xi32>
          %parallel_loop3A_337 = arith.addi %add3A_47, %parallel_loop3A_336 : vector<16xi32>
          tpu.vector_store_idx %arg10[%parallel_loop3A_337], %parallel_loop3A_335 : memref<12288xf32, #tpu.memory_space<vmem>>[vector<16xi32>], vector<16xf32>,
          %parallel_loop3A_338 = arith.constant 16 : i32
          %parallel_loop3A_339 = arith.muli %parallel_loop3A_239, %parallel_loop3A_338 : i32
          %parallel_loop3A_340 = arith.constant 12 : i32
          %parallel_loop3A_341 = arith.index_cast %parallel_loop3A_340 : i32 to index
          %parallel_loop3A_342 = arith.index_cast %parallel_loop3A_339 : i32 to index
          %parallel_loop3A_343 = tpu.vector_load %arg8[%parallel_loop3A_341, %parallel_loop3A_342] {strides = array<i32>} : memref<16x768xf32, #tpu.memory_space<vmem>>, vector<16xf32>,
          %parallel_loop3A_344 = vector.broadcast %parallel_loop3A_241 : i32 to vector<16xi32>
          %parallel_loop3A_345 = arith.addi %add3A_50, %parallel_loop3A_344 : vector<16xi32>
          tpu.vector_store_idx %arg10[%parallel_loop3A_345], %parallel_loop3A_343 : memref<12288xf32, #tpu.memory_space<vmem>>[vector<16xi32>], vector<16xf32>,
          %parallel_loop3A_346 = arith.constant 16 : i32
          %parallel_loop3A_347 = arith.muli %parallel_loop3A_239, %parallel_loop3A_346 : i32
          %parallel_loop3A_348 = arith.constant 13 : i32
          %parallel_loop3A_349 = arith.index_cast %parallel_loop3A_348 : i32 to index
          %parallel_loop3A_350 = arith.index_cast %parallel_loop3A_347 : i32 to index
          %parallel_loop3A_351 = tpu.vector_load %arg8[%parallel_loop3A_349, %parallel_loop3A_350] {strides = array<i32>} : memref<16x768xf32, #tpu.memory_space<vmem>>, vector<16xf32>,
          %parallel_loop3A_352 = vector.broadcast %parallel_loop3A_241 : i32 to vector<16xi32>
          %parallel_loop3A_353 = arith.addi %add3A_53, %parallel_loop3A_352 : vector<16xi32>
          tpu.vector_store_idx %arg10[%parallel_loop3A_353], %parallel_loop3A_351 : memref<12288xf32, #tpu.memory_space<vmem>>[vector<16xi32>], vector<16xf32>,
          %parallel_loop3A_354 = arith.constant 16 : i32
          %parallel_loop3A_355 = arith.muli %parallel_loop3A_239, %parallel_loop3A_354 : i32
          %parallel_loop3A_356 = arith.constant 14 : i32
          %parallel_loop3A_357 = arith.index_cast %parallel_loop3A_356 : i32 to index
          %parallel_loop3A_358 = arith.index_cast %parallel_loop3A_355 : i32 to index
          %parallel_loop3A_359 = tpu.vector_load %arg8[%parallel_loop3A_357, %parallel_loop3A_358] {strides = array<i32>} : memref<16x768xf32, #tpu.memory_space<vmem>>, vector<16xf32>,
          %parallel_loop3A_360 = vector.broadcast %parallel_loop3A_241 : i32 to vector<16xi32>
          %parallel_loop3A_361 = arith.addi %add3A_56, %parallel_loop3A_360 : vector<16xi32>
          tpu.vector_store_idx %arg10[%parallel_loop3A_361], %parallel_loop3A_359 : memref<12288xf32, #tpu.memory_space<vmem>>[vector<16xi32>], vector<16xf32>,
          %parallel_loop3A_362 = arith.constant 16 : i32
          %parallel_loop3A_363 = arith.muli %parallel_loop3A_239, %parallel_loop3A_362 : i32
          %parallel_loop3A_364 = arith.constant 15 : i32
          %parallel_loop3A_365 = arith.index_cast %parallel_loop3A_364 : i32 to index
          %parallel_loop3A_366 = arith.index_cast %parallel_loop3A_363 : i32 to index
          %parallel_loop3A_367 = tpu.vector_load %arg8[%parallel_loop3A_365, %parallel_loop3A_366] {strides = array<i32>} : memref<16x768xf32, #tpu.memory_space<vmem>>, vector<16xf32>,
          %parallel_loop3A_368 = vector.broadcast %parallel_loop3A_241 : i32 to vector<16xi32>
          %parallel_loop3A_369 = arith.addi %add3A_59, %parallel_loop3A_368 : vector<16xi32>
          tpu.vector_store_idx %arg10[%parallel_loop3A_369], %parallel_loop3A_367 : memref<12288xf32, #tpu.memory_space<vmem>>[vector<16xi32>], vector<16xf32>,
        } {sc.loop_unroll_factor = 4 : i64, sc.parallel_access}
        %ge3A_219 = arith.constant 1302 : i32
        %ge3A_220 = arith.cmpi sge, %add3A_180, %ge3A_219 : i32
        %sub3A_221 = arith.constant 1302 : i32
        %sub3A_222 = arith.subi %add3A_180, %sub3A_221 : i32
        %select_n3A_223 = arith.select %ge3A_220, %sub3A_222, %add3A_180 : i32
        %mul3A_224 = arith.constant 12288 : i32
        %mul3A_225 = arith.muli %select_n3A_223, %mul3A_224 : i32
        %not3A = arith.constant true
        %not3A_226 = arith.xori %ge3A_220, %not3A : i1
        %convert_element_type3A_227 = arith.extui %not3A_226 : i1 to i32
        %cond3A_228 = arith.constant 0 : i32
        %cond3A_229 = arith.cmpi ne, %convert_element_type3A_227, %cond3A_228 : i32
        scf.if %cond3A_229 {
          %dma_start3A = tpu.memref_slice %arg6[%mul3A_225] : memref<16000000xf32, #tpu.memory_space<hbm>> -> memref<12288xf32, #tpu.memory_space<hbm>>
          %dma_start3A_239 = tpu.memref_slice %arg6[%mul3A_225] : memref<16000000xf32, #tpu.memory_space<hbm>> -> memref<12288xf32, #tpu.memory_space<hbm>>
          tpu.enqueue_dma source(%arg10 : memref<12288xf32, #tpu.memory_space<vmem>>) target(%dma_start3A_239 : memref<12288xf32, #tpu.memory_space<hbm>>) target_semaphore(%arg15 : memref<!tpu.dma_semaphore, #tpu.memory_space<semaphore_mem>>)
        } else {
        }
        %convert_element_type3A_230 = arith.extui %ge3A_220 : i1 to i32
        %cond3A_231 = arith.constant 0 : i32
        %cond3A_232 = arith.cmpi ne, %convert_element_type3A_230, %cond3A_231 : i32
        scf.if %cond3A_232 {
          %dma_start3A = tpu.memref_slice %arg7[%mul3A_225] : memref<16000000xf32, #tpu.memory_space<hbm>> -> memref<12288xf32, #tpu.memory_space<hbm>>
          %dma_start3A_239 = tpu.memref_slice %arg7[%mul3A_225] : memref<16000000xf32, #tpu.memory_space<hbm>> -> memref<12288xf32, #tpu.memory_space<hbm>>
          tpu.enqueue_dma source(%arg10 : memref<12288xf32, #tpu.memory_space<vmem>>) target(%dma_start3A_239 : memref<12288xf32, #tpu.memory_space<hbm>>) target_semaphore(%arg15 : memref<!tpu.dma_semaphore, #tpu.memory_space<semaphore_mem>>)
        } else {
        }
        %add3A_233 = arith.constant 2 : i32
        %add3A_234 = arith.addi %while3A_179, %add3A_233 : i32
        %lt3A_235 = arith.cmpi slt, %add3A_234, %add3A_8 : i32
        %convert_element_type3A_236 = arith.extui %lt3A_235 : i1 to i32
        %cond3A_237 = arith.constant 0 : i32
        %cond3A_238 = arith.cmpi ne, %convert_element_type3A_236, %cond3A_237 : i32
        scf.if %cond3A_238 {
          %add3A_239 = arith.constant 2 : i32
          %add3A_240 = arith.addi %add3A_180, %add3A_239 : i32
          %ge3A_241 = arith.constant 1302 : i32
          %ge3A_242 = arith.cmpi sge, %add3A_240, %ge3A_241 : i32
          %sub3A_243 = arith.constant 1302 : i32
          %sub3A_244 = arith.subi %add3A_240, %sub3A_243 : i32
          %select_n3A_245 = arith.select %ge3A_242, %sub3A_244, %add3A_240 : i32
          %mul3A_246 = arith.constant 768 : i32
          %mul3A_247 = arith.muli %select_n3A_245, %mul3A_246 : i32
          %not3A_248 = arith.constant true
          %not3A_249 = arith.xori %ge3A_242, %not3A_248 : i1
          %convert_element_type3A_250 = arith.extui %not3A_249 : i1 to i32
          %cond3A_251 = arith.constant 0 : i32
          %cond3A_252 = arith.cmpi ne, %convert_element_type3A_250, %cond3A_251 : i32
          scf.if %cond3A_252 {
            %dma_start3A = arith.constant 0 : i32
            %dma_start3A_256 = tpu.memref_slice %arg2[%dma_start3A, %mul3A_247] : memref<16x1000000xf32, #tpu.memory_space<hbm>> -> memref<16x768xf32, #tpu.memory_space<hbm>>
            %dma_start3A_257 = arith.constant 0 : i32
            %dma_start3A_258 = tpu.memref_slice %arg2[%dma_start3A_257, %mul3A_247] : memref<16x1000000xf32, #tpu.memory_space<hbm>> -> memref<16x768xf32, #tpu.memory_space<hbm>>
            tpu.enqueue_dma source(%dma_start3A_258 : memref<16x768xf32, #tpu.memory_space<hbm>>) target(%arg8 : memref<16x768xf32, #tpu.memory_space<vmem>>) target_semaphore(%arg13 : memref<!tpu.dma_semaphore, #tpu.memory_space<semaphore_mem>>)
          } else {
          }
          %convert_element_type3A_253 = arith.extui %ge3A_242 : i1 to i32
          %cond3A_254 = arith.constant 0 : i32
          %cond3A_255 = arith.cmpi ne, %convert_element_type3A_253, %cond3A_254 : i32
          scf.if %cond3A_255 {
            %dma_start3A = arith.constant 0 : i32
            %dma_start3A_256 = tpu.memref_slice %arg3[%dma_start3A, %mul3A_247] : memref<16x1000000xf32, #tpu.memory_space<hbm>> -> memref<16x768xf32, #tpu.memory_space<hbm>>
            %dma_start3A_257 = arith.constant 0 : i32
            %dma_start3A_258 = tpu.memref_slice %arg3[%dma_start3A_257, %mul3A_247] : memref<16x1000000xf32, #tpu.memory_space<hbm>> -> memref<16x768xf32, #tpu.memory_space<hbm>>
            tpu.enqueue_dma source(%dma_start3A_258 : memref<16x768xf32, #tpu.memory_space<hbm>>) target(%arg8 : memref<16x768xf32, #tpu.memory_space<vmem>>) target_semaphore(%arg13 : memref<!tpu.dma_semaphore, #tpu.memory_space<semaphore_mem>>)
          } else {
          }
        } else {
        }
      } else {
      }
      %eq3A_202 = arith.constant 1 : i32
      %eq3A_203 = arith.cmpi eq, %select_n3A_196, %eq3A_202 : i32
      %convert_element_type3A_204 = arith.extui %eq3A_203 : i1 to i32
      %cond3A_205 = arith.constant 0 : i32
      %cond3A_206 = arith.cmpi ne, %convert_element_type3A_204, %cond3A_205 : i32
      scf.if %cond3A_206 {
        %dma_wait3A = arith.constant 0 : i32
        %dma_wait3A_207 = arith.constant 0 : i32
        %dma_wait3A_208 = tpu.memref_slice %arg2[%dma_wait3A, %dma_wait3A_207] : memref<16x1000000xf32, #tpu.memory_space<hbm>> -> memref<16x768xf32, #tpu.memory_space<hbm>>
        %dma_wait3A_209 = arith.constant 0 : i32
        %dma_wait3A_210 = arith.constant 0 : i32
        %dma_wait3A_211 = tpu.memref_slice %arg2[%dma_wait3A_209, %dma_wait3A_210] : memref<16x1000000xf32, #tpu.memory_space<hbm>> -> memref<16x768xf32, #tpu.memory_space<hbm>>
        tpu.wait_dma2 semaphore(%arg14 : memref<!tpu.dma_semaphore, #tpu.memory_space<semaphore_mem>>) src(%dma_wait3A_211 : memref<16x768xf32, #tpu.memory_space<hbm>>) dst(%arg9 : memref<16x768xf32, #tpu.memory_space<vmem>>)
        %ge3A_212 = arith.constant 2 : i32
        %ge3A_213 = arith.cmpi sge, %while3A_179, %ge3A_212 : i32
        %convert_element_type3A_214 = arith.extui %ge3A_213 : i1 to i32
        %cond3A_215 = arith.constant 0 : i32
        %cond3A_216 = arith.cmpi ne, %convert_element_type3A_214, %cond3A_215 : i32
        scf.if %cond3A_216 {
          %dma_wait3A_239 = arith.constant 0 : i32
          %dma_wait3A_240 = tpu.memref_slice %arg6[%dma_wait3A_239] : memref<16000000xf32, #tpu.memory_space<hbm>> -> memref<12288xf32, #tpu.memory_space<hbm>>
          %dma_wait3A_241 = arith.constant 0 : i32
          %dma_wait3A_242 = tpu.memref_slice %arg6[%dma_wait3A_241] : memref<16000000xf32, #tpu.memory_space<hbm>> -> memref<12288xf32, #tpu.memory_space<hbm>>
          tpu.wait_dma2 semaphore(%arg16 : memref<!tpu.dma_semaphore, #tpu.memory_space<semaphore_mem>>) src(%arg11 : memref<12288xf32, #tpu.memory_space<vmem>>) dst(%dma_wait3A_242 : memref<12288xf32, #tpu.memory_space<hbm>>)
        } else {
        }
        %parallel_loop3A = arith.constant 0 : i32
        %parallel_loop3A_217 = arith.constant 48 : i32
        %parallel_loop3A_218 = arith.constant 1 : i32
        scf.for %parallel_loop3A_239 = %parallel_loop3A to %parallel_loop3A_217 step %parallel_loop3A_218  : i32 {
          %parallel_loop3A_240 = arith.constant 256 : i32
          %parallel_loop3A_241 = arith.muli %parallel_loop3A_239, %parallel_loop3A_240 : i32
          %parallel_loop3A_242 = arith.constant 16 : i32
          %parallel_loop3A_243 = arith.muli %parallel_loop3A_239, %parallel_loop3A_242 : i32
          %parallel_loop3A_244 = arith.constant 0 : i32
          %parallel_loop3A_245 = arith.index_cast %parallel_loop3A_244 : i32 to index
          %parallel_loop3A_246 = arith.index_cast %parallel_loop3A_243 : i32 to index
          %parallel_loop3A_247 = tpu.vector_load %arg9[%parallel_loop3A_245, %parallel_loop3A_246] {strides = array<i32>} : memref<16x768xf32, #tpu.memory_space<vmem>>, vector<16xf32>,
          %parallel_loop3A_248 = vector.broadcast %parallel_loop3A_241 : i32 to vector<16xi32>
          %parallel_loop3A_249 = arith.addi %add3A_14, %parallel_loop3A_248 : vector<16xi32>
          tpu.vector_store_idx %arg11[%parallel_loop3A_249], %parallel_loop3A_247 : memref<12288xf32, #tpu.memory_space<vmem>>[vector<16xi32>], vector<16xf32>,
          %parallel_loop3A_250 = arith.constant 16 : i32
          %parallel_loop3A_251 = arith.muli %parallel_loop3A_239, %parallel_loop3A_250 : i32
          %parallel_loop3A_252 = arith.constant 1 : i32
          %parallel_loop3A_253 = arith.index_cast %parallel_loop3A_252 : i32 to index
          %parallel_loop3A_254 = arith.index_cast %parallel_loop3A_251 : i32 to index
          %parallel_loop3A_255 = tpu.vector_load %arg9[%parallel_loop3A_253, %parallel_loop3A_254] {strides = array<i32>} : memref<16x768xf32, #tpu.memory_space<vmem>>, vector<16xf32>,
          %parallel_loop3A_256 = vector.broadcast %parallel_loop3A_241 : i32 to vector<16xi32>
          %parallel_loop3A_257 = arith.addi %add3A_17, %parallel_loop3A_256 : vector<16xi32>
          tpu.vector_store_idx %arg11[%parallel_loop3A_257], %parallel_loop3A_255 : memref<12288xf32, #tpu.memory_space<vmem>>[vector<16xi32>], vector<16xf32>,
          %parallel_loop3A_258 = arith.constant 16 : i32
          %parallel_loop3A_259 = arith.muli %parallel_loop3A_239, %parallel_loop3A_258 : i32
          %parallel_loop3A_260 = arith.constant 2 : i32
          %parallel_loop3A_261 = arith.index_cast %parallel_loop3A_260 : i32 to index
          %parallel_loop3A_262 = arith.index_cast %parallel_loop3A_259 : i32 to index
          %parallel_loop3A_263 = tpu.vector_load %arg9[%parallel_loop3A_261, %parallel_loop3A_262] {strides = array<i32>} : memref<16x768xf32, #tpu.memory_space<vmem>>, vector<16xf32>,
          %parallel_loop3A_264 = vector.broadcast %parallel_loop3A_241 : i32 to vector<16xi32>
          %parallel_loop3A_265 = arith.addi %add3A_20, %parallel_loop3A_264 : vector<16xi32>
          tpu.vector_store_idx %arg11[%parallel_loop3A_265], %parallel_loop3A_263 : memref<12288xf32, #tpu.memory_space<vmem>>[vector<16xi32>], vector<16xf32>,
          %parallel_loop3A_266 = arith.constant 16 : i32
          %parallel_loop3A_267 = arith.muli %parallel_loop3A_239, %parallel_loop3A_266 : i32
          %parallel_loop3A_268 = arith.constant 3 : i32
          %parallel_loop3A_269 = arith.index_cast %parallel_loop3A_268 : i32 to index
          %parallel_loop3A_270 = arith.index_cast %parallel_loop3A_267 : i32 to index
          %parallel_loop3A_271 = tpu.vector_load %arg9[%parallel_loop3A_269, %parallel_loop3A_270] {strides = array<i32>} : memref<16x768xf32, #tpu.memory_space<vmem>>, vector<16xf32>,
          %parallel_loop3A_272 = vector.broadcast %parallel_loop3A_241 : i32 to vector<16xi32>
          %parallel_loop3A_273 = arith.addi %add3A_23, %parallel_loop3A_272 : vector<16xi32>
          tpu.vector_store_idx %arg11[%parallel_loop3A_273], %parallel_loop3A_271 : memref<12288xf32, #tpu.memory_space<vmem>>[vector<16xi32>], vector<16xf32>,
          %parallel_loop3A_274 = arith.constant 16 : i32
          %parallel_loop3A_275 = arith.muli %parallel_loop3A_239, %parallel_loop3A_274 : i32
          %parallel_loop3A_276 = arith.constant 4 : i32
          %parallel_loop3A_277 = arith.index_cast %parallel_loop3A_276 : i32 to index
          %parallel_loop3A_278 = arith.index_cast %parallel_loop3A_275 : i32 to index
          %parallel_loop3A_279 = tpu.vector_load %arg9[%parallel_loop3A_277, %parallel_loop3A_278] {strides = array<i32>} : memref<16x768xf32, #tpu.memory_space<vmem>>, vector<16xf32>,
          %parallel_loop3A_280 = vector.broadcast %parallel_loop3A_241 : i32 to vector<16xi32>
          %parallel_loop3A_281 = arith.addi %add3A_26, %parallel_loop3A_280 : vector<16xi32>
          tpu.vector_store_idx %arg11[%parallel_loop3A_281], %parallel_loop3A_279 : memref<12288xf32, #tpu.memory_space<vmem>>[vector<16xi32>], vector<16xf32>,
          %parallel_loop3A_282 = arith.constant 16 : i32
          %parallel_loop3A_283 = arith.muli %parallel_loop3A_239, %parallel_loop3A_282 : i32
          %parallel_loop3A_284 = arith.constant 5 : i32
          %parallel_loop3A_285 = arith.index_cast %parallel_loop3A_284 : i32 to index
          %parallel_loop3A_286 = arith.index_cast %parallel_loop3A_283 : i32 to index
          %parallel_loop3A_287 = tpu.vector_load %arg9[%parallel_loop3A_285, %parallel_loop3A_286] {strides = array<i32>} : memref<16x768xf32, #tpu.memory_space<vmem>>, vector<16xf32>,
          %parallel_loop3A_288 = vector.broadcast %parallel_loop3A_241 : i32 to vector<16xi32>
          %parallel_loop3A_289 = arith.addi %add3A_29, %parallel_loop3A_288 : vector<16xi32>
          tpu.vector_store_idx %arg11[%parallel_loop3A_289], %parallel_loop3A_287 : memref<12288xf32, #tpu.memory_space<vmem>>[vector<16xi32>], vector<16xf32>,
          %parallel_loop3A_290 = arith.constant 16 : i32
          %parallel_loop3A_291 = arith.muli %parallel_loop3A_239, %parallel_loop3A_290 : i32
          %parallel_loop3A_292 = arith.constant 6 : i32
          %parallel_loop3A_293 = arith.index_cast %parallel_loop3A_292 : i32 to index
          %parallel_loop3A_294 = arith.index_cast %parallel_loop3A_291 : i32 to index
          %parallel_loop3A_295 = tpu.vector_load %arg9[%parallel_loop3A_293, %parallel_loop3A_294] {strides = array<i32>} : memref<16x768xf32, #tpu.memory_space<vmem>>, vector<16xf32>,
          %parallel_loop3A_296 = vector.broadcast %parallel_loop3A_241 : i32 to vector<16xi32>
          %parallel_loop3A_297 = arith.addi %add3A_32, %parallel_loop3A_296 : vector<16xi32>
          tpu.vector_store_idx %arg11[%parallel_loop3A_297], %parallel_loop3A_295 : memref<12288xf32, #tpu.memory_space<vmem>>[vector<16xi32>], vector<16xf32>,
          %parallel_loop3A_298 = arith.constant 16 : i32
          %parallel_loop3A_299 = arith.muli %parallel_loop3A_239, %parallel_loop3A_298 : i32
          %parallel_loop3A_300 = arith.constant 7 : i32
          %parallel_loop3A_301 = arith.index_cast %parallel_loop3A_300 : i32 to index
          %parallel_loop3A_302 = arith.index_cast %parallel_loop3A_299 : i32 to index
          %parallel_loop3A_303 = tpu.vector_load %arg9[%parallel_loop3A_301, %parallel_loop3A_302] {strides = array<i32>} : memref<16x768xf32, #tpu.memory_space<vmem>>, vector<16xf32>,
          %parallel_loop3A_304 = vector.broadcast %parallel_loop3A_241 : i32 to vector<16xi32>
          %parallel_loop3A_305 = arith.addi %add3A_35, %parallel_loop3A_304 : vector<16xi32>
          tpu.vector_store_idx %arg11[%parallel_loop3A_305], %parallel_loop3A_303 : memref<12288xf32, #tpu.memory_space<vmem>>[vector<16xi32>], vector<16xf32>,
          %parallel_loop3A_306 = arith.constant 16 : i32
          %parallel_loop3A_307 = arith.muli %parallel_loop3A_239, %parallel_loop3A_306 : i32
          %parallel_loop3A_308 = arith.constant 8 : i32
          %parallel_loop3A_309 = arith.index_cast %parallel_loop3A_308 : i32 to index
          %parallel_loop3A_310 = arith.index_cast %parallel_loop3A_307 : i32 to index
          %parallel_loop3A_311 = tpu.vector_load %arg9[%parallel_loop3A_309, %parallel_loop3A_310] {strides = array<i32>} : memref<16x768xf32, #tpu.memory_space<vmem>>, vector<16xf32>,
          %parallel_loop3A_312 = vector.broadcast %parallel_loop3A_241 : i32 to vector<16xi32>
          %parallel_loop3A_313 = arith.addi %add3A_38, %parallel_loop3A_312 : vector<16xi32>
          tpu.vector_store_idx %arg11[%parallel_loop3A_313], %parallel_loop3A_311 : memref<12288xf32, #tpu.memory_space<vmem>>[vector<16xi32>], vector<16xf32>,
          %parallel_loop3A_314 = arith.constant 16 : i32
          %parallel_loop3A_315 = arith.muli %parallel_loop3A_239, %parallel_loop3A_314 : i32
          %parallel_loop3A_316 = arith.constant 9 : i32
          %parallel_loop3A_317 = arith.index_cast %parallel_loop3A_316 : i32 to index
          %parallel_loop3A_318 = arith.index_cast %parallel_loop3A_315 : i32 to index
          %parallel_loop3A_319 = tpu.vector_load %arg9[%parallel_loop3A_317, %parallel_loop3A_318] {strides = array<i32>} : memref<16x768xf32, #tpu.memory_space<vmem>>, vector<16xf32>,
          %parallel_loop3A_320 = vector.broadcast %parallel_loop3A_241 : i32 to vector<16xi32>
          %parallel_loop3A_321 = arith.addi %add3A_41, %parallel_loop3A_320 : vector<16xi32>
          tpu.vector_store_idx %arg11[%parallel_loop3A_321], %parallel_loop3A_319 : memref<12288xf32, #tpu.memory_space<vmem>>[vector<16xi32>], vector<16xf32>,
          %parallel_loop3A_322 = arith.constant 16 : i32
          %parallel_loop3A_323 = arith.muli %parallel_loop3A_239, %parallel_loop3A_322 : i32
          %parallel_loop3A_324 = arith.constant 10 : i32
          %parallel_loop3A_325 = arith.index_cast %parallel_loop3A_324 : i32 to index
          %parallel_loop3A_326 = arith.index_cast %parallel_loop3A_323 : i32 to index
          %parallel_loop3A_327 = tpu.vector_load %arg9[%parallel_loop3A_325, %parallel_loop3A_326] {strides = array<i32>} : memref<16x768xf32, #tpu.memory_space<vmem>>, vector<16xf32>,
          %parallel_loop3A_328 = vector.broadcast %parallel_loop3A_241 : i32 to vector<16xi32>
          %parallel_loop3A_329 = arith.addi %add3A_44, %parallel_loop3A_328 : vector<16xi32>
          tpu.vector_store_idx %arg11[%parallel_loop3A_329], %parallel_loop3A_327 : memref<12288xf32, #tpu.memory_space<vmem>>[vector<16xi32>], vector<16xf32>,
          %parallel_loop3A_330 = arith.constant 16 : i32
          %parallel_loop3A_331 = arith.muli %parallel_loop3A_239, %parallel_loop3A_330 : i32
          %parallel_loop3A_332 = arith.constant 11 : i32
          %parallel_loop3A_333 = arith.index_cast %parallel_loop3A_332 : i32 to index
          %parallel_loop3A_334 = arith.index_cast %parallel_loop3A_331 : i32 to index
          %parallel_loop3A_335 = tpu.vector_load %arg9[%parallel_loop3A_333, %parallel_loop3A_334] {strides = array<i32>} : memref<16x768xf32, #tpu.memory_space<vmem>>, vector<16xf32>,
          %parallel_loop3A_336 = vector.broadcast %parallel_loop3A_241 : i32 to vector<16xi32>
          %parallel_loop3A_337 = arith.addi %add3A_47, %parallel_loop3A_336 : vector<16xi32>
          tpu.vector_store_idx %arg11[%parallel_loop3A_337], %parallel_loop3A_335 : memref<12288xf32, #tpu.memory_space<vmem>>[vector<16xi32>], vector<16xf32>,
          %parallel_loop3A_338 = arith.constant 16 : i32
          %parallel_loop3A_339 = arith.muli %parallel_loop3A_239, %parallel_loop3A_338 : i32
          %parallel_loop3A_340 = arith.constant 12 : i32
          %parallel_loop3A_341 = arith.index_cast %parallel_loop3A_340 : i32 to index
          %parallel_loop3A_342 = arith.index_cast %parallel_loop3A_339 : i32 to index
          %parallel_loop3A_343 = tpu.vector_load %arg9[%parallel_loop3A_341, %parallel_loop3A_342] {strides = array<i32>} : memref<16x768xf32, #tpu.memory_space<vmem>>, vector<16xf32>,
          %parallel_loop3A_344 = vector.broadcast %parallel_loop3A_241 : i32 to vector<16xi32>
          %parallel_loop3A_345 = arith.addi %add3A_50, %parallel_loop3A_344 : vector<16xi32>
          tpu.vector_store_idx %arg11[%parallel_loop3A_345], %parallel_loop3A_343 : memref<12288xf32, #tpu.memory_space<vmem>>[vector<16xi32>], vector<16xf32>,
          %parallel_loop3A_346 = arith.constant 16 : i32
          %parallel_loop3A_347 = arith.muli %parallel_loop3A_239, %parallel_loop3A_346 : i32
          %parallel_loop3A_348 = arith.constant 13 : i32
          %parallel_loop3A_349 = arith.index_cast %parallel_loop3A_348 : i32 to index
          %parallel_loop3A_350 = arith.index_cast %parallel_loop3A_347 : i32 to index
          %parallel_loop3A_351 = tpu.vector_load %arg9[%parallel_loop3A_349, %parallel_loop3A_350] {strides = array<i32>} : memref<16x768xf32, #tpu.memory_space<vmem>>, vector<16xf32>,
          %parallel_loop3A_352 = vector.broadcast %parallel_loop3A_241 : i32 to vector<16xi32>
          %parallel_loop3A_353 = arith.addi %add3A_53, %parallel_loop3A_352 : vector<16xi32>
          tpu.vector_store_idx %arg11[%parallel_loop3A_353], %parallel_loop3A_351 : memref<12288xf32, #tpu.memory_space<vmem>>[vector<16xi32>], vector<16xf32>,
          %parallel_loop3A_354 = arith.constant 16 : i32
          %parallel_loop3A_355 = arith.muli %parallel_loop3A_239, %parallel_loop3A_354 : i32
          %parallel_loop3A_356 = arith.constant 14 : i32
          %parallel_loop3A_357 = arith.index_cast %parallel_loop3A_356 : i32 to index
          %parallel_loop3A_358 = arith.index_cast %parallel_loop3A_355 : i32 to index
          %parallel_loop3A_359 = tpu.vector_load %arg9[%parallel_loop3A_357, %parallel_loop3A_358] {strides = array<i32>} : memref<16x768xf32, #tpu.memory_space<vmem>>, vector<16xf32>,
          %parallel_loop3A_360 = vector.broadcast %parallel_loop3A_241 : i32 to vector<16xi32>
          %parallel_loop3A_361 = arith.addi %add3A_56, %parallel_loop3A_360 : vector<16xi32>
          tpu.vector_store_idx %arg11[%parallel_loop3A_361], %parallel_loop3A_359 : memref<12288xf32, #tpu.memory_space<vmem>>[vector<16xi32>], vector<16xf32>,
          %parallel_loop3A_362 = arith.constant 16 : i32
          %parallel_loop3A_363 = arith.muli %parallel_loop3A_239, %parallel_loop3A_362 : i32
          %parallel_loop3A_364 = arith.constant 15 : i32
          %parallel_loop3A_365 = arith.index_cast %parallel_loop3A_364 : i32 to index
          %parallel_loop3A_366 = arith.index_cast %parallel_loop3A_363 : i32 to index
          %parallel_loop3A_367 = tpu.vector_load %arg9[%parallel_loop3A_365, %parallel_loop3A_366] {strides = array<i32>} : memref<16x768xf32, #tpu.memory_space<vmem>>, vector<16xf32>,
          %parallel_loop3A_368 = vector.broadcast %parallel_loop3A_241 : i32 to vector<16xi32>
          %parallel_loop3A_369 = arith.addi %add3A_59, %parallel_loop3A_368 : vector<16xi32>
          tpu.vector_store_idx %arg11[%parallel_loop3A_369], %parallel_loop3A_367 : memref<12288xf32, #tpu.memory_space<vmem>>[vector<16xi32>], vector<16xf32>,
        } {sc.loop_unroll_factor = 4 : i64, sc.parallel_access}
        %ge3A_219 = arith.constant 1302 : i32
        %ge3A_220 = arith.cmpi sge, %add3A_180, %ge3A_219 : i32
        %sub3A_221 = arith.constant 1302 : i32
        %sub3A_222 = arith.subi %add3A_180, %sub3A_221 : i32
        %select_n3A_223 = arith.select %ge3A_220, %sub3A_222, %add3A_180 : i32
        %mul3A_224 = arith.constant 12288 : i32
        %mul3A_225 = arith.muli %select_n3A_223, %mul3A_224 : i32
        %not3A = arith.constant true
        %not3A_226 = arith.xori %ge3A_220, %not3A : i1
        %convert_element_type3A_227 = arith.extui %not3A_226 : i1 to i32
        %cond3A_228 = arith.constant 0 : i32
        %cond3A_229 = arith.cmpi ne, %convert_element_type3A_227, %cond3A_228 : i32
        scf.if %cond3A_229 {
          %dma_start3A = tpu.memref_slice %arg6[%mul3A_225] : memref<16000000xf32, #tpu.memory_space<hbm>> -> memref<12288xf32, #tpu.memory_space<hbm>>
          %dma_start3A_239 = tpu.memref_slice %arg6[%mul3A_225] : memref<16000000xf32, #tpu.memory_space<hbm>> -> memref<12288xf32, #tpu.memory_space<hbm>>
          tpu.enqueue_dma source(%arg11 : memref<12288xf32, #tpu.memory_space<vmem>>) target(%dma_start3A_239 : memref<12288xf32, #tpu.memory_space<hbm>>) target_semaphore(%arg16 : memref<!tpu.dma_semaphore, #tpu.memory_space<semaphore_mem>>)
        } else {
        }
        %convert_element_type3A_230 = arith.extui %ge3A_220 : i1 to i32
        %cond3A_231 = arith.constant 0 : i32
        %cond3A_232 = arith.cmpi ne, %convert_element_type3A_230, %cond3A_231 : i32
        scf.if %cond3A_232 {
          %dma_start3A = tpu.memref_slice %arg7[%mul3A_225] : memref<16000000xf32, #tpu.memory_space<hbm>> -> memref<12288xf32, #tpu.memory_space<hbm>>
          %dma_start3A_239 = tpu.memref_slice %arg7[%mul3A_225] : memref<16000000xf32, #tpu.memory_space<hbm>> -> memref<12288xf32, #tpu.memory_space<hbm>>
          tpu.enqueue_dma source(%arg11 : memref<12288xf32, #tpu.memory_space<vmem>>) target(%dma_start3A_239 : memref<12288xf32, #tpu.memory_space<hbm>>) target_semaphore(%arg16 : memref<!tpu.dma_semaphore, #tpu.memory_space<semaphore_mem>>)
        } else {
        }
        %add3A_233 = arith.constant 2 : i32
        %add3A_234 = arith.addi %while3A_179, %add3A_233 : i32
        %lt3A_235 = arith.cmpi slt, %add3A_234, %add3A_8 : i32
        %convert_element_type3A_236 = arith.extui %lt3A_235 : i1 to i32
        %cond3A_237 = arith.constant 0 : i32
        %cond3A_238 = arith.cmpi ne, %convert_element_type3A_236, %cond3A_237 : i32
        scf.if %cond3A_238 {
          %add3A_239 = arith.constant 2 : i32
          %add3A_240 = arith.addi %add3A_180, %add3A_239 : i32
          %ge3A_241 = arith.constant 1302 : i32
          %ge3A_242 = arith.cmpi sge, %add3A_240, %ge3A_241 : i32
          %sub3A_243 = arith.constant 1302 : i32
          %sub3A_244 = arith.subi %add3A_240, %sub3A_243 : i32
          %select_n3A_245 = arith.select %ge3A_242, %sub3A_244, %add3A_240 : i32
          %mul3A_246 = arith.constant 768 : i32
          %mul3A_247 = arith.muli %select_n3A_245, %mul3A_246 : i32
          %not3A_248 = arith.constant true
          %not3A_249 = arith.xori %ge3A_242, %not3A_248 : i1
          %convert_element_type3A_250 = arith.extui %not3A_249 : i1 to i32
          %cond3A_251 = arith.constant 0 : i32
          %cond3A_252 = arith.cmpi ne, %convert_element_type3A_250, %cond3A_251 : i32
          scf.if %cond3A_252 {
            %dma_start3A = arith.constant 0 : i32
            %dma_start3A_256 = tpu.memref_slice %arg2[%dma_start3A, %mul3A_247] : memref<16x1000000xf32, #tpu.memory_space<hbm>> -> memref<16x768xf32, #tpu.memory_space<hbm>>
            %dma_start3A_257 = arith.constant 0 : i32
            %dma_start3A_258 = tpu.memref_slice %arg2[%dma_start3A_257, %mul3A_247] : memref<16x1000000xf32, #tpu.memory_space<hbm>> -> memref<16x768xf32, #tpu.memory_space<hbm>>
            tpu.enqueue_dma source(%dma_start3A_258 : memref<16x768xf32, #tpu.memory_space<hbm>>) target(%arg9 : memref<16x768xf32, #tpu.memory_space<vmem>>) target_semaphore(%arg14 : memref<!tpu.dma_semaphore, #tpu.memory_space<semaphore_mem>>)
          } else {
          }
          %convert_element_type3A_253 = arith.extui %ge3A_242 : i1 to i32
          %cond3A_254 = arith.constant 0 : i32
          %cond3A_255 = arith.cmpi ne, %convert_element_type3A_253, %cond3A_254 : i32
          scf.if %cond3A_255 {
            %dma_start3A = arith.constant 0 : i32
            %dma_start3A_256 = tpu.memref_slice %arg3[%dma_start3A, %mul3A_247] : memref<16x1000000xf32, #tpu.memory_space<hbm>> -> memref<16x768xf32, #tpu.memory_space<hbm>>
            %dma_start3A_257 = arith.constant 0 : i32
            %dma_start3A_258 = tpu.memref_slice %arg3[%dma_start3A_257, %mul3A_247] : memref<16x1000000xf32, #tpu.memory_space<hbm>> -> memref<16x768xf32, #tpu.memory_space<hbm>>
            tpu.enqueue_dma source(%dma_start3A_258 : memref<16x768xf32, #tpu.memory_space<hbm>>) target(%arg9 : memref<16x768xf32, #tpu.memory_space<vmem>>) target_semaphore(%arg14 : memref<!tpu.dma_semaphore, #tpu.memory_space<semaphore_mem>>)
          } else {
          }
        } else {
        }
      } else {
      }
    }
    %while3A_75 = arith.constant 1 : i32
    scf.for %while3A_179 = %while3A_73 to %while3A_69 step %while3A_75  : i32 {
      %add3A_180 = arith.addi %add3A_4, %while3A_179 : i32
      %jit3A_181 = arith.constant 2 : i32
      %eq3A_182 = arith.constant 0 : i32
      %eq3A_183 = arith.cmpi eq, %jit3A_181, %eq3A_182 : i32
      %jit3A_184 = arith.constant 1 : i32
      %select_n3A_185 = arith.select %eq3A_183, %jit3A_184, %jit3A_181 : i32
      %rem3A_186 = arith.remsi %while3A_179, %select_n3A_185 : i32
      %ne3A_187 = arith.constant 0 : i32
      %ne3A_188 = arith.cmpi ne, %rem3A_186, %ne3A_187 : i32
      %lt3A_189 = arith.constant 0 : i32
      %lt3A_190 = arith.cmpi slt, %rem3A_186, %lt3A_189 : i32
      %lt3A_191 = arith.constant 0 : i32
      %lt3A_192 = arith.cmpi slt, %select_n3A_185, %lt3A_191 : i32
      %ne3A_193 = arith.xori %lt3A_190, %lt3A_192 : i1
      %and3A_194 = arith.andi %ne3A_193, %ne3A_188 : i1
      %add3A_195 = arith.addi %rem3A_186, %select_n3A_185 : i32
      %select_n3A_196 = arith.select %and3A_194, %add3A_195, %rem3A_186 : i32
      %eq3A_197 = arith.constant 0 : i32
      %eq3A_198 = arith.cmpi eq, %select_n3A_196, %eq3A_197 : i32
      %convert_element_type3A_199 = arith.extui %eq3A_198 : i1 to i32
      %cond3A_200 = arith.constant 0 : i32
      %cond3A_201 = arith.cmpi ne, %convert_element_type3A_199, %cond3A_200 : i32
      scf.if %cond3A_201 {
        %dma_wait3A = arith.constant 0 : i32
        %dma_wait3A_207 = arith.constant 0 : i32
        %dma_wait3A_208 = tpu.memref_slice %arg2[%dma_wait3A, %dma_wait3A_207] : memref<16x1000000xf32, #tpu.memory_space<hbm>> -> memref<16x768xf32, #tpu.memory_space<hbm>>
        %dma_wait3A_209 = arith.constant 0 : i32
        %dma_wait3A_210 = arith.constant 0 : i32
        %dma_wait3A_211 = tpu.memref_slice %arg2[%dma_wait3A_209, %dma_wait3A_210] : memref<16x1000000xf32, #tpu.memory_space<hbm>> -> memref<16x768xf32, #tpu.memory_space<hbm>>
        tpu.wait_dma2 semaphore(%arg13 : memref<!tpu.dma_semaphore, #tpu.memory_space<semaphore_mem>>) src(%dma_wait3A_211 : memref<16x768xf32, #tpu.memory_space<hbm>>) dst(%arg8 : memref<16x768xf32, #tpu.memory_space<vmem>>)
        %ge3A_212 = arith.constant 2 : i32
        %ge3A_213 = arith.cmpi sge, %while3A_179, %ge3A_212 : i32
        %convert_element_type3A_214 = arith.extui %ge3A_213 : i1 to i32
        %cond3A_215 = arith.constant 0 : i32
        %cond3A_216 = arith.cmpi ne, %convert_element_type3A_214, %cond3A_215 : i32
        scf.if %cond3A_216 {
          %dma_wait3A_239 = arith.constant 0 : i32
          %dma_wait3A_240 = tpu.memref_slice %arg6[%dma_wait3A_239] : memref<16000000xf32, #tpu.memory_space<hbm>> -> memref<12288xf32, #tpu.memory_space<hbm>>
          %dma_wait3A_241 = arith.constant 0 : i32
          %dma_wait3A_242 = tpu.memref_slice %arg6[%dma_wait3A_241] : memref<16000000xf32, #tpu.memory_space<hbm>> -> memref<12288xf32, #tpu.memory_space<hbm>>
          tpu.wait_dma2 semaphore(%arg15 : memref<!tpu.dma_semaphore, #tpu.memory_space<semaphore_mem>>) src(%arg10 : memref<12288xf32, #tpu.memory_space<vmem>>) dst(%dma_wait3A_242 : memref<12288xf32, #tpu.memory_space<hbm>>)
        } else {
        }
        %parallel_loop3A = arith.constant 0 : i32
        %parallel_loop3A_217 = arith.constant 48 : i32
        %parallel_loop3A_218 = arith.constant 1 : i32
        scf.for %parallel_loop3A_239 = %parallel_loop3A to %parallel_loop3A_217 step %parallel_loop3A_218  : i32 {
          %parallel_loop3A_240 = arith.constant 256 : i32
          %parallel_loop3A_241 = arith.muli %parallel_loop3A_239, %parallel_loop3A_240 : i32
          %parallel_loop3A_242 = arith.constant 16 : i32
          %parallel_loop3A_243 = arith.muli %parallel_loop3A_239, %parallel_loop3A_242 : i32
          %parallel_loop3A_244 = arith.constant 0 : i32
          %parallel_loop3A_245 = arith.index_cast %parallel_loop3A_244 : i32 to index
          %parallel_loop3A_246 = arith.index_cast %parallel_loop3A_243 : i32 to index
          %parallel_loop3A_247 = tpu.vector_load %arg8[%parallel_loop3A_245, %parallel_loop3A_246] {strides = array<i32>} : memref<16x768xf32, #tpu.memory_space<vmem>>, vector<16xf32>,
          %parallel_loop3A_248 = vector.broadcast %parallel_loop3A_241 : i32 to vector<16xi32>
          %parallel_loop3A_249 = arith.addi %add3A_14, %parallel_loop3A_248 : vector<16xi32>
          tpu.vector_store_idx %arg10[%parallel_loop3A_249], %parallel_loop3A_247 : memref<12288xf32, #tpu.memory_space<vmem>>[vector<16xi32>], vector<16xf32>,
          %parallel_loop3A_250 = arith.constant 16 : i32
          %parallel_loop3A_251 = arith.muli %parallel_loop3A_239, %parallel_loop3A_250 : i32
          %parallel_loop3A_252 = arith.constant 1 : i32
          %parallel_loop3A_253 = arith.index_cast %parallel_loop3A_252 : i32 to index
          %parallel_loop3A_254 = arith.index_cast %parallel_loop3A_251 : i32 to index
          %parallel_loop3A_255 = tpu.vector_load %arg8[%parallel_loop3A_253, %parallel_loop3A_254] {strides = array<i32>} : memref<16x768xf32, #tpu.memory_space<vmem>>, vector<16xf32>,
          %parallel_loop3A_256 = vector.broadcast %parallel_loop3A_241 : i32 to vector<16xi32>
          %parallel_loop3A_257 = arith.addi %add3A_17, %parallel_loop3A_256 : vector<16xi32>
          tpu.vector_store_idx %arg10[%parallel_loop3A_257], %parallel_loop3A_255 : memref<12288xf32, #tpu.memory_space<vmem>>[vector<16xi32>], vector<16xf32>,
          %parallel_loop3A_258 = arith.constant 16 : i32
          %parallel_loop3A_259 = arith.muli %parallel_loop3A_239, %parallel_loop3A_258 : i32
          %parallel_loop3A_260 = arith.constant 2 : i32
          %parallel_loop3A_261 = arith.index_cast %parallel_loop3A_260 : i32 to index
          %parallel_loop3A_262 = arith.index_cast %parallel_loop3A_259 : i32 to index
          %parallel_loop3A_263 = tpu.vector_load %arg8[%parallel_loop3A_261, %parallel_loop3A_262] {strides = array<i32>} : memref<16x768xf32, #tpu.memory_space<vmem>>, vector<16xf32>,
          %parallel_loop3A_264 = vector.broadcast %parallel_loop3A_241 : i32 to vector<16xi32>
          %parallel_loop3A_265 = arith.addi %add3A_20, %parallel_loop3A_264 : vector<16xi32>
          tpu.vector_store_idx %arg10[%parallel_loop3A_265], %parallel_loop3A_263 : memref<12288xf32, #tpu.memory_space<vmem>>[vector<16xi32>], vector<16xf32>,
          %parallel_loop3A_266 = arith.constant 16 : i32
          %parallel_loop3A_267 = arith.muli %parallel_loop3A_239, %parallel_loop3A_266 : i32
          %parallel_loop3A_268 = arith.constant 3 : i32
          %parallel_loop3A_269 = arith.index_cast %parallel_loop3A_268 : i32 to index
          %parallel_loop3A_270 = arith.index_cast %parallel_loop3A_267 : i32 to index
          %parallel_loop3A_271 = tpu.vector_load %arg8[%parallel_loop3A_269, %parallel_loop3A_270] {strides = array<i32>} : memref<16x768xf32, #tpu.memory_space<vmem>>, vector<16xf32>,
          %parallel_loop3A_272 = vector.broadcast %parallel_loop3A_241 : i32 to vector<16xi32>
          %parallel_loop3A_273 = arith.addi %add3A_23, %parallel_loop3A_272 : vector<16xi32>
          tpu.vector_store_idx %arg10[%parallel_loop3A_273], %parallel_loop3A_271 : memref<12288xf32, #tpu.memory_space<vmem>>[vector<16xi32>], vector<16xf32>,
          %parallel_loop3A_274 = arith.constant 16 : i32
          %parallel_loop3A_275 = arith.muli %parallel_loop3A_239, %parallel_loop3A_274 : i32
          %parallel_loop3A_276 = arith.constant 4 : i32
          %parallel_loop3A_277 = arith.index_cast %parallel_loop3A_276 : i32 to index
          %parallel_loop3A_278 = arith.index_cast %parallel_loop3A_275 : i32 to index
          %parallel_loop3A_279 = tpu.vector_load %arg8[%parallel_loop3A_277, %parallel_loop3A_278] {strides = array<i32>} : memref<16x768xf32, #tpu.memory_space<vmem>>, vector<16xf32>,
          %parallel_loop3A_280 = vector.broadcast %parallel_loop3A_241 : i32 to vector<16xi32>
          %parallel_loop3A_281 = arith.addi %add3A_26, %parallel_loop3A_280 : vector<16xi32>
          tpu.vector_store_idx %arg10[%parallel_loop3A_281], %parallel_loop3A_279 : memref<12288xf32, #tpu.memory_space<vmem>>[vector<16xi32>], vector<16xf32>,
          %parallel_loop3A_282 = arith.constant 16 : i32
          %parallel_loop3A_283 = arith.muli %parallel_loop3A_239, %parallel_loop3A_282 : i32
          %parallel_loop3A_284 = arith.constant 5 : i32
          %parallel_loop3A_285 = arith.index_cast %parallel_loop3A_284 : i32 to index
          %parallel_loop3A_286 = arith.index_cast %parallel_loop3A_283 : i32 to index
          %parallel_loop3A_287 = tpu.vector_load %arg8[%parallel_loop3A_285, %parallel_loop3A_286] {strides = array<i32>} : memref<16x768xf32, #tpu.memory_space<vmem>>, vector<16xf32>,
          %parallel_loop3A_288 = vector.broadcast %parallel_loop3A_241 : i32 to vector<16xi32>
          %parallel_loop3A_289 = arith.addi %add3A_29, %parallel_loop3A_288 : vector<16xi32>
          tpu.vector_store_idx %arg10[%parallel_loop3A_289], %parallel_loop3A_287 : memref<12288xf32, #tpu.memory_space<vmem>>[vector<16xi32>], vector<16xf32>,
          %parallel_loop3A_290 = arith.constant 16 : i32
          %parallel_loop3A_291 = arith.muli %parallel_loop3A_239, %parallel_loop3A_290 : i32
          %parallel_loop3A_292 = arith.constant 6 : i32
          %parallel_loop3A_293 = arith.index_cast %parallel_loop3A_292 : i32 to index
          %parallel_loop3A_294 = arith.index_cast %parallel_loop3A_291 : i32 to index
          %parallel_loop3A_295 = tpu.vector_load %arg8[%parallel_loop3A_293, %parallel_loop3A_294] {strides = array<i32>} : memref<16x768xf32, #tpu.memory_space<vmem>>, vector<16xf32>,
          %parallel_loop3A_296 = vector.broadcast %parallel_loop3A_241 : i32 to vector<16xi32>
          %parallel_loop3A_297 = arith.addi %add3A_32, %parallel_loop3A_296 : vector<16xi32>
          tpu.vector_store_idx %arg10[%parallel_loop3A_297], %parallel_loop3A_295 : memref<12288xf32, #tpu.memory_space<vmem>>[vector<16xi32>], vector<16xf32>,
          %parallel_loop3A_298 = arith.constant 16 : i32
          %parallel_loop3A_299 = arith.muli %parallel_loop3A_239, %parallel_loop3A_298 : i32
          %parallel_loop3A_300 = arith.constant 7 : i32
          %parallel_loop3A_301 = arith.index_cast %parallel_loop3A_300 : i32 to index
          %parallel_loop3A_302 = arith.index_cast %parallel_loop3A_299 : i32 to index
          %parallel_loop3A_303 = tpu.vector_load %arg8[%parallel_loop3A_301, %parallel_loop3A_302] {strides = array<i32>} : memref<16x768xf32, #tpu.memory_space<vmem>>, vector<16xf32>,
          %parallel_loop3A_304 = vector.broadcast %parallel_loop3A_241 : i32 to vector<16xi32>
          %parallel_loop3A_305 = arith.addi %add3A_35, %parallel_loop3A_304 : vector<16xi32>
          tpu.vector_store_idx %arg10[%parallel_loop3A_305], %parallel_loop3A_303 : memref<12288xf32, #tpu.memory_space<vmem>>[vector<16xi32>], vector<16xf32>,
          %parallel_loop3A_306 = arith.constant 16 : i32
          %parallel_loop3A_307 = arith.muli %parallel_loop3A_239, %parallel_loop3A_306 : i32
          %parallel_loop3A_308 = arith.constant 8 : i32
          %parallel_loop3A_309 = arith.index_cast %parallel_loop3A_308 : i32 to index
          %parallel_loop3A_310 = arith.index_cast %parallel_loop3A_307 : i32 to index
          %parallel_loop3A_311 = tpu.vector_load %arg8[%parallel_loop3A_309, %parallel_loop3A_310] {strides = array<i32>} : memref<16x768xf32, #tpu.memory_space<vmem>>, vector<16xf32>,
          %parallel_loop3A_312 = vector.broadcast %parallel_loop3A_241 : i32 to vector<16xi32>
          %parallel_loop3A_313 = arith.addi %add3A_38, %parallel_loop3A_312 : vector<16xi32>
          tpu.vector_store_idx %arg10[%parallel_loop3A_313], %parallel_loop3A_311 : memref<12288xf32, #tpu.memory_space<vmem>>[vector<16xi32>], vector<16xf32>,
          %parallel_loop3A_314 = arith.constant 16 : i32
          %parallel_loop3A_315 = arith.muli %parallel_loop3A_239, %parallel_loop3A_314 : i32
          %parallel_loop3A_316 = arith.constant 9 : i32
          %parallel_loop3A_317 = arith.index_cast %parallel_loop3A_316 : i32 to index
          %parallel_loop3A_318 = arith.index_cast %parallel_loop3A_315 : i32 to index
          %parallel_loop3A_319 = tpu.vector_load %arg8[%parallel_loop3A_317, %parallel_loop3A_318] {strides = array<i32>} : memref<16x768xf32, #tpu.memory_space<vmem>>, vector<16xf32>,
          %parallel_loop3A_320 = vector.broadcast %parallel_loop3A_241 : i32 to vector<16xi32>
          %parallel_loop3A_321 = arith.addi %add3A_41, %parallel_loop3A_320 : vector<16xi32>
          tpu.vector_store_idx %arg10[%parallel_loop3A_321], %parallel_loop3A_319 : memref<12288xf32, #tpu.memory_space<vmem>>[vector<16xi32>], vector<16xf32>,
          %parallel_loop3A_322 = arith.constant 16 : i32
          %parallel_loop3A_323 = arith.muli %parallel_loop3A_239, %parallel_loop3A_322 : i32
          %parallel_loop3A_324 = arith.constant 10 : i32
          %parallel_loop3A_325 = arith.index_cast %parallel_loop3A_324 : i32 to index
          %parallel_loop3A_326 = arith.index_cast %parallel_loop3A_323 : i32 to index
          %parallel_loop3A_327 = tpu.vector_load %arg8[%parallel_loop3A_325, %parallel_loop3A_326] {strides = array<i32>} : memref<16x768xf32, #tpu.memory_space<vmem>>, vector<16xf32>,
          %parallel_loop3A_328 = vector.broadcast %parallel_loop3A_241 : i32 to vector<16xi32>
          %parallel_loop3A_329 = arith.addi %add3A_44, %parallel_loop3A_328 : vector<16xi32>
          tpu.vector_store_idx %arg10[%parallel_loop3A_329], %parallel_loop3A_327 : memref<12288xf32, #tpu.memory_space<vmem>>[vector<16xi32>], vector<16xf32>,
          %parallel_loop3A_330 = arith.constant 16 : i32
          %parallel_loop3A_331 = arith.muli %parallel_loop3A_239, %parallel_loop3A_330 : i32
          %parallel_loop3A_332 = arith.constant 11 : i32
          %parallel_loop3A_333 = arith.index_cast %parallel_loop3A_332 : i32 to index
          %parallel_loop3A_334 = arith.index_cast %parallel_loop3A_331 : i32 to index
          %parallel_loop3A_335 = tpu.vector_load %arg8[%parallel_loop3A_333, %parallel_loop3A_334] {strides = array<i32>} : memref<16x768xf32, #tpu.memory_space<vmem>>, vector<16xf32>,
          %parallel_loop3A_336 = vector.broadcast %parallel_loop3A_241 : i32 to vector<16xi32>
          %parallel_loop3A_337 = arith.addi %add3A_47, %parallel_loop3A_336 : vector<16xi32>
          tpu.vector_store_idx %arg10[%parallel_loop3A_337], %parallel_loop3A_335 : memref<12288xf32, #tpu.memory_space<vmem>>[vector<16xi32>], vector<16xf32>,
          %parallel_loop3A_338 = arith.constant 16 : i32
          %parallel_loop3A_339 = arith.muli %parallel_loop3A_239, %parallel_loop3A_338 : i32
          %parallel_loop3A_340 = arith.constant 12 : i32
          %parallel_loop3A_341 = arith.index_cast %parallel_loop3A_340 : i32 to index
          %parallel_loop3A_342 = arith.index_cast %parallel_loop3A_339 : i32 to index
          %parallel_loop3A_343 = tpu.vector_load %arg8[%parallel_loop3A_341, %parallel_loop3A_342] {strides = array<i32>} : memref<16x768xf32, #tpu.memory_space<vmem>>, vector<16xf32>,
          %parallel_loop3A_344 = vector.broadcast %parallel_loop3A_241 : i32 to vector<16xi32>
          %parallel_loop3A_345 = arith.addi %add3A_50, %parallel_loop3A_344 : vector<16xi32>
          tpu.vector_store_idx %arg10[%parallel_loop3A_345], %parallel_loop3A_343 : memref<12288xf32, #tpu.memory_space<vmem>>[vector<16xi32>], vector<16xf32>,
          %parallel_loop3A_346 = arith.constant 16 : i32
          %parallel_loop3A_347 = arith.muli %parallel_loop3A_239, %parallel_loop3A_346 : i32
          %parallel_loop3A_348 = arith.constant 13 : i32
          %parallel_loop3A_349 = arith.index_cast %parallel_loop3A_348 : i32 to index
          %parallel_loop3A_350 = arith.index_cast %parallel_loop3A_347 : i32 to index
          %parallel_loop3A_351 = tpu.vector_load %arg8[%parallel_loop3A_349, %parallel_loop3A_350] {strides = array<i32>} : memref<16x768xf32, #tpu.memory_space<vmem>>, vector<16xf32>,
          %parallel_loop3A_352 = vector.broadcast %parallel_loop3A_241 : i32 to vector<16xi32>
          %parallel_loop3A_353 = arith.addi %add3A_53, %parallel_loop3A_352 : vector<16xi32>
          tpu.vector_store_idx %arg10[%parallel_loop3A_353], %parallel_loop3A_351 : memref<12288xf32, #tpu.memory_space<vmem>>[vector<16xi32>], vector<16xf32>,
          %parallel_loop3A_354 = arith.constant 16 : i32
          %parallel_loop3A_355 = arith.muli %parallel_loop3A_239, %parallel_loop3A_354 : i32
          %parallel_loop3A_356 = arith.constant 14 : i32
          %parallel_loop3A_357 = arith.index_cast %parallel_loop3A_356 : i32 to index
          %parallel_loop3A_358 = arith.index_cast %parallel_loop3A_355 : i32 to index
          %parallel_loop3A_359 = tpu.vector_load %arg8[%parallel_loop3A_357, %parallel_loop3A_358] {strides = array<i32>} : memref<16x768xf32, #tpu.memory_space<vmem>>, vector<16xf32>,
          %parallel_loop3A_360 = vector.broadcast %parallel_loop3A_241 : i32 to vector<16xi32>
          %parallel_loop3A_361 = arith.addi %add3A_56, %parallel_loop3A_360 : vector<16xi32>
          tpu.vector_store_idx %arg10[%parallel_loop3A_361], %parallel_loop3A_359 : memref<12288xf32, #tpu.memory_space<vmem>>[vector<16xi32>], vector<16xf32>,
          %parallel_loop3A_362 = arith.constant 16 : i32
          %parallel_loop3A_363 = arith.muli %parallel_loop3A_239, %parallel_loop3A_362 : i32
          %parallel_loop3A_364 = arith.constant 15 : i32
          %parallel_loop3A_365 = arith.index_cast %parallel_loop3A_364 : i32 to index
          %parallel_loop3A_366 = arith.index_cast %parallel_loop3A_363 : i32 to index
          %parallel_loop3A_367 = tpu.vector_load %arg8[%parallel_loop3A_365, %parallel_loop3A_366] {strides = array<i32>} : memref<16x768xf32, #tpu.memory_space<vmem>>, vector<16xf32>,
          %parallel_loop3A_368 = vector.broadcast %parallel_loop3A_241 : i32 to vector<16xi32>
          %parallel_loop3A_369 = arith.addi %add3A_59, %parallel_loop3A_368 : vector<16xi32>
          tpu.vector_store_idx %arg10[%parallel_loop3A_369], %parallel_loop3A_367 : memref<12288xf32, #tpu.memory_space<vmem>>[vector<16xi32>], vector<16xf32>,
        } {sc.loop_unroll_factor = 4 : i64, sc.parallel_access}
        %ge3A_219 = arith.constant 1302 : i32
        %ge3A_220 = arith.cmpi sge, %add3A_180, %ge3A_219 : i32
        %sub3A_221 = arith.constant 1302 : i32
        %sub3A_222 = arith.subi %add3A_180, %sub3A_221 : i32
        %select_n3A_223 = arith.select %ge3A_220, %sub3A_222, %add3A_180 : i32
        %mul3A_224 = arith.constant 12288 : i32
        %mul3A_225 = arith.muli %select_n3A_223, %mul3A_224 : i32
        %not3A = arith.constant true
        %not3A_226 = arith.xori %ge3A_220, %not3A : i1
        %convert_element_type3A_227 = arith.extui %not3A_226 : i1 to i32
        %cond3A_228 = arith.constant 0 : i32
        %cond3A_229 = arith.cmpi ne, %convert_element_type3A_227, %cond3A_228 : i32
        scf.if %cond3A_229 {
          %dma_start3A = tpu.memref_slice %arg6[%mul3A_225] : memref<16000000xf32, #tpu.memory_space<hbm>> -> memref<12288xf32, #tpu.memory_space<hbm>>
          %dma_start3A_239 = tpu.memref_slice %arg6[%mul3A_225] : memref<16000000xf32, #tpu.memory_space<hbm>> -> memref<12288xf32, #tpu.memory_space<hbm>>
          tpu.enqueue_dma source(%arg10 : memref<12288xf32, #tpu.memory_space<vmem>>) target(%dma_start3A_239 : memref<12288xf32, #tpu.memory_space<hbm>>) target_semaphore(%arg15 : memref<!tpu.dma_semaphore, #tpu.memory_space<semaphore_mem>>)
        } else {
        }
        %convert_element_type3A_230 = arith.extui %ge3A_220 : i1 to i32
        %cond3A_231 = arith.constant 0 : i32
        %cond3A_232 = arith.cmpi ne, %convert_element_type3A_230, %cond3A_231 : i32
        scf.if %cond3A_232 {
          %dma_start3A = tpu.memref_slice %arg7[%mul3A_225] : memref<16000000xf32, #tpu.memory_space<hbm>> -> memref<12288xf32, #tpu.memory_space<hbm>>
          %dma_start3A_239 = tpu.memref_slice %arg7[%mul3A_225] : memref<16000000xf32, #tpu.memory_space<hbm>> -> memref<12288xf32, #tpu.memory_space<hbm>>
          tpu.enqueue_dma source(%arg10 : memref<12288xf32, #tpu.memory_space<vmem>>) target(%dma_start3A_239 : memref<12288xf32, #tpu.memory_space<hbm>>) target_semaphore(%arg15 : memref<!tpu.dma_semaphore, #tpu.memory_space<semaphore_mem>>)
        } else {
        }
        %add3A_233 = arith.constant 2 : i32
        %add3A_234 = arith.addi %while3A_179, %add3A_233 : i32
        %lt3A_235 = arith.cmpi slt, %add3A_234, %add3A_8 : i32
        %convert_element_type3A_236 = arith.extui %lt3A_235 : i1 to i32
        %cond3A_237 = arith.constant 0 : i32
        %cond3A_238 = arith.cmpi ne, %convert_element_type3A_236, %cond3A_237 : i32
        scf.if %cond3A_238 {
          %add3A_239 = arith.constant 2 : i32
          %add3A_240 = arith.addi %add3A_180, %add3A_239 : i32
          %ge3A_241 = arith.constant 1302 : i32
          %ge3A_242 = arith.cmpi sge, %add3A_240, %ge3A_241 : i32
          %sub3A_243 = arith.constant 1302 : i32
          %sub3A_244 = arith.subi %add3A_240, %sub3A_243 : i32
          %select_n3A_245 = arith.select %ge3A_242, %sub3A_244, %add3A_240 : i32
          %mul3A_246 = arith.constant 768 : i32
          %mul3A_247 = arith.muli %select_n3A_245, %mul3A_246 : i32
          %not3A_248 = arith.constant true
          %not3A_249 = arith.xori %ge3A_242, %not3A_248 : i1
          %convert_element_type3A_250 = arith.extui %not3A_249 : i1 to i32
          %cond3A_251 = arith.constant 0 : i32
          %cond3A_252 = arith.cmpi ne, %convert_element_type3A_250, %cond3A_251 : i32
          scf.if %cond3A_252 {
            %dma_start3A = arith.constant 0 : i32
            %dma_start3A_256 = tpu.memref_slice %arg2[%dma_start3A, %mul3A_247] : memref<16x1000000xf32, #tpu.memory_space<hbm>> -> memref<16x768xf32, #tpu.memory_space<hbm>>
            %dma_start3A_257 = arith.constant 0 : i32
            %dma_start3A_258 = tpu.memref_slice %arg2[%dma_start3A_257, %mul3A_247] : memref<16x1000000xf32, #tpu.memory_space<hbm>> -> memref<16x768xf32, #tpu.memory_space<hbm>>
            tpu.enqueue_dma source(%dma_start3A_258 : memref<16x768xf32, #tpu.memory_space<hbm>>) target(%arg8 : memref<16x768xf32, #tpu.memory_space<vmem>>) target_semaphore(%arg13 : memref<!tpu.dma_semaphore, #tpu.memory_space<semaphore_mem>>)
          } else {
          }
          %convert_element_type3A_253 = arith.extui %ge3A_242 : i1 to i32
          %cond3A_254 = arith.constant 0 : i32
          %cond3A_255 = arith.cmpi ne, %convert_element_type3A_253, %cond3A_254 : i32
          scf.if %cond3A_255 {
            %dma_start3A = arith.constant 0 : i32
            %dma_start3A_256 = tpu.memref_slice %arg3[%dma_start3A, %mul3A_247] : memref<16x1000000xf32, #tpu.memory_space<hbm>> -> memref<16x768xf32, #tpu.memory_space<hbm>>
            %dma_start3A_257 = arith.constant 0 : i32
            %dma_start3A_258 = tpu.memref_slice %arg3[%dma_start3A_257, %mul3A_247] : memref<16x1000000xf32, #tpu.memory_space<hbm>> -> memref<16x768xf32, #tpu.memory_space<hbm>>
            tpu.enqueue_dma source(%dma_start3A_258 : memref<16x768xf32, #tpu.memory_space<hbm>>) target(%arg8 : memref<16x768xf32, #tpu.memory_space<vmem>>) target_semaphore(%arg13 : memref<!tpu.dma_semaphore, #tpu.memory_space<semaphore_mem>>)
          } else {
          }
        } else {
        }
      } else {
      }
      %eq3A_202 = arith.constant 1 : i32
      %eq3A_203 = arith.cmpi eq, %select_n3A_196, %eq3A_202 : i32
      %convert_element_type3A_204 = arith.extui %eq3A_203 : i1 to i32
      %cond3A_205 = arith.constant 0 : i32
      %cond3A_206 = arith.cmpi ne, %convert_element_type3A_204, %cond3A_205 : i32
      scf.if %cond3A_206 {
        %dma_wait3A = arith.constant 0 : i32
        %dma_wait3A_207 = arith.constant 0 : i32
        %dma_wait3A_208 = tpu.memref_slice %arg2[%dma_wait3A, %dma_wait3A_207] : memref<16x1000000xf32, #tpu.memory_space<hbm>> -> memref<16x768xf32, #tpu.memory_space<hbm>>
        %dma_wait3A_209 = arith.constant 0 : i32
        %dma_wait3A_210 = arith.constant 0 : i32
        %dma_wait3A_211 = tpu.memref_slice %arg2[%dma_wait3A_209, %dma_wait3A_210] : memref<16x1000000xf32, #tpu.memory_space<hbm>> -> memref<16x768xf32, #tpu.memory_space<hbm>>
        tpu.wait_dma2 semaphore(%arg14 : memref<!tpu.dma_semaphore, #tpu.memory_space<semaphore_mem>>) src(%dma_wait3A_211 : memref<16x768xf32, #tpu.memory_space<hbm>>) dst(%arg9 : memref<16x768xf32, #tpu.memory_space<vmem>>)
        %ge3A_212 = arith.constant 2 : i32
        %ge3A_213 = arith.cmpi sge, %while3A_179, %ge3A_212 : i32
        %convert_element_type3A_214 = arith.extui %ge3A_213 : i1 to i32
        %cond3A_215 = arith.constant 0 : i32
        %cond3A_216 = arith.cmpi ne, %convert_element_type3A_214, %cond3A_215 : i32
        scf.if %cond3A_216 {
          %dma_wait3A_239 = arith.constant 0 : i32
          %dma_wait3A_240 = tpu.memref_slice %arg6[%dma_wait3A_239] : memref<16000000xf32, #tpu.memory_space<hbm>> -> memref<12288xf32, #tpu.memory_space<hbm>>
          %dma_wait3A_241 = arith.constant 0 : i32
          %dma_wait3A_242 = tpu.memref_slice %arg6[%dma_wait3A_241] : memref<16000000xf32, #tpu.memory_space<hbm>> -> memref<12288xf32, #tpu.memory_space<hbm>>
          tpu.wait_dma2 semaphore(%arg16 : memref<!tpu.dma_semaphore, #tpu.memory_space<semaphore_mem>>) src(%arg11 : memref<12288xf32, #tpu.memory_space<vmem>>) dst(%dma_wait3A_242 : memref<12288xf32, #tpu.memory_space<hbm>>)
        } else {
        }
        %parallel_loop3A = arith.constant 0 : i32
        %parallel_loop3A_217 = arith.constant 48 : i32
        %parallel_loop3A_218 = arith.constant 1 : i32
        scf.for %parallel_loop3A_239 = %parallel_loop3A to %parallel_loop3A_217 step %parallel_loop3A_218  : i32 {
          %parallel_loop3A_240 = arith.constant 256 : i32
          %parallel_loop3A_241 = arith.muli %parallel_loop3A_239, %parallel_loop3A_240 : i32
          %parallel_loop3A_242 = arith.constant 16 : i32
          %parallel_loop3A_243 = arith.muli %parallel_loop3A_239, %parallel_loop3A_242 : i32
          %parallel_loop3A_244 = arith.constant 0 : i32
          %parallel_loop3A_245 = arith.index_cast %parallel_loop3A_244 : i32 to index
          %parallel_loop3A_246 = arith.index_cast %parallel_loop3A_243 : i32 to index
          %parallel_loop3A_247 = tpu.vector_load %arg9[%parallel_loop3A_245, %parallel_loop3A_246] {strides = array<i32>} : memref<16x768xf32, #tpu.memory_space<vmem>>, vector<16xf32>,
          %parallel_loop3A_248 = vector.broadcast %parallel_loop3A_241 : i32 to vector<16xi32>
          %parallel_loop3A_249 = arith.addi %add3A_14, %parallel_loop3A_248 : vector<16xi32>
          tpu.vector_store_idx %arg11[%parallel_loop3A_249], %parallel_loop3A_247 : memref<12288xf32, #tpu.memory_space<vmem>>[vector<16xi32>], vector<16xf32>,
          %parallel_loop3A_250 = arith.constant 16 : i32
          %parallel_loop3A_251 = arith.muli %parallel_loop3A_239, %parallel_loop3A_250 : i32
          %parallel_loop3A_252 = arith.constant 1 : i32
          %parallel_loop3A_253 = arith.index_cast %parallel_loop3A_252 : i32 to index
          %parallel_loop3A_254 = arith.index_cast %parallel_loop3A_251 : i32 to index
          %parallel_loop3A_255 = tpu.vector_load %arg9[%parallel_loop3A_253, %parallel_loop3A_254] {strides = array<i32>} : memref<16x768xf32, #tpu.memory_space<vmem>>, vector<16xf32>,
          %parallel_loop3A_256 = vector.broadcast %parallel_loop3A_241 : i32 to vector<16xi32>
          %parallel_loop3A_257 = arith.addi %add3A_17, %parallel_loop3A_256 : vector<16xi32>
          tpu.vector_store_idx %arg11[%parallel_loop3A_257], %parallel_loop3A_255 : memref<12288xf32, #tpu.memory_space<vmem>>[vector<16xi32>], vector<16xf32>,
          %parallel_loop3A_258 = arith.constant 16 : i32
          %parallel_loop3A_259 = arith.muli %parallel_loop3A_239, %parallel_loop3A_258 : i32
          %parallel_loop3A_260 = arith.constant 2 : i32
          %parallel_loop3A_261 = arith.index_cast %parallel_loop3A_260 : i32 to index
          %parallel_loop3A_262 = arith.index_cast %parallel_loop3A_259 : i32 to index
          %parallel_loop3A_263 = tpu.vector_load %arg9[%parallel_loop3A_261, %parallel_loop3A_262] {strides = array<i32>} : memref<16x768xf32, #tpu.memory_space<vmem>>, vector<16xf32>,
          %parallel_loop3A_264 = vector.broadcast %parallel_loop3A_241 : i32 to vector<16xi32>
          %parallel_loop3A_265 = arith.addi %add3A_20, %parallel_loop3A_264 : vector<16xi32>
          tpu.vector_store_idx %arg11[%parallel_loop3A_265], %parallel_loop3A_263 : memref<12288xf32, #tpu.memory_space<vmem>>[vector<16xi32>], vector<16xf32>,
          %parallel_loop3A_266 = arith.constant 16 : i32
          %parallel_loop3A_267 = arith.muli %parallel_loop3A_239, %parallel_loop3A_266 : i32
          %parallel_loop3A_268 = arith.constant 3 : i32
          %parallel_loop3A_269 = arith.index_cast %parallel_loop3A_268 : i32 to index
          %parallel_loop3A_270 = arith.index_cast %parallel_loop3A_267 : i32 to index
          %parallel_loop3A_271 = tpu.vector_load %arg9[%parallel_loop3A_269, %parallel_loop3A_270] {strides = array<i32>} : memref<16x768xf32, #tpu.memory_space<vmem>>, vector<16xf32>,
          %parallel_loop3A_272 = vector.broadcast %parallel_loop3A_241 : i32 to vector<16xi32>
          %parallel_loop3A_273 = arith.addi %add3A_23, %parallel_loop3A_272 : vector<16xi32>
          tpu.vector_store_idx %arg11[%parallel_loop3A_273], %parallel_loop3A_271 : memref<12288xf32, #tpu.memory_space<vmem>>[vector<16xi32>], vector<16xf32>,
          %parallel_loop3A_274 = arith.constant 16 : i32
          %parallel_loop3A_275 = arith.muli %parallel_loop3A_239, %parallel_loop3A_274 : i32
          %parallel_loop3A_276 = arith.constant 4 : i32
          %parallel_loop3A_277 = arith.index_cast %parallel_loop3A_276 : i32 to index
          %parallel_loop3A_278 = arith.index_cast %parallel_loop3A_275 : i32 to index
          %parallel_loop3A_279 = tpu.vector_load %arg9[%parallel_loop3A_277, %parallel_loop3A_278] {strides = array<i32>} : memref<16x768xf32, #tpu.memory_space<vmem>>, vector<16xf32>,
          %parallel_loop3A_280 = vector.broadcast %parallel_loop3A_241 : i32 to vector<16xi32>
          %parallel_loop3A_281 = arith.addi %add3A_26, %parallel_loop3A_280 : vector<16xi32>
          tpu.vector_store_idx %arg11[%parallel_loop3A_281], %parallel_loop3A_279 : memref<12288xf32, #tpu.memory_space<vmem>>[vector<16xi32>], vector<16xf32>,
          %parallel_loop3A_282 = arith.constant 16 : i32
          %parallel_loop3A_283 = arith.muli %parallel_loop3A_239, %parallel_loop3A_282 : i32
          %parallel_loop3A_284 = arith.constant 5 : i32
          %parallel_loop3A_285 = arith.index_cast %parallel_loop3A_284 : i32 to index
          %parallel_loop3A_286 = arith.index_cast %parallel_loop3A_283 : i32 to index
          %parallel_loop3A_287 = tpu.vector_load %arg9[%parallel_loop3A_285, %parallel_loop3A_286] {strides = array<i32>} : memref<16x768xf32, #tpu.memory_space<vmem>>, vector<16xf32>,
          %parallel_loop3A_288 = vector.broadcast %parallel_loop3A_241 : i32 to vector<16xi32>
          %parallel_loop3A_289 = arith.addi %add3A_29, %parallel_loop3A_288 : vector<16xi32>
          tpu.vector_store_idx %arg11[%parallel_loop3A_289], %parallel_loop3A_287 : memref<12288xf32, #tpu.memory_space<vmem>>[vector<16xi32>], vector<16xf32>,
          %parallel_loop3A_290 = arith.constant 16 : i32
          %parallel_loop3A_291 = arith.muli %parallel_loop3A_239, %parallel_loop3A_290 : i32
          %parallel_loop3A_292 = arith.constant 6 : i32
          %parallel_loop3A_293 = arith.index_cast %parallel_loop3A_292 : i32 to index
          %parallel_loop3A_294 = arith.index_cast %parallel_loop3A_291 : i32 to index
          %parallel_loop3A_295 = tpu.vector_load %arg9[%parallel_loop3A_293, %parallel_loop3A_294] {strides = array<i32>} : memref<16x768xf32, #tpu.memory_space<vmem>>, vector<16xf32>,
          %parallel_loop3A_296 = vector.broadcast %parallel_loop3A_241 : i32 to vector<16xi32>
          %parallel_loop3A_297 = arith.addi %add3A_32, %parallel_loop3A_296 : vector<16xi32>
          tpu.vector_store_idx %arg11[%parallel_loop3A_297], %parallel_loop3A_295 : memref<12288xf32, #tpu.memory_space<vmem>>[vector<16xi32>], vector<16xf32>,
          %parallel_loop3A_298 = arith.constant 16 : i32
          %parallel_loop3A_299 = arith.muli %parallel_loop3A_239, %parallel_loop3A_298 : i32
          %parallel_loop3A_300 = arith.constant 7 : i32
          %parallel_loop3A_301 = arith.index_cast %parallel_loop3A_300 : i32 to index
          %parallel_loop3A_302 = arith.index_cast %parallel_loop3A_299 : i32 to index
          %parallel_loop3A_303 = tpu.vector_load %arg9[%parallel_loop3A_301, %parallel_loop3A_302] {strides = array<i32>} : memref<16x768xf32, #tpu.memory_space<vmem>>, vector<16xf32>,
          %parallel_loop3A_304 = vector.broadcast %parallel_loop3A_241 : i32 to vector<16xi32>
          %parallel_loop3A_305 = arith.addi %add3A_35, %parallel_loop3A_304 : vector<16xi32>
          tpu.vector_store_idx %arg11[%parallel_loop3A_305], %parallel_loop3A_303 : memref<12288xf32, #tpu.memory_space<vmem>>[vector<16xi32>], vector<16xf32>,
          %parallel_loop3A_306 = arith.constant 16 : i32
          %parallel_loop3A_307 = arith.muli %parallel_loop3A_239, %parallel_loop3A_306 : i32
          %parallel_loop3A_308 = arith.constant 8 : i32
          %parallel_loop3A_309 = arith.index_cast %parallel_loop3A_308 : i32 to index
          %parallel_loop3A_310 = arith.index_cast %parallel_loop3A_307 : i32 to index
          %parallel_loop3A_311 = tpu.vector_load %arg9[%parallel_loop3A_309, %parallel_loop3A_310] {strides = array<i32>} : memref<16x768xf32, #tpu.memory_space<vmem>>, vector<16xf32>,
          %parallel_loop3A_312 = vector.broadcast %parallel_loop3A_241 : i32 to vector<16xi32>
          %parallel_loop3A_313 = arith.addi %add3A_38, %parallel_loop3A_312 : vector<16xi32>
          tpu.vector_store_idx %arg11[%parallel_loop3A_313], %parallel_loop3A_311 : memref<12288xf32, #tpu.memory_space<vmem>>[vector<16xi32>], vector<16xf32>,
          %parallel_loop3A_314 = arith.constant 16 : i32
          %parallel_loop3A_315 = arith.muli %parallel_loop3A_239, %parallel_loop3A_314 : i32
          %parallel_loop3A_316 = arith.constant 9 : i32
          %parallel_loop3A_317 = arith.index_cast %parallel_loop3A_316 : i32 to index
          %parallel_loop3A_318 = arith.index_cast %parallel_loop3A_315 : i32 to index
          %parallel_loop3A_319 = tpu.vector_load %arg9[%parallel_loop3A_317, %parallel_loop3A_318] {strides = array<i32>} : memref<16x768xf32, #tpu.memory_space<vmem>>, vector<16xf32>,
          %parallel_loop3A_320 = vector.broadcast %parallel_loop3A_241 : i32 to vector<16xi32>
          %parallel_loop3A_321 = arith.addi %add3A_41, %parallel_loop3A_320 : vector<16xi32>
          tpu.vector_store_idx %arg11[%parallel_loop3A_321], %parallel_loop3A_319 : memref<12288xf32, #tpu.memory_space<vmem>>[vector<16xi32>], vector<16xf32>,
          %parallel_loop3A_322 = arith.constant 16 : i32
          %parallel_loop3A_323 = arith.muli %parallel_loop3A_239, %parallel_loop3A_322 : i32
          %parallel_loop3A_324 = arith.constant 10 : i32
          %parallel_loop3A_325 = arith.index_cast %parallel_loop3A_324 : i32 to index
          %parallel_loop3A_326 = arith.index_cast %parallel_loop3A_323 : i32 to index
          %parallel_loop3A_327 = tpu.vector_load %arg9[%parallel_loop3A_325, %parallel_loop3A_326] {strides = array<i32>} : memref<16x768xf32, #tpu.memory_space<vmem>>, vector<16xf32>,
          %parallel_loop3A_328 = vector.broadcast %parallel_loop3A_241 : i32 to vector<16xi32>
          %parallel_loop3A_329 = arith.addi %add3A_44, %parallel_loop3A_328 : vector<16xi32>
          tpu.vector_store_idx %arg11[%parallel_loop3A_329], %parallel_loop3A_327 : memref<12288xf32, #tpu.memory_space<vmem>>[vector<16xi32>], vector<16xf32>,
          %parallel_loop3A_330 = arith.constant 16 : i32
          %parallel_loop3A_331 = arith.muli %parallel_loop3A_239, %parallel_loop3A_330 : i32
          %parallel_loop3A_332 = arith.constant 11 : i32
          %parallel_loop3A_333 = arith.index_cast %parallel_loop3A_332 : i32 to index
          %parallel_loop3A_334 = arith.index_cast %parallel_loop3A_331 : i32 to index
          %parallel_loop3A_335 = tpu.vector_load %arg9[%parallel_loop3A_333, %parallel_loop3A_334] {strides = array<i32>} : memref<16x768xf32, #tpu.memory_space<vmem>>, vector<16xf32>,
          %parallel_loop3A_336 = vector.broadcast %parallel_loop3A_241 : i32 to vector<16xi32>
          %parallel_loop3A_337 = arith.addi %add3A_47, %parallel_loop3A_336 : vector<16xi32>
          tpu.vector_store_idx %arg11[%parallel_loop3A_337], %parallel_loop3A_335 : memref<12288xf32, #tpu.memory_space<vmem>>[vector<16xi32>], vector<16xf32>,
          %parallel_loop3A_338 = arith.constant 16 : i32
          %parallel_loop3A_339 = arith.muli %parallel_loop3A_239, %parallel_loop3A_338 : i32
          %parallel_loop3A_340 = arith.constant 12 : i32
          %parallel_loop3A_341 = arith.index_cast %parallel_loop3A_340 : i32 to index
          %parallel_loop3A_342 = arith.index_cast %parallel_loop3A_339 : i32 to index
          %parallel_loop3A_343 = tpu.vector_load %arg9[%parallel_loop3A_341, %parallel_loop3A_342] {strides = array<i32>} : memref<16x768xf32, #tpu.memory_space<vmem>>, vector<16xf32>,
          %parallel_loop3A_344 = vector.broadcast %parallel_loop3A_241 : i32 to vector<16xi32>
          %parallel_loop3A_345 = arith.addi %add3A_50, %parallel_loop3A_344 : vector<16xi32>
          tpu.vector_store_idx %arg11[%parallel_loop3A_345], %parallel_loop3A_343 : memref<12288xf32, #tpu.memory_space<vmem>>[vector<16xi32>], vector<16xf32>,
          %parallel_loop3A_346 = arith.constant 16 : i32
          %parallel_loop3A_347 = arith.muli %parallel_loop3A_239, %parallel_loop3A_346 : i32
          %parallel_loop3A_348 = arith.constant 13 : i32
          %parallel_loop3A_349 = arith.index_cast %parallel_loop3A_348 : i32 to index
          %parallel_loop3A_350 = arith.index_cast %parallel_loop3A_347 : i32 to index
          %parallel_loop3A_351 = tpu.vector_load %arg9[%parallel_loop3A_349, %parallel_loop3A_350] {strides = array<i32>} : memref<16x768xf32, #tpu.memory_space<vmem>>, vector<16xf32>,
          %parallel_loop3A_352 = vector.broadcast %parallel_loop3A_241 : i32 to vector<16xi32>
          %parallel_loop3A_353 = arith.addi %add3A_53, %parallel_loop3A_352 : vector<16xi32>
          tpu.vector_store_idx %arg11[%parallel_loop3A_353], %parallel_loop3A_351 : memref<12288xf32, #tpu.memory_space<vmem>>[vector<16xi32>], vector<16xf32>,
          %parallel_loop3A_354 = arith.constant 16 : i32
          %parallel_loop3A_355 = arith.muli %parallel_loop3A_239, %parallel_loop3A_354 : i32
          %parallel_loop3A_356 = arith.constant 14 : i32
          %parallel_loop3A_357 = arith.index_cast %parallel_loop3A_356 : i32 to index
          %parallel_loop3A_358 = arith.index_cast %parallel_loop3A_355 : i32 to index
          %parallel_loop3A_359 = tpu.vector_load %arg9[%parallel_loop3A_357, %parallel_loop3A_358] {strides = array<i32>} : memref<16x768xf32, #tpu.memory_space<vmem>>, vector<16xf32>,
          %parallel_loop3A_360 = vector.broadcast %parallel_loop3A_241 : i32 to vector<16xi32>
          %parallel_loop3A_361 = arith.addi %add3A_56, %parallel_loop3A_360 : vector<16xi32>
          tpu.vector_store_idx %arg11[%parallel_loop3A_361], %parallel_loop3A_359 : memref<12288xf32, #tpu.memory_space<vmem>>[vector<16xi32>], vector<16xf32>,
          %parallel_loop3A_362 = arith.constant 16 : i32
          %parallel_loop3A_363 = arith.muli %parallel_loop3A_239, %parallel_loop3A_362 : i32
          %parallel_loop3A_364 = arith.constant 15 : i32
          %parallel_loop3A_365 = arith.index_cast %parallel_loop3A_364 : i32 to index
          %parallel_loop3A_366 = arith.index_cast %parallel_loop3A_363 : i32 to index
          %parallel_loop3A_367 = tpu.vector_load %arg9[%parallel_loop3A_365, %parallel_loop3A_366] {strides = array<i32>} : memref<16x768xf32, #tpu.memory_space<vmem>>, vector<16xf32>,
          %parallel_loop3A_368 = vector.broadcast %parallel_loop3A_241 : i32 to vector<16xi32>
          %parallel_loop3A_369 = arith.addi %add3A_59, %parallel_loop3A_368 : vector<16xi32>
          tpu.vector_store_idx %arg11[%parallel_loop3A_369], %parallel_loop3A_367 : memref<12288xf32, #tpu.memory_space<vmem>>[vector<16xi32>], vector<16xf32>,
        } {sc.loop_unroll_factor = 4 : i64, sc.parallel_access}
        %ge3A_219 = arith.constant 1302 : i32
        %ge3A_220 = arith.cmpi sge, %add3A_180, %ge3A_219 : i32
        %sub3A_221 = arith.constant 1302 : i32
        %sub3A_222 = arith.subi %add3A_180, %sub3A_221 : i32
        %select_n3A_223 = arith.select %ge3A_220, %sub3A_222, %add3A_180 : i32
        %mul3A_224 = arith.constant 12288 : i32
        %mul3A_225 = arith.muli %select_n3A_223, %mul3A_224 : i32
        %not3A = arith.constant true
        %not3A_226 = arith.xori %ge3A_220, %not3A : i1
        %convert_element_type3A_227 = arith.extui %not3A_226 : i1 to i32
        %cond3A_228 = arith.constant 0 : i32
        %cond3A_229 = arith.cmpi ne, %convert_element_type3A_227, %cond3A_228 : i32
        scf.if %cond3A_229 {
          %dma_start3A = tpu.memref_slice %arg6[%mul3A_225] : memref<16000000xf32, #tpu.memory_space<hbm>> -> memref<12288xf32, #tpu.memory_space<hbm>>
          %dma_start3A_239 = tpu.memref_slice %arg6[%mul3A_225] : memref<16000000xf32, #tpu.memory_space<hbm>> -> memref<12288xf32, #tpu.memory_space<hbm>>
          tpu.enqueue_dma source(%arg11 : memref<12288xf32, #tpu.memory_space<vmem>>) target(%dma_start3A_239 : memref<12288xf32, #tpu.memory_space<hbm>>) target_semaphore(%arg16 : memref<!tpu.dma_semaphore, #tpu.memory_space<semaphore_mem>>)
        } else {
        }
        %convert_element_type3A_230 = arith.extui %ge3A_220 : i1 to i32
        %cond3A_231 = arith.constant 0 : i32
        %cond3A_232 = arith.cmpi ne, %convert_element_type3A_230, %cond3A_231 : i32
        scf.if %cond3A_232 {
          %dma_start3A = tpu.memref_slice %arg7[%mul3A_225] : memref<16000000xf32, #tpu.memory_space<hbm>> -> memref<12288xf32, #tpu.memory_space<hbm>>
          %dma_start3A_239 = tpu.memref_slice %arg7[%mul3A_225] : memref<16000000xf32, #tpu.memory_space<hbm>> -> memref<12288xf32, #tpu.memory_space<hbm>>
          tpu.enqueue_dma source(%arg11 : memref<12288xf32, #tpu.memory_space<vmem>>) target(%dma_start3A_239 : memref<12288xf32, #tpu.memory_space<hbm>>) target_semaphore(%arg16 : memref<!tpu.dma_semaphore, #tpu.memory_space<semaphore_mem>>)
        } else {
        }
        %add3A_233 = arith.constant 2 : i32
        %add3A_234 = arith.addi %while3A_179, %add3A_233 : i32
        %lt3A_235 = arith.cmpi slt, %add3A_234, %add3A_8 : i32
        %convert_element_type3A_236 = arith.extui %lt3A_235 : i1 to i32
        %cond3A_237 = arith.constant 0 : i32
        %cond3A_238 = arith.cmpi ne, %convert_element_type3A_236, %cond3A_237 : i32
        scf.if %cond3A_238 {
          %add3A_239 = arith.constant 2 : i32
          %add3A_240 = arith.addi %add3A_180, %add3A_239 : i32
          %ge3A_241 = arith.constant 1302 : i32
          %ge3A_242 = arith.cmpi sge, %add3A_240, %ge3A_241 : i32
          %sub3A_243 = arith.constant 1302 : i32
          %sub3A_244 = arith.subi %add3A_240, %sub3A_243 : i32
          %select_n3A_245 = arith.select %ge3A_242, %sub3A_244, %add3A_240 : i32
          %mul3A_246 = arith.constant 768 : i32
          %mul3A_247 = arith.muli %select_n3A_245, %mul3A_246 : i32
          %not3A_248 = arith.constant true
          %not3A_249 = arith.xori %ge3A_242, %not3A_248 : i1
          %convert_element_type3A_250 = arith.extui %not3A_249 : i1 to i32
          %cond3A_251 = arith.constant 0 : i32
          %cond3A_252 = arith.cmpi ne, %convert_element_type3A_250, %cond3A_251 : i32
          scf.if %cond3A_252 {
            %dma_start3A = arith.constant 0 : i32
            %dma_start3A_256 = tpu.memref_slice %arg2[%dma_start3A, %mul3A_247] : memref<16x1000000xf32, #tpu.memory_space<hbm>> -> memref<16x768xf32, #tpu.memory_space<hbm>>
            %dma_start3A_257 = arith.constant 0 : i32
            %dma_start3A_258 = tpu.memref_slice %arg2[%dma_start3A_257, %mul3A_247] : memref<16x1000000xf32, #tpu.memory_space<hbm>> -> memref<16x768xf32, #tpu.memory_space<hbm>>
            tpu.enqueue_dma source(%dma_start3A_258 : memref<16x768xf32, #tpu.memory_space<hbm>>) target(%arg9 : memref<16x768xf32, #tpu.memory_space<vmem>>) target_semaphore(%arg14 : memref<!tpu.dma_semaphore, #tpu.memory_space<semaphore_mem>>)
          } else {
          }
          %convert_element_type3A_253 = arith.extui %ge3A_242 : i1 to i32
          %cond3A_254 = arith.constant 0 : i32
          %cond3A_255 = arith.cmpi ne, %convert_element_type3A_253, %cond3A_254 : i32
          scf.if %cond3A_255 {
            %dma_start3A = arith.constant 0 : i32
            %dma_start3A_256 = tpu.memref_slice %arg3[%dma_start3A, %mul3A_247] : memref<16x1000000xf32, #tpu.memory_space<hbm>> -> memref<16x768xf32, #tpu.memory_space<hbm>>
            %dma_start3A_257 = arith.constant 0 : i32
            %dma_start3A_258 = tpu.memref_slice %arg3[%dma_start3A_257, %mul3A_247] : memref<16x1000000xf32, #tpu.memory_space<hbm>> -> memref<16x768xf32, #tpu.memory_space<hbm>>
            tpu.enqueue_dma source(%dma_start3A_258 : memref<16x768xf32, #tpu.memory_space<hbm>>) target(%arg9 : memref<16x768xf32, #tpu.memory_space<vmem>>) target_semaphore(%arg14 : memref<!tpu.dma_semaphore, #tpu.memory_space<semaphore_mem>>)
          } else {
          }
        } else {
        }
      } else {
      }
    }
    %ge3A = arith.constant 1 : i32
    %ge3A_76 = arith.cmpi sge, %add3A_8, %ge3A : i32
    %sub3A = arith.constant 1 : i32
    %sub3A_77 = arith.subi %add3A_8, %sub3A : i32
    %jit3A_78 = arith.constant 2 : i32
    %eq3A = arith.constant 0 : i32
    %eq3A_79 = arith.cmpi eq, %jit3A_78, %eq3A : i32
    %jit3A_80 = arith.constant 1 : i32
    %select_n3A_81 = arith.select %eq3A_79, %jit3A_80, %jit3A_78 : i32
    %rem3A = arith.remsi %sub3A_77, %select_n3A_81 : i32
    %ne3A = arith.constant 0 : i32
    %ne3A_82 = arith.cmpi ne, %rem3A, %ne3A : i32
    %lt3A_83 = arith.constant 0 : i32
    %lt3A_84 = arith.cmpi slt, %rem3A, %lt3A_83 : i32
    %lt3A_85 = arith.constant 0 : i32
    %lt3A_86 = arith.cmpi slt, %select_n3A_81, %lt3A_85 : i32
    %ne3A_87 = arith.xori %lt3A_84, %lt3A_86 : i1
    %and3A = arith.andi %ne3A_87, %ne3A_82 : i1
    %add3A_88 = arith.addi %rem3A, %select_n3A_81 : i32
    %select_n3A_89 = arith.select %and3A, %add3A_88, %rem3A : i32
    %eq3A_90 = arith.constant 0 : i32
    %eq3A_91 = arith.cmpi eq, %select_n3A_89, %eq3A_90 : i32
    %and3A_92 = arith.andi %ge3A_76, %eq3A_91 : i1
    %convert_element_type3A_93 = arith.extui %and3A_92 : i1 to i32
    %cond3A_94 = arith.constant 0 : i32
    %cond3A_95 = arith.cmpi ne, %convert_element_type3A_93, %cond3A_94 : i32
    scf.if %cond3A_95 {
      %dma_wait3A = arith.constant 0 : i32
      %dma_wait3A_179 = tpu.memref_slice %arg6[%dma_wait3A] : memref<16000000xf32, #tpu.memory_space<hbm>> -> memref<12288xf32, #tpu.memory_space<hbm>>
      %dma_wait3A_180 = arith.constant 0 : i32
      %dma_wait3A_181 = tpu.memref_slice %arg6[%dma_wait3A_180] : memref<16000000xf32, #tpu.memory_space<hbm>> -> memref<12288xf32, #tpu.memory_space<hbm>>
      tpu.wait_dma2 semaphore(%arg15 : memref<!tpu.dma_semaphore, #tpu.memory_space<semaphore_mem>>) src(%arg10 : memref<12288xf32, #tpu.memory_space<vmem>>) dst(%dma_wait3A_181 : memref<12288xf32, #tpu.memory_space<hbm>>)
    } else {
    }
    %ge3A_96 = arith.constant 2 : i32
    %ge3A_97 = arith.cmpi sge, %add3A_8, %ge3A_96 : i32
    %sub3A_98 = arith.constant 2 : i32
    %sub3A_99 = arith.subi %add3A_8, %sub3A_98 : i32
    %jit3A_100 = arith.constant 2 : i32
    %eq3A_101 = arith.constant 0 : i32
    %eq3A_102 = arith.cmpi eq, %jit3A_100, %eq3A_101 : i32
    %jit3A_103 = arith.constant 1 : i32
    %select_n3A_104 = arith.select %eq3A_102, %jit3A_103, %jit3A_100 : i32
    %rem3A_105 = arith.remsi %sub3A_99, %select_n3A_104 : i32
    %ne3A_106 = arith.constant 0 : i32
    %ne3A_107 = arith.cmpi ne, %rem3A_105, %ne3A_106 : i32
    %lt3A_108 = arith.constant 0 : i32
    %lt3A_109 = arith.cmpi slt, %rem3A_105, %lt3A_108 : i32
    %lt3A_110 = arith.constant 0 : i32
    %lt3A_111 = arith.cmpi slt, %select_n3A_104, %lt3A_110 : i32
    %ne3A_112 = arith.xori %lt3A_109, %lt3A_111 : i1
    %and3A_113 = arith.andi %ne3A_112, %ne3A_107 : i1
    %add3A_114 = arith.addi %rem3A_105, %select_n3A_104 : i32
    %select_n3A_115 = arith.select %and3A_113, %add3A_114, %rem3A_105 : i32
    %eq3A_116 = arith.constant 0 : i32
    %eq3A_117 = arith.cmpi eq, %select_n3A_115, %eq3A_116 : i32
    %and3A_118 = arith.andi %ge3A_97, %eq3A_117 : i1
    %convert_element_type3A_119 = arith.extui %and3A_118 : i1 to i32
    %cond3A_120 = arith.constant 0 : i32
    %cond3A_121 = arith.cmpi ne, %convert_element_type3A_119, %cond3A_120 : i32
    scf.if %cond3A_121 {
      %dma_wait3A = arith.constant 0 : i32
      %dma_wait3A_179 = tpu.memref_slice %arg6[%dma_wait3A] : memref<16000000xf32, #tpu.memory_space<hbm>> -> memref<12288xf32, #tpu.memory_space<hbm>>
      %dma_wait3A_180 = arith.constant 0 : i32
      %dma_wait3A_181 = tpu.memref_slice %arg6[%dma_wait3A_180] : memref<16000000xf32, #tpu.memory_space<hbm>> -> memref<12288xf32, #tpu.memory_space<hbm>>
      tpu.wait_dma2 semaphore(%arg15 : memref<!tpu.dma_semaphore, #tpu.memory_space<semaphore_mem>>) src(%arg10 : memref<12288xf32, #tpu.memory_space<vmem>>) dst(%dma_wait3A_181 : memref<12288xf32, #tpu.memory_space<hbm>>)
    } else {
    }
    %ge3A_122 = arith.constant 1 : i32
    %ge3A_123 = arith.cmpi sge, %add3A_8, %ge3A_122 : i32
    %sub3A_124 = arith.constant 1 : i32
    %sub3A_125 = arith.subi %add3A_8, %sub3A_124 : i32
    %jit3A_126 = arith.constant 2 : i32
    %eq3A_127 = arith.constant 0 : i32
    %eq3A_128 = arith.cmpi eq, %jit3A_126, %eq3A_127 : i32
    %jit3A_129 = arith.constant 1 : i32
    %select_n3A_130 = arith.select %eq3A_128, %jit3A_129, %jit3A_126 : i32
    %rem3A_131 = arith.remsi %sub3A_125, %select_n3A_130 : i32
    %ne3A_132 = arith.constant 0 : i32
    %ne3A_133 = arith.cmpi ne, %rem3A_131, %ne3A_132 : i32
    %lt3A_134 = arith.constant 0 : i32
    %lt3A_135 = arith.cmpi slt, %rem3A_131, %lt3A_134 : i32
    %lt3A_136 = arith.constant 0 : i32
    %lt3A_137 = arith.cmpi slt, %select_n3A_130, %lt3A_136 : i32
    %ne3A_138 = arith.xori %lt3A_135, %lt3A_137 : i1
    %and3A_139 = arith.andi %ne3A_138, %ne3A_133 : i1
    %add3A_140 = arith.addi %rem3A_131, %select_n3A_130 : i32
    %select_n3A_141 = arith.select %and3A_139, %add3A_140, %rem3A_131 : i32
    %eq3A_142 = arith.constant 1 : i32
    %eq3A_143 = arith.cmpi eq, %select_n3A_141, %eq3A_142 : i32
    %and3A_144 = arith.andi %ge3A_123, %eq3A_143 : i1
    %convert_element_type3A_145 = arith.extui %and3A_144 : i1 to i32
    %cond3A_146 = arith.constant 0 : i32
    %cond3A_147 = arith.cmpi ne, %convert_element_type3A_145, %cond3A_146 : i32
    scf.if %cond3A_147 {
      %dma_wait3A = arith.constant 0 : i32
      %dma_wait3A_179 = tpu.memref_slice %arg6[%dma_wait3A] : memref<16000000xf32, #tpu.memory_space<hbm>> -> memref<12288xf32, #tpu.memory_space<hbm>>
      %dma_wait3A_180 = arith.constant 0 : i32
      %dma_wait3A_181 = tpu.memref_slice %arg6[%dma_wait3A_180] : memref<16000000xf32, #tpu.memory_space<hbm>> -> memref<12288xf32, #tpu.memory_space<hbm>>
      tpu.wait_dma2 semaphore(%arg16 : memref<!tpu.dma_semaphore, #tpu.memory_space<semaphore_mem>>) src(%arg11 : memref<12288xf32, #tpu.memory_space<vmem>>) dst(%dma_wait3A_181 : memref<12288xf32, #tpu.memory_space<hbm>>)
    } else {
    }
    %ge3A_148 = arith.constant 2 : i32
    %ge3A_149 = arith.cmpi sge, %add3A_8, %ge3A_148 : i32
    %sub3A_150 = arith.constant 2 : i32
    %sub3A_151 = arith.subi %add3A_8, %sub3A_150 : i32
    %jit3A_152 = arith.constant 2 : i32
    %eq3A_153 = arith.constant 0 : i32
    %eq3A_154 = arith.cmpi eq, %jit3A_152, %eq3A_153 : i32
    %jit3A_155 = arith.constant 1 : i32
    %select_n3A_156 = arith.select %eq3A_154, %jit3A_155, %jit3A_152 : i32
    %rem3A_157 = arith.remsi %sub3A_151, %select_n3A_156 : i32
    %ne3A_158 = arith.constant 0 : i32
    %ne3A_159 = arith.cmpi ne, %rem3A_157, %ne3A_158 : i32
    %lt3A_160 = arith.constant 0 : i32
    %lt3A_161 = arith.cmpi slt, %rem3A_157, %lt3A_160 : i32
    %lt3A_162 = arith.constant 0 : i32
    %lt3A_163 = arith.cmpi slt, %select_n3A_156, %lt3A_162 : i32
    %ne3A_164 = arith.xori %lt3A_161, %lt3A_163 : i1
    %and3A_165 = arith.andi %ne3A_164, %ne3A_159 : i1
    %add3A_166 = arith.addi %rem3A_157, %select_n3A_156 : i32
    %select_n3A_167 = arith.select %and3A_165, %add3A_166, %rem3A_157 : i32
    %eq3A_168 = arith.constant 1 : i32
    %eq3A_169 = arith.cmpi eq, %select_n3A_167, %eq3A_168 : i32
    %and3A_170 = arith.andi %ge3A_149, %eq3A_169 : i1
    %convert_element_type3A_171 = arith.extui %and3A_170 : i1 to i32
    %cond3A_172 = arith.constant 0 : i32
    %cond3A_173 = arith.cmpi ne, %convert_element_type3A_171, %cond3A_172 : i32
    scf.if %cond3A_173 {
      %dma_wait3A = arith.constant 0 : i32
      %dma_wait3A_179 = tpu.memref_slice %arg6[%dma_wait3A] : memref<16000000xf32, #tpu.memory_space<hbm>> -> memref<12288xf32, #tpu.memory_space<hbm>>
      %dma_wait3A_180 = arith.constant 0 : i32
      %dma_wait3A_181 = tpu.memref_slice %arg6[%dma_wait3A_180] : memref<16000000xf32, #tpu.memory_space<hbm>> -> memref<12288xf32, #tpu.memory_space<hbm>>
      tpu.wait_dma2 semaphore(%arg16 : memref<!tpu.dma_semaphore, #tpu.memory_space<semaphore_mem>>) src(%arg11 : memref<12288xf32, #tpu.memory_space<vmem>>) dst(%dma_wait3A_181 : memref<12288xf32, #tpu.memory_space<hbm>>)
    } else {
    }
    %eq3A_174 = arith.constant 31 : i32
    %eq3A_175 = arith.cmpi eq, %add3A, %eq3A_174 : i32
    %convert_element_type3A_176 = arith.extui %eq3A_175 : i1 to i32
    %cond3A_177 = arith.constant 0 : i32
    %cond3A_178 = arith.cmpi ne, %convert_element_type3A_176, %cond3A_177 : i32
    scf.if %cond3A_178 {
      "tpu.region"() ({
        %run_scoped3A = tpu.sem_alloc : memref<!tpu.dma_semaphore, #tpu.memory_space<semaphore_mem>>
        tpu.enqueue_dma source(%arg4 : memref<1024xf32, #tpu.memory_space<hbm>>) target(%arg12 : memref<1024xf32, #tpu.memory_space<vmem>>) target_semaphore(%run_scoped3A : memref<!tpu.dma_semaphore, #tpu.memory_space<semaphore_mem>>)
        tpu.wait_dma2 semaphore(%run_scoped3A : memref<!tpu.dma_semaphore, #tpu.memory_space<semaphore_mem>>) src(%arg4 : memref<1024xf32, #tpu.memory_space<hbm>>) dst(%arg12 : memref<1024xf32, #tpu.memory_space<vmem>>)
        tpu.yield
      }) : () -> ()
      "tpu.region"() ({
        %run_scoped3A = tpu.sem_alloc : memref<!tpu.dma_semaphore, #tpu.memory_space<semaphore_mem>>
        %dma_start3A = arith.constant 15998976 : i32
        %dma_start3A_179 = tpu.memref_slice %arg6[%dma_start3A] : memref<16000000xf32, #tpu.memory_space<hbm>> -> memref<1024xf32, #tpu.memory_space<hbm>>
        %dma_start3A_180 = arith.constant 15998976 : i32
        %dma_start3A_181 = tpu.memref_slice %arg6[%dma_start3A_180] : memref<16000000xf32, #tpu.memory_space<hbm>> -> memref<1024xf32, #tpu.memory_space<hbm>>
        tpu.enqueue_dma source(%arg12 : memref<1024xf32, #tpu.memory_space<vmem>>) target(%dma_start3A_181 : memref<1024xf32, #tpu.memory_space<hbm>>) target_semaphore(%run_scoped3A : memref<!tpu.dma_semaphore, #tpu.memory_space<semaphore_mem>>)
        %dma_wait3A = arith.constant 15998976 : i32
        %dma_wait3A_182 = tpu.memref_slice %arg6[%dma_wait3A] : memref<16000000xf32, #tpu.memory_space<hbm>> -> memref<1024xf32, #tpu.memory_space<hbm>>
        %dma_wait3A_183 = arith.constant 15998976 : i32
        %dma_wait3A_184 = tpu.memref_slice %arg6[%dma_wait3A_183] : memref<16000000xf32, #tpu.memory_space<hbm>> -> memref<1024xf32, #tpu.memory_space<hbm>>
        tpu.wait_dma2 semaphore(%run_scoped3A : memref<!tpu.dma_semaphore, #tpu.memory_space<semaphore_mem>>) src(%arg12 : memref<1024xf32, #tpu.memory_space<vmem>>) dst(%dma_wait3A_184 : memref<1024xf32, #tpu.memory_space<hbm>>)
        tpu.yield
      }) : () -> ()
      "tpu.region"() ({
        %run_scoped3A = tpu.sem_alloc : memref<!tpu.dma_semaphore, #tpu.memory_space<semaphore_mem>>
        tpu.enqueue_dma source(%arg5 : memref<1024xf32, #tpu.memory_space<hbm>>) target(%arg12 : memref<1024xf32, #tpu.memory_space<vmem>>) target_semaphore(%run_scoped3A : memref<!tpu.dma_semaphore, #tpu.memory_space<semaphore_mem>>)
        tpu.wait_dma2 semaphore(%run_scoped3A : memref<!tpu.dma_semaphore, #tpu.memory_space<semaphore_mem>>) src(%arg5 : memref<1024xf32, #tpu.memory_space<hbm>>) dst(%arg12 : memref<1024xf32, #tpu.memory_space<vmem>>)
        tpu.yield
      }) : () -> ()
      "tpu.region"() ({
        %run_scoped3A = tpu.sem_alloc : memref<!tpu.dma_semaphore, #tpu.memory_space<semaphore_mem>>
        %dma_start3A = arith.constant 15998976 : i32
        %dma_start3A_179 = tpu.memref_slice %arg7[%dma_start3A] : memref<16000000xf32, #tpu.memory_space<hbm>> -> memref<1024xf32, #tpu.memory_space<hbm>>
        %dma_start3A_180 = arith.constant 15998976 : i32
        %dma_start3A_181 = tpu.memref_slice %arg7[%dma_start3A_180] : memref<16000000xf32, #tpu.memory_space<hbm>> -> memref<1024xf32, #tpu.memory_space<hbm>>
        tpu.enqueue_dma source(%arg12 : memref<1024xf32, #tpu.memory_space<vmem>>) target(%dma_start3A_181 : memref<1024xf32, #tpu.memory_space<hbm>>) target_semaphore(%run_scoped3A : memref<!tpu.dma_semaphore, #tpu.memory_space<semaphore_mem>>)
        %dma_wait3A = arith.constant 15998976 : i32
        %dma_wait3A_182 = tpu.memref_slice %arg7[%dma_wait3A] : memref<16000000xf32, #tpu.memory_space<hbm>> -> memref<1024xf32, #tpu.memory_space<hbm>>
        %dma_wait3A_183 = arith.constant 15998976 : i32
        %dma_wait3A_184 = tpu.memref_slice %arg7[%dma_wait3A_183] : memref<16000000xf32, #tpu.memory_space<hbm>> -> memref<1024xf32, #tpu.memory_space<hbm>>
        tpu.wait_dma2 semaphore(%run_scoped3A : memref<!tpu.dma_semaphore, #tpu.memory_space<semaphore_mem>>) src(%arg12 : memref<1024xf32, #tpu.memory_space<vmem>>) dst(%dma_wait3A_184 : memref<1024xf32, #tpu.memory_space<hbm>>)
        tpu.yield
      }) : () -> ()
    } else {
    }
    return
  }
}

</mosaic_0001>

<sc_bundles>
// kernel: kernel.4.cloned.1.call-start
scs
__scs_entry_jumppad:
0x0: {  	(pc) =	sbr.rel $0x88, $3  }
0x1: {  	(tag) =	ssettag $0x0;
	lr =	simm.s32 $0x1  }
0x2: {  	[smem:$0x3F9E] =	sst lr;
	_ =	strace $0xD0000000  }
0x3: {  	_ = 	snop  }
0x4: {  	_ = 	snop  }
0x5: {  	_ = 	snop  }
0x6: {  	_ = 	snop  }
0x7: {  	_ = 	snop  }
__scs_overlays_trampoline_lowered:
0x8: {  	[smem:$0x3FAD] =	sst s0  }
0x9: {  	[smem:$0x3FAE] =	sst s1  }
0xa: {  	[smem:$0x3FAF] =	sst s2  }
0xb: {  	[smem:$0x3FB0] =	sst s3  }
0xc: {  	[smem:$0x3FB1] =	sst s4  }
0xd: {  	[smem:$0x3FB2] =	sst s5  }
0xe: {  	[smem:$0x3FB3] =	sst s6  }
0xf: {  	[smem:$0x3FB4] =	sst s7  }
0x10: {  	[smem:$0x3FB5] =	sst s8  }
0x11: {  	[smem:$0x3FB6] =	sst s9;
	s0 =	simm.s32 @!p0 $0x0  }
0x12: {  	s1 =	sld [smem:$0x3F9C];
	s0 =	simm.s32 @p0 $0x1  }
0x13: {  	[smem:$0x3FB7] =	sst s0;
	s0 =	simm.s32 @!p1 $0x0  }
0x14: {  	s2 =	sld [smem:$0x3F9B];
	s0 =	simm.s32 @p1 $0x1  }
0x15: {  	[smem:$0x3FB8] =	sst s0;
	s0 =	simm.s32 @!p2 $0x0  }
0x16: {  	s3 =	sld [smem:$0x3FDB];
	s0 =	simm.s32 @p2 $0x1  }
0x17: {  	s4 =	simm.s32 $0x1BF5;
	[smem:$0x3FBA] =	sst s0  }
0x18: {  	s0 =	sld [smem:$0x3F9D];
	_ =	swait.ge [sflag:s4], $0x0  }
0x19: {  	s7 =	sld [smem:$0x3F9E]  }
0x1a: {  	s8 =	sadd.s32 $0xFFFFE003, lr  }
0x1b: {  	s9 =	sadd.s32 $0xFFFFFEF7, lr;
	s5 =	simm.s32 $0xFFFFFFFF;
	p2 =	slt.u32 s8, $0xFFFFF086  }
0x1c: {  	p1 =	slt.u32 s9, $0xF7A;
	s5 =	simm.s32 @!p2 $0x0  }
0x1d: {  	s5 =	simm.s32 @p1 $0x1;
	p0 =	seq.s32 s7, s2  }
0x1e: {  	s7 =	smul.u32 @!p0 $0xF7A, s2;
	p2 =	seq.s32 @!p0 s5, $0x0  }
0x1f: {  	s9 =	smul.u32 $0xF7A, s1;
	s8 =	simm.s32 @!p0 $0x1BF5;
	p2 =	por !p2, p0  }
0x20: {  	[sflag:s8] =	ssyncset.s32 @!p0 $0xFFFFF086;
	s6 =	sadd.s32 @!p0 s3, s7;
	s7 =	simm.s32 @!p0 $0x108  }
0x21: {  	s3 =	sadd.s32 s3, s9;
	s6 =	sadd.s32 @!p0 $0x88, s6;
	s7 =	simm.s32 @p2 $0x1082  }
0x22: {  	[simem:s7], [sflag:s8] =	dma.local @!p0 [hbm:s6], $0xF7A  }
0x23: {  	s9 =	sor.u32 $0xD0000000, s2;
	s6 =	simm.s32 $0x108;
	_ =	swait.ge @!p0 [sflag:s8], $0x0  }
0x24: {  	s3 =	sadd.s32 $0x88, s3;
	s6 =	simm.s32 @!p1 $0x1082;
	[sflag:s4] =	ssyncset.s32 $0xFFFFF086  }
0x25: {  	[simem:s6], [sflag:s4] =	dma.local [hbm:s3], $0xF7A  }
0x26: {  	[smem:$0x3F9E] =	sst s1;
	(tag) =	ssettag s2;
	_ =	strace s9  }
0x27: {  	s1 =	sld [smem:$0x3FAE]  }
0x28: {  	s2 =	sld [smem:$0x3FAF]  }
0x29: {  	s4 =	sld [smem:$0x3FB1]  }
0x2a: {  	p0 =	seq.s32 s5, $0x0;
	s5 =	sld [smem:$0x3FB2]  }
0x2b: {  	s6 =	sld [smem:$0x3FB3]  }
0x2c: {  	s7 =	sld [smem:$0x3FB4]  }
0x2d: {  	s3 =	simm.s32 $0x108;
	s8 =	sld [smem:$0x3FB5]  }
0x2e: {  	s3 =	simm.s32 @!p0 $0x1082;
	s9 =	sld [smem:$0x3FB6]  }
0x2f: {  	lr =	sadd.s32 s0, s3;
	s0 =	sld [smem:$0x3FAD]  }
0x30: {  	s3 =	sld [smem:$0x3FB0]  }
0x31: {  	[smem:$0x3FB9] =	sst s10  }
0x32: {  	s10 =	sld [smem:$0x3FB7];
	_ =	sdelay $0x3  }
0x33: {  	p0 =	seq.s32 s10, $0x1;
	s10 =	sld [smem:$0x3FB9];
	_ =	sdelay $0x3  }
0x34: {  	[smem:$0x3FB9] =	sst s10  }
0x35: {  	s10 =	sld [smem:$0x3FB8];
	_ =	sdelay $0x3  }
0x36: {  	p1 =	seq.s32 s10, $0x1;
	s10 =	sld [smem:$0x3FB9];
	_ =	sdelay $0x3  }
0x37: {  	[smem:$0x3FB9] =	sst s10  }
0x38: {  	s10 =	sld [smem:$0x3FBA]  }
0x39: {  	_ = 	snop;
	(pc) =	sbr.ind lr, $3  }
0x3a: {  	_ = 	snop  }
0x3b: {  	_ = 	snop  }
0x3c: {  	p2 =	seq.s32 s10, $0x1;
	s10 =	sld [smem:$0x3FB9]  }
0x3d: {  	_ =	shalt  }
0x3e: {  	_ =	shalt  }
0x3f: {  	_ =	shalt  }
0x40: {  	_ =	shalt  }
0x41: {  	_ =	shalt  }
0x42: {  	_ =	shalt  }
0x43: {  	_ =	shalt  }
0x44: {  	_ =	shalt  }
0x45: {  	_ =	shalt  }
0x46: {  	_ =	shalt  }
0x47: {  	_ =	shalt  }
0x48: {  	_ =	shalt  }
0x49: {  	_ =	shalt  }
0x4a: {  	_ =	shalt  }
0x4b: {  	_ =	shalt  }
0x4c: {  	_ =	shalt  }
0x4d: {  	_ =	shalt  }
0x4e: {  	_ =	shalt  }
0x4f: {  	_ =	shalt  }
0x50: {  	_ =	shalt  }
0x51: {  	_ =	shalt  }
0x52: {  	_ =	shalt  }
0x53: {  	_ =	shalt  }
0x54: {  	_ =	shalt  }
0x55: {  	_ =	shalt  }
0x56: {  	_ =	shalt  }
0x57: {  	_ =	shalt  }
0x58: {  	_ =	shalt  }
0x59: {  	_ =	shalt  }
0x5a: {  	_ =	shalt  }
0x5b: {  	_ =	shalt  }
0x5c: {  	_ =	shalt  }
0x5d: {  	_ =	shalt  }
0x5e: {  	_ =	shalt  }
0x5f: {  	_ =	shalt  }
0x60: {  	_ =	shalt  }
0x61: {  	_ =	shalt  }
0x62: {  	_ =	shalt  }
0x63: {  	_ =	shalt  }
0x64: {  	_ =	shalt  }
0x65: {  	_ =	shalt  }
0x66: {  	_ =	shalt  }
0x67: {  	_ =	shalt  }
0x68: {  	_ =	shalt  }
0x69: {  	_ =	shalt  }
0x6a: {  	_ =	shalt  }
0x6b: {  	_ =	shalt  }
0x6c: {  	_ =	shalt  }
0x6d: {  	_ =	shalt  }
0x6e: {  	_ =	shalt  }
0x6f: {  	_ =	shalt  }
0x70: {  	_ =	shalt  }
0x71: {  	_ =	shalt  }
0x72: {  	_ =	shalt  }
0x73: {  	_ =	shalt  }
0x74: {  	_ =	shalt  }
0x75: {  	_ =	shalt  }
0x76: {  	_ =	shalt  }
0x77: {  	_ =	shalt  }
0x78: {  	_ =	shalt  }
0x79: {  	_ =	shalt  }
0x7a: {  	_ =	shalt  }
0x7b: {  	_ =	shalt  }
0x7c: {  	_ =	shalt  }
0x7d: {  	_ =	shalt  }
0x7e: {  	_ =	shalt  }
0x7f: {  	_ =	shalt  }
0x80: {  	_ =	shalt  }
0x81: {  	_ =	shalt  }
0x82: {  	_ =	shalt  }
0x83: {  	_ =	shalt  }
0x84: {  	_ =	shalt  }
0x85: {  	_ =	shalt  }
0x86: {  	_ =	shalt  }
0x87: {  	_ =	shalt  }
.Lfunc_end0:
.L_simem_size_0:
called_computation_lowered:
.L_overlay_start_0:
0x88: {  	s2 =	sld [smem:$0x3FD9]  }
0x89: {  	s3 =	sld [smem:$0x3FFE];
	_ =	sdelay $0x1  }
0x8a: {  	s1 =	srdreg.scid  }
0x8b: {  	s0 =	sand.u32 $0x1, s1  }
0x8c: {  	s17 =	sshll.u32 s0, $0xA;
	s2 =	sadd.s32 s3, s2  }
0x8d: {  	s2 =	sadd.s32 s2, s17  }
0x8e: {  	[smem:$0x3FC5] =	sst s2  }
0x8f: {  	_ = 	snop  }
0x90: {  	s2 =	sld [smem:$0x3FC8]  }
0x91: {  	s18 =	sld [smem:$0x3FC7]  }
0x92: {  	s4 =	sld [smem:$0x3FD0];
	(tm) =	ssettm $0x1  }
0x93: {  	s5 =	sld [smem:$0x3FFB];
	_ =	sdelay $0x3  }
0x94: {  	_ =	strace s5  }
0x95: {  	s5 =	sld [smem:$0x3FFC];
	_ =	sdelay $0x3  }
0x96: {  	_ =	strace s5  }
0x97: {  	s5 =	sld [smem:$0x3FFD];
	_ =	sdelay $0x3  }
0x98: {  	_ =	strace s5  }
0x99: {  	_ =	strace $0x8FFFFFFF  }
0x9a: {  	s19 =	sld [smem:$0x3FDB];
	_ =	sdelay $0x1  }
0x9b: {  	s6 =	simm.s32 $_scs_section_size  }
0x9c: {  	s7 =	simm.s32 $_size__tile_overlayer_lowered;
	s8 =	simm.s32 $_tile_overlayer_lowered  }
0x9d: {  	s22 =	simm.s32 $0x1BFF;
	s21 =	sshll.u32 s8, $0x1;
	s5 =	sadd.s32 s6, s19  }
0x9e: {  	s9 =	simm.s32 $0x0;
	s20 =	sshll.u32 s7, $0x1;
	s7 =	sadd.s32 s21, s5  }
0x9f: {  	[timem:s9], [sflag:s22] =	dma.local [hbm:s7], s20  }
0xa0: {  	_ =	swait.ge [sflag:s22], s20  }
0xa1: {  	s6 =	ssub.s32 $0x0, s20;
	[sflag:s22] =	ssyncset.done $0x0  }
0xa2: {  	[sflag:s22] =	ssyncadd.s32 s6;
	_ =	sdelay $0x1  }
0xa3: {  	s23 =	simm.s32 $0x1B8B  }
0xa4: {  	_ =	swait.ge [sflag:s23], $0x1  }
0xa5: {  	[sflag:s23] =	ssyncset.done $0x0  }
0xa6: {  	s25 =	simm.s32 $0x1B8E;
	s24 =	sld [smem:$0x3FFE];
	[sflag:s23] =	ssyncadd.s32 $0xFFFFFFFF  }
0xa7: {  	s26 =	simm.s32 $execute0_lowered;
	[smem:$0x3FD2] =	sst s25  }
0xa8: {  	s7 =	sshll.u32 s26, $0x1;
	_ =	strace $0x80000046;
	[dreg:$0x1] =	wrdreg $0xFFFFFFFF  }
0xa9: {  	s28 =	simm.s32 $_size_execute0_lowered;
	s5 =	sadd.s32 s5, s7;
	[dreg:$0x0] =	wrdreg $0x0  }
0xaa: {  	s7 =	sshll.u32 s28, $0x1;
	[dreg:$0x2] =	wrdreg s5  }
0xab: {  	[dreg:$0x3] =	wrdreg s7  }
0xac: {  	[dreg:$0x4] =	wrdreg $0xC0  }
0xad: {  	_ =	task [dreg:s9], $0x5FFFF  }
0xae: {  	[dreg:$0x1] =	wrdreg $0xFFFFFFFF  }
0xaf: {  	[dreg:$0x0] =	wrdreg $0x60  }
0xb0: {  	[dreg:$0x2] =	wrdreg s2  }
0xb1: {  	[dreg:$0x3] =	wrdreg s18  }
0xb2: {  	[dreg:$0x4] =	wrdreg s4  }
0xb3: {  	[dreg:$0x5] =	wrdreg s24  }
0xb4: {  	[dreg:$0x6] =	wrdreg $0x9  }
0xb5: {  	_ =	task.clear_ibuf [dreg:s9], $0x7FFFF;
	_ =	strace $0x90000046  }
0xb6: {  	s29 =	simm.s32 $0x9;
	_ =	strace $0x80000048  }
0xb7: {  	_ =	swait.ge [sflag:s29], $0x1  }
0xb8: {  	[sflag:s29] =	ssyncadd.s32 $0xFFFFFFFF  }
0xb9: {  	_ =	strace $0x90000048  }
0xba: {  	_ =	sfence  }
0xbb: {  	s30 =	sld [smem:$0x0];
	_ =	sdelay $0x2  }
0xbc: {  	s31 =	sshll.u32 s1, $0xD;
	s1 =	sshrl.u32 s1, $0x2  }
0xbd: {  	s3 =	sand.u32 $0x4000, s31;
	s1 =	sadd.s32 s1, s30  }
0xbe: {  	s0 =	sor.u32 s3, s0;
	s1 =	sshll.u32 s1, $0x11  }
0xbf: {  	s0 =	sor.u32 s1, s0  }
0xc0: {  	s0 =	sadd.s32 $0x8F2B, s0  }
0xc1: {  	[sflag:s0] =	ssyncadd.remote.s32 $0x1  }
0xc2: {  	_ =	sfence.sel $0xFFFF  }
0xc3: {  	[dreg:$0x0] =	wrdreg $0xFFFFFFFF;
	(pc) =	sbr.abs _section_cstart, $3  }
0xc4: {  	[dreg:$0x1] =	wrdreg $0xFFFFFFFF  }
0xc5: {  	_ =	task.clear_ibuf [dreg:s9], $0x2FFFF;
	_ =	strace $0x9FFFFFFF  }
0xc6: {  	(tm) =	ssettm $0x7FFFFFFF  }
0xc7: {  	_ =	shalt  }
tec
execute0_lowered:
.L_overlay_start_1:
0x0: {  	(tag) =	ssettag $0x1  }
0x1: {  	s7 =	rddreg [dreg:$0x0]  }
0x2: {  	s8 =	rddreg [dreg:$0x1]  }
0x3: {  	s0 =	rddreg [dreg:$0x3];
	s1 =	srdreg.scid  }
0x4: {  	s6 =	stileid.u32;
	s3 =	simm.s32 $0x0;
	s10 =	simm.s32 $0x51  }
0x5: {  	s14 =	simm.s32 $0x6000;
	s1 =	sand.u32 $0x1, s1;
	s2 =	sshll.u32 s6, $0x1  }
0x6: {  	[smem:$0x7FF] =	sst s3;
	s21 =	sadd.s32 $0xE00, s0;
	s5 =	sadd.s32 $0x1E9600, s0  }
0x7: {  	s4 =	sadd.s32 $0x1000, s0;
	_ =	strace $0x80000047;
	[smem:$0x7F0] =	sst s21  }
0x8: {  	p1 =	sgt.u32 s6, $0x5;
	s30 =	sadd.s32 $0x1E9400, s0;
	[smem:$0x7F1] =	sst s4  }
0x9: {  	s0 =	sadd.s32 $0x3D1A00, s0;
	s2 =	sor.u32 s1, s2;
	[smem:$0x7F2] =	sst s5  }
0xa: {  	s1 =	ssub.s32 $0x2, s1;
	s4 =	simm.s32 $0xFFFFFAEB;
	[smem:$0x7F7] =	sst s30  }
0xb: {  	v0 =	vlaneseq.u32;
	s10 =	simm.s32 @!p1 $0x52;
	[smem:$0x7FA] =	sst s0;
	s22 =	smul.u32 $0x51, s2  }
0xc: {  	v14 =	vmul.u32 $0x10, v0;
	s23 =	smin.u32 s2, $0xC;
	s24 =	sshrl.u32 s1, $0x1;
	[smem:$0x7F5] =	sst s10  }
0xd: {  	s29 =	sadd.s32 $0xFFFFFFFE, s10;
	s1 =	ssub.s32 s1, s24;
	s9 =	sadd.s32 s23, s22  }
0xe: {  	v24 =	vor.u32 $0x3, v14;
	[smem:$0x7F6] =	sst s29;
	s1 =	smax.u32 s1, $0x1;
	s3 =	smul.u32 $0x1800, s9  }
0xf: {  	v25 =	vor.u32 $0x4, v14;
	[tilespmem:$0x1FF70] =	vst v24;
	p0 =	seq.s32 s9, $0x515;
	s26 =	smul.u32 $0x300, s9;
	[smem:$0x7FB] =	sst s1  }
0x10: {  	v26 =	vor.u32 $0x5, v14;
	p2 =	sne.s32 s2, $0x1F;
	[tilespmem:$0x1FF80] =	vst v25;
	[smem:$0x7FD] =	sst s9;
	s4 =	simm.s32 @!p0 $0x1  }
0x11: {  	v32 =	vor.u32 $0xA, v14;
	[tilespmem:$0x1FF90] =	vst v26;
	s25 =	sadd.s32 $0xFF85F000, s3;
	s4 =	sadd.s32 s9, s4;
	s28 =	sadd.s32 s7, s26  }
0x12: {  	v56 =	vor.u32 $0xB, v14;
	[tilespmem:$0x1FFA0] =	vst v32;
	s31 =	sadd.s32 $0xFF860800, s3;
	s5 =	sshrl.u32 s25, $0x3;
	s4 =	smul.u32 $0x1800, s4  }
.Ltmp0:
0x13: {  	v50 =	vor.u32 $0xC, v14;
	[tilespmem:$0x1FFB0] =	vst v56;
	[smem:$0x7F4] =	sst s28;
	s0 =	sshrl.u32 s31, $0x3;
	(pc) =	sbr.rel .LBB2_1-.Ltmp0, $4  }
0x14: {  	v52 =	vor.u32 $0xD, v14;
	[tilespmem:$0x1FFC0] =	vst v50;
	p1 =	sne.s32 s9, $0x515;
	s5 =	sadd.s32 s8, s5;
	[smem:$0x7FC] =	sst s0  }
0x15: {  	v15 =	vor.u32 $0x1, v14;
	v53 =	vor.u32 $0xE, v14;
	[tilespmem:$0x1FFD0] =	vst v52;
	s1 =	simm.s32 $0x0;
	[smem:$0x7F3] =	sst s5;
	s4 =	sshrl.u32 s4, $0x3  }
0x16: {  	v45 =	vor.u32 $0x2, v14;
	v54 =	vor.u32 $0x6, v14;
	v55 =	vor.u32 $0xF, v14;
	[tilespmem:$0x1FFE0] =	vst v53;
	p0 =	slt.u32 s9, $0x516;
	[smem:$0x7F8] =	sst s4;
	s4 =	sadd.s32 s7, s4  }
0x17: {  	v47 =	vor.u32 $0x7, v14;
	v48 =	vor.u32 $0x8, v14;
	v51 =	vor.u32 $0x9, v14;
	[tilespmem:$0x1FFF0] =	vst v55;
	s3 =	simm.s32 $0x1800;
	[smem:$0x7F9] =	sst s4;
	s4 =	simm.s32 $0x7A1400  }
.LBB2_14:
0x18: {  	s0 =	simm.s32 $0x3  }
0x19: {  	_ =	swait.ge [sflag:s0], $0x3000  }
0x1a: {  	[sflag:s0] =	ssyncset.done $0x0  }
0x1b: {  	s29 =	simm.s32 $0x4;
	[sflag:s0] =	ssyncadd.s32 $0xFFFFD000  }
0x1c: {  	_ =	swait.ge [sflag:s29], $0x3000  }
0x1d: {  	[sflag:s29] =	ssyncset.done $0x0  }
0x1e: {  	[sflag:s29] =	ssyncadd.s32 $0xFFFFD000  }
0x1f: {  	s1 =	simm.s32 @!p2 $0xC000;
	s0 =	simm.s32 @!p2 $0x0;
	s2 =	rddreg [dreg:$0x2]  }
0x20: {  	[tilespmem:s1], [sflag:$0x5] =	stream.linear.gather @!p2 [hbm4b:s2+s0], $0x400, $0x38;
	[tilespmem:$0xC400] =	vst v63  }
0x21: {  	s2 =	simm.s32 @!p2 $0x5  }
0x22: {  	_ =	swait.ge @!p2 [sflag:s2], $0x400  }
0x23: {  	s3 =	sld [smem:$0x7F7]  }
0x24: {  	[sflag:s2] =	ssyncset.done @!p2 $0x0  }
0x25: {  	[sflag:s2] =	ssyncadd.s32 @!p2 $0xFFFFFC00  }
0x26: {  	[hbm4b:s3+s0] =	stream.linear.scatter @!p2 [tilespmem:s1], [sflag:$0x5], $0x400, $0x38;
	[tilespmem:$0xC400] =	vst v63  }
0x27: {  	_ =	swait.ge @!p2 [sflag:s2], $0x400  }
0x28: {  	s3 =	sld [smem:$0x7F0]  }
0x29: {  	[sflag:s2] =	ssyncset.done @!p2 $0x0  }
0x2a: {  	[sflag:s2] =	ssyncadd.s32 @!p2 $0xFFFFFC00  }
0x2b: {  	[tilespmem:s1], [sflag:$0x5] =	stream.linear.gather @!p2 [hbm4b:s3+s0], $0x400, $0x38;
	[tilespmem:$0xC400] =	vst v63  }
0x2c: {  	_ =	swait.ge @!p2 [sflag:s2], $0x400  }
0x2d: {  	s3 =	sld [smem:$0x7FA]  }
0x2e: {  	[sflag:s2] =	ssyncset.done @!p2 $0x0  }
0x2f: {  	[sflag:s2] =	ssyncadd.s32 @!p2 $0xFFFFFC00  }
0x30: {  	[hbm4b:s3+s0] =	stream.linear.scatter @!p2 [tilespmem:s1], [sflag:$0x5], $0x400, $0x38;
	[tilespmem:$0xC400] =	vst v63  }
0x31: {  	_ =	swait.ge @!p2 [sflag:s2], $0x400  }
0x32: {  	s30 =	sld [smem:$0x7EF]  }
0x33: {  	s31 =	sld [smem:$0x7FB];
	_ =	sdelay $0x1  }
0x34: {  	s1 =	sadd.s32 $0x1, s30  }
0x35: {  	p3 =	sne.s32 s1, s31  }
.Ltmp1:
0x36: {  	_ = 	snop;
	(pc) =	sbr.rel @!p3 .LBB2_15-.Ltmp1, $3  }
0x37: {  	_ =	sdelay $0x1  }
0x38: {  	[sflag:s2] =	ssyncset.done @!p2 $0x0  }
0x39: {  	s4 =	simm.s32 $0x7A1400;
	s3 =	simm.s32 $0x1800;
	[sflag:s2] =	ssyncadd.s32 @!p2 $0xFFFFFC00  }
.LBB2_1:
.Ltmp2:
0x3a: {  	(pc) =	sbr.rel @!p0 .LBB2_2-.Ltmp2, $2  }
0x3b: {  	_ =	sdelay $0x2  }
0x3c: {  	[smem:$0x7EF] =	sst s1;
	s0 =	simm.s32 $0x0  }
0x3d: {  	s1 =	sld [smem:$0x7F4]  }
.Ltmp3:
0x3e: {  	_ = 	snop;
	(pc) =	sbr.rel @p1 .LBB2_5-.Ltmp3, $4  }
.Ltmp4:
0x3f: {  	_ = 	snop;
	(pc) =	sbr.rel @!p1 .LBB2_4-.Ltmp4, $4  }
0x40: {  	[tilespmem:s0], [sflag:$0x1] =	stream.strided.gather [hbm4b:s1+s3], $0x3000, s4, s3, $0x38;
	[tilespmem:$0xC400] =	vst v63  }
0x41: {  	s0 =	sld [smem:$0x7F8]  }
0x42: {  	s1 =	sld [smem:$0x7F9]  }
0x43: {  	_ = 	snop  }
.LBB2_2:
0x44: {  	s1 =	sld [smem:$0x7F3];
	_ =	sdelay $0x2  }
0x45: {  	[tilespmem:s0], [sflag:$0x1] =	stream.strided.gather [hbm4b:s1+s3], $0x3000, s4, s3, $0x38;
	[tilespmem:$0xC400] =	vst v63  }
0x46: {  	s0 =	sld [smem:$0x7FC]  }
.LBB2_4:
0x47: {  	_ = 	snop  }
0x48: {  	s1 =	rddreg [dreg:$0x1]  }
0x49: {  	s1 =	sadd.s32 s1, s0  }
.LBB2_5:
.Ltmp5:
0x4a: {  	(pc) =	sbr.rel .LBB2_6-.Ltmp5, $4  }
0x4b: {  	_ = 	snop  }
0x4c: {  	s0 =	simm.s32 $0x3000  }
0x4d: {  	[tilespmem:s0], [sflag:$0x2] =	stream.strided.gather [hbm4b:s1+s3], $0x3000, s4, s3, $0x38;
	[tilespmem:$0xC400] =	vst v63  }
0x4e: {  	s4 =	simm.s32 $0x0  }
.LBB2_13:
0x4f: {  	s0 =	sld [smem:$0x7F5];
	_ =	sdelay $0x1  }
0x50: {  	s4 =	sadd.s32 $0x1, s4  }
0x51: {  	p3 =	sne.s32 s4, s0  }
.Ltmp6:
0x52: {  	_ = 	snop;
	(pc) =	sbr.rel @!p3 .LBB2_14-.Ltmp6, $1  }
0x53: {  	_ =	sdelay $0x3  }
.LBB2_6:
0x54: {  	s1 =	sand.u32 $0x1, s4  }
0x55: {  	p3 =	seq.s32 s1, $0x1  }
.Ltmp7:
0x56: {  	s0 =	sld [smem:$0x7FD];
	(pc) =	sbr.rel @p3 .LBB2_10-.Ltmp7, $3  }
0x57: {  	_ =	sdelay $0x1  }
0x58: {  	[smem:$0x7EE] =	sst s4;
	s0 =	sadd.s32 s0, s4  }
0x59: {  	[smem:$0x7ED] =	sst s0  }
0x5a: {  	[smem:$0x7EC] =	sst s1;
	s0 =	simm.s32 $0x1  }
0x5b: {  	_ =	swait.ge [sflag:s0], $0x3000  }
0x5c: {  	p3 =	slt.u32 s4, $0x2;
	[sflag:s0] =	ssyncset.done $0x0  }
0x5d: {  	[sflag:s0] =	ssyncadd.s32 $0xFFFFD000;
	s0 =	simm.s32 @!p3 $0x3  }
0x5e: {  	s3 =	simm.s32 $0x0;
	s10 =	simm.s32 $0x20;
	_ =	swait.ge @!p3 [sflag:s0], $0x3000  }
0x5f: {  	s8 =	sand.u32 $0x1C00, s3;
	s7 =	sand.u32 $0x60, s10;
	[sflag:s0] =	ssyncset.done @!p3 $0x0  }
0x60: {  	s1 =	simm.s32 $0x200;
	s31 =	sor.u32 s7, s8;
	[sflag:s0] =	ssyncadd.s32 @!p3 $0xFFFFD000  }
0x61: {  	v1 =	vor.u32 s1, v14;
	v0 =	vld [tilespmem:s31+$0x0];
	_ =	sdelay $0x3  }
0x62: {  	s9 =	simm.s32 $0x0  }
0x63: {  	s6 =	simm.s32 $0x10;
	s5 =	simm.s32 $0x0;
	s23 =	sand.u32 $0x40, s9;
	[tilespmem:v1+s14+$0x0] =	vst.idx.msk $0xffff, v0  }
0x64: {  	s4 =	simm.s32 $0x30;
	s21 =	sand.u32 $0x50, s6;
	s11 =	sor.u32 s23, s8;
	v1 =	vor.u32 s1, v15;
	v0 =	vld [tilespmem:s31+$0x80]  }
0x65: {  	s2 =	simm.s32 $0x100;
	v3 =	vor.u32 s5, v14;
	s28 =	sand.u32 $0x70, s4;
	s12 =	sor.u32 s21, s8;
	v2 =	vld [tilespmem:s11+$0x0]  }
0x66: {  	v17 =	vor.u32 s2, v14;
	s5 =	simm.s32 $0x300;
	s13 =	sor.u32 s28, s8;
	v16 =	vld [tilespmem:s12+$0x0]  }
0x67: {  	v18 =	vor.u32 s5, v14;
	v19 =	vld [tilespmem:s13+$0x0];
	_ =	sdelay $0x1  }
0x68: {  	[tilespmem:v1+s14+$0x0] =	vst.idx.msk $0xffff, v0  }
0x69: {  	s15 =	simm.s32 $0x0;
	[tilespmem:v3+s14+$0x0] =	vst.idx.msk $0xffff, v2;
	v1 =	vor.u32 s1, v45;
	v0 =	vld [tilespmem:s31+$0x100]  }
0x6a: {  	v2 =	vor.u32 s15, v15;
	[tilespmem:v17+s14+$0x0] =	vst.idx.msk $0xffff, v16;
	v3 =	vld [tilespmem:s11+$0x80]  }
0x6b: {  	v16 =	vor.u32 s2, v15;
	[tilespmem:v18+s14+$0x0] =	vst.idx.msk $0xffff, v19;
	v17 =	vld [tilespmem:s12+$0x80]  }
0x6c: {  	v18 =	vor.u32 s5, v15;
	v19 =	vld [tilespmem:s13+$0x80];
	_ =	sdelay $0x1  }
0x6d: {  	[tilespmem:v1+s14+$0x0] =	vst.idx.msk $0xffff, v0  }
0x6e: {  	[tilespmem:v2+s14+$0x0] =	vst.idx.msk $0xffff, v3;
	v1 =	vor.u32 s1, v24;
	v0 =	vld [tilespmem:s31+$0x180]  }
0x6f: {  	s17 =	sand.u32 $0x3, s3;
	v2 =	vor.u32 s15, v45;
	[tilespmem:v16+s14+$0x0] =	vst.idx.msk $0xffff, v17;
	v3 =	vld [tilespmem:s11+$0x100]  }
0x70: {  	s0 =	sshll.u32 s17, $0x5;
	v16 =	vor.u32 s2, v45;
	[tilespmem:v18+s14+$0x0] =	vst.idx.msk $0xffff, v19;
	v17 =	vld [tilespmem:s12+$0x100]  }
0x71: {  	s0 =	sadd.s32 $0x0, s0;
	v18 =	vor.u32 s5, v45;
	v19 =	vld [tilespmem:s13+$0x100]  }
0x72: {  	s0 =	sadd.s32 $0x20, s0  }
0x73: {  	s29 =	simm.s32 $0x6000;
	s18 =	sor.u32 $0x200, s0;
	[tilespmem:v1+s14+$0x0] =	vst.idx.msk $0xffff, v0  }
0x74: {  	s16 =	simm.s32 $0x0;
	[tilespmem:v2+s29+$0x0] =	vst.idx.msk $0xffff, v3;
	v1 =	vor.u32 s1, v25;
	v0 =	vld [tilespmem:s18+$0x0]  }
0x75: {  	v2 =	vor.u32 s16, v24;
	[tilespmem:v16+s29+$0x0] =	vst.idx.msk $0xffff, v17;
	v3 =	vld [tilespmem:s11+$0x180]  }
0x76: {  	p3 =	por $0x0, $0x0;
	v16 =	vor.u32 s2, v24;
	[tilespmem:v18+s29+$0x0] =	vst.idx.msk $0xffff, v19;
	s11 =	simm.s32 $0x1;
	v17 =	vld [tilespmem:s12+$0x180]  }
0x77: {  	s19 =	sand.u32 $0x7, s3;
	v18 =	vor.u32 s5, v24;
	v19 =	vld [tilespmem:s13+$0x180];
	s11 =	simm.s32 @!p3 $0x0  }
0x78: {  	s12 =	sshll.u32 s19, $0x4;
	s11 =	sshll.u32 s11, $0x6  }
0x79: {  	s20 =	sor.u32 $0x280, s0;
	s12 =	sadd.s32 $0x0, s12;
	s11 =	sadd.s32 $0x0, s11;
	[tilespmem:v1+s29+$0x0] =	vst.idx.msk $0xffff, v0  }
0x7a: {  	s24 =	simm.s32 $0x0;
	s22 =	sadd.s32 $0x10, s12;
	s25 =	sor.u32 $0x200, s11;
	[tilespmem:v2+s29+$0x0] =	vst.idx.msk $0xffff, v3;
	v1 =	vor.u32 s1, v26;
	v0 =	vld [tilespmem:s20+$0x0]  }
0x7b: {  	s12 =	sadd.s32 $0x30, s12;
	s26 =	sor.u32 $0x200, s22;
	v2 =	vor.u32 s24, v25;
	[tilespmem:v16+s29+$0x0] =	vst.idx.msk $0xffff, v17;
	v3 =	vld [tilespmem:s25+$0x0]  }
0x7c: {  	s30 =	sor.u32 $0x200, s12;
	v16 =	vor.u32 s2, v25;
	[tilespmem:v18+s29+$0x0] =	vst.idx.msk $0xffff, v19;
	v17 =	vld [tilespmem:s26+$0x0]  }
0x7d: {  	v18 =	vor.u32 s5, v25;
	v19 =	vld [tilespmem:s30+$0x0];
	_ =	sdelay $0x1  }
0x7e: {  	s0 =	sor.u32 $0x300, s0;
	[tilespmem:v1+s29+$0x0] =	vst.idx.msk $0xffff, v0  }
0x7f: {  	s31 =	sor.u32 $0x280, s11;
	[tilespmem:v2+s29+$0x0] =	vst.idx.msk $0xffff, v3;
	v1 =	vor.u32 s1, v54;
	v0 =	vld [tilespmem:s0+$0x0]  }
0x80: {  	s15 =	sor.u32 $0x280, s22;
	v2 =	vor.u32 s24, v26;
	[tilespmem:v16+s29+$0x0] =	vst.idx.msk $0xffff, v17;
	v3 =	vld [tilespmem:s31+$0x0]  }
0x81: {  	s16 =	sor.u32 $0x280, s12;
	v16 =	vor.u32 s2, v26;
	[tilespmem:v18+s29+$0x0] =	vst.idx.msk $0xffff, v19;
	v17 =	vld [tilespmem:s15+$0x0]  }
0x82: {  	v18 =	vor.u32 s5, v26;
	v19 =	vld [tilespmem:s16+$0x0]  }
0x83: {  	s17 =	sor.u32 s10, s3  }
0x84: {  	s0 =	sor.u32 $0x380, s17;
	[tilespmem:v1+s29+$0x0] =	vst.idx.msk $0xffff, v0  }
0x85: {  	s18 =	sor.u32 $0x300, s11;
	[tilespmem:v2+s29+$0x0] =	vst.idx.msk $0xffff, v3;
	v1 =	vor.u32 s1, v47;
	v0 =	vld [tilespmem:s0+$0x0]  }
0x86: {  	s19 =	sor.u32 $0x300, s22;
	v2 =	vor.u32 s24, v54;
	[tilespmem:v16+s29+$0x0] =	vst.idx.msk $0xffff, v17;
	v3 =	vld [tilespmem:s18+$0x0]  }
0x87: {  	s20 =	sor.u32 $0x300, s12;
	v16 =	vor.u32 s2, v54;
	[tilespmem:v18+s29+$0x0] =	vst.idx.msk $0xffff, v19;
	v17 =	vld [tilespmem:s19+$0x0]  }
0x88: {  	v18 =	vor.u32 s5, v54;
	v19 =	vld [tilespmem:s20+$0x0]  }
0x89: {  	s22 =	sadd.s32 $0x1800, s8  }
0x8a: {  	s9 =	sor.u32 s9, s3;
	s25 =	sor.u32 s7, s22;
	[tilespmem:v1+s29+$0x0] =	vst.idx.msk $0xffff, v0  }
0x8b: {  	s6 =	sor.u32 s6, s3;
	s9 =	sor.u32 $0x380, s9;
	[tilespmem:v2+s29+$0x0] =	vst.idx.msk $0xffff, v3;
	v1 =	vor.u32 s1, v48;
	v0 =	vld [tilespmem:s25+$0x0]  }
0x8c: {  	s6 =	sor.u32 $0x380, s6;
	s3 =	sor.u32 s4, s3;
	v2 =	vor.u32 s24, v47;
	[tilespmem:v16+s29+$0x0] =	vst.idx.msk $0xffff, v17;
	v3 =	vld [tilespmem:s9+$0x0]  }
0x8d: {  	s3 =	sor.u32 $0x380, s3;
	v16 =	vor.u32 s2, v47;
	[tilespmem:v18+s29+$0x0] =	vst.idx.msk $0xffff, v19;
	v17 =	vld [tilespmem:s6+$0x0]  }
0x8e: {  	v18 =	vor.u32 s5, v47;
	v19 =	vld [tilespmem:s3+$0x0]  }
0x8f: {  	s26 =	sadd.s32 $0x1880, s8  }
0x90: {  	s30 =	sor.u32 s7, s26;
	[tilespmem:v1+s29+$0x0] =	vst.idx.msk $0xffff, v0  }
0x91: {  	s31 =	sor.u32 s23, s22;
	[tilespmem:v2+s29+$0x0] =	vst.idx.msk $0xffff, v3;
	v1 =	vor.u32 s1, v51;
	v0 =	vld [tilespmem:s30+$0x0]  }
0x92: {  	s9 =	sor.u32 s21, s22;
	v2 =	vor.u32 s24, v48;
	[tilespmem:v16+s29+$0x0] =	vst.idx.msk $0xffff, v17;
	v3 =	vld [tilespmem:s31+$0x0]  }
0x93: {  	s0 =	sor.u32 s28, s22;
	v16 =	vor.u32 s2, v48;
	[tilespmem:v18+s29+$0x0] =	vst.idx.msk $0xffff, v19;
	v17 =	vld [tilespmem:s9+$0x0]  }
0x94: {  	v18 =	vor.u32 s5, v48;
	v19 =	vld [tilespmem:s0+$0x0]  }
0x95: {  	s20 =	sadd.s32 $0x1900, s8  }
0x96: {  	s10 =	sor.u32 s7, s20;
	[tilespmem:v1+s29+$0x0] =	vst.idx.msk $0xffff, v0  }
0x97: {  	s11 =	sor.u32 s23, s26;
	[tilespmem:v2+s29+$0x0] =	vst.idx.msk $0xffff, v3;
	v1 =	vor.u32 s1, v32;
	v0 =	vld [tilespmem:s10+$0x0]  }
0x98: {  	s12 =	sor.u32 s21, s26;
	v2 =	vor.u32 s24, v51;
	[tilespmem:v16+s29+$0x0] =	vst.idx.msk $0xffff, v17;
	v3 =	vld [tilespmem:s11+$0x0]  }
0x99: {  	s13 =	simm.s32 $0x60;
	s14 =	sor.u32 s28, s26;
	s15 =	simm.s32 $0x200;
	[tilespmem:v18+s29+$0x0] =	vst.idx.msk $0xffff, v19;
	v17 =	vld [tilespmem:s12+$0x0]  }
0x9a: {  	s22 =	sand.u32 $0x1C00, s15;
	v18 =	vor.u32 s5, v51;
	s12 =	sand.u32 $0x60, s13;
	v19 =	vld [tilespmem:s14+$0x0]  }
0x9b: {  	s31 =	sadd.s32 $0x1980, s8;
	v16 =	vor.u32 s2, v51;
	s11 =	simm.s32 $0x600;
	s3 =	sor.u32 s12, s22  }
0x9c: {  	s18 =	simm.s32 $0x40;
	s16 =	sor.u32 s7, s31;
	v21 =	vor.u32 s11, v14;
	v20 =	vld [tilespmem:s3+$0x0];
	[tilespmem:v1+s29+$0x0] =	vst.idx.msk $0xffff, v0  }
0x9d: {  	s4 =	simm.s32 $0x50;
	s17 =	sor.u32 s23, s20;
	s6 =	sand.u32 $0x40, s18;
	[tilespmem:v2+s29+$0x0] =	vst.idx.msk $0xffff, v3;
	v1 =	vor.u32 s1, v56;
	v0 =	vld [tilespmem:s16+$0x0]  }
0x9e: {  	s0 =	sor.u32 s6, s22;
	s13 =	sand.u32 $0x50, s4;
	v2 =	vor.u32 s24, v32;
	v3 =	vld [tilespmem:s17+$0x0];
	s10 =	simm.s32 $0x400  }
0x9f: {  	s26 =	simm.s32 $0x500;
	s14 =	sor.u32 s13, s22;
	[tilespmem:v18+s29+$0x0] =	vst.idx.msk $0xffff, v19;
	v18 =	vld [tilespmem:s0+$0x0];
	v19 =	vor.u32 s10, v14  }
0xa0: {  	v23 =	vor.u32 s26, v14;
	s19 =	sor.u32 s21, s20;
	v22 =	vld [tilespmem:s14+$0x0];
	[tilespmem:v16+s29+$0x0] =	vst.idx.msk $0xffff, v17  }
0xa1: {  	s30 =	sadd.s32 $0x1A00, s8;
	v16 =	vor.u32 s2, v32;
	v17 =	vld [tilespmem:s19+$0x0];
	s17 =	simm.s32 $0x70;
	[tilespmem:v21+s29+$0x0] =	vst.idx.msk $0xffff, v20  }
0xa2: {  	s18 =	sor.u32 s7, s30;
	v21 =	vor.u32 s11, v15;
	v20 =	vld [tilespmem:s3+$0x80];
	s16 =	sand.u32 $0x70, s17;
	[tilespmem:v1+s29+$0x0] =	vst.idx.msk $0xffff, v0  }
0xa3: {  	s19 =	simm.s32 $0x700;
	[tilespmem:v2+s29+$0x0] =	vst.idx.msk $0xffff, v3;
	v1 =	vor.u32 s1, v50;
	v0 =	vld [tilespmem:s18+$0x0];
	s18 =	sor.u32 s16, s22  }
0xa4: {  	v2 =	vor.u32 s19, v14;
	[tilespmem:v19+s29+$0x0] =	vst.idx.msk $0xffff, v18;
	v3 =	vld [tilespmem:s18+$0x0]  }
0xa5: {  	[tilespmem:v23+s29+$0x0] =	vst.idx.msk $0xffff, v22;
	v18 =	vor.u32 s10, v15;
	v19 =	vld [tilespmem:s0+$0x80]  }
0xa6: {  	s20 =	sor.u32 s28, s20;
	v22 =	vor.u32 s26, v15;
	v23 =	vld [tilespmem:s14+$0x80];
	[tilespmem:v16+s29+$0x0] =	vst.idx.msk $0xffff, v17  }
0xa7: {  	s9 =	sadd.s32 $0x1A80, s8;
	v16 =	vld [tilespmem:s20+$0x0];
	v17 =	vor.u32 s5, v32;
	[tilespmem:v21+s29+$0x0] =	vst.idx.msk $0xffff, v20  }
0xa8: {  	s25 =	sor.u32 s7, s9;
	v21 =	vor.u32 s11, v45;
	v20 =	vld [tilespmem:s3+$0x100];
	[tilespmem:v1+s29+$0x0] =	vst.idx.msk $0xffff, v0  }
0xa9: {  	v1 =	vor.u32 s1, v52;
	v0 =	vld [tilespmem:s25+$0x0];
	[tilespmem:v2+s29+$0x0] =	vst.idx.msk $0xffff, v3  }
0xaa: {  	[tilespmem:v18+s29+$0x0] =	vst.idx.msk $0xffff, v19;
	v2 =	vor.u32 s19, v15;
	v3 =	vld [tilespmem:s18+$0x80]  }
0xab: {  	[tilespmem:v22+s29+$0x0] =	vst.idx.msk $0xffff, v23;
	v18 =	vor.u32 s10, v45;
	v19 =	vld [tilespmem:s0+$0x100]  }
0xac: {  	v22 =	vor.u32 s26, v45;
	v23 =	vld [tilespmem:s14+$0x100];
	[tilespmem:v17+s29+$0x0] =	vst.idx.msk $0xffff, v16;
	s25 =	sor.u32 s23, s31  }
0xad: {  	s20 =	sadd.s32 $0x1B00, s8;
	v17 =	vor.u32 s24, v56;
	[tilespmem:v21+s29+$0x0] =	vst.idx.msk $0xffff, v20;
	v16 =	vld [tilespmem:s25+$0x0]  }
0xae: {  	s24 =	sor.u32 s7, s20;
	v21 =	vor.u32 s11, v24;
	v20 =	vld [tilespmem:s3+$0x180];
	s25 =	simm.s32 $0x2;
	[tilespmem:v1+s29+$0x0] =	vst.idx.msk $0xffff, v0  }
0xaf: {  	v1 =	vor.u32 s1, v53;
	v0 =	vld [tilespmem:s24+$0x0];
	[tilespmem:v2+s29+$0x0] =	vst.idx.msk $0xffff, v3;
	s24 =	sand.u32 $0x3, s25  }
0xb0: {  	[tilespmem:v18+s29+$0x0] =	vst.idx.msk $0xffff, v19;
	v2 =	vor.u32 s19, v45;
	s3 =	sshll.u32 s24, $0x5;
	v3 =	vld [tilespmem:s18+$0x100]  }
0xb1: {  	[tilespmem:v22+s29+$0x0] =	vst.idx.msk $0xffff, v23;
	v19 =	vor.u32 s10, v24;
	v18 =	vld [tilespmem:s0+$0x180];
	s24 =	sor.u32 s21, s31;
	s3 =	sadd.s32 $0x200, s3  }
0xb2: {  	p3 =	por !p3, !p3;
	[tilespmem:v17+s29+$0x0] =	vst.idx.msk $0xffff, v16;
	v17 =	vor.u32 s2, v56;
	v16 =	vld [tilespmem:s24+$0x0];
	s24 =	simm.s32 $0x4;
	s0 =	sadd.s32 $0x20, s3  }
0xb3: {  	v23 =	vor.u32 s26, v24;
	v22 =	vld [tilespmem:s14+$0x180];
	[tilespmem:v21+s29+$0x0] =	vst.idx.msk $0xffff, v20;
	s3 =	sadd.s32 $0x1B80, s8;
	s8 =	simm.s32 $0x1;
	s14 =	sor.u32 $0x200, s0  }
0xb4: {  	v21 =	vor.u32 s11, v25;
	s8 =	simm.s32 @!p3 $0x0;
	s7 =	sor.u32 s7, s3;
	v20 =	vld [tilespmem:s14+$0x0];
	[tilespmem:v1+s29+$0x0] =	vst.idx.msk $0xffff, v0;
	s14 =	sand.u32 $0x7, s24  }
0xb5: {  	s8 =	sshll.u32 s8, $0x6;
	v0 =	vld [tilespmem:s7+$0x0];
	s14 =	sshll.u32 s14, $0x4;
	[tilespmem:v2+s29+$0x0] =	vst.idx.msk $0xffff, v3  }
0xb6: {  	[tilespmem:v19+s29+$0x0] =	vst.idx.msk $0xffff, v18;
	v1 =	vor.u32 s1, v55;
	s1 =	sadd.s32 $0x200, s8;
	v2 =	vld [tilespmem:s18+$0x180];
	s7 =	sadd.s32 $0x200, s14;
	s18 =	sor.u32 s28, s31  }
0xb7: {  	v3 =	vor.u32 s19, v24;
	[tilespmem:v17+s29+$0x0] =	vst.idx.msk $0xffff, v16;
	s31 =	sor.u32 $0x200, s1;
	v16 =	vld [tilespmem:s18+$0x0];
	s8 =	sadd.s32 $0x10, s7  }
0xb8: {  	[tilespmem:v23+s29+$0x0] =	vst.idx.msk $0xffff, v22;
	v17 =	vor.u32 s5, v56;
	v18 =	vld [tilespmem:s31+$0x0];
	s18 =	sor.u32 $0x200, s8  }
0xb9: {  	v19 =	vor.u32 s10, v25;
	s31 =	sor.u32 $0x280, s0;
	v22 =	vld [tilespmem:s18+$0x0];
	[tilespmem:v21+s29+$0x0] =	vst.idx.msk $0xffff, v20  }
0xba: {  	v23 =	vor.u32 s26, v25;
	s18 =	sor.u32 s23, s30;
	v20 =	vld [tilespmem:s31+$0x0]  }
0xbb: {  	s7 =	sadd.s32 $0x30, s7;
	v21 =	vor.u32 s11, v26;
	[tilespmem:v1+s29+$0x0] =	vst.idx.msk $0xffff, v0;
	v0 =	vld [tilespmem:s18+$0x0];
	s18 =	simm.s32 $0x0  }
0xbc: {  	s31 =	sor.u32 $0x200, s7;
	v1 =	vor.u32 s18, v50;
	[tilespmem:v3+s29+$0x0] =	vst.idx.msk $0xffff, v2  }
0xbd: {  	v3 =	vor.u32 s19, v25;
	v2 =	vld [tilespmem:s31+$0x0];
	[tilespmem:v17+s29+$0x0] =	vst.idx.msk $0xffff, v16;
	s31 =	sor.u32 s21, s30  }
0xbe: {  	v17 =	vor.u32 s2, v50;
	[tilespmem:v19+s29+$0x0] =	vst.idx.msk $0xffff, v18;
	v16 =	vld [tilespmem:s31+$0x0];
	s31 =	sor.u32 $0x280, s1  }
0xbf: {  	s14 =	simm.s32 $0x6000;
	v19 =	vor.u32 s10, v26;
	v18 =	vld [tilespmem:s31+$0x0];
	[tilespmem:v23+s29+$0x0] =	vst.idx.msk $0xffff, v22;
	s31 =	sor.u32 $0x280, s8  }
0xc0: {  	s0 =	sor.u32 $0x300, s0;
	v23 =	vor.u32 s26, v26;
	v22 =	vld [tilespmem:s31+$0x0];
	[tilespmem:v21+s14+$0x0] =	vst.idx.msk $0xffff, v20  }
0xc1: {  	s29 =	sor.u32 s28, s30;
	v21 =	vor.u32 s11, v54;
	v20 =	vld [tilespmem:s0+$0x0];
	[tilespmem:v1+s14+$0x0] =	vst.idx.msk $0xffff, v0  }
0xc2: {  	s30 =	sor.u32 $0x280, s7;
	v0 =	vld [tilespmem:s29+$0x0];
	v1 =	vor.u32 s5, v50;
	[tilespmem:v3+s14+$0x0] =	vst.idx.msk $0xffff, v2  }
0xc3: {  	s31 =	sor.u32 s23, s9;
	v3 =	vor.u32 s19, v26;
	v2 =	vld [tilespmem:s30+$0x0];
	[tilespmem:v17+s14+$0x0] =	vst.idx.msk $0xffff, v16  }
0xc4: {  	s1 =	sor.u32 $0x300, s1;
	v16 =	vld [tilespmem:s31+$0x0];
	v17 =	vor.u32 s18, v52;
	s30 =	simm.s32 $0x60;
	[tilespmem:v19+s14+$0x0] =	vst.idx.msk $0xffff, v18  }
0xc5: {  	s29 =	sor.u32 $0x300, s8;
	v19 =	vor.u32 s10, v54;
	v18 =	vld [tilespmem:s1+$0x0];
	[tilespmem:v23+s14+$0x0] =	vst.idx.msk $0xffff, v22;
	s1 =	sor.u32 s30, s15  }
0xc6: {  	v23 =	vor.u32 s26, v54;
	v22 =	vld [tilespmem:s29+$0x0];
	[tilespmem:v21+s14+$0x0] =	vst.idx.msk $0xffff, v20;
	s31 =	sor.u32 $0x380, s1  }
0xc7: {  	s1 =	sor.u32 s21, s9;
	v21 =	vor.u32 s11, v47;
	[tilespmem:v1+s14+$0x0] =	vst.idx.msk $0xffff, v0;
	v20 =	vld [tilespmem:s31+$0x0]  }
0xc8: {  	s8 =	simm.s32 $0x40;
	v1 =	vor.u32 s2, v52;
	s29 =	sor.u32 s28, s9;
	v0 =	vld [tilespmem:s1+$0x0];
	[tilespmem:v3+s14+$0x0] =	vst.idx.msk $0xffff, v2  }
0xc9: {  	v25 =	vor.u32 s5, v52;
	s7 =	sor.u32 $0x300, s7;
	s0 =	sor.u32 s8, s15;
	v24 =	vld [tilespmem:s29+$0x0];
	[tilespmem:v17+s14+$0x0] =	vst.idx.msk $0xffff, v16  }
0xca: {  	s0 =	sor.u32 $0x380, s0;
	s30 =	sor.u32 s4, s15;
	v3 =	vor.u32 s19, v54;
	v2 =	vld [tilespmem:s7+$0x0];
	[tilespmem:v19+s14+$0x0] =	vst.idx.msk $0xffff, v18  }
0xcb: {  	v33 =	vor.u32 s2, v53;
	v8 =	vor.u32 s2, v55;
	v26 =	vor.u32 s10, v47;
	s1 =	sor.u32 $0x380, s30;
	v28 =	vld [tilespmem:s0+$0x0];
	[tilespmem:v23+s14+$0x0] =	vst.idx.msk $0xffff, v22  }
0xcc: {  	v9 =	vor.u32 s5, v53;
	v7 =	vor.u32 s5, v55;
	v29 =	vor.u32 s26, v47;
	s5 =	sor.u32 s23, s20;
	s18 =	simm.s32 $0x0;
	s0 =	sadd.s32 $0x1800, s22;
	v30 =	vld [tilespmem:s1+$0x0];
	[tilespmem:v21+s14+$0x0] =	vst.idx.msk $0xffff, v20  }
0xcd: {  	v44 =	vor.u32 s26, v48;
	v22 =	vor.u32 s18, v53;
	s31 =	sor.u32 s12, s0;
	[tilespmem:v1+s14+$0x0] =	vst.idx.msk $0xffff, v0;
	v0 =	vld [tilespmem:s5+$0x0]  }
0xce: {  	v41 =	vor.u32 s26, v51;
	v35 =	vor.u32 s26, v32;
	v31 =	vor.u32 s11, v48;
	s8 =	sor.u32 s21, s20;
	s4 =	sor.u32 s17, s15;
	[tilespmem:v25+s14+$0x0] =	vst.idx.msk $0xffff, v24;
	v21 =	vld [tilespmem:s31+$0x0]  }
0xcf: {  	v13 =	vor.u32 s26, v53;
	v37 =	vor.u32 s26, v55;
	v43 =	vor.u32 s10, v48;
	s7 =	sor.u32 $0x380, s4;
	v4 =	vld [tilespmem:s8+$0x0];
	[tilespmem:v3+s14+$0x0] =	vst.idx.msk $0xffff, v2  }
0xd0: {  	v40 =	vor.u32 s10, v51;
	v36 =	vor.u32 s10, v32;
	v1 =	vor.u32 s19, v47;
	s9 =	sor.u32 s6, s0;
	v42 =	vld [tilespmem:s7+$0x0];
	[tilespmem:v26+s14+$0x0] =	vst.idx.msk $0xffff, v28  }
0xd1: {  	v12 =	vor.u32 s10, v53;
	v39 =	vor.u32 s10, v55;
	v11 =	vor.u32 s18, v55;
	s30 =	sor.u32 s28, s20;
	v46 =	vld [tilespmem:s9+$0x0];
	[tilespmem:v29+s14+$0x0] =	vst.idx.msk $0xffff, v30  }
0xd2: {  	v17 =	vor.u32 s10, v50;
	v16 =	vor.u32 s10, v52;
	v23 =	vor.u32 s10, v56;
	s18 =	sadd.s32 $0x1880, s22;
	s10 =	sor.u32 s13, s0;
	[tilespmem:v22+s14+$0x0] =	vst.idx.msk $0xffff, v0;
	v0 =	vld [tilespmem:s30+$0x0]  }
0xd3: {  	v38 =	vor.u32 s19, v48;
	v34 =	vor.u32 s19, v51;
	v32 =	vor.u32 s19, v32;
	s29 =	sor.u32 s12, s18;
	v2 =	vld [tilespmem:s10+$0x0];
	[tilespmem:v31+s14+$0x0] =	vst.idx.msk $0xffff, v21  }
0xd4: {  	p3 =	por !p3, !p3;
	s2 =	sor.u32 s28, s3;
	v24 =	vor.u32 s26, v56;
	v25 =	vor.u32 s19, v50;
	s31 =	sor.u32 s23, s3;
	v28 =	vor.u32 s19, v55;
	[tilespmem:v33+s14+$0x0] =	vst.idx.msk $0xffff, v4;
	v3 =	vld [tilespmem:s29+$0x0]  }
0xd5: {  	s5 =	sor.u32 s21, s3;
	s0 =	sor.u32 s16, s0;
	s1 =	simm.s32 $0x4;
	v30 =	vor.u32 s26, v50;
	v29 =	vor.u32 s26, v52;
	v31 =	vor.u32 s19, v56;
	[tilespmem:v1+s14+$0x0] =	vst.idx.msk $0xffff, v42;
	v1 =	vld [tilespmem:s31+$0x0]  }
0xd6: {  	s4 =	sor.u32 s6, s18;
	s3 =	sor.u32 s16, s18;
	s7 =	sor.u32 s13, s18;
	v21 =	vor.u32 s19, v52;
	v33 =	vor.u32 s19, v53;
	v42 =	vld [tilespmem:s0+$0x0];
	[tilespmem:v43+s14+$0x0] =	vst.idx.msk $0xffff, v46;
	v43 =	vor.u32 s11, v51  }
.LBB2_8:
0xd7: {  	[tilespmem:$0x1FEE0] =	vst v16  }
0xd8: {  	[tilespmem:$0x1FEB0] =	vst v25  }
0xd9: {  	[tilespmem:$0x1FF10] =	vst v21  }
0xda: {  	[tilespmem:$0x1FF40] =	vst v13  }
0xdb: {  	[tilespmem:v44+s14+$0x0] =	vst.idx.msk $0xffff, v2;
	s19 =	sadd.s32 $0x400, s19;
	v4 =	vmov v37  }
0xdc: {  	v6 =	vor.u32 s19, v54;
	[tilespmem:$0x1FF00] =	vst v4  }
0xdd: {  	v46 =	vld [tilespmem:s4+$0x0];
	v5 =	vor.u32 s19, v47;
	[tilespmem:$0x1FEF0] =	vst v6  }
0xde: {  	v13 =	vld [tilespmem:$0x1FFA0];
	[tilespmem:$0x1FF30] =	vst v5  }
0xdf: {  	v21 =	vmov v23;
	v23 =	vld [tilespmem:$0x1FF70];
	[tilespmem:v43+s14+$0x0] =	vst.idx.msk $0xffff, v3  }
0xe0: {  	v25 =	vld [tilespmem:$0x1FF90];
	[tilespmem:v9+s14+$0x0] =	vst.idx.msk $0xffff, v0  }
0xe1: {  	v49 =	vld [tilespmem:$0x1FFD0];
	v0 =	vmov v33;
	[tilespmem:v11+s14+$0x0] =	vst.idx.msk $0xffff, v1  }
0xe2: {  	v2 =	vld [tilespmem:s7+$0x0];
	[tilespmem:$0x1FE70] =	vst v0  }
0xe3: {  	s0 =	simm.s32 $0x1;
	s26 =	sadd.s32 $0x1900, s22;
	v1 =	vmov v39;
	[tilespmem:v38+s14+$0x0] =	vst.idx.msk $0xffff, v42;
	v42 =	vmov v24;
	v24 =	vld [tilespmem:$0x1FF80]  }
0xe4: {  	s24 =	sadd.s32 $0x4, s24;
	s17 =	sadd.s32 $0x40, s17;
	s15 =	sadd.s32 $0x200, s15;
	v16 =	vld [tilespmem:$0x1FFB0];
	[tilespmem:$0x1FEA0] =	vst v1  }
0xe5: {  	s21 =	simm.s32 $0x6000;
	s0 =	simm.s32 @!p3 $0x0;
	s28 =	sor.u32 s12, s26;
	v63 =	vld [tilespmem:s5+$0x0];
	v1 =	vor.u32 s19, v23;
	[tilespmem:v40+s14+$0x0] =	vst.idx.msk $0xffff, v46  }
0xe6: {  	[dreg:$0xa] =	wrdreg s24;
	s10 =	sor.u32 s6, s26;
	s23 =	sor.u32 s13, s26;
	v3 =	vld [tilespmem:s28+$0x0];
	[tilespmem:$0x1FE80] =	vst v1  }
0xe7: {  	s8 =	sand.u32 $0x7, s24;
	s7 =	sor.u32 s16, s26;
	s29 =	sadd.s32 $0xFFFFFFF0, s17;
	v46 =	vmov v17;
	v17 =	vld [tilespmem:$0x1FFC0];
	v4 =	vor.u32 s19, v49;
	[tilespmem:v41+s21+$0x0] =	vst.idx.msk $0xffff, v2  }
0xe8: {  	s5 =	sand.u32 $0x1C00, s15;
	s20 =	sadd.s32 $0xFFFFFFD0, s17;
	s18 =	sshll.u32 s0, $0x6;
	v44 =	vor.u32 s11, v13;
	v50 =	vld [tilespmem:s3+$0x0];
	[tilespmem:$0x1FF20] =	vst v4;
	v1 =	vor.u32 s19, v24  }
0xe9: {  	s24 =	sshll.u32 s8, $0x4;
	[dreg:$0x17] =	wrdreg s29;
	s0 =	sand.u32 $0x60, s29;
	v60 =	vld [tilespmem:s10+$0x0];
	[tilespmem:$0x1FE90] =	vst v1;
	v1 =	vor.u32 s19, v25  }
0xea: {  	s8 =	sadd.s32 $0xFFFFFF00, s19;
	s28 =	sadd.s32 $0xFFFFFD00, s19;
	[tilespmem:$0x1FED0] =	vst v1;
	v1 =	vld [tilespmem:s2+$0x0];
	s2 =	sor.u32 s0, s5  }
0xeb: {  	[smem:$0x7DC] =	sst s0;
	v61 =	vor.u32 s8, v14;
	s14 =	sadd.s32 $0x1980, s22;
	s3 =	sadd.s32 $0xFFFFFFE0, s17;
	v20 =	vor.u32 s28, v48;
	[tilespmem:v8+s21+$0x0] =	vst.idx.msk $0xffff, v63;
	v2 =	vld [tilespmem:s2+$0x0]  }
0xec: {  	s30 =	sor.u32 s12, s14;
	s10 =	sand.u32 $0x40, s20;
	[tilespmem:$0x1FF50] =	vst v20;
	v55 =	vld [tilespmem:s23+$0x0];
	s23 =	sadd.s32 s15, s24  }
0xed: {  	s31 =	sand.u32 $0x50, s3;
	s29 =	sor.u32 s10, s5;
	s24 =	sadd.s32 $0x10, s23;
	[tilespmem:v44+s21+$0x0] =	vst.idx.msk $0xffff, v3;
	v3 =	vor.u32 s19, v17  }
0xee: {  	[smem:$0x7DD] =	sst s31;
	s4 =	sadd.s32 $0x30, s23;
	s26 =	sor.u32 $0x200, s24;
	v44 =	vor.u32 s11, v16;
	[tilespmem:$0x1FEC0] =	vst v3;
	v3 =	vld [tilespmem:s30+$0x0]  }
0xef: {  	v37 =	vor.u32 s28, v14;
	v41 =	vld [tilespmem:s29+$0x0];
	s23 =	sor.u32 $0x200, s4;
	[tilespmem:v36+s21+$0x0] =	vst.idx.msk $0xffff, v60;
	[smem:$0x7E0] =	sst s26  }
0xf0: {  	v26 =	vld [tilespmem:$0x1FFE0];
	s18 =	sadd.s32 s18, s15;
	[smem:$0x7E1] =	sst s23;
	[tilespmem:v61+s21+$0x0] =	vst.idx.msk $0xffff, v2  }
0xf1: {  	v9 =	vor.u32 s8, v15;
	s26 =	sor.u32 $0x200, s18;
	s0 =	sor.u32 s31, s5;
	[tilespmem:v34+s21+$0x0] =	vst.idx.msk $0xffff, v50;
	s31 =	sadd.s32 $0xFFFFFE00, s19;
	v39 =	vld [tilespmem:s2+$0x80]  }
0xf2: {  	s23 =	sadd.s32 $0x1A00, s22;
	[smem:$0x7DF] =	sst s26;
	s26 =	sor.u32 $0x280, s24;
	v57 =	vld [tilespmem:s0+$0x0];
	v5 =	vor.u32 s31, v14;
	[tilespmem:v35+s21+$0x0] =	vst.idx.msk $0xffff, v55  }
0xf3: {  	v27 =	vld [tilespmem:$0x1FFF0];
	v59 =	vor.u32 s19, v15;
	[smem:$0x7E3] =	sst s26;
	s26 =	sor.u32 s12, s23;
	[tilespmem:v44+s21+$0x0] =	vst.idx.msk $0xffff, v3  }
0xf4: {  	v52 =	vor.u32 s19, v45;
	v62 =	vor.u32 s19, v51;
	s9 =	sand.u32 $0x70, s17;
	v11 =	vor.u32 s11, v17;
	[tilespmem:v37+s21+$0x0] =	vst.idx.msk $0xffff, v41;
	v10 =	vld [tilespmem:s26+$0x0]  }
0xf5: {  	[smem:$0x7DE] =	sst s9;
	v0 =	vor.u32 s19, v14;
	v58 =	vor.u32 s19, v13;
	v4 =	vor.u32 s28, v15;
	s24 =	sor.u32 $0x300, s24;
	s30 =	sor.u32 s9, s5;
	v37 =	vld [tilespmem:s29+$0x80];
	[tilespmem:v7+s21+$0x0] =	vst.idx.msk $0xffff, v1  }
0xf6: {  	v22 =	vmovc v51;
	v43 =	vor.u32 s19, v16;
	v6 =	vor.u32 s28, v45;
	v53 =	vor.u32 s28, v47;
	[smem:$0x7E6] =	sst s24;
	s24 =	sor.u32 $0x280, s4;
	v2 =	vld [tilespmem:s30+$0x0];
	[tilespmem:v9+s21+$0x0] =	vst.idx.msk $0xffff, v39  }
0xf7: {  	v18 =	vmovc v14;
	v19 =	vmovc v15;
	s4 =	sor.u32 $0x300, s4;
	s9 =	sor.u32 $0x280, s18;
	v1 =	vmov v28;
	v7 =	vor.u32 s31, v15;
	v15 =	vor.u32 s8, v45;
	[tilespmem:v5+s21+$0x0] =	vst.idx.msk $0xffff, v57;
	s26 =	sor.u32 s17, s15;
	v14 =	vld [tilespmem:s2+$0x100]  }
0xf8: {  	v40 =	vor.u32 s28, v22;
	v63 =	vor.u32 s19, v27;
	v60 =	vor.u32 s28, v25;
	[smem:$0x7E7] =	sst s4;
	[tilespmem:$0x1FF60] =	vst v1;
	v5 =	vld [tilespmem:s0+$0x80];
	s4 =	sor.u32 $0x380, s26;
	s26 =	sadd.s32 $0x1A80, s22  }
0xf9: {  	v20 =	vmovc v45;
	v50 =	vmov v12;
	v8 =	vor.u32 s31, v45;
	[smem:$0x7E2] =	sst s9;
	v45 =	vor.u32 s11, v49;
	v12 =	vld [tilespmem:s7+$0x0];
	s9 =	sor.u32 s12, s26;
	[tilespmem:v11+s21+$0x0] =	vst.idx.msk $0xffff, v10  }
0xfa: {  	v36 =	vor.u32 s28, v13;
	s7 =	sor.u32 s6, s14;
	[tilespmem:v4+s21+$0x0] =	vst.idx.msk $0xffff, v37;
	v9 =	vor.u32 s28, v16;
	v10 =	vor.u32 s31, v16;
	v16 =	vld [tilespmem:s9+$0x0]  }
0xfb: {  	v34 =	vmovc v62;
	v62 =	vor.u32 s28, v24;
	v55 =	vor.u32 s28, v54;
	v56 =	vor.u32 s31, v54;
	v4 =	vld [tilespmem:s7+$0x0];
	[tilespmem:v0+s21+$0x0] =	vst.idx.msk $0xffff, v2  }
0xfc: {  	v35 =	vor.u32 s31, v13;
	v13 =	vor.u32 s28, v17;
	v11 =	vor.u32 s31, v17;
	v17 =	vld [tilespmem:s30+$0x80];
	[tilespmem:v15+s21+$0x0] =	vst.idx.msk $0xffff, v14  }
0xfd: {  	s25 =	sadd.s32 $0x2, s25;
	v51 =	vor.u32 s31, v47;
	v41 =	vor.u32 s31, v22;
	[tilespmem:v7+s21+$0x0] =	vst.idx.msk $0xffff, v5;
	v14 =	vor.u32 s8, v23;
	v7 =	vld [tilespmem:s2+$0x180]  }
0xfe: {  	v28 =	vmovc v63;
	v63 =	vor.u32 s31, v24;
	v1 =	vor.u32 s28, v23;
	v61 =	vor.u32 s31, v25;
	s7 =	sadd.s32 $0x1B00, s22;
	[tilespmem:v32+s21+$0x0] =	vst.idx.msk $0xffff, v12;
	v5 =	vld [tilespmem:s0+$0x100];
	s9 =	sand.u32 $0x3, s25  }
0xff: {  	v57 =	vor.u32 s28, v26;
	v3 =	vor.u32 s31, v23;
	v44 =	vor.u32 s31, v48;
	[smem:$0x7EA] =	sst s4;
	v12 =	vld [tilespmem:s29+$0x100];
	s9 =	sshll.u32 s9, $0x5;
	[tilespmem:v45+s21+$0x0] =	vst.idx.msk $0xffff, v16;
	s2 =	sor.u32 s12, s7  }
0x100: {  	v37 =	vor.u32 s31, v27;
	s4 =	sor.u32 s13, s14;
	v2 =	vor.u32 s28, v49;
	v39 =	vor.u32 s28, v27;
	s28 =	sor.u32 s6, s7;
	v15 =	vld [tilespmem:s2+$0x0];
	s2 =	sadd.s32 s15, s9  }
0x101: {  	v0 =	vor.u32 s31, v49;
	v32 =	vmovc v58;
	v58 =	vor.u32 s31, v26;
	s31 =	sor.u32 s13, s7;
	[tilespmem:v21+s21+$0x0] =	vst.idx.msk $0xffff, v4;
	v4 =	vld [tilespmem:s4+$0x0];
	v16 =	vor.u32 s11, v26;
	s7 =	sor.u32 s16, s7;
	s4 =	sadd.s32 $0x20, s2  }
0x102: {  	[smem:$0x7EB] =	sst s7;
	s7 =	sor.u32 $0x200, s4;
	[tilespmem:v14+s21+$0x0] =	vst.idx.msk $0xffff, v7  }
0x103: {  	[tilespmem:v8+s21+$0x0] =	vst.idx.msk $0xffff, v5;
	v8 =	vor.u32 s8, v24;
	v7 =	vld [tilespmem:s7+$0x0]  }
0x104: {  	[tilespmem:v59+s21+$0x0] =	vst.idx.msk $0xffff, v17  }
0x105: {  	[tilespmem:v6+s21+$0x0] =	vst.idx.msk $0xffff, v12;
	v17 =	vld [tilespmem:s30+$0x100];
	s9 =	sadd.s32 $0x1B80, s22  }
0x106: {  	s3 =	sor.u32 s3, s15;
	v6 =	vld [tilespmem:s29+$0x180];
	s29 =	sor.u32 s12, s9;
	[tilespmem:v16+s21+$0x0] =	vst.idx.msk $0xffff, v15  }
0x107: {  	s3 =	sor.u32 $0x380, s3;
	v23 =	vmov v9;
	v9 =	vld [tilespmem:s29+$0x0]  }
0x108: {  	[smem:$0x7E9] =	sst s3;
	[tilespmem:v8+s21+$0x0] =	vst.idx.msk $0xffff, v7;
	v7 =	vld [tilespmem:$0x1FE80]  }
0x109: {  	s20 =	sor.u32 s20, s15;
	s3 =	sor.u32 s6, s23;
	[smem:$0x7E4] =	sst s24  }
0x10a: {  	s18 =	sor.u32 $0x300, s18;
	s24 =	sor.u32 $0x380, s20;
	v5 =	vld [tilespmem:s0+$0x180];
	[tilespmem:v52+s21+$0x0] =	vst.idx.msk $0xffff, v17;
	s29 =	sld [smem:$0x7DF]  }
0x10b: {  	[smem:$0x7E5] =	sst s18;
	s22 =	smov.u32 s5;
	s0 =	sor.u32 s6, s9;
	v14 =	vld [tilespmem:s30+$0x180]  }
0x10c: {  	s5 =	sor.u32 s13, s9;
	s2 =	sor.u32 s16, s9;
	s9 =	sld [smem:$0x7DD];
	[tilespmem:v1+s21+$0x0] =	vst.idx.msk $0xffff, v6  }
0x10d: {  	[smem:$0x7E8] =	sst s24;
	s18 =	sor.u32 s16, s14;
	s14 =	sor.u32 s13, s23;
	[tilespmem:v42+s21+$0x0] =	vst.idx.msk $0xffff, v4;
	v4 =	vld [tilespmem:s29+$0x0]  }
0x10e: {  	s24 =	sor.u32 s6, s26;
	s6 =	smov.u32 s10;
	s10 =	sld [smem:$0x7DE];
	v1 =	vld [tilespmem:s18+$0x0]  }
0x10f: {  	s20 =	sor.u32 s13, s26;
	s13 =	smov.u32 s9;
	s9 =	sld [smem:$0x7E1]  }
0x110: {  	s23 =	sor.u32 s16, s23;
	[tilespmem:v7+s21+$0x0] =	vst.idx.msk $0xffff, v14;
	v7 =	vld [tilespmem:s3+$0x0]  }
0x111: {  	s26 =	sor.u32 s16, s26;
	s16 =	smov.u32 s10;
	[tilespmem:v3+s21+$0x0] =	vst.idx.msk $0xffff, v5;
	s10 =	sld [smem:$0x7E2]  }
0x112: {  	[tilespmem:v62+s21+$0x0] =	vst.idx.msk $0xffff, v4;
	v8 =	vld [tilespmem:s9+$0x0]  }
0x113: {  	[tilespmem:v31+s21+$0x0] =	vst.idx.msk $0xffff, v1;
	v1 =	vld [tilespmem:s14+$0x0]  }
0x114: {  	s14 =	simm.s32 $0x6000;
	v4 =	vld [tilespmem:s10+$0x0]  }
0x115: {  	[tilespmem:v46+s14+$0x0] =	vst.idx.msk $0xffff, v7;
	v7 =	vld [tilespmem:$0x1FE90];
	_ =	sdelay $0x5  }
0x116: {  	v24 =	vmov v10;
	v10 =	vld [tilespmem:$0x1FEB0];
	_ =	sdelay $0x1  }
0x117: {  	[tilespmem:v7+s14+$0x0] =	vst.idx.msk $0xffff, v8  }
0x118: {  	s30 =	sld [smem:$0x7E0];
	v7 =	vld [tilespmem:s23+$0x0]  }
0x119: {  	s29 =	sld [smem:$0x7E4];
	_ =	sdelay $0x1  }
0x11a: {  	v3 =	vld [tilespmem:s30+$0x0]  }
0x11b: {  	v8 =	vld [tilespmem:s29+$0x0]  }
0x11c: {  	[tilespmem:v10+s14+$0x0] =	vst.idx.msk $0xffff, v7;
	v7 =	vld [tilespmem:$0x1FEC0]  }
0x11d: {  	s18 =	sld [smem:$0x7E3]  }
0x11e: {  	v12 =	vor.u32 s11, v27;
	s11 =	smov.u32 s8;
	s8 =	sor.u32 $0x280, s4  }
0x11f: {  	v6 =	vor.u32 s11, v25;
	v5 =	vld [tilespmem:s8+$0x0];
	[tilespmem:v63+s14+$0x0] =	vst.idx.msk $0xffff, v3  }
0x120: {  	v3 =	vld [tilespmem:s18+$0x0]  }
0x121: {  	s7 =	sld [smem:$0x7DC];
	v25 =	vmov v7;
	v7 =	vld [tilespmem:$0x1FED0];
	_ =	sdelay $0x1  }
0x122: {  	[tilespmem:v12+s21+$0x0] =	vst.idx.msk $0xffff, v9  }
0x123: {  	s12 =	smov.u32 s7;
	s7 =	sld [smem:$0x7E6];
	s21 =	sor.u32 $0x300, s4;
	[tilespmem:v6+s14+$0x0] =	vst.idx.msk $0xffff, v5  }
0x124: {  	v6 =	vor.u32 s11, v54;
	v5 =	vld [tilespmem:s21+$0x0];
	[tilespmem:v30+s14+$0x0] =	vst.idx.msk $0xffff, v1  }
0x125: {  	[tilespmem:v61+s14+$0x0] =	vst.idx.msk $0xffff, v3  }
0x126: {  	v3 =	vld [tilespmem:s7+$0x0]  }
0x127: {  	s4 =	rddreg [dreg:$0x17]  }
0x128: {  	s3 =	sor.u32 s4, s15;
	[tilespmem:v7+s14+$0x0] =	vst.idx.msk $0xffff, v8;
	v7 =	vld [tilespmem:s20+$0x0]  }
0x129: {  	s3 =	sor.u32 $0x380, s3;
	[tilespmem:v6+s14+$0x0] =	vst.idx.msk $0xffff, v5;
	s20 =	sld [smem:$0x7E9]  }
0x12a: {  	v5 =	vld [tilespmem:s3+$0x0]  }
0x12b: {  	v10 =	vld [tilespmem:$0x1FEE0];
	[tilespmem:v56+s14+$0x0] =	vst.idx.msk $0xffff, v3  }
0x12c: {  	s30 =	sld [smem:$0x7E5];
	[tilespmem:v60+s14+$0x0] =	vst.idx.msk $0xffff, v4;
	v3 =	vld [tilespmem:s20+$0x0]  }
0x12d: {  	s8 =	sld [smem:$0x7E7];
	v6 =	vor.u32 s11, v47;
	[tilespmem:v29+s14+$0x0] =	vst.idx.msk $0xffff, v7;
	v29 =	vmov v0;
	v0 =	vld [tilespmem:$0x1FEF0]  }
0x12e: {  	v1 =	vld [tilespmem:s24+$0x0]  }
0x12f: {  	v4 =	vld [tilespmem:s30+$0x0]  }
0x130: {  	v8 =	vld [tilespmem:s8+$0x0]  }
0x131: {  	v7 =	vld [tilespmem:$0x1FF10]  }
0x132: {  	[tilespmem:v6+s14+$0x0] =	vst.idx.msk $0xffff, v5  }
0x133: {  	[tilespmem:v10+s14+$0x0] =	vst.idx.msk $0xffff, v1  }
0x134: {  	s9 =	sld [smem:$0x7E8];
	s10 =	sadd.s32 $0x1800, s22;
	[tilespmem:v55+s14+$0x0] =	vst.idx.msk $0xffff, v4;
	v1 =	vld [tilespmem:s26+$0x0]  }
0x135: {  	s23 =	sor.u32 s12, s10;
	[tilespmem:v0+s14+$0x0] =	vst.idx.msk $0xffff, v8;
	v0 =	vld [tilespmem:s28+$0x0];
	s28 =	sld [smem:$0x7EA]  }
0x136: {  	v5 =	vor.u32 s11, v48;
	v4 =	vld [tilespmem:s23+$0x0]  }
0x137: {  	v16 =	vmov v2;
	v2 =	vld [tilespmem:s9+$0x0]  }
0x138: {  	v6 =	vld [tilespmem:s28+$0x0]  }
0x139: {  	[tilespmem:v7+s14+$0x0] =	vst.idx.msk $0xffff, v1;
	v1 =	vld [tilespmem:$0x1FF20];
	_ =	sdelay $0x1  }
0x13a: {  	[tilespmem:v5+s14+$0x0] =	vst.idx.msk $0xffff, v4;
	v4 =	vld [tilespmem:$0x1FF40];
	_ =	sdelay $0x2  }
0x13b: {  	s18 =	sor.u32 s6, s10;
	[tilespmem:v53+s14+$0x0] =	vst.idx.msk $0xffff, v2;
	v21 =	vmov v1;
	v1 =	vld [tilespmem:s31+$0x0]  }
0x13c: {  	v7 =	vld [tilespmem:s18+$0x0]  }
0x13d: {  	[tilespmem:v50+s14+$0x0] =	vst.idx.msk $0xffff, v0;
	v0 =	vld [tilespmem:$0x1FF30]  }
0x13e: {  	s21 =	sor.u32 s13, s10;
	[tilespmem:v51+s14+$0x0] =	vst.idx.msk $0xffff, v3  }
0x13f: {  	v2 =	vld [tilespmem:s21+$0x0]  }
0x140: {  	[tilespmem:v4+s14+$0x0] =	vst.idx.msk $0xffff, v1;
	v1 =	vld [tilespmem:$0x1FF50];
	_ =	sdelay $0x1  }
0x141: {  	v9 =	vld [tilespmem:$0x1FE70]  }
0x142: {  	s1 =	sadd.s32 $0x4, s1;
	v30 =	vmov v11;
	v11 =	vld [tilespmem:$0x1FEA0];
	s29 =	sadd.s32 $0x1880, s22;
	s31 =	sld [smem:$0x7EB]  }
0x143: {  	p4 =	slt.u32 s1, $0x2C;
	s30 =	sor.u32 s12, s29;
	v8 =	vld [tilespmem:$0x1FF00]  }
.Ltmp8:
0x144: {  	v3 =	vld [tilespmem:s30+$0x0];
	[tilespmem:v0+s14+$0x0] =	vst.idx.msk $0xffff, v6;
	(pc) =	sbr.rel @p4 .LBB2_8-.Ltmp8, $4  }
0x145: {  	s26 =	sor.u32 s16, s10;
	v0 =	vld [tilespmem:s31+$0x0]  }
0x146: {  	v38 =	vor.u32 s19, v48;
	v42 =	vld [tilespmem:s26+$0x0]  }
0x147: {  	p3 =	por !p3, !p3;
	v33 =	vor.u32 s19, v26;
	v45 =	vmovc v20;
	v17 =	vmovc v13;
	v13 =	vmov v58;
	v15 =	vmov v19;
	s24 =	rddreg [dreg:$0xa];
	[tilespmem:v1+s14+$0x0] =	vst.idx.msk $0xffff, v7;
	v7 =	vld [tilespmem:$0x1FF60]  }
0x148: {  	v12 =	vmovc v57;
	v14 =	vmovc v18;
	v31 =	vmov v43;
	v43 =	vor.u32 s11, v22;
	s4 =	sor.u32 s6, s29;
	s7 =	sor.u32 s13, s29;
	s3 =	sor.u32 s16, s29;
	v51 =	vmov v22;
	v1 =	vld [tilespmem:s0+$0x0]  }
0x149: {  	_ =	sdelay $0x3  }
0x14a: {  	[tilespmem:v44+s14+$0x0] =	vst.idx.msk $0xffff, v2  }
0x14b: {  	[tilespmem:v43+s14+$0x0] =	vst.idx.msk $0xffff, v3  }
0x14c: {  	[tilespmem:v38+s14+$0x0] =	vst.idx.msk $0xffff, v42  }
0x14d: {  	v10 =	vld [tilespmem:$0x1FFA0];
	_ =	sdelay $0x1  }
0x14e: {  	v4 =	vld [tilespmem:s4+$0x0]  }
0x14f: {  	s0 =	sadd.s32 $0x1900, s22;
	v2 =	vld [tilespmem:s7+$0x0]  }
0x150: {  	s1 =	sor.u32 s12, s0;
	v5 =	vld [tilespmem:s3+$0x0]  }
0x151: {  	v3 =	vld [tilespmem:s1+$0x0];
	v6 =	vor.u32 s11, v10;
	_ =	sdelay $0x1  }
0x152: {  	[tilespmem:v40+s14+$0x0] =	vst.idx.msk $0xffff, v4  }
0x153: {  	[tilespmem:v41+s14+$0x0] =	vst.idx.msk $0xffff, v2  }
0x154: {  	[tilespmem:v34+s14+$0x0] =	vst.idx.msk $0xffff, v5  }
0x155: {  	[tilespmem:v6+s14+$0x0] =	vst.idx.msk $0xffff, v3  }
0x156: {  	v56 =	vld [tilespmem:$0x1FFB0]  }
0x157: {  	s25 =	sor.u32 s6, s0  }
0x158: {  	s26 =	sor.u32 s13, s0;
	v4 =	vld [tilespmem:s25+$0x0]  }
0x159: {  	s28 =	sadd.s32 $0x1980, s22;
	s0 =	sor.u32 s16, s0;
	v2 =	vld [tilespmem:s26+$0x0]  }
0x15a: {  	s29 =	sor.u32 s12, s28;
	v5 =	vld [tilespmem:s0+$0x0]  }
0x15b: {  	v3 =	vld [tilespmem:s29+$0x0];
	v52 =	vor.u32 s11, v56;
	_ =	sdelay $0x1  }
0x15c: {  	[tilespmem:v36+s14+$0x0] =	vst.idx.msk $0xffff, v4  }
0x15d: {  	[tilespmem:v35+s14+$0x0] =	vst.idx.msk $0xffff, v2  }
0x15e: {  	[tilespmem:v32+s14+$0x0] =	vst.idx.msk $0xffff, v5  }
0x15f: {  	[tilespmem:v52+s14+$0x0] =	vst.idx.msk $0xffff, v3  }
0x160: {  	v50 =	vld [tilespmem:$0x1FFC0]  }
0x161: {  	s30 =	sor.u32 s6, s28  }
0x162: {  	s31 =	sor.u32 s13, s28;
	v53 =	vld [tilespmem:s30+$0x0]  }
0x163: {  	s3 =	sadd.s32 $0x1A00, s22;
	s0 =	sor.u32 s16, s28;
	v55 =	vld [tilespmem:s31+$0x0]  }
0x164: {  	s4 =	sor.u32 s12, s3;
	v5 =	vld [tilespmem:s0+$0x0]  }
0x165: {  	v3 =	vld [tilespmem:s4+$0x0];
	v57 =	vor.u32 s11, v50;
	_ =	sdelay $0x1  }
0x166: {  	[tilespmem:v23+s14+$0x0] =	vst.idx.msk $0xffff, v53  }
0x167: {  	[tilespmem:v24+s14+$0x0] =	vst.idx.msk $0xffff, v55  }
0x168: {  	[tilespmem:v31+s14+$0x0] =	vst.idx.msk $0xffff, v5  }
0x169: {  	[tilespmem:v57+s14+$0x0] =	vst.idx.msk $0xffff, v3  }
0x16a: {  	v52 =	vld [tilespmem:$0x1FFD0]  }
0x16b: {  	s7 =	sor.u32 s6, s3  }
0x16c: {  	s8 =	sor.u32 s13, s3;
	v2 =	vld [tilespmem:s7+$0x0]  }
0x16d: {  	s9 =	sadd.s32 $0x1A80, s22;
	s0 =	sor.u32 s16, s3;
	v4 =	vld [tilespmem:s8+$0x0]  }
0x16e: {  	s10 =	sor.u32 s12, s9;
	v5 =	vld [tilespmem:s0+$0x0]  }
0x16f: {  	v3 =	vld [tilespmem:s10+$0x0];
	v58 =	vor.u32 s11, v52;
	_ =	sdelay $0x1  }
0x170: {  	[tilespmem:v17+s14+$0x0] =	vst.idx.msk $0xffff, v2  }
0x171: {  	[tilespmem:v30+s14+$0x0] =	vst.idx.msk $0xffff, v4  }
0x172: {  	s15 =	sor.u32 s6, s9;
	[tilespmem:v25+s14+$0x0] =	vst.idx.msk $0xffff, v5  }
0x173: {  	v2 =	vld [tilespmem:s15+$0x0];
	[tilespmem:v58+s14+$0x0] =	vst.idx.msk $0xffff, v3  }
0x174: {  	s17 =	sor.u32 s13, s9;
	v53 =	vld [tilespmem:$0x1FFE0]  }
0x175: {  	s0 =	sor.u32 s16, s9;
	v4 =	vld [tilespmem:s17+$0x0]  }
0x176: {  	v5 =	vld [tilespmem:s0+$0x0]  }
0x177: {  	s18 =	sadd.s32 $0x1B00, s22  }
0x178: {  	s19 =	sor.u32 s12, s18  }
0x179: {  	v3 =	vld [tilespmem:s19+$0x0];
	[tilespmem:v16+s14+$0x0] =	vst.idx.msk $0xffff, v2;
	v59 =	vor.u32 s11, v53  }
0x17a: {  	[tilespmem:v29+s14+$0x0] =	vst.idx.msk $0xffff, v4  }
0x17b: {  	[tilespmem:v21+s14+$0x0] =	vst.idx.msk $0xffff, v5  }
0x17c: {  	s20 =	sor.u32 s6, s18;
	[tilespmem:v9+s14+$0x0] =	vst.idx.msk $0xffff, v0  }
0x17d: {  	s21 =	sor.u32 s13, s18;
	[tilespmem:v11+s14+$0x0] =	vst.idx.msk $0xffff, v1;
	v2 =	vld [tilespmem:s20+$0x0]  }
0x17e: {  	v4 =	vld [tilespmem:s21+$0x0];
	[tilespmem:v59+s14+$0x0] =	vst.idx.msk $0xffff, v3  }
0x17f: {  	s0 =	sor.u32 s16, s18;
	v55 =	vld [tilespmem:$0x1FFF0]  }
0x180: {  	v5 =	vld [tilespmem:s0+$0x0]  }
0x181: {  	v60 =	vld [tilespmem:s5+$0x0];
	s23 =	sadd.s32 $0x1B80, s22  }
0x182: {  	s25 =	sor.u32 s6, s23;
	v61 =	vld [tilespmem:s2+$0x0];
	[tilespmem:v12+s14+$0x0] =	vst.idx.msk $0xffff, v2  }
0x183: {  	s24 =	sor.u32 s12, s23;
	v2 =	vld [tilespmem:s25+$0x0]  }
0x184: {  	s26 =	sor.u32 s13, s23;
	v3 =	vld [tilespmem:s24+$0x0];
	[tilespmem:v13+s14+$0x0] =	vst.idx.msk $0xffff, v4;
	v62 =	vor.u32 s11, v55  }
0x185: {  	s0 =	sor.u32 s16, s23;
	[tilespmem:v33+s14+$0x0] =	vst.idx.msk $0xffff, v5;
	v4 =	vld [tilespmem:s26+$0x0]  }
0x186: {  	[tilespmem:v8+s14+$0x0] =	vst.idx.msk $0xffff, v60;
	v63 =	vld [tilespmem:s0+$0x0]  }
0x187: {  	s3 =	sld [smem:$0x7ED];
	[tilespmem:v7+s14+$0x0] =	vst.idx.msk $0xffff, v61  }
0x188: {  	[tilespmem:v39+s14+$0x0] =	vst.idx.msk $0xffff, v2  }
0x189: {  	[tilespmem:v62+s14+$0x0] =	vst.idx.msk $0xffff, v3  }
0x18a: {  	s1 =	sld [smem:$0x7F2];
	[tilespmem:v37+s14+$0x0] =	vst.idx.msk $0xffff, v4  }
0x18b: {  	s28 =	sadd.s32 $0xFFFFFAEA, s3;
	s2 =	sld [smem:$0x7F1];
	[tilespmem:v28+s14+$0x0] =	vst.idx.msk $0xffff, v63  }
0x18c: {  	s0 =	smin.u32 s28, s3;
	s30 =	sld [smem:$0x7F6]  }
0x18d: {  	s0 =	smul.u32 $0x3000, s0;
	s4 =	sld [smem:$0x7EE]  }
0x18e: {  	p3 =	slt.u32 s3, $0x516  }
0x18f: {  	s0 =	sshrl.u32 s0, $0x3;
	s1 =	smov.u32 @p3 s2  }
0x190: {  	s29 =	simm.s32 $0x0;
	s0 =	sadd.s32 s1, s0;
	p3 =	sge.u32 s4, s30  }
0x191: {  	[hbm4b:s0+s29] =	stream.linear.scatter [tilespmem:s14], [sflag:$0x3], $0x3000, $0x38;
	[tilespmem:$0xC400] =	vst v63  }
0x192: {  	p4 =	sgt.u32 @!p3 s3, $0x513  }
0x193: {  	s0 =	simm.s32 @!p3 $0xFFFFFAEC;
	p4 =	por !p4, p3  }
0x194: {  	s0 =	simm.s32 @p4 $0x2  }
0x195: {  	s31 =	sld [smem:$0x7EC];
	s0 =	sadd.s32 @!p3 s3, s0  }
0x196: {  	s2 =	rddreg [dreg:$0x1];
	p4 =	slt.u32 @!p3 s3, $0x514;
	s0 =	smul.u32 @!p3 $0x1800, s0  }
0x197: {  	s1 =	rddreg [dreg:$0x0];
	p4 =	por !p4, p3  }
0x198: {  	s3 =	simm.s32 @!p3 $0x0;
	s1 =	smov.u32 @p4 s2;
	s0 =	sshrl.u32 @!p3 s0, $0x3  }
0x199: {  	s2 =	simm.s32 @!p3 $0x7A1400;
	s0 =	sadd.s32 @!p3 s1, s0;
	s1 =	simm.s32 @!p3 $0x1800  }
0x19a: {  	[tilespmem:s3], [sflag:$0x1] =	stream.strided.gather @!p3 [hbm4b:s0+s1], $0x3000, s2, s1, $0x38;
	[tilespmem:$0xC400] =	vst v63  }
0x19b: {  	p3 =	seq.s32 s31, $0x0  }
.Ltmp9:
0x19c: {  	_ = 	snop;
	(pc) =	sbr.rel @p3 .LBB2_13-.Ltmp9, $4  }
0x19d: {  	_ = 	snop  }
0x19e: {  	v24 =	vld [tilespmem:$0x1FF70]  }
0x19f: {  	v25 =	vld [tilespmem:$0x1FF80]  }
0x1a0: {  	v32 =	vmov v10;
	v26 =	vld [tilespmem:$0x1FF90]  }
.LBB2_10:
0x1a1: {  	s0 =	simm.s32 $0x2  }
0x1a2: {  	_ =	swait.ge [sflag:s0], $0x3000  }
0x1a3: {  	p3 =	slt.u32 s4, $0x2;
	[sflag:s0] =	ssyncset.done $0x0  }
0x1a4: {  	s3 =	simm.s32 $0x0;
	s1 =	simm.s32 @!p3 $0x4;
	[sflag:s0] =	ssyncadd.s32 $0xFFFFD000  }
0x1a5: {  	s10 =	simm.s32 $0x10;
	s8 =	sand.u32 $0x1C00, s3;
	_ =	swait.ge @!p3 [sflag:s1], $0x3000  }
0x1a6: {  	s12 =	sadd.s32 $0x3000, s8;
	s0 =	sand.u32 $0x50, s10;
	[sflag:s1] =	ssyncset.done @!p3 $0x0  }
0x1a7: {  	s2 =	simm.s32 $0x100;
	s17 =	sor.u32 s0, s12;
	[sflag:s1] =	ssyncadd.s32 @!p3 $0xFFFFD000  }
0x1a8: {  	v0 =	vor.u32 s2, v14;
	v1 =	vld [tilespmem:s17+$0x0]  }
0x1a9: {  	s9 =	simm.s32 $0x0  }
0x1aa: {  	s1 =	sand.u32 $0x40, s9  }
0x1ab: {  	s11 =	simm.s32 $0x0;
	s7 =	sor.u32 s1, s12  }
0x1ac: {  	s19 =	simm.s32 $0x9000;
	v3 =	vor.u32 s11, v14;
	v2 =	vld [tilespmem:s7+$0x0]  }
0x1ad: {  	[tilespmem:v0+s19+$0x0] =	vst.idx.msk $0xffff, v1  }
0x1ae: {  	v0 =	vor.u32 s2, v15;
	v1 =	vld [tilespmem:s17+$0x80];
	_ =	sdelay $0x1  }
0x1af: {  	s6 =	simm.s32 $0x20  }
0x1b0: {  	s30 =	sand.u32 $0x60, s6;
	[tilespmem:v3+s19+$0x0] =	vst.idx.msk $0xffff, v2  }
0x1b1: {  	s31 =	simm.s32 $0x200;
	s13 =	sor.u32 s30, s12;
	v3 =	vor.u32 s11, v15;
	v2 =	vld [tilespmem:s7+$0x80]  }
0x1b2: {  	v4 =	vor.u32 s31, v14;
	v5 =	vld [tilespmem:s13+$0x0];
	[tilespmem:v0+s19+$0x0] =	vst.idx.msk $0xffff, v1  }
0x1b3: {  	v0 =	vor.u32 s2, v45;
	v1 =	vld [tilespmem:s17+$0x100];
	_ =	sdelay $0x2  }
0x1b4: {  	[tilespmem:v3+s19+$0x0] =	vst.idx.msk $0xffff, v2  }
0x1b5: {  	[tilespmem:v4+s19+$0x0] =	vst.idx.msk $0xffff, v5;
	v3 =	vor.u32 s11, v45;
	v2 =	vld [tilespmem:s7+$0x100]  }
0x1b6: {  	v4 =	vor.u32 s31, v15;
	v5 =	vld [tilespmem:s13+$0x80];
	[tilespmem:v0+s19+$0x0] =	vst.idx.msk $0xffff, v1  }
0x1b7: {  	v0 =	vor.u32 s2, v24;
	v1 =	vld [tilespmem:s17+$0x180]  }
0x1b8: {  	s18 =	sand.u32 $0x7, s3  }
0x1b9: {  	s4 =	sshll.u32 s18, $0x4  }
0x1ba: {  	s5 =	simm.s32 $0x0;
	s11 =	sadd.s32 $0x0, s4;
	[tilespmem:v3+s19+$0x0] =	vst.idx.msk $0xffff, v2  }
0x1bb: {  	[tilespmem:v4+s19+$0x0] =	vst.idx.msk $0xffff, v5;
	s14 =	sadd.s32 $0x10, s11;
	v3 =	vor.u32 s5, v24;
	v2 =	vld [tilespmem:s7+$0x180]  }
0x1bc: {  	p3 =	por $0x0, $0x0;
	v4 =	vor.u32 s31, v45;
	v5 =	vld [tilespmem:s13+$0x100];
	s4 =	simm.s32 $0x1;
	s20 =	sor.u32 $0x200, s14;
	[tilespmem:v0+s19+$0x0] =	vst.idx.msk $0xffff, v1  }
0x1bd: {  	s4 =	simm.s32 @!p3 $0x0;
	v1 =	vor.u32 s2, v25;
	v0 =	vld [tilespmem:s20+$0x3000]  }
0x1be: {  	s4 =	sshll.u32 s4, $0x6  }
0x1bf: {  	s15 =	sadd.s32 $0x0, s4  }
0x1c0: {  	s4 =	sor.u32 $0x200, s15;
	[tilespmem:v3+s19+$0x0] =	vst.idx.msk $0xffff, v2  }
0x1c1: {  	[tilespmem:v4+s19+$0x0] =	vst.idx.msk $0xffff, v5;
	v3 =	vor.u32 s5, v25;
	v2 =	vld [tilespmem:s4+$0x3000]  }
0x1c2: {  	s21 =	sor.u32 $0x280, s14;
	v4 =	vor.u32 s31, v24;
	s17 =	simm.s32 $0x30;
	v5 =	vld [tilespmem:s13+$0x180];
	[tilespmem:v1+s19+$0x0] =	vst.idx.msk $0xffff, v0  }
0x1c3: {  	s16 =	sand.u32 $0x3, s3;
	s7 =	sand.u32 $0x70, s17;
	v1 =	vor.u32 s2, v26;
	v0 =	vld [tilespmem:s21+$0x3000]  }
0x1c4: {  	s22 =	sshll.u32 s16, $0x5;
	s12 =	sor.u32 s7, s12;
	s4 =	simm.s32 $0x300  }
0x1c5: {  	s13 =	sadd.s32 $0x0, s22;
	v7 =	vld [tilespmem:s12+$0x0];
	v6 =	vor.u32 s4, v14  }
0x1c6: {  	s23 =	sor.u32 $0x280, s15;
	s13 =	sadd.s32 $0x20, s13;
	[tilespmem:v3+s19+$0x0] =	vst.idx.msk $0xffff, v2  }
0x1c7: {  	s24 =	sor.u32 $0x200, s13;
	[tilespmem:v4+s19+$0x0] =	vst.idx.msk $0xffff, v5;
	v3 =	vor.u32 s5, v26;
	v2 =	vld [tilespmem:s23+$0x3000]  }
0x1c8: {  	s14 =	sor.u32 $0x300, s14;
	v5 =	vor.u32 s31, v25;
	v4 =	vld [tilespmem:s24+$0x3000];
	[tilespmem:v1+s19+$0x0] =	vst.idx.msk $0xffff, v0  }
0x1c9: {  	v1 =	vor.u32 s2, v54;
	v0 =	vld [tilespmem:s14+$0x3000]  }
0x1ca: {  	[tilespmem:v6+s19+$0x0] =	vst.idx.msk $0xffff, v7  }
0x1cb: {  	v58 =	vor.u32 s4, v15;
	v7 =	vld [tilespmem:s12+$0x80]  }
0x1cc: {  	s26 =	simm.s32 $0x0;
	s25 =	sor.u32 $0x300, s15;
	[tilespmem:v3+s19+$0x0] =	vst.idx.msk $0xffff, v2  }
0x1cd: {  	s10 =	sor.u32 s10, s3;
	s15 =	sor.u32 $0x280, s13;
	[tilespmem:v5+s19+$0x0] =	vst.idx.msk $0xffff, v4;
	v3 =	vor.u32 s26, v54;
	v2 =	vld [tilespmem:s25+$0x3000]  }
0x1ce: {  	s10 =	sor.u32 $0x380, s10;
	v5 =	vor.u32 s31, v26;
	v4 =	vld [tilespmem:s15+$0x3000];
	[tilespmem:v1+s19+$0x0] =	vst.idx.msk $0xffff, v0  }
0x1cf: {  	v1 =	vor.u32 s2, v47;
	v0 =	vld [tilespmem:s10+$0x3000]  }
0x1d0: {  	[tilespmem:v58+s19+$0x0] =	vst.idx.msk $0xffff, v7  }
0x1d1: {  	s9 =	sor.u32 s9, s3;
	v59 =	vor.u32 s4, v45;
	v7 =	vld [tilespmem:s12+$0x100]  }
0x1d2: {  	s9 =	sor.u32 $0x380, s9;
	[tilespmem:v3+s19+$0x0] =	vst.idx.msk $0xffff, v2  }
0x1d3: {  	s16 =	sor.u32 $0x300, s13;
	s24 =	sadd.s32 $0x4800, s8;
	[tilespmem:v5+s19+$0x0] =	vst.idx.msk $0xffff, v4;
	v3 =	vor.u32 s26, v47;
	v2 =	vld [tilespmem:s9+$0x3000]  }
0x1d4: {  	s18 =	sor.u32 s0, s24;
	v5 =	vor.u32 s31, v54;
	v4 =	vld [tilespmem:s16+$0x3000];
	[tilespmem:v1+s19+$0x0] =	vst.idx.msk $0xffff, v0  }
0x1d5: {  	v1 =	vor.u32 s2, v48;
	v0 =	vld [tilespmem:s18+$0x0]  }
0x1d6: {  	[tilespmem:v59+s19+$0x0] =	vst.idx.msk $0xffff, v7  }
0x1d7: {  	v60 =	vor.u32 s4, v24;
	v6 =	vld [tilespmem:s12+$0x180]  }
0x1d8: {  	s6 =	sor.u32 s6, s3;
	s20 =	sor.u32 s1, s24;
	s21 =	simm.s32 $0x0;
	[tilespmem:v3+s19+$0x0] =	vst.idx.msk $0xffff, v2  }
0x1d9: {  	s22 =	sor.u32 $0x380, s6;
	s23 =	sadd.s32 $0x4880, s8;
	[tilespmem:v5+s19+$0x0] =	vst.idx.msk $0xffff, v4;
	v3 =	vor.u32 s21, v48;
	v2 =	vld [tilespmem:s20+$0x0]  }
0x1da: {  	s25 =	sor.u32 s0, s23;
	v5 =	vor.u32 s31, v47;
	v4 =	vld [tilespmem:s22+$0x3000];
	[tilespmem:v1+s19+$0x0] =	vst.idx.msk $0xffff, v0  }
0x1db: {  	s6 =	sadd.s32 $0x30, s11;
	v1 =	vor.u32 s2, v51;
	v0 =	vld [tilespmem:s25+$0x0]  }
0x1dc: {  	s26 =	sor.u32 $0x200, s6;
	[tilespmem:v60+s19+$0x0] =	vst.idx.msk $0xffff, v6  }
0x1dd: {  	v61 =	vor.u32 s4, v25;
	v6 =	vld [tilespmem:s26+$0x3000]  }
0x1de: {  	s11 =	sor.u32 s1, s23;
	[tilespmem:v3+s19+$0x0] =	vst.idx.msk $0xffff, v2  }
0x1df: {  	s14 =	sadd.s32 $0x4900, s8;
	s12 =	sor.u32 s30, s24;
	[tilespmem:v5+s19+$0x0] =	vst.idx.msk $0xffff, v4;
	v3 =	vor.u32 s21, v51;
	v2 =	vld [tilespmem:s11+$0x0]  }
0x1e0: {  	s16 =	simm.s32 $0x200;
	s13 =	sor.u32 s0, s14;
	s10 =	simm.s32 $0x40;
	v5 =	vor.u32 s31, v48;
	v4 =	vld [tilespmem:s12+$0x0];
	[tilespmem:v1+s19+$0x0] =	vst.idx.msk $0xffff, v0  }
0x1e1: {  	s9 =	sand.u32 $0x1C00, s16;
	s28 =	sand.u32 $0x40, s10;
	s20 =	simm.s32 $0x50;
	v1 =	vor.u32 s2, v32;
	v0 =	vld [tilespmem:s13+$0x0]  }
0x1e2: {  	s15 =	sadd.s32 $0x3000, s9;
	s18 =	sor.u32 $0x280, s6;
	s5 =	sand.u32 $0x50, s20;
	[tilespmem:v61+s19+$0x0] =	vst.idx.msk $0xffff, v6  }
0x1e3: {  	s22 =	simm.s32 $0x400;
	s16 =	sor.u32 s28, s15;
	v6 =	vld [tilespmem:s18+$0x3000];
	[smem:$0x7DB] =	sst s5  }
0x1e4: {  	v8 =	vor.u32 s22, v14;
	s25 =	simm.s32 $0x500;
	s18 =	sor.u32 s5, s15;
	v62 =	vld [tilespmem:s16+$0x0];
	[tilespmem:v3+s19+$0x0] =	vst.idx.msk $0xffff, v2  }
0x1e5: {  	s26 =	sor.u32 s30, s23;
	s21 =	sor.u32 s1, s14;
	v2 =	vor.u32 s25, v14;
	v3 =	vld [tilespmem:s18+$0x0];
	[tilespmem:v5+s19+$0x0] =	vst.idx.msk $0xffff, v4  }
0x1e6: {  	v9 =	vor.u32 s4, v26;
	s20 =	simm.s32 $0x70;
	s11 =	sadd.s32 $0x4980, s8;
	v16 =	vld [tilespmem:s21+$0x0];
	s21 =	simm.s32 $0x70;
	[tilespmem:v1+s19+$0x0] =	vst.idx.msk $0xffff, v0  }
0x1e7: {  	s20 =	sand.u32 $0x70, s20;
	s5 =	sor.u32 s0, s11;
	v4 =	vld [tilespmem:s26+$0x0];
	[dreg:$0x8] =	wrdreg s21  }
0x1e8: {  	s12 =	simm.s32 $0x700;
	s13 =	sor.u32 s20, s15;
	v1 =	vor.u32 s2, v56;
	v0 =	vld [tilespmem:s5+$0x0]  }
0x1e9: {  	v5 =	vor.u32 s12, v14;
	[tilespmem:v8+s19+$0x0] =	vst.idx.msk $0xffff, v62;
	v63 =	vld [tilespmem:s13+$0x0]  }
0x1ea: {  	v10 =	vor.u32 s22, v15;
	s26 =	simm.s32 $0x60;
	[tilespmem:v2+s19+$0x0] =	vst.idx.msk $0xffff, v3;
	v8 =	vld [tilespmem:s16+$0x80]  }
0x1eb: {  	s6 =	sor.u32 $0x300, s6;
	s29 =	sand.u32 $0x60, s26;
	[tilespmem:v9+s19+$0x0] =	vst.idx.msk $0xffff, v6;
	v2 =	vor.u32 s25, v15;
	v3 =	vld [tilespmem:s18+$0x80]  }
0x1ec: {  	v28 =	vor.u32 s4, v54;
	s21 =	simm.s32 $0x600;
	v6 =	vld [tilespmem:s6+$0x3000];
	s6 =	sor.u32 s29, s15;
	s15 =	sadd.s32 $0x4A00, s8  }
0x1ed: {  	v11 =	vor.u32 s21, v14;
	v12 =	vld [tilespmem:s6+$0x0];
	s26 =	sor.u32 s0, s15;
	[tilespmem:v1+s19+$0x0] =	vst.idx.msk $0xffff, v0  }
0x1ee: {  	v30 =	vor.u32 s31, v51;
	[tilespmem:v5+s19+$0x0] =	vst.idx.msk $0xffff, v63;
	v0 =	vld [tilespmem:s26+$0x0]  }
0x1ef: {  	v1 =	vor.u32 s2, v50;
	[tilespmem:v10+s19+$0x0] =	vst.idx.msk $0xffff, v8;
	v7 =	vld [tilespmem:s13+$0x80]  }
0x1f0: {  	s3 =	sor.u32 s17, s3;
	v5 =	vor.u32 s12, v15;
	[tilespmem:v2+s19+$0x0] =	vst.idx.msk $0xffff, v3;
	v8 =	vld [tilespmem:s16+$0x100]  }
0x1f1: {  	s3 =	sor.u32 $0x380, s3;
	v29 =	vor.u32 s22, v45;
	[tilespmem:v28+s19+$0x0] =	vst.idx.msk $0xffff, v6;
	v3 =	vld [tilespmem:s18+$0x100]  }
0x1f2: {  	v2 =	vor.u32 s25, v45;
	v6 =	vld [tilespmem:s3+$0x3000];
	[tilespmem:v11+s19+$0x0] =	vst.idx.msk $0xffff, v12  }
0x1f3: {  	v31 =	vor.u32 s21, v15;
	[tilespmem:v30+s19+$0x0] =	vst.idx.msk $0xffff, v4;
	s3 =	sadd.s32 $0x4A80, s8;
	v12 =	vld [tilespmem:s6+$0x80]  }
0x1f4: {  	s5 =	sor.u32 s0, s3;
	[tilespmem:v1+s19+$0x0] =	vst.idx.msk $0xffff, v0;
	v1 =	vor.u32 s4, v47  }
0x1f5: {  	[tilespmem:v5+s19+$0x0] =	vst.idx.msk $0xffff, v7;
	v0 =	vld [tilespmem:s5+$0x0]  }
0x1f6: {  	v5 =	vor.u32 s12, v45;
	[tilespmem:v29+s19+$0x0] =	vst.idx.msk $0xffff, v8;
	v7 =	vld [tilespmem:s13+$0x100]  }
0x1f7: {  	v33 =	vor.u32 s22, v24;
	[tilespmem:v2+s19+$0x0] =	vst.idx.msk $0xffff, v3;
	v8 =	vld [tilespmem:s16+$0x180]  }
0x1f8: {  	p3 =	por !p3, !p3;
	v3 =	vor.u32 s2, v52;
	v2 =	vld [tilespmem:s18+$0x180];
	s18 =	sor.u32 s30, s14;
	[tilespmem:v31+s19+$0x0] =	vst.idx.msk $0xffff, v12  }
0x1f9: {  	s17 =	simm.s32 $0x1;
	v34 =	vor.u32 s25, v24;
	s5 =	sor.u32 s7, s24;
	s24 =	simm.s32 $0x4;
	v4 =	vld [tilespmem:s18+$0x0];
	[tilespmem:v1+s19+$0x0] =	vst.idx.msk $0xffff, v6  }
0x1fa: {  	s17 =	simm.s32 @!p3 $0x0;
	v35 =	vor.u32 s21, v45;
	v12 =	vld [tilespmem:s6+$0x100];
	[dreg:$0x9] =	wrdreg s24  }
0x1fb: {  	s17 =	sshll.u32 s17, $0x6;
	s26 =	simm.s32 $0x4;
	v1 =	vld [tilespmem:s5+$0x0];
	[tilespmem:v5+s19+$0x0] =	vst.idx.msk $0xffff, v7;
	v5 =	vor.u32 s4, v48  }
0x1fc: {  	v37 =	vor.u32 s12, v24;
	s26 =	sand.u32 $0x7, s26;
	s16 =	sadd.s32 $0x200, s17;
	[tilespmem:v33+s19+$0x0] =	vst.idx.msk $0xffff, v8;
	v36 =	vld [tilespmem:s13+$0x180]  }
0x1fd: {  	s17 =	sadd.s32 $0x4B00, s8;
	s24 =	sshll.u32 s26, $0x4;
	s5 =	sor.u32 $0x200, s16;
	[tilespmem:v3+s19+$0x0] =	vst.idx.msk $0xffff, v0  }
0x1fe: {  	s18 =	sor.u32 s0, s17;
	v0 =	vor.u32 s22, v25;
	[tilespmem:v34+s19+$0x0] =	vst.idx.msk $0xffff, v2;
	s13 =	sadd.s32 $0x200, s24;
	v8 =	vld [tilespmem:s5+$0x3000]  }
0x1ff: {  	s26 =	sor.u32 s7, s23;
	s23 =	simm.s32 $0x600;
	v2 =	vor.u32 s2, v53;
	v3 =	vld [tilespmem:s18+$0x0];
	[tilespmem:v35+s19+$0x0] =	vst.idx.msk $0xffff, v12;
	s24 =	sadd.s32 $0x10, s13  }
0x200: {  	s21 =	simm.s32 $0x500;
	v12 =	vor.u32 s23, v24;
	v11 =	vld [tilespmem:s6+$0x180];
	s25 =	sor.u32 $0x200, s24;
	[tilespmem:v5+s19+$0x0] =	vst.idx.msk $0xffff, v1  }
0x201: {  	v38 =	vor.u32 s21, v25;
	s5 =	simm.s32 $0x2;
	s18 =	sadd.s32 $0x30, s13;
	v9 =	vld [tilespmem:s25+$0x3000];
	s25 =	simm.s32 $0x2;
	[tilespmem:v37+s19+$0x0] =	vst.idx.msk $0xffff, v36  }
0x202: {  	v5 =	vor.u32 s4, v51;
	v1 =	vld [tilespmem:s26+$0x0];
	s26 =	sand.u32 $0x3, s5;
	s5 =	sor.u32 $0x200, s18;
	[dreg:$0xb] =	wrdreg s25  }
0x203: {  	v6 =	vld [tilespmem:s5+$0x3000];
	[tilespmem:v0+s19+$0x0] =	vst.idx.msk $0xffff, v8;
	v0 =	vor.u32 s12, v25  }
0x204: {  	s8 =	sadd.s32 $0x4B80, s8;
	s6 =	sshll.u32 s26, $0x5;
	s25 =	sor.u32 $0x280, s16;
	[tilespmem:v2+s19+$0x0] =	vst.idx.msk $0xffff, v3  }
0x205: {  	v40 =	vor.u32 s22, v26;
	s0 =	sor.u32 s0, s8;
	s6 =	sadd.s32 $0x200, s6;
	[tilespmem:v12+s19+$0x0] =	vst.idx.msk $0xffff, v11;
	v39 =	vld [tilespmem:s25+$0x3000]  }
0x206: {  	s26 =	sor.u32 $0x280, s24;
	v3 =	vor.u32 s31, v32;
	v2 =	vld [tilespmem:s0+$0x0];
	[tilespmem:v38+s19+$0x0] =	vst.idx.msk $0xffff, v9;
	s0 =	sadd.s32 $0x20, s6  }
0x207: {  	v41 =	vor.u32 s21, v26;
	v9 =	vld [tilespmem:s26+$0x3000];
	s5 =	sor.u32 $0x200, s0;
	[tilespmem:v5+s19+$0x0] =	vst.idx.msk $0xffff, v1  }
0x208: {  	s13 =	sor.u32 s7, s14;
	v12 =	vor.u32 s23, v25;
	v11 =	vld [tilespmem:s5+$0x3000];
	[tilespmem:v0+s19+$0x0] =	vst.idx.msk $0xffff, v6  }
0x209: {  	s14 =	sor.u32 $0x280, s18;
	s5 =	simm.s32 $0x0;
	v1 =	vld [tilespmem:s13+$0x0];
	v0 =	vor.u32 s4, v32;
	[dreg:$0xc] =	wrdreg s18  }
0x20a: {  	s16 =	sor.u32 $0x300, s16;
	v42 =	vor.u32 s5, v32;
	v5 =	vld [tilespmem:s14+$0x3000];
	[tilespmem:v40+s19+$0x0] =	vst.idx.msk $0xffff, v39  }
0x20b: {  	s18 =	sor.u32 s30, s11;
	[tilespmem:v3+s19+$0x0] =	vst.idx.msk $0xffff, v4;
	v3 =	vor.u32 s22, v54;
	v7 =	vld [tilespmem:s16+$0x3000]  }
0x20c: {  	v43 =	vor.u32 s31, v56;
	s25 =	sor.u32 $0x300, s24;
	[tilespmem:v41+s19+$0x0] =	vst.idx.msk $0xffff, v9;
	v4 =	vld [tilespmem:s18+$0x0]  }
0x20d: {  	v44 =	vor.u32 s21, v54;
	s26 =	sor.u32 $0x280, s0;
	v9 =	vld [tilespmem:s25+$0x3000];
	[tilespmem:v12+s19+$0x0] =	vst.idx.msk $0xffff, v11  }
0x20e: {  	s14 =	smov.u32 s9;
	s9 =	sor.u32 s7, s11;
	v12 =	vor.u32 s23, v26;
	s16 =	simm.s32 $0x200;
	v11 =	vld [tilespmem:s26+$0x3000];
	[tilespmem:v0+s19+$0x0] =	vst.idx.msk $0xffff, v1  }
0x20f: {  	s13 =	sor.u32 s1, s11;
	[tilespmem:v42+s19+$0x0] =	vst.idx.msk $0xffff, v16;
	s10 =	sor.u32 s10, s16;
	v1 =	vor.u32 s4, v56;
	v0 =	vld [tilespmem:s9+$0x0]  }
0x210: {  	s24 =	simm.s32 $0x50;
	v13 =	vor.u32 s5, v56;
	v6 =	vld [tilespmem:s13+$0x0];
	s18 =	sor.u32 $0x380, s10;
	[tilespmem:v3+s19+$0x0] =	vst.idx.msk $0xffff, v7  }
0x211: {  	v46 =	vor.u32 s22, v47;
	s5 =	sor.u32 s30, s15;
	s25 =	sor.u32 s24, s16;
	[tilespmem:v43+s19+$0x0] =	vst.idx.msk $0xffff, v4;
	v3 =	vld [tilespmem:s18+$0x3000]  }
0x212: {  	v49 =	vor.u32 s31, v50;
	s6 =	sor.u32 $0x380, s25;
	[tilespmem:v44+s19+$0x0] =	vst.idx.msk $0xffff, v9;
	v4 =	vld [tilespmem:s5+$0x0]  }
0x213: {  	s0 =	sor.u32 $0x300, s0;
	v9 =	vld [tilespmem:s6+$0x3000];
	[tilespmem:v12+s19+$0x0] =	vst.idx.msk $0xffff, v11  }
0x214: {  	v57 =	vor.u32 s21, v47;
	s13 =	sor.u32 s7, s15;
	v11 =	vld [tilespmem:s0+$0x3000];
	[tilespmem:v1+s19+$0x0] =	vst.idx.msk $0xffff, v0  }
0x215: {  	s15 =	sor.u32 s1, s15;
	v12 =	vor.u32 s23, v54;
	s6 =	sadd.s32 $0x4800, s14;
	v0 =	vld [tilespmem:s13+$0x0];
	s5 =	sld [smem:$0x7DB];
	[tilespmem:v13+s19+$0x0] =	vst.idx.msk $0xffff, v6  }
0x216: {  	s11 =	simm.s32 $0x0;
	s16 =	sor.u32 s28, s6;
	v1 =	vor.u32 s4, v50;
	v6 =	vld [tilespmem:s15+$0x0];
	[tilespmem:v46+s19+$0x0] =	vst.idx.msk $0xffff, v3  }
0x217: {  	s24 =	simm.s32 $0x200;
	s18 =	sor.u32 s30, s3;
	v13 =	vor.u32 s11, v50;
	[tilespmem:v49+s19+$0x0] =	vst.idx.msk $0xffff, v4;
	v3 =	vld [tilespmem:s16+$0x0]  }
0x218: {  	v58 =	vor.u32 s22, v48;
	s26 =	simm.s32 $0x200;
	s25 =	simm.s32 $0x60;
	v4 =	vld [tilespmem:s18+$0x0];
	[dreg:$0x7] =	wrdreg s24  }
0x219: {  	v59 =	vor.u32 s31, v52;
	s0 =	sor.u32 s25, s26;
	s26 =	sor.u32 s5, s6;
	[tilespmem:v57+s19+$0x0] =	vst.idx.msk $0xffff, v9  }
0x21a: {  	v60 =	vor.u32 s21, v48;
	s0 =	sor.u32 $0x380, s0;
	[tilespmem:v12+s19+$0x0] =	vst.idx.msk $0xffff, v11;
	v9 =	vld [tilespmem:s26+$0x0]  }
0x21b: {  	s9 =	sor.u32 s7, s3;
	v11 =	vld [tilespmem:s0+$0x3000];
	[tilespmem:v1+s19+$0x0] =	vst.idx.msk $0xffff, v0  }
0x21c: {  	s10 =	sadd.s32 $0x4880, s14;
	s15 =	sor.u32 s1, s3;
	v0 =	vld [tilespmem:s9+$0x0];
	[tilespmem:v13+s19+$0x0] =	vst.idx.msk $0xffff, v6  }
0x21d: {  	s16 =	sor.u32 s28, s10;
	v12 =	vor.u32 s23, v47;
	v6 =	vld [tilespmem:s15+$0x0];
	[tilespmem:v58+s19+$0x0] =	vst.idx.msk $0xffff, v3  }
0x21e: {  	s18 =	sor.u32 s30, s17;
	[tilespmem:v59+s19+$0x0] =	vst.idx.msk $0xffff, v4;
	v3 =	vld [tilespmem:s16+$0x0]  }
0x21f: {  	s25 =	sor.u32 s5, s10;
	s26 =	sor.u32 s7, s17;
	s7 =	sor.u32 s7, s8;
	v8 =	vld [tilespmem:s18+$0x0];
	[tilespmem:v60+s19+$0x0] =	vst.idx.msk $0xffff, v9  }
0x220: {  	s13 =	simm.s32 $0x700;
	v1 =	vor.u32 s4, v52;
	v19 =	vld [tilespmem:s25+$0x0];
	[dreg:$0x10] =	wrdreg s7  }
0x221: {  	[dreg:$0x5] =	wrdreg s13  }
0x222: {  	s15 =	sor.u32 s1, s8;
	[tilespmem:v12+s19+$0x0] =	vst.idx.msk $0xffff, v11  }
0x223: {  	v13 =	vor.u32 s11, v52;
	s16 =	sor.u32 s29, s10;
	[dreg:$0x1d] =	wrdreg s15  }
0x224: {  	v61 =	vor.u32 s22, v51;
	[dreg:$0x1e] =	wrdreg s16  }
0x225: {  	s24 =	sor.u32 s29, s6;
	s18 =	sor.u32 s20, s6;
	[tilespmem:v1+s19+$0x0] =	vst.idx.msk $0xffff, v0  }
0x226: {  	v62 =	vor.u32 s12, v26;
	s12 =	sor.u32 s30, s8;
	v4 =	vor.u32 s2, v55;
	v20 =	vld [tilespmem:s24+$0x0];
	s24 =	sor.u32 s20, s10;
	[dreg:$0xf] =	wrdreg s18  }
0x227: {  	v17 =	vor.u32 s31, v55;
	v63 =	vor.u32 s31, v53;
	s31 =	simm.s32 $0x300;
	s30 =	simm.s32 $0x0;
	[dreg:$0xd] =	wrdreg s24  }
0x228: {  	s9 =	simm.s32 $0xB0;
	s2 =	sor.u32 s1, s17;
	s17 =	sadd.s32 $0x4900, s14;
	[tilespmem:v13+s19+$0x0] =	vst.idx.msk $0xffff, v6  }
0x229: {  	s8 =	smov.u32 s28;
	s1 =	simm.s32 $0x4;
	v1 =	vld [tilespmem:s26+$0x0];
	[tilespmem:v61+s19+$0x0] =	vst.idx.msk $0xffff, v3;
	s26 =	sor.u32 s29, s17  }
0x22a: {  	s25 =	sor.u32 s28, s17;
	s28 =	smov.u32 s20;
	v0 =	vld [tilespmem:s2+$0x0];
	[dreg:$0xe] =	wrdreg s26  }
0x22b: {  	s13 =	sor.u32 s5, s17;
	s7 =	simm.s32 $0x400;
	s15 =	sor.u32 s20, s17;
	[tilespmem:v4+s19+$0x0] =	vst.idx.msk $0xffff, v2  }
0x22c: {  	s16 =	smov.u32 s29;
	s10 =	simm.s32 $0xB00;
	s24 =	simm.s32 $0x400;
	[tilespmem:v62+s19+$0x0] =	vst.idx.msk $0xffff, v5  }
0x22d: {  	v21 =	vor.u32 s22, v32;
	v22 =	vor.u32 s21, v51;
	v23 =	vor.u32 s23, v48;
	s29 =	sadd.s32 $0x4980, s14;
	s26 =	smov.u32 s14;
	v3 =	vld [tilespmem:s25+$0x0];
	[dreg:$0x6] =	wrdreg s30  }
0x22e: {  	v18 =	vor.u32 s11, v53;
	v16 =	vor.u32 s23, v55;
	s11 =	sor.u32 s8, s29;
	s14 =	sor.u32 s5, s29;
	s17 =	sor.u32 s16, s29;
	v2 =	vor.u32 s4, v53;
	[tilespmem:v63+s19+$0x0] =	vst.idx.msk $0xffff, v8  }
.LBB2_11:
0x22f: {  	[smem:$0x7CC] =	sst s8  }
0x230: {  	[smem:$0x7CD] =	sst s23  }
0x231: {  	[dreg:$0x1c] =	wrdreg s15  }
0x232: {  	[dreg:$0x18] =	wrdreg s17  }
0x233: {  	[dreg:$0x13] =	wrdreg s11  }
0x234: {  	s3 =	sadd.s32 $0xFFFFFFD0, s9;
	s30 =	sand.u32 $0x1C00, s7;
	s22 =	simm.s32 $0x9000  }
0x235: {  	s20 =	sadd.s32 $0xFFFFFFE0, s9;
	s19 =	smov.u32 s16;
	s0 =	sadd.s32 $0xFFFFFFF0, s9  }
0x236: {  	s2 =	rddreg [dreg:$0x1e];
	s15 =	smov.u32 s5;
	s5 =	smov.u32 s28  }
0x237: {  	s4 =	rddreg [dreg:$0x10];
	s18 =	sand.u32 $0x40, s3;
	s25 =	sand.u32 $0x50, s20  }
0x238: {  	s3 =	sor.u32 s3, s7;
	s11 =	sor.u32 s20, s7;
	s20 =	rddreg [dreg:$0x6];
	[tilespmem:v22+s22+$0x0] =	vst.idx.msk $0xffff, v19  }
0x239: {  	v4 =	vld [tilespmem:s12+$0x0];
	s8 =	sadd.s32 $0x3000, s30;
	s28 =	sand.u32 $0x60, s0;
	[dreg:$0x1b] =	wrdreg s3;
	[tilespmem:v23+s22+$0x0] =	vst.idx.msk $0xffff, v20  }
0x23a: {  	v6 =	vor.u32 s21, v32;
	s0 =	sor.u32 s0, s7;
	[dreg:$0x1a] =	wrdreg s11;
	[tilespmem:v2+s22+$0x0] =	vst.idx.msk $0xffff, v1;
	v5 =	vld [tilespmem:s13+$0x0];
	s13 =	sor.u32 s18, s8  }
0x23b: {  	v8 =	vor.u32 s23, v51;
	s23 =	sand.u32 $0x70, s9;
	[dreg:$0x15] =	wrdreg s0;
	v1 =	vld [tilespmem:s13+$0x0];
	[tilespmem:v18+s22+$0x0] =	vst.idx.msk $0xffff, v0;
	s22 =	simm.s32 $0x9000  }
0x23c: {  	s16 =	sor.u32 s25, s8;
	s3 =	rddreg [dreg:$0x1d];
	[tilespmem:v21+s22+$0x0] =	vst.idx.msk $0xffff, v3;
	v3 =	vld [tilespmem:s4+$0x0];
	s4 =	sadd.s32 $0x4800, s30  }
0x23d: {  	s12 =	sor.u32 s28, s8;
	v12 =	vor.u32 s20, v55;
	[smem:$0x7CF] =	sst s18;
	s20 =	sor.u32 s18, s4  }
0x23e: {  	s11 =	sor.u32 s23, s8;
	v10 =	vld [tilespmem:s16+$0x0];
	[dreg:$0x19] =	wrdreg s20;
	s20 =	sor.u32 s28, s4  }
0x23f: {  	s8 =	sadd.s32 $0x4880, s30;
	[tilespmem:v6+s22+$0x0] =	vst.idx.msk $0xffff, v5;
	v5 =	vld [tilespmem:s3+$0x0];
	s3 =	sor.u32 s25, s4;
	[dreg:$0x1f] =	wrdreg s20  }
0x240: {  	s20 =	sor.u32 s28, s8;
	[dreg:$0x16] =	wrdreg s3  }
0x241: {  	s6 =	sadd.s32 $0xFFFFFD00, s10;
	v7 =	vld [tilespmem:s2+$0x0];
	s3 =	sor.u32 s18, s8;
	[dreg:$0x1e] =	wrdreg s20  }
0x242: {  	s2 =	sadd.s32 $0xFFFFFE00, s10;
	v6 =	vld [tilespmem:s14+$0x0];
	s14 =	sor.u32 s25, s8;
	[dreg:$0x14] =	wrdreg s3  }
0x243: {  	v2 =	vor.u32 s6, v14;
	s20 =	sadd.s32 $0x4900, s30;
	[dreg:$0x12] =	wrdreg s14;
	s14 =	sor.u32 s23, s4  }
0x244: {  	s3 =	sor.u32 s23, s8;
	s4 =	sor.u32 s18, s20;
	s18 =	rddreg [dreg:$0xc]  }
0x245: {  	v0 =	vor.u32 s2, v14;
	[smem:$0x7CE] =	sst s3  }
0x246: {  	v9 =	vor.u32 s31, v55;
	s31 =	smov.u32 s15;
	s8 =	sor.u32 s25, s20;
	[dreg:$0x11] =	wrdreg s4  }
0x247: {  	v13 =	vor.u32 s21, v56;
	[tilespmem:v17+s22+$0x0] =	vst.idx.msk $0xffff, v4;
	s0 =	sor.u32 s28, s20;
	s20 =	sor.u32 s23, s20;
	[smem:$0x7D1] =	sst s8  }
0x248: {  	v4 =	vor.u32 s10, v14;
	[tilespmem:v2+s22+$0x0] =	vst.idx.msk $0xffff, v1;
	v1 =	vld [tilespmem:s11+$0x0];
	s4 =	sadd.s32 $0x4A00, s26;
	s3 =	sor.u32 s5, s29;
	[smem:$0x7D0] =	sst s20  }
0x249: {  	[tilespmem:v8+s22+$0x0] =	vst.idx.msk $0xffff, v7;
	[smem:$0x7D2] =	sst s3;
	s20 =	sor.u32 s15, s4;
	s15 =	sor.u32 s5, s4  }
0x24a: {  	[tilespmem:v0+s22+$0x0] =	vst.idx.msk $0xffff, v10;
	v2 =	vld [tilespmem:s13+$0x80];
	[smem:$0x7D4] =	sst s15  }
0x24b: {  	[tilespmem:v9+s22+$0x0] =	vst.idx.msk $0xffff, v3;
	v58 =	vld [tilespmem:s16+$0x80];
	s8 =	sor.u32 $0x300, s18;
	s15 =	sld [smem:$0x7CC]  }
0x24c: {  	s17 =	sadd.s32 $0xFFFFFF00, s10;
	v60 =	vld [tilespmem:s8+$0x3000];
	s8 =	rddreg [dreg:$0x5];
	[tilespmem:v13+s22+$0x0] =	vst.idx.msk $0xffff, v6  }
0x24d: {  	v57 =	vor.u32 s6, v15;
	s29 =	smov.u32 s24;
	s24 =	smov.u32 s9;
	[tilespmem:v4+s22+$0x0] =	vst.idx.msk $0xffff, v1;
	v1 =	vld [tilespmem:s20+$0x0];
	s20 =	rddreg [dreg:$0x8]  }
0x24e: {  	v11 =	vor.u32 s17, v14;
	v3 =	vld [tilespmem:s12+$0x0];
	[dreg:$0x8] =	wrdreg s24;
	s18 =	sor.u32 s15, s4  }
0x24f: {  	s3 =	smov.u32 s19;
	s4 =	sor.u32 s19, s4;
	[smem:$0x7D5] =	sst s18  }
0x250: {  	v0 =	vor.u32 s2, v15;
	v61 =	vor.u32 s8, v54;
	s19 =	smov.u32 s8;
	s8 =	smov.u32 s10;
	[smem:$0x7D3] =	sst s4  }
0x251: {  	s1 =	sadd.s32 $0x4, s1;
	[tilespmem:v12+s22+$0x0] =	vst.idx.msk $0xffff, v5;
	[dreg:$0x5] =	wrdreg s8  }
0x252: {  	p4 =	slt.u32 s1, $0x2C;
	v4 =	vor.u32 s21, v50;
	[tilespmem:v57+s22+$0x0] =	vst.idx.msk $0xffff, v2;
	s4 =	smov.u32 s6;
	s18 =	rddreg [dreg:$0x7]  }
0x253: {  	v5 =	vor.u32 s10, v15;
	v2 =	vld [tilespmem:s11+$0x80];
	[tilespmem:v11+s22+$0x0] =	vst.idx.msk $0xffff, v3;
	s8 =	sadd.s32 $0x4A80, s26;
	s6 =	sor.u32 s20, s18;
	s18 =	smov.u32 s7  }
0x254: {  	v59 =	vor.u32 s17, v15;
	v3 =	vld [tilespmem:s12+$0x80];
	s20 =	sor.u32 s15, s8;
	s24 =	sor.u32 s5, s8;
	[dreg:$0x7] =	wrdreg s18  }
0x255: {  	[tilespmem:v0+s22+$0x0] =	vst.idx.msk $0xffff, v58;
	v7 =	vld [tilespmem:s13+$0x100];
	v12 =	vor.u32 s4, v45;
	s6 =	sor.u32 $0x380, s6;
	[smem:$0x7D8] =	sst s20;
	s18 =	smov.u32 s15  }
0x256: {  	v0 =	vor.u32 s2, v45;
	v8 =	vld [tilespmem:s16+$0x100];
	[tilespmem:v61+s22+$0x0] =	vst.idx.msk $0xffff, v60;
	s20 =	sor.u32 s31, s8;
	s15 =	smov.u32 s31;
	[smem:$0x7D7] =	sst s24  }
0x257: {  	s8 =	sor.u32 s3, s8;
	s31 =	smov.u32 s1;
	s1 =	rddreg [dreg:$0xf];
	[tilespmem:v4+s22+$0x0] =	vst.idx.msk $0xffff, v1;
	v1 =	vld [tilespmem:s6+$0x3000]  }
0x258: {  	v4 =	vor.u32 s19, v47;
	[tilespmem:v5+s22+$0x0] =	vst.idx.msk $0xffff, v2;
	[smem:$0x7D6] =	sst s8;
	v5 =	vld [tilespmem:s20+$0x0]  }
0x259: {  	p3 =	por !p3, !p3;
	v2 =	vor.u32 s10, v45;
	v28 =	vld [tilespmem:s11+$0x100];
	[tilespmem:v59+s22+$0x0] =	vst.idx.msk $0xffff, v3;
	s20 =	rddreg [dreg:$0xb]  }
0x25a: {  	v63 =	vor.u32 s21, v52;
	s6 =	simm.s32 $0x1;
	v3 =	vld [tilespmem:s12+$0x100];
	s24 =	sadd.s32 $0x2, s20;
	s20 =	sld [smem:$0x7CD];
	[tilespmem:v12+s22+$0x0] =	vst.idx.msk $0xffff, v7  }
0x25b: {  	v62 =	vor.u32 s17, v45;
	[tilespmem:v0+s22+$0x0] =	vst.idx.msk $0xffff, v8;
	s6 =	simm.s32 @!p3 $0x0;
	v29 =	vld [tilespmem:s13+$0x180];
	s13 =	rddreg [dreg:$0x9]  }
0x25c: {  	v0 =	vor.u32 s2, v24;
	v8 =	vld [tilespmem:s16+$0x180];
	s16 =	smov.u32 s0;
	s8 =	sadd.s32 $0x4, s13;
	s13 =	rddreg [dreg:$0xe]  }
0x25d: {  	s6 =	sshll.u32 s6, $0x6;
	v12 =	vor.u32 s4, v24;
	[tilespmem:v4+s22+$0x0] =	vst.idx.msk $0xffff, v1;
	[dreg:$0xe] =	wrdreg s16  }
0x25e: {  	s6 =	sadd.s32 s6, s7;
	v4 =	vor.u32 s20, v32;
	[dreg:$0x9] =	wrdreg s8;
	v1 =	vld [tilespmem:s13+$0x0];
	[tilespmem:v2+s22+$0x0] =	vst.idx.msk $0xffff, v28  }
0x25f: {  	s8 =	sand.u32 $0x7, s8;
	[tilespmem:v63+s22+$0x0] =	vst.idx.msk $0xffff, v5;
	v5 =	vor.u32 s19, v48;
	s13 =	smov.u32 s14;
	s14 =	sor.u32 $0x200, s6;
	v2 =	vld [tilespmem:s1+$0x0]  }
0x260: {  	v33 =	vor.u32 s10, v24;
	s8 =	sshll.u32 s8, $0x4;
	[dreg:$0xf] =	wrdreg s13;
	v31 =	vld [tilespmem:s11+$0x180];
	s11 =	sadd.s32 $0x4B00, s26;
	[tilespmem:v62+s22+$0x0] =	vst.idx.msk $0xffff, v3  }
0x261: {  	[tilespmem:v0+s22+$0x0] =	vst.idx.msk $0xffff, v8;
	s8 =	sadd.s32 s7, s8;
	s16 =	sor.u32 s18, s11;
	s0 =	sor.u32 s15, s11  }
0x262: {  	v3 =	vor.u32 s21, v53;
	s1 =	sor.u32 s3, s11;
	[tilespmem:v12+s22+$0x0] =	vst.idx.msk $0xffff, v29;
	s13 =	sadd.s32 $0x10, s8;
	[smem:$0x7DA] =	sst s16;
	v0 =	vld [tilespmem:s0+$0x0]  }
0x263: {  	v12 =	vor.u32 s4, v25;
	[smem:$0x7D9] =	sst s1;
	v10 =	vld [tilespmem:s14+$0x3000];
	s16 =	sor.u32 $0x200, s13;
	[tilespmem:v4+s22+$0x0] =	vst.idx.msk $0xffff, v1  }
0x264: {  	v34 =	vor.u32 s2, v25;
	v8 =	vld [tilespmem:s16+$0x3000];
	s16 =	sld [smem:$0x7CE];
	[tilespmem:v5+s22+$0x0] =	vst.idx.msk $0xffff, v2  }
0x265: {  	v30 =	vor.u32 s17, v24;
	s1 =	sadd.s32 $0x30, s8;
	s14 =	rddreg [dreg:$0xd];
	v1 =	vld [tilespmem:s12+$0x180];
	[tilespmem:v33+s22+$0x0] =	vst.idx.msk $0xffff, v31  }
0x266: {  	[dreg:$0xb] =	wrdreg s24;
	s8 =	sand.u32 $0x3, s24;
	v4 =	vor.u32 s19, v51;
	s12 =	sor.u32 $0x200, s1;
	v2 =	vld [tilespmem:s14+$0x0]  }
0x267: {  	v35 =	vor.u32 s10, v25;
	s11 =	sor.u32 s5, s11;
	s24 =	smov.u32 s16;
	s14 =	sshll.u32 s8, $0x5;
	v5 =	vld [tilespmem:s12+$0x3000];
	[tilespmem:v3+s22+$0x0] =	vst.idx.msk $0xffff, v0  }
0x268: {  	s16 =	sor.u32 $0x280, s6;
	[dreg:$0xd] =	wrdreg s24;
	[tilespmem:v12+s22+$0x0] =	vst.idx.msk $0xffff, v10;
	s24 =	sadd.s32 $0x4B80, s26  }
0x269: {  	v37 =	vor.u32 s4, v26;
	s0 =	sadd.s32 s7, s14;
	v36 =	vld [tilespmem:s16+$0x3000];
	s26 =	sor.u32 s15, s24;
	s5 =	sor.u32 s5, s24;
	[tilespmem:v34+s22+$0x0] =	vst.idx.msk $0xffff, v8  }
0x26a: {  	v3 =	vor.u32 s21, v55;
	s14 =	sadd.s32 $0x20, s0;
	[dreg:$0x10] =	wrdreg s5;
	s5 =	sor.u32 $0x280, s13;
	v0 =	vld [tilespmem:s26+$0x0];
	[tilespmem:v30+s22+$0x0] =	vst.idx.msk $0xffff, v1  }
0x26b: {  	v38 =	vor.u32 s2, v26;
	s15 =	sor.u32 s18, s24;
	s18 =	sor.u32 $0x200, s14;
	v8 =	vld [tilespmem:s5+$0x3000];
	[tilespmem:v4+s22+$0x0] =	vst.idx.msk $0xffff, v2  }
0x26c: {  	v12 =	vor.u32 s17, v25;
	s26 =	rddreg [dreg:$0x1c];
	v9 =	vld [tilespmem:s18+$0x3000];
	[tilespmem:v35+s22+$0x0] =	vst.idx.msk $0xffff, v5  }
0x26d: {  	s21 =	sld [smem:$0x7CF];
	s5 =	smov.u32 s25;
	s25 =	sor.u32 $0x280, s1;
	v4 =	vor.u32 s19, v32;
	v2 =	vld [tilespmem:s26+$0x0]  }
0x26e: {  	v39 =	vor.u32 s10, v26;
	s12 =	sor.u32 s3, s24;
	s24 =	smov.u32 s30;
	s30 =	sor.u32 $0x300, s6;
	[tilespmem:v37+s22+$0x0] =	vst.idx.msk $0xffff, v36;
	v5 =	vld [tilespmem:s25+$0x3000]  }
0x26f: {  	v40 =	vor.u32 s4, v54;
	s16 =	smov.u32 s28;
	s6 =	rddreg [dreg:$0x18];
	v7 =	vld [tilespmem:s30+$0x3000];
	[tilespmem:v3+s22+$0x0] =	vst.idx.msk $0xffff, v0  }
0x270: {  	s28 =	smov.u32 s23;
	s3 =	sor.u32 $0x300, s13;
	s23 =	sld [smem:$0x7D2];
	[tilespmem:v38+s22+$0x0] =	vst.idx.msk $0xffff, v8  }
0x271: {  	[dreg:$0x1d] =	wrdreg s15;
	s8 =	smov.u32 s21;
	s21 =	smov.u32 s2;
	v0 =	vld [tilespmem:s6+$0x0];
	v3 =	vor.u32 s20, v56;
	[tilespmem:v12+s22+$0x0] =	vst.idx.msk $0xffff, v9  }
0x272: {  	s2 =	sld [smem:$0x7D0];
	v41 =	vor.u32 s21, v54;
	s18 =	sor.u32 $0x280, s14;
	v8 =	vld [tilespmem:s3+$0x3000];
	[tilespmem:v4+s22+$0x0] =	vst.idx.msk $0xffff, v2  }
0x273: {  	v13 =	vor.u32 s17, v26;
	s25 =	rddreg [dreg:$0x1b];
	v12 =	vld [tilespmem:s18+$0x3000];
	[tilespmem:v39+s22+$0x0] =	vst.idx.msk $0xffff, v5  }
0x274: {  	s26 =	rddreg [dreg:$0x13];
	v4 =	vor.u32 s19, v56;
	[tilespmem:v40+s22+$0x0] =	vst.idx.msk $0xffff, v7;
	v2 =	vld [tilespmem:s23+$0x0]  }
0x275: {  	v1 =	vor.u32 s29, v56;
	s15 =	smov.u32 s2;
	s2 =	sld [smem:$0x7D3];
	s0 =	sor.u32 $0x380, s25;
	v5 =	vld [tilespmem:s26+$0x0]  }
0x276: {  	v44 =	vor.u32 s4, v47;
	[tilespmem:v3+s22+$0x0] =	vst.idx.msk $0xffff, v0;
	v43 =	vld [tilespmem:s0+$0x3000]  }
0x277: {  	s30 =	rddreg [dreg:$0x1a];
	[tilespmem:v41+s22+$0x0] =	vst.idx.msk $0xffff, v8  }
0x278: {  	s6 =	sor.u32 $0x300, s14;
	s14 =	sld [smem:$0x7D4];
	v3 =	vor.u32 s20, v50;
	s0 =	sor.u32 $0x380, s30;
	v0 =	vld [tilespmem:s2+$0x0];
	[tilespmem:v13+s22+$0x0] =	vst.idx.msk $0xffff, v12  }
0x279: {  	v46 =	vor.u32 s21, v47;
	s18 =	sld [smem:$0x7D5];
	v8 =	vld [tilespmem:s0+$0x3000];
	[tilespmem:v4+s22+$0x0] =	vst.idx.msk $0xffff, v2  }
0x27a: {  	v13 =	vor.u32 s17, v54;
	v12 =	vld [tilespmem:s6+$0x3000];
	[tilespmem:v1+s22+$0x0] =	vst.idx.msk $0xffff, v5  }
0x27b: {  	s25 =	sld [smem:$0x7D6];
	v2 =	vor.u32 s19, v50;
	v1 =	vld [tilespmem:s14+$0x0];
	[tilespmem:v44+s22+$0x0] =	vst.idx.msk $0xffff, v43  }
0x27c: {  	v42 =	vor.u32 s29, v50;
	s23 =	rddreg [dreg:$0x19];
	v4 =	vld [tilespmem:s18+$0x0]  }
0x27d: {  	v57 =	vor.u32 s4, v48;
	s26 =	rddreg [dreg:$0x16];
	[tilespmem:v3+s22+$0x0] =	vst.idx.msk $0xffff, v0;
	v5 =	vld [tilespmem:s23+$0x0]  }
0x27e: {  	s30 =	rddreg [dreg:$0x15];
	[tilespmem:v46+s22+$0x0] =	vst.idx.msk $0xffff, v8  }
0x27f: {  	s2 =	sld [smem:$0x7D7];
	v3 =	vor.u32 s20, v52;
	v0 =	vld [tilespmem:s25+$0x0];
	[tilespmem:v13+s22+$0x0] =	vst.idx.msk $0xffff, v12  }
0x280: {  	v59 =	vor.u32 s21, v48;
	s3 =	sld [smem:$0x7D8];
	s0 =	sor.u32 $0x380, s30;
	v58 =	vld [tilespmem:s26+$0x0];
	[tilespmem:v2+s22+$0x0] =	vst.idx.msk $0xffff, v1  }
0x281: {  	[dreg:$0x6] =	wrdreg s29;
	v12 =	vor.u32 s17, v47;
	v60 =	vld [tilespmem:s0+$0x3000];
	[tilespmem:v42+s22+$0x0] =	vst.idx.msk $0xffff, v4  }
0x282: {  	s6 =	rddreg [dreg:$0x14];
	v2 =	vor.u32 s19, v52;
	v1 =	vld [tilespmem:s2+$0x0];
	[tilespmem:v57+s22+$0x0] =	vst.idx.msk $0xffff, v5  }
0x283: {  	v49 =	vor.u32 s29, v52;
	s14 =	sld [smem:$0x7D9];
	v4 =	vld [tilespmem:s3+$0x0]  }
0x284: {  	v61 =	vor.u32 s4, v51;
	[dreg:$0xc] =	wrdreg s1;
	[tilespmem:v3+s22+$0x0] =	vst.idx.msk $0xffff, v0;
	v5 =	vld [tilespmem:s6+$0x0]  }
0x285: {  	v63 =	vor.u32 s20, v53;
	s20 =	rddreg [dreg:$0x12];
	s18 =	simm.s32 $0x9000;
	[tilespmem:v59+s22+$0x0] =	vst.idx.msk $0xffff, v58  }
0x286: {  	s9 =	sadd.s32 $0x40, s9;
	s25 =	sld [smem:$0x7DA];
	v62 =	vld [tilespmem:s14+$0x0];
	[tilespmem:v12+s18+$0x0] =	vst.idx.msk $0xffff, v60  }
.Ltmp10:
0x287: {  	s10 =	sadd.s32 $0x400, s10;
	s22 =	rddreg [dreg:$0x1f];
	v19 =	vld [tilespmem:s20+$0x0];
	[tilespmem:v2+s18+$0x0] =	vst.idx.msk $0xffff, v1;
	(pc) =	sbr.rel @p4 .LBB2_11-.Ltmp10, $4  }
0x288: {  	v18 =	vor.u32 s29, v53;
	s7 =	sadd.s32 $0x200, s7;
	s13 =	sld [smem:$0x7D1];
	s29 =	sadd.s32 $0x4980, s24;
	v20 =	vld [tilespmem:s22+$0x0];
	[tilespmem:v49+s18+$0x0] =	vst.idx.msk $0xffff, v4  }
0x289: {  	s1 =	smov.u32 s31;
	s31 =	smov.u32 s19;
	s30 =	rddreg [dreg:$0x11];
	v1 =	vld [tilespmem:s11+$0x0];
	[tilespmem:v61+s18+$0x0] =	vst.idx.msk $0xffff, v5  }
0x28a: {  	v17 =	vmovc v16;
	v16 =	vor.u32 s17, v55;
	v21 =	vor.u32 s4, v32;
	v22 =	vor.u32 s21, v51;
	s23 =	smov.u32 s17;
	s17 =	sor.u32 s16, s29;
	s26 =	smov.u32 s24;
	v0 =	vld [tilespmem:s25+$0x0]  }
0x28b: {  	v23 =	vor.u32 s23, v48;
	s24 =	smov.u32 s4;
	s14 =	sor.u32 s5, s29;
	v2 =	vor.u32 s19, v53;
	[tilespmem:v63+s18+$0x0] =	vst.idx.msk $0xffff, v62;
	s11 =	sor.u32 s8, s29;
	v3 =	vld [tilespmem:s30+$0x0]  }
0x28c: {  	s0 =	rddreg [dreg:$0xc]  }
0x28d: {  	s2 =	rddreg [dreg:$0x5];
	s0 =	sor.u32 $0x300, s0  }
0x28e: {  	v5 =	vor.u32 s2, v54;
	v4 =	vld [tilespmem:s0+$0x3000];
	_ =	sdelay $0x1  }
0x28f: {  	s18 =	rddreg [dreg:$0x7]  }
0x290: {  	s1 =	rddreg [dreg:$0x8]  }
0x291: {  	s6 =	simm.s32 $0x9000;
	s0 =	sor.u32 s1, s18  }
0x292: {  	s0 =	sor.u32 $0x380, s0;
	[tilespmem:v5+s6+$0x0] =	vst.idx.msk $0xffff, v4  }
0x293: {  	v10 =	vor.u32 s2, v47;
	v4 =	vld [tilespmem:s0+$0x3000];
	_ =	sdelay $0x4  }
0x294: {  	[tilespmem:v10+s6+$0x0] =	vst.idx.msk $0xffff, v4  }
0x295: {  	s19 =	rddreg [dreg:$0xf]  }
0x296: {  	v11 =	vor.u32 s2, v48;
	v4 =	vld [tilespmem:s19+$0x0];
	_ =	sdelay $0x2  }
0x297: {  	[tilespmem:v23+s6+$0x0] =	vst.idx.msk $0xffff, v20  }
0x298: {  	s20 =	rddreg [dreg:$0x1e]  }
0x299: {  	v7 =	vor.u32 s23, v51;
	v6 =	vld [tilespmem:s20+$0x0];
	[tilespmem:v11+s6+$0x0] =	vst.idx.msk $0xffff, v4  }
0x29a: {  	s22 =	rddreg [dreg:$0xd]  }
0x29b: {  	v20 =	vor.u32 s2, v51;
	v4 =	vld [tilespmem:s22+$0x0];
	_ =	sdelay $0x1  }
0x29c: {  	[tilespmem:v22+s6+$0x0] =	vst.idx.msk $0xffff, v19  }
0x29d: {  	[tilespmem:v7+s6+$0x0] =	vst.idx.msk $0xffff, v6  }
0x29e: {  	v9 =	vor.u32 s21, v32;
	v8 =	vld [tilespmem:s13+$0x0];
	s25 =	rddreg [dreg:$0xe]  }
0x29f: {  	v22 =	vor.u32 s23, v32;
	v6 =	vld [tilespmem:s25+$0x0];
	[tilespmem:v20+s6+$0x0] =	vst.idx.msk $0xffff, v4  }
0x2a0: {  	v23 =	vor.u32 s2, v32;
	v4 =	vld [tilespmem:s15+$0x0];
	_ =	sdelay $0x1  }
0x2a1: {  	[tilespmem:v21+s6+$0x0] =	vst.idx.msk $0xffff, v3  }
0x2a2: {  	v33 =	vor.u32 s24, v56;
	v10 =	vld [tilespmem:s11+$0x0];
	[tilespmem:v9+s6+$0x0] =	vst.idx.msk $0xffff, v8  }
0x2a3: {  	v28 =	vor.u32 s21, v56;
	v8 =	vld [tilespmem:s14+$0x0];
	[tilespmem:v22+s6+$0x0] =	vst.idx.msk $0xffff, v6  }
0x2a4: {  	s29 =	sor.u32 s28, s29;
	v29 =	vor.u32 s23, v56;
	v6 =	vld [tilespmem:s17+$0x0];
	[tilespmem:v23+s6+$0x0] =	vst.idx.msk $0xffff, v4  }
0x2a5: {  	v31 =	vor.u32 s2, v56;
	v30 =	vld [tilespmem:s29+$0x0]  }
0x2a6: {  	s30 =	sadd.s32 $0x4A00, s26  }
0x2a7: {  	s0 =	sor.u32 s8, s30;
	[tilespmem:v33+s6+$0x0] =	vst.idx.msk $0xffff, v10  }
0x2a8: {  	v37 =	vor.u32 s24, v50;
	s3 =	sor.u32 s5, s30;
	v10 =	vld [tilespmem:s0+$0x0];
	[tilespmem:v28+s6+$0x0] =	vst.idx.msk $0xffff, v8  }
0x2a9: {  	v34 =	vor.u32 s21, v50;
	s4 =	sor.u32 s16, s30;
	v8 =	vld [tilespmem:s3+$0x0];
	[tilespmem:v29+s6+$0x0] =	vst.idx.msk $0xffff, v6  }
0x2aa: {  	v35 =	vor.u32 s23, v50;
	s7 =	sor.u32 s28, s30;
	v6 =	vld [tilespmem:s4+$0x0];
	[tilespmem:v31+s6+$0x0] =	vst.idx.msk $0xffff, v30  }
0x2ab: {  	v36 =	vor.u32 s2, v50;
	v3 =	vld [tilespmem:s7+$0x0]  }
0x2ac: {  	s9 =	sadd.s32 $0x4A80, s26  }
0x2ad: {  	s0 =	sor.u32 s8, s9;
	[tilespmem:v37+s6+$0x0] =	vst.idx.msk $0xffff, v10  }
0x2ae: {  	v41 =	vor.u32 s24, v52;
	s10 =	sor.u32 s5, s9;
	v10 =	vld [tilespmem:s0+$0x0];
	[tilespmem:v34+s6+$0x0] =	vst.idx.msk $0xffff, v8  }
0x2af: {  	v38 =	vor.u32 s21, v52;
	s11 =	sor.u32 s16, s9;
	v8 =	vld [tilespmem:s10+$0x0];
	[tilespmem:v35+s6+$0x0] =	vst.idx.msk $0xffff, v6  }
0x2b0: {  	v39 =	vor.u32 s23, v52;
	s13 =	sor.u32 s28, s9;
	v6 =	vld [tilespmem:s11+$0x0];
	[tilespmem:v36+s6+$0x0] =	vst.idx.msk $0xffff, v3  }
0x2b1: {  	v40 =	vor.u32 s2, v52;
	[tilespmem:v2+s6+$0x0] =	vst.idx.msk $0xffff, v1;
	v3 =	vld [tilespmem:s13+$0x0]  }
0x2b2: {  	v42 =	vld [tilespmem:s12+$0x0];
	[tilespmem:v18+s6+$0x0] =	vst.idx.msk $0xffff, v0  }
0x2b3: {  	s14 =	sadd.s32 $0x4B00, s26;
	[tilespmem:v41+s6+$0x0] =	vst.idx.msk $0xffff, v10  }
0x2b4: {  	s15 =	sor.u32 s5, s14;
	[tilespmem:v38+s6+$0x0] =	vst.idx.msk $0xffff, v8  }
0x2b5: {  	v44 =	vor.u32 s21, v53;
	s17 =	sor.u32 s16, s14;
	v43 =	vld [tilespmem:s15+$0x0];
	[tilespmem:v39+s6+$0x0] =	vst.idx.msk $0xffff, v6  }
0x2b6: {  	v46 =	vor.u32 s23, v53;
	s18 =	sor.u32 s28, s14;
	v6 =	vld [tilespmem:s17+$0x0];
	[tilespmem:v40+s6+$0x0] =	vst.idx.msk $0xffff, v3  }
0x2b7: {  	v49 =	vor.u32 s2, v53;
	s0 =	sor.u32 s8, s14;
	v3 =	vld [tilespmem:s18+$0x0];
	s19 =	rddreg [dreg:$0x10];
	[tilespmem:v17+s6+$0x0] =	vst.idx.msk $0xffff, v42  }
0x2b8: {  	v57 =	vor.u32 s24, v53;
	v5 =	vld [tilespmem:s0+$0x0];
	s22 =	rddreg [dreg:$0x6]  }
0x2b9: {  	v59 =	vor.u32 s31, v55;
	s20 =	sadd.s32 $0x4B80, s26;
	v58 =	vld [tilespmem:s19+$0x0];
	s23 =	rddreg [dreg:$0x1d]  }
0x2ba: {  	s25 =	sor.u32 s5, s20;
	[tilespmem:v44+s6+$0x0] =	vst.idx.msk $0xffff, v43;
	v60 =	vor.u32 s22, v55;
	v11 =	vld [tilespmem:s23+$0x0]  }
0x2bb: {  	v61 =	vor.u32 s21, v55;
	s26 =	sor.u32 s16, s20;
	[tilespmem:v46+s6+$0x0] =	vst.idx.msk $0xffff, v6;
	v2 =	vld [tilespmem:s25+$0x0]  }
0x2bc: {  	s28 =	sor.u32 s28, s20;
	v6 =	vld [tilespmem:s26+$0x0];
	[tilespmem:v49+s6+$0x0] =	vst.idx.msk $0xffff, v3  }
0x2bd: {  	v62 =	vor.u32 s2, v55;
	s0 =	sor.u32 s8, s20;
	[tilespmem:v57+s6+$0x0] =	vst.idx.msk $0xffff, v5;
	v3 =	vld [tilespmem:s28+$0x0]  }
0x2be: {  	v63 =	vor.u32 s24, v55;
	v5 =	vld [tilespmem:s0+$0x0];
	[tilespmem:v59+s6+$0x0] =	vst.idx.msk $0xffff, v58  }
0x2bf: {  	s3 =	sld [smem:$0x7ED];
	[tilespmem:v60+s6+$0x0] =	vst.idx.msk $0xffff, v11  }
0x2c0: {  	[tilespmem:v61+s6+$0x0] =	vst.idx.msk $0xffff, v2  }
0x2c1: {  	[tilespmem:v16+s6+$0x0] =	vst.idx.msk $0xffff, v6  }
0x2c2: {  	s1 =	sld [smem:$0x7F2];
	[tilespmem:v62+s6+$0x0] =	vst.idx.msk $0xffff, v3  }
0x2c3: {  	s29 =	sadd.s32 $0xFFFFFAEA, s3;
	s2 =	sld [smem:$0x7F1];
	[tilespmem:v63+s6+$0x0] =	vst.idx.msk $0xffff, v5  }
0x2c4: {  	s0 =	smin.u32 s29, s3;
	s31 =	sld [smem:$0x7F6]  }
0x2c5: {  	s0 =	smul.u32 $0x3000, s0;
	s4 =	sld [smem:$0x7EE]  }
0x2c6: {  	p3 =	slt.u32 s3, $0x516  }
0x2c7: {  	s0 =	sshrl.u32 s0, $0x3;
	s1 =	smov.u32 @p3 s2  }
0x2c8: {  	s30 =	simm.s32 $0x0;
	s0 =	sadd.s32 s1, s0;
	p3 =	sge.u32 s4, s31  }
0x2c9: {  	[hbm4b:s0+s30] =	stream.linear.scatter [tilespmem:s6], [sflag:$0x4], $0x3000, $0x38;
	[tilespmem:$0xC400] =	vst v63  }
0x2ca: {  	p4 =	sgt.u32 @!p3 s3, $0x513  }
0x2cb: {  	s0 =	simm.s32 @!p3 $0xFFFFFAEC;
	p4 =	por !p4, p3  }
0x2cc: {  	s0 =	simm.s32 @p4 $0x2  }
0x2cd: {  	s0 =	sadd.s32 @!p3 s3, s0  }
0x2ce: {  	s0 =	smul.u32 @!p3 $0x1800, s0  }
.Ltmp11:
0x2cf: {  	s2 =	rddreg [dreg:$0x1];
	p4 =	slt.u32 @!p3 s3, $0x514;
	(pc) =	sbr.rel .LBB2_13-.Ltmp11, $4  }
0x2d0: {  	s14 =	simm.s32 $0x6000;
	s1 =	rddreg [dreg:$0x0];
	p4 =	por !p4, p3  }
0x2d1: {  	s3 =	simm.s32 @!p3 $0x3000;
	s1 =	smov.u32 @p4 s2;
	s0 =	sshrl.u32 @!p3 s0, $0x3  }
0x2d2: {  	s2 =	simm.s32 @!p3 $0x7A1400;
	s0 =	sadd.s32 @!p3 s1, s0;
	s1 =	simm.s32 @!p3 $0x1800  }
0x2d3: {  	[tilespmem:s3], [sflag:$0x2] =	stream.strided.gather @!p3 [hbm4b:s0+s1], $0x3000, s2, s1, $0x38;
	[tilespmem:$0xC400] =	vst v63  }
.LBB2_15:
0x2d4: {  	_ =	sfence.sel $0x180000  }
0x2d5: {  	[bflag:$0x0] =	sbarrier.arrive $0xFFFF  }
0x2d6: {  	_ =	strace $0x90000047  }
0x2d7: {  	s0 =	stileid.u32;
	[bflag:$0x2] =	sbarrier.arrive $0xFFFF  }
0x2d8: {  	p0 =	sne.s32 s0, $0x0;
	s0 =	rddreg [dreg:$0x4]  }
0x2d9: {  	s0 =	sadd.s32 @!p0 $0x100000, s0  }
0x2da: {  	[sflag:s0] =	ssyncadd.tile.s32 @!p0 $0x1;
	_ =	shalt  }
.Lfunc_end2:
_tile_overlayer_lowered:
.L_overlay_start_2:
0x2db: {  	(tag) =	ssettag $0x2  }
0x2dc: {  	s0 =	rddreg [dreg:$0x0];
	s2 =	stileid.u32  }
0x2dd: {  	s1 =	rddreg [dreg:$0x1];
	p0 =	sne.s32 s2, $0x0  }
0x2de: {  	s3 =	rddreg [dreg:$0x2];
	[bflag:$0x3] =	sbarrier.arrive $0xFFFF;
	s2 =	simm.s32 @!p0 $0x1C05  }
0x2df: {  	[timem:s3], [sflag:s2] =	dma.local @!p0 [hbm:s0], s1  }
0x2e0: {  	s0 =	simm.s32 @!p0 $0x5  }
0x2e1: {  	_ =	swait.ge @!p0 [sflag:s0], s1  }
0x2e2: {  	s1 =	ssub.s32 @!p0 $0x0, s1;
	[sflag:s0] =	ssyncset.done @!p0 $0x0  }
0x2e3: {  	[sflag:s0] =	ssyncadd.s32 @!p0 s1  }
0x2e4: {  	[bflag:$0x3] =	sbarrier.arrive $0xFFFF  }
0x2e5: {  	_ =	shalt  }

// kernel: kernel.7.cloned.1.call-start
scs
__scs_entry_jumppad:
0x0: {  	(pc) =	sbr.rel $0x88, $3  }
0x1: {  	(tag) =	ssettag $0x0;
	lr =	simm.s32 $0x1  }
0x2: {  	[smem:$0x3F9E] =	sst lr;
	_ =	strace $0xD0000000  }
0x3: {  	_ = 	snop  }
0x4: {  	_ = 	snop  }
0x5: {  	_ = 	snop  }
0x6: {  	_ = 	snop  }
0x7: {  	_ = 	snop  }
__scs_overlays_trampoline_lowered:
0x8: {  	[smem:$0x3FAD] =	sst s0  }
0x9: {  	[smem:$0x3FAE] =	sst s1  }
0xa: {  	[smem:$0x3FAF] =	sst s2  }
0xb: {  	[smem:$0x3FB0] =	sst s3  }
0xc: {  	[smem:$0x3FB1] =	sst s4  }
0xd: {  	[smem:$0x3FB2] =	sst s5  }
0xe: {  	[smem:$0x3FB3] =	sst s6  }
0xf: {  	[smem:$0x3FB4] =	sst s7  }
0x10: {  	[smem:$0x3FB5] =	sst s8  }
0x11: {  	[smem:$0x3FB6] =	sst s9;
	s0 =	simm.s32 @!p0 $0x0  }
0x12: {  	s1 =	sld [smem:$0x3F9C];
	s0 =	simm.s32 @p0 $0x1  }
0x13: {  	[smem:$0x3FB7] =	sst s0;
	s0 =	simm.s32 @!p1 $0x0  }
0x14: {  	s2 =	sld [smem:$0x3F9B];
	s0 =	simm.s32 @p1 $0x1  }
0x15: {  	[smem:$0x3FB8] =	sst s0;
	s0 =	simm.s32 @!p2 $0x0  }
0x16: {  	s3 =	sld [smem:$0x3FDB];
	s0 =	simm.s32 @p2 $0x1  }
0x17: {  	s4 =	simm.s32 $0x1BF5;
	[smem:$0x3FBA] =	sst s0  }
0x18: {  	s0 =	sld [smem:$0x3F9D];
	_ =	swait.ge [sflag:s4], $0x0  }
0x19: {  	s7 =	sld [smem:$0x3F9E]  }
0x1a: {  	s8 =	sadd.s32 $0xFFFFE003, lr  }
0x1b: {  	s9 =	sadd.s32 $0xFFFFFEF7, lr;
	s5 =	simm.s32 $0xFFFFFFFF;
	p2 =	slt.u32 s8, $0xFFFFF086  }
0x1c: {  	p1 =	slt.u32 s9, $0xF7A;
	s5 =	simm.s32 @!p2 $0x0  }
0x1d: {  	s5 =	simm.s32 @p1 $0x1;
	p0 =	seq.s32 s7, s2  }
0x1e: {  	s7 =	smul.u32 @!p0 $0xF7A, s2;
	p2 =	seq.s32 @!p0 s5, $0x0  }
0x1f: {  	s9 =	smul.u32 $0xF7A, s1;
	s8 =	simm.s32 @!p0 $0x1BF5;
	p2 =	por !p2, p0  }
0x20: {  	[sflag:s8] =	ssyncset.s32 @!p0 $0xFFFFF086;
	s6 =	sadd.s32 @!p0 s3, s7;
	s7 =	simm.s32 @!p0 $0x108  }
0x21: {  	s3 =	sadd.s32 s3, s9;
	s6 =	sadd.s32 @!p0 $0x88, s6;
	s7 =	simm.s32 @p2 $0x1082  }
0x22: {  	[simem:s7], [sflag:s8] =	dma.local @!p0 [hbm:s6], $0xF7A  }
0x23: {  	s9 =	sor.u32 $0xD0000000, s2;
	s6 =	simm.s32 $0x108;
	_ =	swait.ge @!p0 [sflag:s8], $0x0  }
0x24: {  	s3 =	sadd.s32 $0x88, s3;
	s6 =	simm.s32 @!p1 $0x1082;
	[sflag:s4] =	ssyncset.s32 $0xFFFFF086  }
0x25: {  	[simem:s6], [sflag:s4] =	dma.local [hbm:s3], $0xF7A  }
0x26: {  	[smem:$0x3F9E] =	sst s1;
	(tag) =	ssettag s2;
	_ =	strace s9  }
0x27: {  	s1 =	sld [smem:$0x3FAE]  }
0x28: {  	s2 =	sld [smem:$0x3FAF]  }
0x29: {  	s4 =	sld [smem:$0x3FB1]  }
0x2a: {  	p0 =	seq.s32 s5, $0x0;
	s5 =	sld [smem:$0x3FB2]  }
0x2b: {  	s6 =	sld [smem:$0x3FB3]  }
0x2c: {  	s7 =	sld [smem:$0x3FB4]  }
0x2d: {  	s3 =	simm.s32 $0x108;
	s8 =	sld [smem:$0x3FB5]  }
0x2e: {  	s3 =	simm.s32 @!p0 $0x1082;
	s9 =	sld [smem:$0x3FB6]  }
0x2f: {  	lr =	sadd.s32 s0, s3;
	s0 =	sld [smem:$0x3FAD]  }
0x30: {  	s3 =	sld [smem:$0x3FB0]  }
0x31: {  	[smem:$0x3FB9] =	sst s10  }
0x32: {  	s10 =	sld [smem:$0x3FB7];
	_ =	sdelay $0x3  }
0x33: {  	p0 =	seq.s32 s10, $0x1;
	s10 =	sld [smem:$0x3FB9];
	_ =	sdelay $0x3  }
0x34: {  	[smem:$0x3FB9] =	sst s10  }
0x35: {  	s10 =	sld [smem:$0x3FB8];
	_ =	sdelay $0x3  }
0x36: {  	p1 =	seq.s32 s10, $0x1;
	s10 =	sld [smem:$0x3FB9];
	_ =	sdelay $0x3  }
0x37: {  	[smem:$0x3FB9] =	sst s10  }
0x38: {  	s10 =	sld [smem:$0x3FBA]  }
0x39: {  	_ = 	snop;
	(pc) =	sbr.ind lr, $3  }
0x3a: {  	_ = 	snop  }
0x3b: {  	_ = 	snop  }
0x3c: {  	p2 =	seq.s32 s10, $0x1;
	s10 =	sld [smem:$0x3FB9]  }
0x3d: {  	_ =	shalt  }
0x3e: {  	_ =	shalt  }
0x3f: {  	_ =	shalt  }
0x40: {  	_ =	shalt  }
0x41: {  	_ =	shalt  }
0x42: {  	_ =	shalt  }
0x43: {  	_ =	shalt  }
0x44: {  	_ =	shalt  }
0x45: {  	_ =	shalt  }
0x46: {  	_ =	shalt  }
0x47: {  	_ =	shalt  }
0x48: {  	_ =	shalt  }
0x49: {  	_ =	shalt  }
0x4a: {  	_ =	shalt  }
0x4b: {  	_ =	shalt  }
0x4c: {  	_ =	shalt  }
0x4d: {  	_ =	shalt  }
0x4e: {  	_ =	shalt  }
0x4f: {  	_ =	shalt  }
0x50: {  	_ =	shalt  }
0x51: {  	_ =	shalt  }
0x52: {  	_ =	shalt  }
0x53: {  	_ =	shalt  }
0x54: {  	_ =	shalt  }
0x55: {  	_ =	shalt  }
0x56: {  	_ =	shalt  }
0x57: {  	_ =	shalt  }
0x58: {  	_ =	shalt  }
0x59: {  	_ =	shalt  }
0x5a: {  	_ =	shalt  }
0x5b: {  	_ =	shalt  }
0x5c: {  	_ =	shalt  }
0x5d: {  	_ =	shalt  }
0x5e: {  	_ =	shalt  }
0x5f: {  	_ =	shalt  }
0x60: {  	_ =	shalt  }
0x61: {  	_ =	shalt  }
0x62: {  	_ =	shalt  }
0x63: {  	_ =	shalt  }
0x64: {  	_ =	shalt  }
0x65: {  	_ =	shalt  }
0x66: {  	_ =	shalt  }
0x67: {  	_ =	shalt  }
0x68: {  	_ =	shalt  }
0x69: {  	_ =	shalt  }
0x6a: {  	_ =	shalt  }
0x6b: {  	_ =	shalt  }
0x6c: {  	_ =	shalt  }
0x6d: {  	_ =	shalt  }
0x6e: {  	_ =	shalt  }
0x6f: {  	_ =	shalt  }
0x70: {  	_ =	shalt  }
0x71: {  	_ =	shalt  }
0x72: {  	_ =	shalt  }
0x73: {  	_ =	shalt  }
0x74: {  	_ =	shalt  }
0x75: {  	_ =	shalt  }
0x76: {  	_ =	shalt  }
0x77: {  	_ =	shalt  }
0x78: {  	_ =	shalt  }
0x79: {  	_ =	shalt  }
0x7a: {  	_ =	shalt  }
0x7b: {  	_ =	shalt  }
0x7c: {  	_ =	shalt  }
0x7d: {  	_ =	shalt  }
0x7e: {  	_ =	shalt  }
0x7f: {  	_ =	shalt  }
0x80: {  	_ =	shalt  }
0x81: {  	_ =	shalt  }
0x82: {  	_ =	shalt  }
0x83: {  	_ =	shalt  }
0x84: {  	_ =	shalt  }
0x85: {  	_ =	shalt  }
0x86: {  	_ =	shalt  }
0x87: {  	_ =	shalt  }
.Lfunc_end0:
.L_simem_size_0:
called_computation.1_lowered:
.L_overlay_start_0:
0x88: {  	s2 =	sld [smem:$0x3FD9]  }
0x89: {  	s3 =	sld [smem:$0x3FFE];
	_ =	sdelay $0x1  }
0x8a: {  	s1 =	srdreg.scid  }
0x8b: {  	s0 =	sand.u32 $0x1, s1  }
0x8c: {  	s17 =	sshll.u32 s0, $0xA;
	s2 =	sadd.s32 s3, s2  }
0x8d: {  	s2 =	sadd.s32 s2, s17  }
0x8e: {  	[smem:$0x3FC5] =	sst s2  }
0x8f: {  	_ = 	snop  }
0x90: {  	s2 =	sld [smem:$0x3FD0];
	(tm) =	ssettm $0x1  }
0x91: {  	s18 =	sld [smem:$0x3FFB];
	_ =	sdelay $0x3  }
0x92: {  	_ =	strace s18  }
0x93: {  	s3 =	sld [smem:$0x3FFC];
	_ =	sdelay $0x3  }
0x94: {  	_ =	strace s3  }
0x95: {  	s3 =	sld [smem:$0x3FFD];
	_ =	sdelay $0x3  }
0x96: {  	_ =	strace s3  }
0x97: {  	_ =	strace $0x8FFFFFFF  }
0x98: {  	s19 =	sld [smem:$0x3FDB];
	_ =	sdelay $0x1  }
0x99: {  	s4 =	simm.s32 $_scs_section_size  }
0x9a: {  	s5 =	simm.s32 $_size__tile_overlayer_lowered;
	s6 =	simm.s32 $_tile_overlayer_lowered  }
0x9b: {  	s22 =	simm.s32 $0x1BFF;
	s21 =	sshll.u32 s6, $0x1;
	s3 =	sadd.s32 s4, s19  }
0x9c: {  	s7 =	simm.s32 $0x0;
	s20 =	sshll.u32 s5, $0x1;
	s5 =	sadd.s32 s21, s3  }
0x9d: {  	[timem:s7], [sflag:s22] =	dma.local [hbm:s5], s20  }
0x9e: {  	_ =	swait.ge [sflag:s22], s20  }
0x9f: {  	s4 =	ssub.s32 $0x0, s20;
	[sflag:s22] =	ssyncset.done $0x0  }
0xa0: {  	[sflag:s22] =	ssyncadd.s32 s4;
	_ =	sdelay $0x1  }
0xa1: {  	s23 =	simm.s32 $0x1B8B  }
0xa2: {  	_ =	swait.ge [sflag:s23], $0x1  }
0xa3: {  	[sflag:s23] =	ssyncset.done $0x0  }
0xa4: {  	s25 =	simm.s32 $0x1B8E;
	s24 =	sld [smem:$0x3FFE];
	[sflag:s23] =	ssyncadd.s32 $0xFFFFFFFF  }
0xa5: {  	s26 =	simm.s32 $execute0_lowered;
	[smem:$0x3FD2] =	sst s25  }
0xa6: {  	s5 =	sshll.u32 s26, $0x1;
	_ =	strace $0x80000049;
	[dreg:$0x1] =	wrdreg $0xFFFFFFFF  }
0xa7: {  	s28 =	simm.s32 $_size_execute0_lowered;
	s3 =	sadd.s32 s3, s5;
	[dreg:$0x0] =	wrdreg $0x0  }
0xa8: {  	s5 =	sshll.u32 s28, $0x1;
	[dreg:$0x2] =	wrdreg s3  }
0xa9: {  	[dreg:$0x3] =	wrdreg s5  }
0xaa: {  	[dreg:$0x4] =	wrdreg $0xC0  }
0xab: {  	_ =	task [dreg:s7], $0x5FFFF  }
0xac: {  	[dreg:$0x1] =	wrdreg $0xFFFFFFFF  }
0xad: {  	[dreg:$0x0] =	wrdreg $0x60  }
0xae: {  	[dreg:$0x2] =	wrdreg s24  }
0xaf: {  	[dreg:$0x3] =	wrdreg s2  }
0xb0: {  	[dreg:$0x4] =	wrdreg $0x9  }
0xb1: {  	_ =	task.clear_ibuf [dreg:s7], $0x5FFFF;
	_ =	strace $0x90000049  }
0xb2: {  	s29 =	simm.s32 $0x9;
	_ =	strace $0x8000004B  }
0xb3: {  	_ =	swait.ge [sflag:s29], $0x1  }
0xb4: {  	[sflag:s29] =	ssyncadd.s32 $0xFFFFFFFF  }
0xb5: {  	_ =	strace $0x9000004B  }
0xb6: {  	_ =	sfence  }
0xb7: {  	s30 =	sld [smem:$0x0];
	_ =	sdelay $0x2  }
0xb8: {  	s31 =	sshll.u32 s1, $0xD;
	s1 =	sshrl.u32 s1, $0x2  }
0xb9: {  	s3 =	sand.u32 $0x4000, s31;
	s1 =	sadd.s32 s1, s30  }
0xba: {  	s0 =	sor.u32 s3, s0;
	s1 =	sshll.u32 s1, $0x11  }
0xbb: {  	s0 =	sor.u32 s1, s0  }
0xbc: {  	s0 =	sadd.s32 $0x8F2B, s0  }
0xbd: {  	[sflag:s0] =	ssyncadd.remote.s32 $0x1  }
0xbe: {  	_ =	sfence.sel $0xFFFF  }
0xbf: {  	[dreg:$0x0] =	wrdreg $0xFFFFFFFF;
	(pc) =	sbr.abs _section_cstart, $3  }
0xc0: {  	[dreg:$0x1] =	wrdreg $0xFFFFFFFF  }
0xc1: {  	_ =	task.clear_ibuf [dreg:s7], $0x2FFFF;
	_ =	strace $0x9FFFFFFF  }
0xc2: {  	(tm) =	ssettm $0x7FFFFFFF  }
0xc3: {  	_ =	shalt  }
tec
execute0_lowered:
.L_overlay_start_1:
0x0: {  	(tag) =	ssettag $0x1  }
0x1: {  	s0 =	rddreg [dreg:$0x0]  }
0x2: {  	s1 =	rddreg [dreg:$0x1];
	s2 =	simm.s32 $0x0;
	s3 =	srdreg.scid  }
0x3: {  	s6 =	stileid.u32;
	s12 =	simm.s32 $0x1A00;
	s13 =	simm.s32 $0x2A00  }
0x4: {  	s15 =	simm.s32 $0x2200;
	s16 =	simm.s32 $0x3200;
	s17 =	simm.s32 $0x2  }
0x5: {  	v3 =	vlaneseq.u32;
	s18 =	simm.s32 $0x4;
	s20 =	simm.s32 $0x4E00;
	s21 =	simm.s32 $0x5200  }
0x6: {  	s22 =	simm.s32 $0x5600;
	s25 =	simm.s32 $0x1;
	[smem:$0x7FF] =	sst s2;
	v0 =	vmul.u32 $0x1A, v3  }
0x7: {  	s4 =	sadd.s32 $0x3D1C00, s0;
	s3 =	sand.u32 $0x1, s3;
	s5 =	sadd.s32 $0x1000, s0  }
.Ltmp0:
0x8: {  	s8 =	sshll.u32 s6, $0x3;
	v3 =	vmul.u32 $0x10, v3;
	s30 =	ssub.s32 $0x2, s3;
	v1 =	vadd.s32 $0x1A0, v0;
	v2 =	vadd.s32 $0x340, v0;
	(pc) =	sbr.rel .LBB2_1-.Ltmp0, $4  }
0x9: {  	_ =	strace $0x8000004A;
	s3 =	sshll.u32 s3, $0x2;
	s7 =	sshrl.u32 s30, $0x1;
	v4 =	vadd.s32 $0x4E0, v0;
	v5 =	vadd.s32 $0x680, v0;
	v6 =	vadd.s32 $0x820, v0  }
0xa: {  	[dreg:$0x3] =	wrdreg s4;
	s3 =	sor.u32 s3, s8;
	v7 =	vadd.s32 $0x9C0, v0;
	v8 =	vadd.s32 $0xB60, v0;
	v9 =	vor.u32 $0x100, v3;
	s31 =	ssub.s32 s30, s7  }
0xb: {  	s6 =	sadd.s32 $0x1E9600, s0;
	v10 =	vor.u32 $0x200, v3;
	v11 =	vor.u32 $0x300, v3;
	v12 =	vor.u32 $0x400, v3;
	[dreg:$0x4] =	wrdreg s3;
	s0 =	smax.u32 s31, $0x1  }
0xc: {  	s26 =	simm.s32 $0x3;
	v13 =	vor.u32 $0x500, v3;
	v14 =	vor.u32 $0x600, v3;
	v15 =	vor.u32 $0x700, v3;
	s3 =	simm.s32 $0x0;
	[dreg:$0x5] =	wrdreg s0  }
.LBB2_14:
0xd: {  	s3 =	rddreg [dreg:$0x6]  }
0xe: {  	s0 =	rddreg [dreg:$0x5];
	s3 =	sadd.s32 $0x1, s3  }
0xf: {  	p0 =	sne.s32 s3, s0  }
.Ltmp1:
0x10: {  	_ = 	snop;
	(pc) =	sbr.rel @!p0 .LBB2_15-.Ltmp1, $1  }
0x11: {  	_ =	sdelay $0x3  }
.LBB2_1:
.Ltmp2:
0x12: {  	(pc) =	sbr.rel .LBB2_2-.Ltmp2, $2  }
0x13: {  	_ =	sdelay $0x2  }
0x14: {  	[dreg:$0x6] =	wrdreg s3;
	s3 =	simm.s32 $0x0  }
.LBB2_13:
0x15: {  	s0 =	simm.s32 $0x5  }
0x16: {  	_ =	swait.ge [sflag:s0], $0x1000  }
0x17: {  	[sflag:s0] =	ssyncset.done $0x0  }
0x18: {  	s31 =	simm.s32 $0x6;
	[sflag:s0] =	ssyncadd.s32 $0xFFFFF000  }
0x19: {  	_ =	swait.ge [sflag:s31], $0x1000  }
0x1a: {  	s3 =	rddreg [dreg:$0x7]  }
0x1b: {  	s3 =	sadd.s32 $0x1, s3  }
0x1c: {  	p0 =	sne.s32 s3, $0x4  }
.Ltmp3:
0x1d: {  	_ = 	snop;
	(pc) =	sbr.rel @!p0 .LBB2_14-.Ltmp3, $3  }
0x1e: {  	_ =	sdelay $0x1  }
0x1f: {  	[sflag:s31] =	ssyncset.done $0x0  }
0x20: {  	[sflag:s31] =	ssyncadd.s32 $0xFFFFF000  }
.LBB2_2:
0x21: {  	s0 =	rddreg [dreg:$0x4]  }
0x22: {  	s0 =	sadd.s32 s0, s3  }
0x23: {  	[dreg:$0x7] =	wrdreg s3;
	s4 =	smul.u32 $0x1A0, s0  }
0x24: {  	s19 =	simm.s32 $0x1;
	s7 =	rddreg [dreg:$0x3]  }
0x25: {  	s29 =	simm.s32 $0x0;
	s24 =	simm.s32 $0x7;
	v16 =	vadd.s32 s19, v0;
	s4 =	sadd.s32 s7, s4  }
0x26: {  	[tilespmem:s29], [sflag:$0x7] =	stream.linear.gather [hbm4b:s4+s29], $0xD00, $0x38;
	[tilespmem:$0x5A00] =	vst v63  }
0x27: {  	_ =	swait.ge [sflag:s24], $0xD00  }
0x28: {  	[sflag:s24] =	ssyncset.done $0x0  }
0x29: {  	[sflag:s24] =	ssyncadd.s32 $0xFFFFF300  }
0x2a: {  	v16 =	vld.idx.msk [tilespmem:v16+s2+$0x0], $0xffff  }
0x2b: {  	v17 =	vadd.s32 s19, v1  }
0x2c: {  	v18 =	vadd.s32 s29, v0;
	_ =	sdelay $0x1  }
0x2d: {  	s23 =	simm.s32 $0xD80;
	s28 =	simm.s32 $0x3  }
0x2e: {  	v20 =	vadd.s32 s28, v0;
	[tilespmem:s23+$0x0] =	vst v16  }
0x2f: {  	v16 =	vld.idx.msk [tilespmem:v17+s2+$0x0], $0xffff  }
0x30: {  	v17 =	vld.idx.msk [tilespmem:v18+s2+$0x0], $0xffff;
	v18 =	vadd.s32 s19, v2  }
0x31: {  	v19 =	vadd.s32 s29, v1;
	_ =	sdelay $0x1  }
0x32: {  	v20 =	vld.idx.msk [tilespmem:v20+s2+$0x0], $0xffff  }
0x33: {  	v22 =	vadd.s32 s28, v1;
	s7 =	simm.s32 $0x2;
	[tilespmem:s23+$0x10] =	vst v16  }
0x34: {  	v16 =	vadd.s32 s7, v0;
	[tilespmem:s23+$0xFFFFFF80] =	vst v17;
	v17 =	vld.idx.msk [tilespmem:v18+s2+$0x0], $0xffff  }
0x35: {  	v18 =	vld.idx.msk [tilespmem:v19+s2+$0x0], $0xffff;
	v19 =	vadd.s32 s19, v4  }
0x36: {  	s4 =	simm.s32 $0xE80  }
0x37: {  	v21 =	vadd.s32 s29, v2;
	[tilespmem:s4+$0x0] =	vst v20  }
0x38: {  	v22 =	vld.idx.msk [tilespmem:v22+s2+$0x0], $0xffff  }
0x39: {  	v23 =	vadd.s32 s28, v2;
	v16 =	vld.idx.msk [tilespmem:v16+s2+$0x0], $0xffff;
	[tilespmem:s23+$0x20] =	vst v17  }
0x3a: {  	[tilespmem:s23+$0xFFFFFF90] =	vst v18;
	v17 =	vadd.s32 s7, v1;
	v18 =	vld.idx.msk [tilespmem:v19+s2+$0x0], $0xffff  }
0x3b: {  	v20 =	vadd.s32 s19, v5  }
0x3c: {  	v19 =	vld.idx.msk [tilespmem:v21+s2+$0x0], $0xffff  }
0x3d: {  	s11 =	simm.s32 $0x5;
	[tilespmem:s4+$0x10] =	vst v22;
	v21 =	vadd.s32 s29, v4  }
0x3e: {  	s8 =	simm.s32 $0x4;
	v22 =	vld.idx.msk [tilespmem:v23+s2+$0x0], $0xffff;
	[tilespmem:s4+$0xFFFFFF80] =	vst v16;
	v16 =	vadd.s32 s11, v0  }
0x3f: {  	v24 =	vadd.s32 s8, v0;
	v17 =	vld.idx.msk [tilespmem:v17+s2+$0x0], $0xffff;
	[tilespmem:s23+$0x30] =	vst v18  }
0x40: {  	v25 =	vadd.s32 s28, v4;
	v18 =	vld.idx.msk [tilespmem:v20+s2+$0x0], $0xffff  }
0x41: {  	[tilespmem:s23+$0xFFFFFFA0] =	vst v19;
	v19 =	vadd.s32 s7, v2  }
0x42: {  	v20 =	vld.idx.msk [tilespmem:v21+s2+$0x0], $0xffff;
	v21 =	vadd.s32 s19, v6  }
0x43: {  	v23 =	vadd.s32 s29, v5;
	[tilespmem:s4+$0x20] =	vst v22;
	v16 =	vld.idx.msk [tilespmem:v16+s2+$0x0], $0xffff  }
0x44: {  	s9 =	simm.s32 $0x6;
	v24 =	vld.idx.msk [tilespmem:v24+s2+$0x0], $0xffff;
	[tilespmem:s4+$0xFFFFFF90] =	vst v17;
	v17 =	vadd.s32 s11, v1  }
0x45: {  	v25 =	vld.idx.msk [tilespmem:v25+s2+$0x0], $0xffff;
	[tilespmem:s23+$0x40] =	vst v18;
	v18 =	vadd.s32 s9, v0  }
0x46: {  	v26 =	vadd.s32 s28, v5;
	v19 =	vld.idx.msk [tilespmem:v19+s2+$0x0], $0xffff  }
0x47: {  	s14 =	simm.s32 $0xF80;
	[tilespmem:s23+$0xFFFFFFB0] =	vst v20;
	v20 =	vld.idx.msk [tilespmem:v21+s2+$0x0], $0xffff;
	v21 =	vadd.s32 s8, v1  }
0x48: {  	v22 =	vld.idx.msk [tilespmem:v23+s2+$0x0], $0xffff;
	v23 =	vadd.s32 s19, v7;
	[tilespmem:s14+$0x0] =	vst v16  }
0x49: {  	[tilespmem:s14+$0xFFFFFF80] =	vst v24;
	v16 =	vadd.s32 s7, v4;
	v17 =	vld.idx.msk [tilespmem:v17+s2+$0x0], $0xffff  }
0x4a: {  	[tilespmem:s4+$0x30] =	vst v25;
	v27 =	vld.idx.msk [tilespmem:v18+s2+$0x0], $0xffff;
	v18 =	vadd.s32 s29, v6  }
0x4b: {  	s24 =	simm.s32 $0x7;
	v24 =	vadd.s32 s11, v2;
	v25 =	vld.idx.msk [tilespmem:v26+s2+$0x0], $0xffff;
	[tilespmem:s4+$0xFFFFFFA0] =	vst v19  }
0x4c: {  	v21 =	vld.idx.msk [tilespmem:v21+s2+$0x0], $0xffff;
	[tilespmem:s23+$0x50] =	vst v20;
	v20 =	vadd.s32 s24, v0  }
0x4d: {  	[tilespmem:s23+$0xFFFFFFC0] =	vst v22;
	v22 =	vadd.s32 s8, v2;
	v19 =	vld.idx.msk [tilespmem:v23+s2+$0x0], $0xffff  }
0x4e: {  	v16 =	vld.idx.msk [tilespmem:v16+s2+$0x0], $0xffff;
	v23 =	vadd.s32 s19, v8  }
0x4f: {  	[tilespmem:s14+$0x10] =	vst v17;
	v17 =	vld.idx.msk [tilespmem:v18+s2+$0x0], $0xffff;
	v18 =	vadd.s32 s28, v6  }
0x50: {  	v26 =	vadd.s32 s7, v5;
	[tilespmem:s4+$0x40] =	vst v25;
	v24 =	vld.idx.msk [tilespmem:v24+s2+$0x0], $0xffff  }
0x51: {  	v28 =	vadd.s32 s11, v4;
	v20 =	vld.idx.msk [tilespmem:v20+s2+$0x0], $0xffff;
	[tilespmem:s14+$0xFFFFFF90] =	vst v21  }
0x52: {  	s30 =	simm.s32 $0x1080;
	v31 =	vadd.s32 s9, v1;
	[tilespmem:s23+$0x60] =	vst v19;
	v30 =	vld.idx.msk [tilespmem:v22+s2+$0x0], $0xffff  }
0x53: {  	[tilespmem:s30+$0xFFFFFF80] =	vst v27;
	v19 =	vadd.s32 s29, v7;
	v29 =	vld.idx.msk [tilespmem:v23+s2+$0x0], $0xffff  }
0x54: {  	s10 =	simm.s32 $0x8;
	[tilespmem:s4+$0xFFFFFFB0] =	vst v16;
	v23 =	vadd.s32 s24, v1;
	v25 =	vld.idx.msk [tilespmem:v18+s2+$0x0], $0xffff  }
0x55: {  	v16 =	vadd.s32 s10, v0;
	[tilespmem:s14+$0x20] =	vst v24;
	v18 =	vld.idx.msk [tilespmem:v26+s2+$0x0], $0xffff  }
0x56: {  	v24 =	vadd.s32 s28, v7;
	[tilespmem:s23+$0xFFFFFFD0] =	vst v17;
	v21 =	vld.idx.msk [tilespmem:v28+s2+$0x0], $0xffff  }
0x57: {  	v26 =	vadd.s32 s8, v4;
	[tilespmem:s30+$0x0] =	vst v20;
	v20 =	vld.idx.msk [tilespmem:v31+s2+$0x0], $0xffff  }
0x58: {  	v27 =	vadd.s32 s11, v5;
	v17 =	vld.idx.msk [tilespmem:v19+s2+$0x0], $0xffff  }
0x59: {  	v22 =	vadd.s32 s7, v6;
	[tilespmem:s14+$0xFFFFFFA0] =	vst v30;
	v23 =	vld.idx.msk [tilespmem:v23+s2+$0x0], $0xffff  }
0x5a: {  	v16 =	vld.idx.msk [tilespmem:v16+s2+$0x0], $0xffff;
	v19 =	vadd.s32 s24, v2;
	[tilespmem:s4+$0x50] =	vst v25  }
0x5b: {  	s31 =	simm.s32 $0x9;
	s3 =	simm.s32 $0xA;
	[tilespmem:s23+$0x70] =	vst v29;
	v25 =	vld.idx.msk [tilespmem:v24+s2+$0x0], $0xffff;
	v24 =	vadd.s32 s29, v8;
	s29 =	simm.s32 $0x1080  }
.LBB2_3:
0x5c: {  	p0 =	slt.u32 s3, $0x18;
	v28 =	vadd.s32 s31, v0;
	v26 =	vld.idx.msk [tilespmem:v26+s2+$0x0], $0xffff;
	[tilespmem:s14+$0x30] =	vst v21;
	s19 =	smov.u32 s8;
	s8 =	smov.u32 s9  }
0x5d: {  	v21 =	vld.idx.msk [tilespmem:v27+s2+$0x0], $0xffff;
	[tilespmem:s4+$0xFFFFFFC0] =	vst v18;
	v18 =	vadd.s32 s28, v8;
	s28 =	smov.u32 s11;
	s11 =	smov.u32 s24;
	s24 =	smov.u32 s31  }
0x5e: {  	s9 =	smov.u32 s10;
	s10 =	smov.u32 s3;
	v27 =	vadd.s32 s8, v2;
	[tilespmem:s30+$0x10] =	vst v23;
	v22 =	vld.idx.msk [tilespmem:v22+s2+$0x0], $0xffff  }
0x5f: {  	v23 =	vadd.s32 s28, v6;
	v19 =	vld.idx.msk [tilespmem:v19+s2+$0x0], $0xffff;
	[tilespmem:s23+$0xFFFFFFE0] =	vst v17  }
0x60: {  	v17 =	vadd.s32 s19, v5;
	[tilespmem:s30+$0xFFFFFF90] =	vst v20;
	v20 =	vld.idx.msk [tilespmem:v24+s2+$0x0], $0xffff  }
0x61: {  	v24 =	vld.idx.msk [tilespmem:v28+s2+$0x0], $0xffff;
	v28 =	vadd.s32 s11, v4;
	[tilespmem:s4+$0x60] =	vst v25  }
0x62: {  	v25 =	vadd.s32 s7, v7;
	[tilespmem:s14+$0xFFFFFFB0] =	vst v26;
	v29 =	vld.idx.msk [tilespmem:v18+s2+$0x0], $0xffff  }
0x63: {  	v30 =	vadd.s32 s24, v1;
	v31 =	vld.idx.msk [tilespmem:v27+s2+$0x0], $0xffff;
	[tilespmem:s14+$0x40] =	vst v21  }
0x64: {  	v32 =	vadd.s32 s3, v0;
	v33 =	vld.idx.msk [tilespmem:v23+s2+$0x0], $0xffff;
	[tilespmem:s4+$0xFFFFFFD0] =	vst v22  }
0x65: {  	v34 =	vadd.s32 s9, v1;
	[tilespmem:s30+$0x20] =	vst v19;
	v18 =	vld.idx.msk [tilespmem:v17+s2+$0x0], $0xffff  }
0x66: {  	s30 =	sadd.s32 $0x100, s30;
	v21 =	vld.idx.msk [tilespmem:v28+s2+$0x0], $0xffff;
	v28 =	vadd.s32 s28, v7;
	[tilespmem:s23+$0xFFFFFFF0] =	vst v20;
	s23 =	smov.u32 s4;
	s4 =	smov.u32 s14  }
.Ltmp4:
0x67: {  	v26 =	vadd.s32 s8, v4;
	s14 =	smov.u32 s29;
	s29 =	smov.u32 s30;
	[tilespmem:s30+$0x0] =	vst v24;
	v17 =	vld.idx.msk [tilespmem:v25+s2+$0x0], $0xffff;
	(pc) =	sbr.rel @p0 .LBB2_3-.Ltmp4, $4  }
0x68: {  	v27 =	vadd.s32 s11, v5;
	v23 =	vld.idx.msk [tilespmem:v30+s2+$0x0], $0xffff;
	[tilespmem:s23+$0x70] =	vst v29  }
0x69: {  	v22 =	vadd.s32 s19, v6;
	[tilespmem:s30+$0xFFFFFF80] =	vst v16;
	v16 =	vld.idx.msk [tilespmem:v32+s2+$0x0], $0xffff  }
0x6a: {  	v19 =	vadd.s32 s24, v2;
	v20 =	vld.idx.msk [tilespmem:v34+s2+$0x0], $0xffff;
	[tilespmem:s4+$0x50] =	vst v33  }
0x6b: {  	s3 =	sadd.s32 $0x2, s3;
	s31 =	sadd.s32 $0x1, s10;
	v24 =	vadd.s32 s7, v8;
	s7 =	smov.u32 s19;
	[tilespmem:s14+$0xFFFFFFA0] =	vst v31;
	v25 =	vld.idx.msk [tilespmem:v28+s2+$0x0], $0xffff  }
0x6c: {  	v28 =	vadd.s32 s31, v0;
	_ =	sdelay $0x2  }
0x6d: {  	v61 =	vadd.s32 s10, v1;
	_ =	sdelay $0x1  }
0x6e: {  	[tilespmem:s14+$0x30] =	vst v21;
	v28 =	vld.idx.msk [tilespmem:v28+s2+$0x0], $0xffff  }
0x6f: {  	v60 =	vadd.s32 s31, v1;
	[tilespmem:s23+$0xFFFFFFE0] =	vst v17;
	s3 =	sadd.s32 $0x100, s30;
	v17 =	vld.idx.msk [tilespmem:v27+s2+$0x0], $0xffff  }
0x70: {  	[tilespmem:s3+$0xFFFFFF80] =	vst v16  }
0x71: {  	[tilespmem:s4+$0xFFFFFFC0] =	vst v18;
	v16 =	vld.idx.msk [tilespmem:v61+s2+$0x0], $0xffff  }
0x72: {  	v30 =	vadd.s32 s10, v2;
	[tilespmem:s30+$0x10] =	vst v23  }
0x73: {  	v63 =	vadd.s32 s9, v2;
	v19 =	vld.idx.msk [tilespmem:v19+s2+$0x0], $0xffff;
	[tilespmem:s3+$0x0] =	vst v28  }
0x74: {  	[tilespmem:s14+$0x40] =	vst v17;
	v17 =	vadd.s32 s24, v4;
	v21 =	vld.idx.msk [tilespmem:v60+s2+$0x0], $0xffff  }
0x75: {  	v62 =	vld.idx.msk [tilespmem:v26+s2+$0x0], $0xffff;
	[tilespmem:s30+$0xFFFFFF90] =	vst v20;
	v28 =	vadd.s32 s31, v2  }
0x76: {  	v29 =	vld.idx.msk [tilespmem:v22+s2+$0x0], $0xffff;
	[tilespmem:s3+$0xFFFFFF90] =	vst v16  }
0x77: {  	v31 =	vadd.s32 s28, v8;
	[tilespmem:s4+$0x60] =	vst v25;
	v34 =	vld.idx.msk [tilespmem:v30+s2+$0x0], $0xffff  }
0x78: {  	v36 =	vadd.s32 s10, v4;
	v26 =	vld.idx.msk [tilespmem:v63+s2+$0x0], $0xffff;
	[tilespmem:s30+$0x20] =	vst v19  }
0x79: {  	v37 =	vadd.s32 s8, v5;
	v17 =	vld.idx.msk [tilespmem:v17+s2+$0x0], $0xffff;
	[tilespmem:s3+$0x10] =	vst v21  }
0x7a: {  	v33 =	vadd.s32 s9, v4;
	[tilespmem:s14+$0xFFFFFFB0] =	vst v62;
	v18 =	vld.idx.msk [tilespmem:v28+s2+$0x0], $0xffff  }
0x7b: {  	v24 =	vld.idx.msk [tilespmem:v24+s2+$0x0], $0xffff;
	[tilespmem:s4+$0xFFFFFFD0] =	vst v29;
	v16 =	vadd.s32 s31, v4  }
0x7c: {  	v32 =	vadd.s32 s11, v6;
	v35 =	vld.idx.msk [tilespmem:v31+s2+$0x0], $0xffff;
	[tilespmem:s3+$0xFFFFFFA0] =	vst v34  }
0x7d: {  	v39 =	vadd.s32 s24, v5;
	[tilespmem:s29+$0xFFFFFFA0] =	vst v26;
	v19 =	vld.idx.msk [tilespmem:v36+s2+$0x0], $0xffff  }
0x7e: {  	v43 =	vadd.s32 s10, v5;
	v42 =	vld.idx.msk [tilespmem:v37+s2+$0x0], $0xffff;
	[tilespmem:s29+$0x30] =	vst v17  }
0x7f: {  	v21 =	vld.idx.msk [tilespmem:v33+s2+$0x0], $0xffff;
	v17 =	vadd.s32 s8, v6;
	[tilespmem:s3+$0x20] =	vst v18  }
0x80: {  	v40 =	vadd.s32 s9, v5;
	[tilespmem:s23+$0xFFFFFFF0] =	vst v24;
	v16 =	vld.idx.msk [tilespmem:v16+s2+$0x0], $0xffff  }
0x81: {  	v41 =	vadd.s32 s31, v5;
	v23 =	vld.idx.msk [tilespmem:v32+s2+$0x0], $0xffff;
	[tilespmem:s4+$0x70] =	vst v35  }
0x82: {  	v38 =	vadd.s32 s7, v7;
	v26 =	vld.idx.msk [tilespmem:v39+s2+$0x0], $0xffff;
	[tilespmem:s3+$0xFFFFFFB0] =	vst v19  }
0x83: {  	v44 =	vadd.s32 s11, v7;
	[tilespmem:s14+$0xFFFFFFC0] =	vst v42;
	v47 =	vld.idx.msk [tilespmem:v43+s2+$0x0], $0xffff  }
0x84: {  	v49 =	vadd.s32 s10, v6;
	[tilespmem:s29+$0xFFFFFFB0] =	vst v21;
	v17 =	vld.idx.msk [tilespmem:v17+s2+$0x0], $0xffff  }
0x85: {  	v45 =	vadd.s32 s24, v6;
	v18 =	vld.idx.msk [tilespmem:v40+s2+$0x0], $0xffff;
	[tilespmem:s3+$0x30] =	vst v16  }
0x86: {  	[tilespmem:s14+$0x50] =	vst v23;
	v16 =	vadd.s32 s9, v6;
	v20 =	vld.idx.msk [tilespmem:v41+s2+$0x0], $0xffff  }
0x87: {  	v46 =	vadd.s32 s31, v6;
	v24 =	vld.idx.msk [tilespmem:v38+s2+$0x0], $0xffff;
	[tilespmem:s29+$0x40] =	vst v26  }
0x88: {  	v50 =	vadd.s32 s7, v8;
	v48 =	vld.idx.msk [tilespmem:v44+s2+$0x0], $0xffff;
	[tilespmem:s3+$0xFFFFFFC0] =	vst v47  }
0x89: {  	v51 =	vadd.s32 s8, v7;
	[tilespmem:s14+$0xFFFFFFD0] =	vst v17;
	v55 =	vld.idx.msk [tilespmem:v49+s2+$0x0], $0xffff  }
0x8a: {  	v21 =	vld.idx.msk [tilespmem:v45+s2+$0x0], $0xffff;
	v17 =	vadd.s32 s10, v7;
	[tilespmem:s29+$0xFFFFFFC0] =	vst v18  }
0x8b: {  	v52 =	vadd.s32 s24, v7;
	v16 =	vld.idx.msk [tilespmem:v16+s2+$0x0], $0xffff;
	[tilespmem:s3+$0x40] =	vst v20  }
0x8c: {  	v53 =	vadd.s32 s9, v7;
	[tilespmem:s4+$0xFFFFFFE0] =	vst v24;
	v19 =	vld.idx.msk [tilespmem:v46+s2+$0x0], $0xffff  }
0x8d: {  	v54 =	vadd.s32 s31, v7;
	v56 =	vld.idx.msk [tilespmem:v50+s2+$0x0], $0xffff;
	[tilespmem:s14+$0x60] =	vst v48  }
0x8e: {  	v57 =	vadd.s32 s11, v8;
	v26 =	vld.idx.msk [tilespmem:v51+s2+$0x0], $0xffff;
	[tilespmem:s3+$0xFFFFFFD0] =	vst v55  }
0x8f: {  	v58 =	vadd.s32 s8, v8;
	[tilespmem:s29+$0x50] =	vst v21;
	v17 =	vld.idx.msk [tilespmem:v17+s2+$0x0], $0xffff  }
0x90: {  	v62 =	vadd.s32 s10, v8;
	v18 =	vld.idx.msk [tilespmem:v52+s2+$0x0], $0xffff;
	[tilespmem:s29+$0xFFFFFFD0] =	vst v16  }
0x91: {  	v16 =	vadd.s32 s24, v8;
	v20 =	vld.idx.msk [tilespmem:v53+s2+$0x0], $0xffff;
	[tilespmem:s3+$0x50] =	vst v19  }
0x92: {  	v59 =	vadd.s32 s9, v8;
	[tilespmem:s4+$0xFFFFFFF0] =	vst v56;
	v19 =	vld.idx.msk [tilespmem:v54+s2+$0x0], $0xffff  }
0x93: {  	v60 =	vadd.s32 s31, v8;
	v61 =	vld.idx.msk [tilespmem:v57+s2+$0x0], $0xffff;
	[tilespmem:s14+$0xFFFFFFE0] =	vst v26  }
0x94: {  	v21 =	vld.idx.msk [tilespmem:v58+s2+$0x0], $0xffff;
	[tilespmem:s3+$0xFFFFFFE0] =	vst v17  }
0x95: {  	[tilespmem:s29+$0x60] =	vst v18;
	v17 =	vld.idx.msk [tilespmem:v62+s2+$0x0], $0xffff  }
0x96: {  	v16 =	vld.idx.msk [tilespmem:v16+s2+$0x0], $0xffff;
	[tilespmem:s29+$0xFFFFFFE0] =	vst v20  }
0x97: {  	v63 =	vld.idx.msk [tilespmem:v59+s2+$0x0], $0xffff;
	[tilespmem:s3+$0x60] =	vst v19  }
0x98: {  	[tilespmem:s14+$0x70] =	vst v61;
	v19 =	vld.idx.msk [tilespmem:v60+s2+$0x0], $0xffff  }
0x99: {  	[tilespmem:s14+$0xFFFFFFF0] =	vst v21  }
0x9a: {  	[tilespmem:s3+$0xFFFFFFF0] =	vst v17  }
0x9b: {  	[tilespmem:s29+$0x70] =	vst v16  }
0x9c: {  	[tilespmem:s29+$0xFFFFFFF0] =	vst v63  }
0x9d: {  	s19 =	simm.s32 $0x80;
	s23 =	simm.s32 $0xD00;
	[tilespmem:s3+$0x70] =	vst v19  }
0x9e: {  	[tilespmem:s12], [sflag:$0x1] =	stream.indirect.gather [hbm4b:s5+s19], $0x10, s23, s19, $0xb8;
	[tilespmem:$0x5A00] =	vst v63  }
0x9f: {  	_ = 	snop  }
0xa0: {  	[tilespmem:s13], [sflag:$0x3] =	stream.indirect.gather [hbm4b:s6+s19], $0x10, s23, s19, $0xb8;
	[tilespmem:$0x5A00] =	vst v63  }
.Ltmp5:
0xa1: {  	s28 =	simm.s32 $0x3A00;
	s24 =	simm.s32 $0xD80;
	(pc) =	sbr.rel .LBB2_5-.Ltmp5, $4  }
0xa2: {  	[tilespmem:s15], [sflag:$0x2] =	stream.indirect.gather [hbm4b:s5+s19], $0x10, s24, s19, $0xb8;
	[tilespmem:$0x5A00] =	vst v63  }
0xa3: {  	s30 =	simm.s32 $0x4200;
	s31 =	simm.s32 $0x4600;
	s8 =	sshll.u32 s0, $0x7  }
0xa4: {  	[tilespmem:s16], [sflag:$0x4] =	stream.indirect.gather [hbm4b:s6+s19], $0x10, s24, s19, $0xb8;
	[tilespmem:$0x5A00] =	vst v63  }
0xa5: {  	s0 =	simm.s32 $0x0;
	s29 =	simm.s32 $0x3E00;
	s24 =	simm.s32 $0x4A00  }
.LBB2_11:
0xa6: {  	_ =	sdelay $0x3  }
0xa7: {  	v26 =	vld.idx.msk [tilespmem:v27+s16+$0x0], $0xffff  }
0xa8: {  	v54 =	vld.idx.msk [tilespmem:v28+s16+$0x0], $0xffff;
	v55 =	vor.u32 v12, v21  }
0xa9: {  	v38 =	vor.u32 v12, v20  }
0xaa: {  	[tilespmem:s7+$0x130] =	vst v37  }
0xab: {  	[tilespmem:s7+$0xB0] =	vst v36;
	v56 =	vld.idx.msk [tilespmem:v30+s15+$0x0], $0xffff  }
0xac: {  	v57 =	vld.idx.msk [tilespmem:v31+s15+$0x0], $0xffff;
	[tilespmem:s7+$0x1B0] =	vst v26  }
0xad: {  	[tilespmem:s7+$0x30] =	vst v54;
	v26 =	vld.idx.msk [tilespmem:v55+s15+$0x0], $0xffff  }
0xae: {  	v27 =	vld.idx.msk [tilespmem:v38+s15+$0x0], $0xffff  }
0xaf: {  	[tilespmem:s4+$0x40] =	vst v35  }
0xb0: {  	[tilespmem:s7+$0xFFFFF940] =	vst v56  }
0xb1: {  	[tilespmem:s7+$0xFFFFF8C0] =	vst v57;
	v58 =	vld.idx.msk [tilespmem:v30+s16+$0x0], $0xffff  }
0xb2: {  	v60 =	vor.u32 v13, v19;
	v59 =	vld.idx.msk [tilespmem:v31+s16+$0x0], $0xffff;
	[tilespmem:s11+$0xFFFFF9C0] =	vst v26  }
0xb3: {  	v62 =	vor.u32 v13, v18;
	[tilespmem:s7+$0xFFFFF840] =	vst v27;
	v61 =	vld.idx.msk [tilespmem:v55+s16+$0x0], $0xffff  }
0xb4: {  	[tilespmem:s4+$0x170] =	vst v34;
	v63 =	vor.u32 v13, v21;
	v40 =	vld.idx.msk [tilespmem:v38+s16+$0x0], $0xffff  }
0xb5: {  	[tilespmem:s4+$0x1E0] =	vst v33;
	v41 =	vor.u32 v13, v20  }
0xb6: {  	v42 =	vld.idx.msk [tilespmem:v25+s15+$0x0], $0xffff;
	[tilespmem:s11+$0x140] =	vst v58  }
0xb7: {  	[tilespmem:s11+$0xC0] =	vst v59;
	v30 =	vld.idx.msk [tilespmem:v60+s15+$0x0], $0xffff  }
0xb8: {  	v43 =	vld.idx.msk [tilespmem:v62+s15+$0x0], $0xffff;
	[tilespmem:s11+$0x1C0] =	vst v61  }
0xb9: {  	[tilespmem:s11+$0x40] =	vst v40;
	v44 =	vld.idx.msk [tilespmem:v63+s15+$0x0], $0xffff  }
0xba: {  	[tilespmem:s4+$0xFFFFF8E0] =	vst v32;
	v45 =	vld.idx.msk [tilespmem:v41+s15+$0x0], $0xffff  }
0xbb: {  	v46 =	vld.idx.msk [tilespmem:v23+s15+$0x0], $0xffff;
	[tilespmem:s4+$0xFFFFF850] =	vst v42  }
0xbc: {  	v47 =	vld.idx.msk [tilespmem:v25+s16+$0x0], $0xffff;
	[tilespmem:s11+$0xFFFFF950] =	vst v30  }
0xbd: {  	v17 =	vor.u32 v14, v17;
	[tilespmem:s11+$0xFFFFF8D0] =	vst v43;
	v26 =	vld.idx.msk [tilespmem:v60+s16+$0x0], $0xffff  }
0xbe: {  	v48 =	vor.u32 v14, v19;
	v28 =	vld.idx.msk [tilespmem:v62+s16+$0x0], $0xffff;
	[tilespmem:s11+$0xFFFFF9D0] =	vst v44  }
0xbf: {  	v50 =	vor.u32 v14, v18;
	[tilespmem:s11+$0xFFFFF850] =	vst v45;
	v49 =	vld.idx.msk [tilespmem:v63+s16+$0x0], $0xffff  }
0xc0: {  	v51 =	vor.u32 v14, v21;
	[tilespmem:s4+$0xFFFFF9F0] =	vst v46;
	v32 =	vld.idx.msk [tilespmem:v41+s16+$0x0], $0xffff  }
0xc1: {  	v52 =	vor.u32 v14, v20;
	v29 =	vld.idx.msk [tilespmem:v29+s16+$0x0], $0xffff;
	[tilespmem:s4+$0x50] =	vst v47  }
0xc2: {  	v16 =	vor.u32 v15, v16;
	v53 =	vld.idx.msk [tilespmem:v17+s15+$0x0], $0xffff;
	[tilespmem:s11+$0x150] =	vst v26  }
0xc3: {  	[tilespmem:s11+$0xD0] =	vst v28;
	v26 =	vld.idx.msk [tilespmem:v48+s15+$0x0], $0xffff  }
0xc4: {  	v28 =	vld.idx.msk [tilespmem:v50+s15+$0x0], $0xffff;
	[tilespmem:s11+$0x1D0] =	vst v49  }
0xc5: {  	[tilespmem:s11+$0x50] =	vst v32;
	v30 =	vld.idx.msk [tilespmem:v51+s15+$0x0], $0xffff  }
0xc6: {  	[tilespmem:s4+$0xE0] =	vst v29;
	v54 =	vld.idx.msk [tilespmem:v52+s15+$0x0], $0xffff  }
0xc7: {  	v55 =	vld.idx.msk [tilespmem:v16+s15+$0x0], $0xffff;
	[tilespmem:s4+$0xFFFFF860] =	vst v53  }
0xc8: {  	v17 =	vld.idx.msk [tilespmem:v17+s16+$0x0], $0xffff;
	[tilespmem:s11+$0xFFFFF960] =	vst v26  }
0xc9: {  	[tilespmem:s11+$0xFFFFF8E0] =	vst v28;
	v26 =	vld.idx.msk [tilespmem:v48+s16+$0x0], $0xffff  }
0xca: {  	v56 =	vor.u32 v15, v19;
	v57 =	vld.idx.msk [tilespmem:v50+s16+$0x0], $0xffff;
	[tilespmem:s11+$0xFFFFF9E0] =	vst v30  }
0xcb: {  	v58 =	vor.u32 v15, v18;
	[tilespmem:s11+$0xFFFFF860] =	vst v54;
	v21 =	vld.idx.msk [tilespmem:v51+s16+$0x0], $0xffff  }
0xcc: {  	[tilespmem:s4+$0xFFFFF8F0] =	vst v55;
	v25 =	vld.idx.msk [tilespmem:v52+s16+$0x0], $0xffff  }
0xcd: {  	v16 =	vld.idx.msk [tilespmem:v16+s16+$0x0], $0xffff;
	[tilespmem:s4+$0x60] =	vst v17;
	v17 =	vor.u32 v15, v20  }
0xce: {  	v59 =	vld.idx.msk [tilespmem:v24+s15+$0x0], $0xffff;
	[tilespmem:s11+$0x160] =	vst v26  }
0xcf: {  	[tilespmem:s11+$0xE0] =	vst v57;
	v26 =	vld.idx.msk [tilespmem:v56+s15+$0x0], $0xffff  }
0xd0: {  	v60 =	vld.idx.msk [tilespmem:v58+s15+$0x0], $0xffff;
	[tilespmem:s11+$0x1E0] =	vst v21  }
0xd1: {  	[tilespmem:s11+$0x60] =	vst v25;
	v61 =	vld.idx.msk [tilespmem:v22+s15+$0x0], $0xffff  }
0xd2: {  	[tilespmem:s4+$0xF0] =	vst v16;
	v16 =	vld.idx.msk [tilespmem:v17+s15+$0x0], $0xffff  }
0xd3: {  	v62 =	vld.idx.msk [tilespmem:v23+s16+$0x0], $0xffff;
	[tilespmem:s4+$0xFFFFF870] =	vst v59  }
0xd4: {  	v20 =	vld.idx.msk [tilespmem:v24+s16+$0x0], $0xffff;
	[tilespmem:s11+$0xFFFFF970] =	vst v26  }
0xd5: {  	[tilespmem:s11+$0xFFFFF8F0] =	vst v60;
	v19 =	vld.idx.msk [tilespmem:v56+s16+$0x0], $0xffff  }
0xd6: {  	v18 =	vld.idx.msk [tilespmem:v58+s16+$0x0], $0xffff;
	[tilespmem:s11+$0xFFFFF9F0] =	vst v61  }
0xd7: {  	[tilespmem:s11+$0xFFFFF870] =	vst v16;
	v63 =	vld.idx.msk [tilespmem:v22+s16+$0x0], $0xffff  }
0xd8: {  	[tilespmem:s4+$0x1F0] =	vst v62;
	v16 =	vld.idx.msk [tilespmem:v17+s16+$0x0], $0xffff  }
0xd9: {  	[tilespmem:s4+$0x70] =	vst v20  }
0xda: {  	[tilespmem:s11+$0x170] =	vst v19  }
0xdb: {  	s3 =	sshll.u32 s0, $0x10;
	[tilespmem:s11+$0xF0] =	vst v18  }
0xdc: {  	s3 =	sadd.s32 s8, s3;
	[tilespmem:s11+$0x1F0] =	vst v63  }
0xdd: {  	s14 =	sadd.s32 s1, s3;
	s19 =	sor.u32 $0x4000, s3;
	[tilespmem:s11+$0x70] =	vst v16  }
0xde: {  	[hbm4b:s14+s2] =	stream.linear.scatter [tilespmem:s24], [sflag:$0x6], $0x400, $0x38;
	[tilespmem:$0x5A00] =	vst v63  }
0xdf: {  	s23 =	sor.u32 $0x8000, s3;
	s4 =	sadd.s32 s1, s19  }
0xe0: {  	[hbm4b:s4+s2] =	stream.linear.scatter [tilespmem:s20], [sflag:$0x6], $0x400, $0x38;
	[tilespmem:$0x5A00] =	vst v63  }
0xe1: {  	s3 =	sor.u32 $0xC000, s3;
	s4 =	sadd.s32 s1, s23  }
0xe2: {  	[hbm4b:s4+s2] =	stream.linear.scatter [tilespmem:s21], [sflag:$0x6], $0x400, $0x38;
	[tilespmem:$0x5A00] =	vst v63  }
0xe3: {  	p0 =	sgt.u32 s0, $0x17;
	s3 =	sadd.s32 s1, s3  }
0xe4: {  	[hbm4b:s3+s2] =	stream.linear.scatter [tilespmem:s22], [sflag:$0x6], $0x400, $0x38;
	[tilespmem:$0x5A00] =	vst v63  }
0xe5: {  	s3 =	sshll.u32 @!p0 s0, $0x7  }
0xe6: {  	s3 =	sand.u32 @!p0 $0x3FFFFF80, s3  }
0xe7: {  	s7 =	simm.s32 @!p0 $0x2200;
	s4 =	simm.s32 @!p0 $0x80;
	s3 =	sadd.s32 @!p0 $0xE00, s3  }
0xe8: {  	[tilespmem:s7], [sflag:$0x2] =	stream.indirect.gather @!p0 [hbm4b:s5+s4], $0x10, s3, s4, $0xb8;
	[tilespmem:$0x5A00] =	vst v63  }
0xe9: {  	s7 =	simm.s32 @!p0 $0x3200  }
0xea: {  	[tilespmem:s7], [sflag:$0x4] =	stream.indirect.gather @!p0 [hbm4b:s6+s4], $0x10, s3, s4, $0xb8;
	[tilespmem:$0x5A00] =	vst v63  }
.LBB2_12:
0xeb: {  	s0 =	sadd.s32 $0x1, s0  }
0xec: {  	p0 =	sne.s32 s0, $0x1A  }
.Ltmp6:
0xed: {  	_ = 	snop;
	(pc) =	sbr.rel @!p0 .LBB2_13-.Ltmp6, $1  }
0xee: {  	_ =	sdelay $0x3  }
.LBB2_5:
0xef: {  	s4 =	sand.u32 $0x1, s0  }
0xf0: {  	p0 =	seq.s32 s4, $0x1  }
.Ltmp7:
0xf1: {  	_ = 	snop;
	(pc) =	sbr.rel @p0 .LBB2_9-.Ltmp7, $1  }
0xf2: {  	_ =	sdelay $0x3  }
0xf3: {  	s3 =	simm.s32 $0x1  }
0xf4: {  	_ =	swait.ge [sflag:s25], $0x800;
	s9 =	simm.s32 $0x2;
	v16 =	vmov s3  }
0xf5: {  	[sflag:s25] =	ssyncset.done $0x0;
	v17 =	vmov s9;
	v16 =	vand.u32 $0xD, v16  }
0xf6: {  	[sflag:s25] =	ssyncadd.s32 $0xFFFFF800;
	v17 =	vand.u32 $0xE, v17;
	v16 =	vbroadcast v16, $0x0  }
0xf7: {  	s10 =	simm.s32 $0x0;
	_ =	swait.ge [sflag:s26], $0x800;
	v23 =	vbroadcast v17, $0x0  }
0xf8: {  	p0 =	slt.u32 s0, $0x2;
	s11 =	simm.s32 $0x3;
	v17 =	vmov s10;
	[sflag:s26] =	ssyncset.done $0x0;
	v18 =	vor.u32 v3, v16  }
0xf9: {  	s7 =	simm.s32 @!p0 $0x5;
	v19 =	vmov s11;
	v17 =	vand.u32 $0xC, v17;
	[sflag:s26] =	ssyncadd.s32 $0xFFFFF800;
	v20 =	vor.u32 v3, v23  }
0xfa: {  	v19 =	vand.u32 $0xF, v19;
	v17 =	vbroadcast v17, $0x0;
	_ =	swait.ge @!p0 [sflag:s7], $0x1000  }
0xfb: {  	v22 =	vbroadcast v19, $0x0;
	[sflag:s7] =	ssyncset.done @!p0 $0x0  }
0xfc: {  	v19 =	vor.u32 v3, v17;
	[sflag:s7] =	ssyncadd.s32 @!p0 $0xFFFFF000  }
0xfd: {  	v21 =	vor.u32 v3, v22;
	v24 =	vld.idx.msk [tilespmem:v18+s12+$0x0], $0xffff  }
0xfe: {  	v25 =	vld.idx.msk [tilespmem:v20+s12+$0x0], $0xffff;
	_ =	sdelay $0x2  }
0xff: {  	s7 =	simm.s32 $0x4200;
	v26 =	vld.idx.msk [tilespmem:v19+s12+$0x0], $0xffff  }
0x100: {  	v27 =	vld.idx.msk [tilespmem:v21+s12+$0x0], $0xffff;
	[tilespmem:s7+$0xFFFFF880] =	vst v24  }
0x101: {  	[tilespmem:s7+$0xFFFFF900] =	vst v25;
	v18 =	vld.idx.msk [tilespmem:v18+s13+$0x0], $0xffff  }
0x102: {  	v24 =	vor.u32 v9, v16;
	v20 =	vld.idx.msk [tilespmem:v20+s13+$0x0], $0xffff  }
0x103: {  	v25 =	vor.u32 v9, v23  }
0x104: {  	[tilespmem:s7+$0xFFFFF800] =	vst v26  }
0x105: {  	[tilespmem:s7+$0xFFFFF980] =	vst v27;
	v19 =	vld.idx.msk [tilespmem:v19+s13+$0x0], $0xffff  }
0x106: {  	v21 =	vld.idx.msk [tilespmem:v21+s13+$0x0], $0xffff;
	v26 =	vor.u32 v9, v17;
	[tilespmem:s7+$0x80] =	vst v18  }
0x107: {  	v18 =	vor.u32 v9, v22;
	[tilespmem:s7+$0x100] =	vst v20;
	v27 =	vld.idx.msk [tilespmem:v24+s12+$0x0], $0xffff  }
0x108: {  	v20 =	vld.idx.msk [tilespmem:v25+s12+$0x0], $0xffff;
	_ =	sdelay $0x1  }
0x109: {  	[tilespmem:s7+$0x0] =	vst v19  }
0x10a: {  	[tilespmem:s7+$0x180] =	vst v21;
	v19 =	vld.idx.msk [tilespmem:v26+s12+$0x0], $0xffff  }
0x10b: {  	v21 =	vld.idx.msk [tilespmem:v18+s12+$0x0], $0xffff;
	[tilespmem:s7+$0xFFFFF890] =	vst v27  }
0x10c: {  	[tilespmem:s7+$0xFFFFF910] =	vst v20;
	v24 =	vld.idx.msk [tilespmem:v24+s13+$0x0], $0xffff  }
0x10d: {  	v20 =	vld.idx.msk [tilespmem:v25+s13+$0x0], $0xffff;
	v25 =	vor.u32 v10, v16  }
0x10e: {  	v27 =	vor.u32 v10, v23  }
0x10f: {  	[tilespmem:s7+$0xFFFFF810] =	vst v19  }
0x110: {  	v19 =	vld.idx.msk [tilespmem:v26+s13+$0x0], $0xffff;
	[tilespmem:s7+$0xFFFFF990] =	vst v21  }
0x111: {  	v21 =	vor.u32 v10, v17;
	v18 =	vld.idx.msk [tilespmem:v18+s13+$0x0], $0xffff;
	[tilespmem:s7+$0x90] =	vst v24  }
0x112: {  	v24 =	vor.u32 v10, v22;
	[tilespmem:s7+$0x110] =	vst v20;
	v26 =	vld.idx.msk [tilespmem:v25+s12+$0x0], $0xffff  }
0x113: {  	v20 =	vld.idx.msk [tilespmem:v27+s12+$0x0], $0xffff;
	_ =	sdelay $0x1  }
0x114: {  	[tilespmem:s7+$0x10] =	vst v19  }
0x115: {  	[tilespmem:s7+$0x190] =	vst v18;
	v18 =	vld.idx.msk [tilespmem:v21+s12+$0x0], $0xffff  }
0x116: {  	v19 =	vld.idx.msk [tilespmem:v24+s12+$0x0], $0xffff;
	[tilespmem:s7+$0xFFFFF8A0] =	vst v26  }
0x117: {  	[tilespmem:s7+$0xFFFFF920] =	vst v20;
	v25 =	vld.idx.msk [tilespmem:v25+s13+$0x0], $0xffff  }
0x118: {  	v26 =	vor.u32 v11, v16;
	v20 =	vld.idx.msk [tilespmem:v27+s13+$0x0], $0xffff  }
0x119: {  	v27 =	vor.u32 v11, v23  }
0x11a: {  	[tilespmem:s7+$0xFFFFF820] =	vst v18  }
0x11b: {  	[tilespmem:s7+$0xFFFFF9A0] =	vst v19;
	v18 =	vld.idx.msk [tilespmem:v21+s13+$0x0], $0xffff  }
0x11c: {  	v21 =	vor.u32 v11, v17;
	v19 =	vld.idx.msk [tilespmem:v24+s13+$0x0], $0xffff;
	[tilespmem:s7+$0xA0] =	vst v25  }
0x11d: {  	v24 =	vor.u32 v11, v22;
	[tilespmem:s7+$0x120] =	vst v20;
	v25 =	vld.idx.msk [tilespmem:v26+s12+$0x0], $0xffff  }
0x11e: {  	v20 =	vld.idx.msk [tilespmem:v27+s12+$0x0], $0xffff  }
0x11f: {  	s14 =	simm.s32 $0x5  }
0x120: {  	[tilespmem:s7+$0x20] =	vst v18;
	v18 =	vmov s14  }
0x121: {  	[tilespmem:s7+$0x1A0] =	vst v19;
	v28 =	vld.idx.msk [tilespmem:v21+s12+$0x0], $0xffff;
	v18 =	vand.u32 $0xD, v18  }
0x122: {  	s19 =	simm.s32 $0x6;
	v29 =	vld.idx.msk [tilespmem:v24+s12+$0x0], $0xffff;
	v18 =	vbroadcast v18, $0x0;
	[tilespmem:s7+$0xFFFFF8B0] =	vst v25  }
0x123: {  	v19 =	vmov s19;
	[tilespmem:s7+$0xFFFFF930] =	vst v20;
	v25 =	vld.idx.msk [tilespmem:v26+s13+$0x0], $0xffff  }
0x124: {  	s23 =	simm.s32 $0x7;
	v19 =	vand.u32 $0xE, v19;
	v26 =	vld.idx.msk [tilespmem:v27+s13+$0x0], $0xffff;
	v31 =	vor.u32 v3, v18  }
0x125: {  	v20 =	vmov s23;
	v19 =	vbroadcast v19, $0x0;
	v27 =	vor.u32 v12, v16  }
0x126: {  	s9 =	simm.s32 $0x4;
	v30 =	vor.u32 v12, v23;
	v20 =	vand.u32 $0xF, v20;
	[tilespmem:s7+$0xFFFFF830] =	vst v28  }
0x127: {  	v32 =	vor.u32 v3, v19;
	v28 =	vmov s9;
	[tilespmem:s7+$0xFFFFF9B0] =	vst v29;
	v29 =	vld.idx.msk [tilespmem:v21+s13+$0x0], $0xffff;
	v21 =	vbroadcast v20, $0x0  }
0x128: {  	v33 =	vor.u32 v12, v17;
	v28 =	vand.u32 $0xC, v28;
	v24 =	vld.idx.msk [tilespmem:v24+s13+$0x0], $0xffff;
	[tilespmem:s7+$0xB0] =	vst v25  }
0x129: {  	v20 =	vbroadcast v28, $0x0;
	[tilespmem:s7+$0x130] =	vst v26;
	v26 =	vor.u32 v3, v21;
	v35 =	vld.idx.msk [tilespmem:v31+s12+$0x0], $0xffff  }
0x12a: {  	v37 =	vor.u32 v12, v22;
	v25 =	vld.idx.msk [tilespmem:v27+s12+$0x0], $0xffff  }
0x12b: {  	v28 =	vld.idx.msk [tilespmem:v30+s12+$0x0], $0xffff;
	v34 =	vor.u32 v3, v20  }
0x12c: {  	[tilespmem:s7+$0x30] =	vst v29;
	v29 =	vld.idx.msk [tilespmem:v32+s12+$0x0], $0xffff  }
0x12d: {  	v36 =	vld.idx.msk [tilespmem:v33+s12+$0x0], $0xffff  }
0x12e: {  	s11 =	simm.s32 $0x4400;
	[tilespmem:s7+$0x1B0] =	vst v24;
	v24 =	vld.idx.msk [tilespmem:v26+s12+$0x0], $0xffff  }
0x12f: {  	[tilespmem:s11+$0xFFFFF880] =	vst v35;
	v53 =	vld.idx.msk [tilespmem:v37+s12+$0x0], $0xffff  }
0x130: {  	[tilespmem:s7+$0xFFFFF940] =	vst v28;
	v28 =	vld.idx.msk [tilespmem:v34+s12+$0x0], $0xffff  }
0x131: {  	[tilespmem:s7+$0xFFFFF8C0] =	vst v25;
	v30 =	vld.idx.msk [tilespmem:v30+s13+$0x0], $0xffff  }
0x132: {  	[tilespmem:s11+$0xFFFFF900] =	vst v29;
	v29 =	vld.idx.msk [tilespmem:v31+s13+$0x0], $0xffff;
	v31 =	vor.u32 v13, v23  }
0x133: {  	v25 =	vor.u32 v9, v18;
	v32 =	vld.idx.msk [tilespmem:v32+s13+$0x0], $0xffff;
	[tilespmem:s7+$0xFFFFF840] =	vst v36  }
0x134: {  	v27 =	vld.idx.msk [tilespmem:v27+s13+$0x0], $0xffff;
	[tilespmem:s11+$0xFFFFF980] =	vst v24;
	v24 =	vor.u32 v9, v19  }
0x135: {  	v26 =	vld.idx.msk [tilespmem:v26+s13+$0x0], $0xffff;
	[tilespmem:s11+$0xFFFFF800] =	vst v28  }
0x136: {  	v28 =	vor.u32 v9, v21;
	v34 =	vld.idx.msk [tilespmem:v34+s13+$0x0], $0xffff;
	[tilespmem:s7+$0x140] =	vst v30  }
0x137: {  	v30 =	vor.u32 v9, v20;
	[tilespmem:s11+$0x80] =	vst v29;
	v29 =	vld.idx.msk [tilespmem:v31+s12+$0x0], $0xffff  }
0x138: {  	v38 =	vld.idx.msk [tilespmem:v25+s12+$0x0], $0xffff;
	[tilespmem:s11+$0x100] =	vst v32  }
0x139: {  	[tilespmem:s7+$0xFFFFF9C0] =	vst v53;
	v32 =	vld.idx.msk [tilespmem:v24+s12+$0x0], $0xffff  }
0x13a: {  	v35 =	vld.idx.msk [tilespmem:v37+s13+$0x0], $0xffff;
	[tilespmem:s11+$0x180] =	vst v26  }
0x13b: {  	[tilespmem:s11+$0x0] =	vst v34;
	v26 =	vld.idx.msk [tilespmem:v28+s12+$0x0], $0xffff  }
0x13c: {  	v34 =	vld.idx.msk [tilespmem:v30+s12+$0x0], $0xffff;
	[tilespmem:s7+$0xFFFFF950] =	vst v29  }
0x13d: {  	[tilespmem:s11+$0xFFFFF890] =	vst v38;
	v29 =	vld.idx.msk [tilespmem:v31+s13+$0x0], $0xffff  }
0x13e: {  	v31 =	vor.u32 v14, v23;
	v25 =	vld.idx.msk [tilespmem:v25+s13+$0x0], $0xffff;
	[tilespmem:s11+$0xFFFFF910] =	vst v32  }
0x13f: {  	v54 =	vor.u32 v10, v18;
	[tilespmem:s7+$0x1C0] =	vst v35;
	v24 =	vld.idx.msk [tilespmem:v24+s13+$0x0], $0xffff  }
0x140: {  	v35 =	vld.idx.msk [tilespmem:v33+s13+$0x0], $0xffff;
	[tilespmem:s11+$0xFFFFF990] =	vst v26;
	v26 =	vor.u32 v10, v19  }
0x141: {  	v55 =	vor.u32 v13, v22;
	[tilespmem:s11+$0xFFFFF810] =	vst v34;
	v28 =	vld.idx.msk [tilespmem:v28+s13+$0x0], $0xffff  }
0x142: {  	v56 =	vor.u32 v10, v21;
	v30 =	vld.idx.msk [tilespmem:v30+s13+$0x0], $0xffff;
	[tilespmem:s7+$0x150] =	vst v29  }
0x143: {  	v29 =	vor.u32 v10, v20;
	[tilespmem:s11+$0x90] =	vst v25;
	v25 =	vld.idx.msk [tilespmem:v31+s12+$0x0], $0xffff  }
0x144: {  	v57 =	vld.idx.msk [tilespmem:v54+s12+$0x0], $0xffff;
	[tilespmem:s11+$0x110] =	vst v24;
	v24 =	vor.u32 v13, v16  }
0x145: {  	[tilespmem:s7+$0xC0] =	vst v27;
	v58 =	vld.idx.msk [tilespmem:v26+s12+$0x0], $0xffff  }
0x146: {  	[tilespmem:s11+$0x190] =	vst v28;
	v28 =	vld.idx.msk [tilespmem:v55+s12+$0x0], $0xffff  }
0x147: {  	[tilespmem:s11+$0x10] =	vst v30;
	v30 =	vld.idx.msk [tilespmem:v56+s12+$0x0], $0xffff  }
0x148: {  	v27 =	vld.idx.msk [tilespmem:v29+s12+$0x0], $0xffff;
	[tilespmem:s7+$0xFFFFF960] =	vst v25  }
0x149: {  	v59 =	vld.idx.msk [tilespmem:v24+s12+$0x0], $0xffff;
	[tilespmem:s11+$0xFFFFF8A0] =	vst v57  }
0x14a: {  	v25 =	vld.idx.msk [tilespmem:v31+s13+$0x0], $0xffff;
	[tilespmem:s11+$0xFFFFF920] =	vst v58  }
0x14b: {  	v31 =	vld.idx.msk [tilespmem:v54+s13+$0x0], $0xffff;
	[tilespmem:s7+$0xFFFFF9D0] =	vst v28  }
0x14c: {  	v23 =	vor.u32 v15, v23;
	v26 =	vld.idx.msk [tilespmem:v26+s13+$0x0], $0xffff;
	[tilespmem:s11+$0xFFFFF9A0] =	vst v30  }
0x14d: {  	v60 =	vor.u32 v11, v18;
	v30 =	vld.idx.msk [tilespmem:v55+s13+$0x0], $0xffff;
	[tilespmem:s11+$0xFFFFF820] =	vst v27  }
0x14e: {  	v61 =	vor.u32 v11, v19;
	v62 =	vld.idx.msk [tilespmem:v56+s13+$0x0], $0xffff;
	[tilespmem:s7+$0xFFFFF8D0] =	vst v59  }
0x14f: {  	v63 =	vor.u32 v14, v22;
	v29 =	vld.idx.msk [tilespmem:v29+s13+$0x0], $0xffff;
	[tilespmem:s7+$0x160] =	vst v25  }
0x150: {  	v27 =	vor.u32 v11, v21;
	v24 =	vld.idx.msk [tilespmem:v24+s13+$0x0], $0xffff;
	[tilespmem:s11+$0xA0] =	vst v31  }
0x151: {  	v28 =	vor.u32 v11, v20;
	v25 =	vld.idx.msk [tilespmem:v23+s12+$0x0], $0xffff;
	[tilespmem:s11+$0x120] =	vst v26  }
0x152: {  	v31 =	vld.idx.msk [tilespmem:v60+s12+$0x0], $0xffff;
	[tilespmem:s7+$0x1D0] =	vst v30  }
0x153: {  	v26 =	vld.idx.msk [tilespmem:v61+s12+$0x0], $0xffff;
	[tilespmem:s11+$0x1A0] =	vst v62  }
0x154: {  	v30 =	vld.idx.msk [tilespmem:v63+s12+$0x0], $0xffff;
	[tilespmem:s11+$0x20] =	vst v29  }
0x155: {  	v39 =	vld.idx.msk [tilespmem:v27+s12+$0x0], $0xffff;
	[tilespmem:s7+$0xD0] =	vst v24  }
0x156: {  	v29 =	vor.u32 v14, v16;
	v40 =	vld.idx.msk [tilespmem:v28+s12+$0x0], $0xffff;
	[tilespmem:s7+$0xFFFFF970] =	vst v25  }
0x157: {  	[tilespmem:s11+$0xFFFFF8B0] =	vst v31;
	v34 =	vld.idx.msk [tilespmem:v23+s13+$0x0], $0xffff  }
0x158: {  	v36 =	vld.idx.msk [tilespmem:v60+s13+$0x0], $0xffff;
	[tilespmem:s11+$0xFFFFF930] =	vst v26  }
0x159: {  	v25 =	vor.u32 v13, v17;
	v24 =	vor.u32 v15, v17;
	v37 =	vld.idx.msk [tilespmem:v61+s13+$0x0], $0xffff;
	[tilespmem:s7+$0xFFFFF9E0] =	vst v30  }
0x15a: {  	v23 =	vor.u32 v15, v22;
	v22 =	vor.u32 v15, v21;
	[tilespmem:s11+$0xFFFFF9B0] =	vst v39;
	v33 =	vld.idx.msk [tilespmem:v63+s13+$0x0], $0xffff  }
0x15b: {  	s3 =	simm.s32 $0x8;
	s14 =	simm.s32 $0x4400;
	v31 =	vor.u32 v12, v18;
	v30 =	vor.u32 v12, v19;
	v32 =	vld.idx.msk [tilespmem:v29+s12+$0x0], $0xffff;
	[tilespmem:s11+$0xFFFFF830] =	vst v40  }
.LBB2_7:
0x15c: {  	s10 =	sadd.s32 $0x1, s3  }
0x15d: {  	v38 =	vmov s3;
	s19 =	sadd.s32 $0x3, s3;
	v39 =	vld.idx.msk [tilespmem:v28+s13+$0x0], $0xffff;
	v26 =	vor.u32 v12, v20;
	[tilespmem:s7+$0x40] =	vst v35;
	s23 =	smov.u32 s3;
	s9 =	sadd.s32 $0x4, s3  }
0x15e: {  	p0 =	slt.u32 s3, $0xC;
	v28 =	vand.u32 $0xC, v38;
	v35 =	vmov s10;
	s10 =	sadd.s32 $0x2, s23;
	v38 =	vmov s19;
	v40 =	vld.idx.msk [tilespmem:v25+s12+$0x0], $0xffff;
	[tilespmem:s7+$0x170] =	vst v34  }
0x15f: {  	v34 =	vand.u32 $0xD, v35;
	v35 =	vmov s10;
	v38 =	vand.u32 $0xF, v38;
	[tilespmem:s11+$0xB0] =	vst v36;
	v36 =	vld.idx.msk [tilespmem:v27+s13+$0x0], $0xffff  }
0x160: {  	v34 =	vbroadcast v34, $0x0;
	v35 =	vand.u32 $0xE, v35;
	v27 =	vbroadcast v38, $0x0;
	v38 =	vld.idx.msk [tilespmem:v31+s12+$0x0], $0xffff;
	[tilespmem:s11+$0x130] =	vst v37  }
0x161: {  	v41 =	vor.u32 v12, v21;
	v37 =	vbroadcast v28, $0x0;
	v28 =	vbroadcast v35, $0x0;
	v35 =	vld.idx.msk [tilespmem:v30+s12+$0x0], $0xffff;
	[tilespmem:s7+$0x1E0] =	vst v33  }
0x162: {  	v33 =	vor.u32 v3, v34;
	v42 =	vor.u32 v15, v27;
	[tilespmem:s7+$0xFFFFF8E0] =	vst v32;
	v32 =	vld.idx.msk [tilespmem:v23+s12+$0x0], $0xffff  }
0x163: {  	v43 =	vor.u32 v3, v28;
	[tilespmem:s11+$0x30] =	vst v39;
	v29 =	vld.idx.msk [tilespmem:v29+s13+$0x0], $0xffff  }
0x164: {  	v39 =	vor.u32 v3, v27;
	v44 =	vld.idx.msk [tilespmem:v26+s12+$0x0], $0xffff;
	[tilespmem:s7+$0xFFFFF850] =	vst v40  }
0x165: {  	[tilespmem:s11+$0x1B0] =	vst v36;
	v25 =	vld.idx.msk [tilespmem:v25+s13+$0x0], $0xffff  }
0x166: {  	[tilespmem:s11+$0xFFFFF8C0] =	vst v38;
	v36 =	vld.idx.msk [tilespmem:v41+s12+$0x0], $0xffff;
	v38 =	vor.u32 v15, v16;
	v16 =	vmov v18;
	v18 =	vmov v34  }
0x167: {  	v34 =	vor.u32 v3, v37;
	v40 =	vld.idx.msk [tilespmem:v33+s12+$0x0], $0xffff;
	[tilespmem:s11+$0xFFFFF940] =	vst v35;
	v35 =	vor.u32 v14, v17;
	v17 =	vmov v20  }
0x168: {  	v20 =	vmov v37;
	v45 =	vld.idx.msk [tilespmem:v43+s12+$0x0], $0xffff;
	[tilespmem:s7+$0xFFFFF9F0] =	vst v32  }
0x169: {  	v31 =	vld.idx.msk [tilespmem:v31+s13+$0x0], $0xffff;
	[tilespmem:s7+$0xE0] =	vst v29  }
0x16a: {  	v29 =	vld.idx.msk [tilespmem:v39+s12+$0x0], $0xffff;
	[tilespmem:s11+$0xFFFFF840] =	vst v44  }
0x16b: {  	[tilespmem:s7+$0x50] =	vst v25;
	v32 =	vld.idx.msk [tilespmem:v38+s12+$0x0], $0xffff  }
0x16c: {  	s11 =	sadd.s32 $0x200, s11;
	v37 =	vld.idx.msk [tilespmem:v34+s12+$0x0], $0xffff;
	[tilespmem:s14+$0xFFFFF9C0] =	vst v36  }
0x16d: {  	[tilespmem:s11+$0xFFFFF880] =	vst v40;
	v36 =	vld.idx.msk [tilespmem:v35+s12+$0x0], $0xffff  }
0x16e: {  	[tilespmem:s11+$0xFFFFF900] =	vst v45;
	v30 =	vld.idx.msk [tilespmem:v30+s13+$0x0], $0xffff  }
0x16f: {  	v25 =	vor.u32 v13, v17;
	v33 =	vld.idx.msk [tilespmem:v33+s13+$0x0], $0xffff;
	[tilespmem:s14+$0xC0] =	vst v31  }
0x170: {  	v31 =	vor.u32 v9, v18;
	v40 =	vld.idx.msk [tilespmem:v43+s13+$0x0], $0xffff;
	[tilespmem:s11+$0xFFFFF980] =	vst v29;
	v29 =	vor.u32 v13, v19  }
0x171: {  	v43 =	vor.u32 v9, v28;
	v39 =	vld.idx.msk [tilespmem:v39+s13+$0x0], $0xffff;
	[tilespmem:s7+$0xFFFFF8F0] =	vst v32  }
0x172: {  	v32 =	vor.u32 v9, v27;
	[tilespmem:s11+$0xFFFFF800] =	vst v37;
	v37 =	vld.idx.msk [tilespmem:v41+s13+$0x0], $0xffff  }
0x173: {  	v34 =	vld.idx.msk [tilespmem:v34+s13+$0x0], $0xffff;
	[tilespmem:s7+$0xFFFFF860] =	vst v36  }
0x174: {  	[tilespmem:s14+$0x140] =	vst v30;
	v30 =	vld.idx.msk [tilespmem:v35+s13+$0x0], $0xffff  }
0x175: {  	v35 =	vor.u32 v9, v20;
	[tilespmem:s11+$0x80] =	vst v33;
	v33 =	vld.idx.msk [tilespmem:v29+s12+$0x0], $0xffff  }
0x176: {  	v36 =	vld.idx.msk [tilespmem:v31+s12+$0x0], $0xffff;
	[tilespmem:s11+$0x100] =	vst v40  }
0x177: {  	v40 =	vld.idx.msk [tilespmem:v43+s12+$0x0], $0xffff;
	[tilespmem:s11+$0x180] =	vst v39  }
0x178: {  	[tilespmem:s14+$0x1C0] =	vst v37;
	v37 =	vld.idx.msk [tilespmem:v38+s13+$0x0], $0xffff  }
0x179: {  	[tilespmem:s11+$0x0] =	vst v34;
	v34 =	vld.idx.msk [tilespmem:v32+s12+$0x0], $0xffff  }
0x17a: {  	v38 =	vld.idx.msk [tilespmem:v35+s12+$0x0], $0xffff;
	[tilespmem:s7+$0x60] =	vst v30  }
0x17b: {  	[tilespmem:s14+$0xFFFFF950] =	vst v33;
	v30 =	vld.idx.msk [tilespmem:v24+s12+$0x0], $0xffff  }
0x17c: {  	[tilespmem:s11+$0xFFFFF890] =	vst v36;
	v29 =	vld.idx.msk [tilespmem:v29+s13+$0x0], $0xffff  }
0x17d: {  	v31 =	vld.idx.msk [tilespmem:v31+s13+$0x0], $0xffff;
	[tilespmem:s11+$0xFFFFF910] =	vst v40  }
0x17e: {  	v36 =	vor.u32 v14, v19;
	v33 =	vld.idx.msk [tilespmem:v43+s13+$0x0], $0xffff;
	[tilespmem:s7+$0xF0] =	vst v37  }
0x17f: {  	v37 =	vor.u32 v10, v18;
	[tilespmem:s11+$0xFFFFF990] =	vst v34;
	v34 =	vld.idx.msk [tilespmem:v23+s13+$0x0], $0xffff;
	v23 =	vmov v22;
	v22 =	vmov v42  }
0x180: {  	[tilespmem:s11+$0xFFFFF810] =	vst v38;
	v38 =	vor.u32 v10, v28;
	v32 =	vld.idx.msk [tilespmem:v32+s13+$0x0], $0xffff  }
0x181: {  	v39 =	vor.u32 v13, v21;
	v35 =	vld.idx.msk [tilespmem:v35+s13+$0x0], $0xffff;
	[tilespmem:s7+$0xFFFFF870] =	vst v30  }
0x182: {  	v30 =	vor.u32 v10, v27;
	[tilespmem:s14+$0x150] =	vst v29;
	v24 =	vld.idx.msk [tilespmem:v24+s13+$0x0], $0xffff  }
0x183: {  	v29 =	vor.u32 v10, v20;
	[tilespmem:s11+$0x90] =	vst v31;
	v31 =	vld.idx.msk [tilespmem:v36+s12+$0x0], $0xffff  }
0x184: {  	v40 =	vld.idx.msk [tilespmem:v37+s12+$0x0], $0xffff;
	[tilespmem:s11+$0x110] =	vst v33;
	v33 =	vor.u32 v13, v16  }
0x185: {  	v41 =	vld.idx.msk [tilespmem:v38+s12+$0x0], $0xffff;
	[tilespmem:s7+$0x1F0] =	vst v34  }
0x186: {  	[tilespmem:s11+$0x190] =	vst v32;
	v32 =	vld.idx.msk [tilespmem:v39+s12+$0x0], $0xffff  }
0x187: {  	[tilespmem:s11+$0x10] =	vst v35;
	v34 =	vld.idx.msk [tilespmem:v30+s12+$0x0], $0xffff  }
0x188: {  	v35 =	vld.idx.msk [tilespmem:v29+s12+$0x0], $0xffff;
	[tilespmem:s7+$0x70] =	vst v24;
	s7 =	smov.u32 s14;
	s14 =	smov.u32 s11  }
0x189: {  	v42 =	vld.idx.msk [tilespmem:v33+s12+$0x0], $0xffff;
	[tilespmem:s7+$0xFFFFF960] =	vst v31  }
0x18a: {  	[tilespmem:s11+$0xFFFFF8A0] =	vst v40;
	v31 =	vld.idx.msk [tilespmem:v36+s13+$0x0], $0xffff  }
0x18b: {  	v24 =	vor.u32 v15, v17;
	v36 =	vld.idx.msk [tilespmem:v37+s13+$0x0], $0xffff;
	[tilespmem:s11+$0xFFFFF920] =	vst v41  }
0x18c: {  	v37 =	vld.idx.msk [tilespmem:v38+s13+$0x0], $0xffff;
	v38 =	vor.u32 v15, v19;
	[tilespmem:s7+$0xFFFFF9D0] =	vst v32;
	v19 =	vmov v28  }
0x18d: {  	v32 =	vor.u32 v11, v18;
	[tilespmem:s11+$0xFFFFF9A0] =	vst v34;
	v34 =	vld.idx.msk [tilespmem:v39+s13+$0x0], $0xffff  }
0x18e: {  	v39 =	vor.u32 v11, v19;
	[tilespmem:s11+$0xFFFFF820] =	vst v35;
	v30 =	vld.idx.msk [tilespmem:v30+s13+$0x0], $0xffff  }
0x18f: {  	v40 =	vor.u32 v14, v21;
	v21 =	vmov v27;
	v29 =	vld.idx.msk [tilespmem:v29+s13+$0x0], $0xffff;
	[tilespmem:s7+$0xFFFFF8D0] =	vst v42  }
0x190: {  	v27 =	vor.u32 v11, v21;
	v33 =	vld.idx.msk [tilespmem:v33+s13+$0x0], $0xffff;
	[tilespmem:s7+$0x160] =	vst v31  }
0x191: {  	v28 =	vor.u32 v11, v20;
	[tilespmem:s11+$0xA0] =	vst v36;
	v31 =	vld.idx.msk [tilespmem:v38+s12+$0x0], $0xffff  }
0x192: {  	v36 =	vld.idx.msk [tilespmem:v32+s12+$0x0], $0xffff;
	[tilespmem:s11+$0x120] =	vst v37  }
0x193: {  	v37 =	vld.idx.msk [tilespmem:v39+s12+$0x0], $0xffff;
	[tilespmem:s7+$0x1D0] =	vst v34  }
0x194: {  	[tilespmem:s11+$0x1A0] =	vst v30;
	v30 =	vld.idx.msk [tilespmem:v40+s12+$0x0], $0xffff  }
0x195: {  	[tilespmem:s11+$0x20] =	vst v29;
	v41 =	vld.idx.msk [tilespmem:v27+s12+$0x0], $0xffff  }
0x196: {  	v42 =	vld.idx.msk [tilespmem:v28+s12+$0x0], $0xffff;
	[tilespmem:s7+$0xD0] =	vst v33  }
0x197: {  	v29 =	vor.u32 v14, v16;
	v35 =	vld.idx.msk [tilespmem:v26+s13+$0x0], $0xffff;
	[tilespmem:s7+$0xFFFFF970] =	vst v31  }
.Ltmp8:
0x198: {  	[tilespmem:s11+$0xFFFFF8B0] =	vst v36;
	v34 =	vld.idx.msk [tilespmem:v38+s13+$0x0], $0xffff;
	(pc) =	sbr.rel @p0 .LBB2_7-.Ltmp8, $4  }
0x199: {  	v36 =	vld.idx.msk [tilespmem:v32+s13+$0x0], $0xffff;
	[tilespmem:s11+$0xFFFFF930] =	vst v37  }
0x19a: {  	v37 =	vld.idx.msk [tilespmem:v39+s13+$0x0], $0xffff;
	[tilespmem:s7+$0xFFFFF9E0] =	vst v30  }
0x19b: {  	v31 =	vor.u32 v12, v18;
	[tilespmem:s11+$0xFFFFF9B0] =	vst v41;
	v33 =	vld.idx.msk [tilespmem:v40+s13+$0x0], $0xffff  }
0x19c: {  	s3 =	smov.u32 s9;
	v30 =	vor.u32 v12, v19;
	[tilespmem:s11+$0xFFFFF830] =	vst v42;
	v32 =	vld.idx.msk [tilespmem:v29+s12+$0x0], $0xffff  }
0x19d: {  	_ =	sdelay $0x3  }
0x19e: {  	v26 =	vld.idx.msk [tilespmem:v27+s13+$0x0], $0xffff  }
0x19f: {  	v54 =	vld.idx.msk [tilespmem:v28+s13+$0x0], $0xffff;
	v55 =	vor.u32 v12, v21  }
0x1a0: {  	v38 =	vor.u32 v12, v20  }
0x1a1: {  	[tilespmem:s11+$0xB0] =	vst v36  }
0x1a2: {  	[tilespmem:s11+$0x130] =	vst v37;
	v57 =	vld.idx.msk [tilespmem:v31+s12+$0x0], $0xffff  }
0x1a3: {  	v56 =	vld.idx.msk [tilespmem:v30+s12+$0x0], $0xffff;
	[tilespmem:s11+$0x1B0] =	vst v26  }
0x1a4: {  	[tilespmem:s11+$0x30] =	vst v54;
	v26 =	vld.idx.msk [tilespmem:v55+s12+$0x0], $0xffff  }
0x1a5: {  	v27 =	vld.idx.msk [tilespmem:v38+s12+$0x0], $0xffff  }
0x1a6: {  	[tilespmem:s7+$0x40] =	vst v35  }
0x1a7: {  	[tilespmem:s11+$0xFFFFF8C0] =	vst v57  }
0x1a8: {  	[tilespmem:s11+$0xFFFFF940] =	vst v56;
	v59 =	vld.idx.msk [tilespmem:v31+s13+$0x0], $0xffff  }
0x1a9: {  	v62 =	vor.u32 v13, v18;
	v58 =	vld.idx.msk [tilespmem:v30+s13+$0x0], $0xffff;
	[tilespmem:s14+$0xFFFFF9C0] =	vst v26  }
0x1aa: {  	v60 =	vor.u32 v13, v19;
	[tilespmem:s11+$0xFFFFF840] =	vst v27;
	v61 =	vld.idx.msk [tilespmem:v55+s13+$0x0], $0xffff  }
0x1ab: {  	[tilespmem:s7+$0x170] =	vst v34;
	v63 =	vor.u32 v13, v21;
	v40 =	vld.idx.msk [tilespmem:v38+s13+$0x0], $0xffff  }
0x1ac: {  	v41 =	vor.u32 v13, v20;
	[tilespmem:s7+$0x1E0] =	vst v33  }
0x1ad: {  	v42 =	vld.idx.msk [tilespmem:v25+s12+$0x0], $0xffff;
	[tilespmem:s14+$0xC0] =	vst v59  }
0x1ae: {  	[tilespmem:s14+$0x140] =	vst v58;
	v43 =	vld.idx.msk [tilespmem:v62+s12+$0x0], $0xffff  }
0x1af: {  	v30 =	vld.idx.msk [tilespmem:v60+s12+$0x0], $0xffff;
	[tilespmem:s14+$0x1C0] =	vst v61  }
0x1b0: {  	[tilespmem:s14+$0x40] =	vst v40;
	v44 =	vld.idx.msk [tilespmem:v63+s12+$0x0], $0xffff  }
0x1b1: {  	[tilespmem:s7+$0xFFFFF8E0] =	vst v32;
	v45 =	vld.idx.msk [tilespmem:v41+s12+$0x0], $0xffff  }
0x1b2: {  	v46 =	vld.idx.msk [tilespmem:v23+s12+$0x0], $0xffff;
	[tilespmem:s7+$0xFFFFF850] =	vst v42  }
0x1b3: {  	v47 =	vld.idx.msk [tilespmem:v25+s13+$0x0], $0xffff;
	[tilespmem:s14+$0xFFFFF8D0] =	vst v43  }
0x1b4: {  	v17 =	vor.u32 v14, v17;
	[tilespmem:s14+$0xFFFFF950] =	vst v30;
	v28 =	vld.idx.msk [tilespmem:v62+s13+$0x0], $0xffff  }
0x1b5: {  	v50 =	vor.u32 v14, v18;
	v26 =	vld.idx.msk [tilespmem:v60+s13+$0x0], $0xffff;
	[tilespmem:s14+$0xFFFFF9D0] =	vst v44  }
0x1b6: {  	v48 =	vor.u32 v14, v19;
	[tilespmem:s14+$0xFFFFF850] =	vst v45;
	v49 =	vld.idx.msk [tilespmem:v63+s13+$0x0], $0xffff  }
0x1b7: {  	v51 =	vor.u32 v14, v21;
	[tilespmem:s7+$0xFFFFF9F0] =	vst v46;
	v32 =	vld.idx.msk [tilespmem:v41+s13+$0x0], $0xffff  }
0x1b8: {  	v52 =	vor.u32 v14, v20;
	v29 =	vld.idx.msk [tilespmem:v29+s13+$0x0], $0xffff;
	[tilespmem:s7+$0x50] =	vst v47  }
0x1b9: {  	v16 =	vor.u32 v15, v16;
	v53 =	vld.idx.msk [tilespmem:v17+s12+$0x0], $0xffff;
	[tilespmem:s14+$0xD0] =	vst v28  }
0x1ba: {  	[tilespmem:s14+$0x150] =	vst v26;
	v28 =	vld.idx.msk [tilespmem:v50+s12+$0x0], $0xffff  }
0x1bb: {  	v26 =	vld.idx.msk [tilespmem:v48+s12+$0x0], $0xffff;
	[tilespmem:s14+$0x1D0] =	vst v49  }
0x1bc: {  	[tilespmem:s14+$0x50] =	vst v32;
	v30 =	vld.idx.msk [tilespmem:v51+s12+$0x0], $0xffff  }
0x1bd: {  	[tilespmem:s7+$0xE0] =	vst v29;
	v54 =	vld.idx.msk [tilespmem:v52+s12+$0x0], $0xffff  }
0x1be: {  	v55 =	vld.idx.msk [tilespmem:v16+s12+$0x0], $0xffff;
	[tilespmem:s7+$0xFFFFF860] =	vst v53  }
0x1bf: {  	v17 =	vld.idx.msk [tilespmem:v17+s13+$0x0], $0xffff;
	[tilespmem:s14+$0xFFFFF8E0] =	vst v28  }
0x1c0: {  	[tilespmem:s14+$0xFFFFF960] =	vst v26;
	v57 =	vld.idx.msk [tilespmem:v50+s13+$0x0], $0xffff  }
0x1c1: {  	v58 =	vor.u32 v15, v18;
	v26 =	vld.idx.msk [tilespmem:v48+s13+$0x0], $0xffff;
	[tilespmem:s14+$0xFFFFF9E0] =	vst v30  }
0x1c2: {  	v56 =	vor.u32 v15, v19;
	[tilespmem:s14+$0xFFFFF860] =	vst v54;
	v21 =	vld.idx.msk [tilespmem:v51+s13+$0x0], $0xffff  }
0x1c3: {  	[tilespmem:s7+$0xFFFFF8F0] =	vst v55;
	v25 =	vld.idx.msk [tilespmem:v52+s13+$0x0], $0xffff  }
0x1c4: {  	v16 =	vld.idx.msk [tilespmem:v16+s13+$0x0], $0xffff;
	[tilespmem:s7+$0x60] =	vst v17;
	v17 =	vor.u32 v15, v20  }
0x1c5: {  	v59 =	vld.idx.msk [tilespmem:v24+s12+$0x0], $0xffff;
	[tilespmem:s14+$0xE0] =	vst v57  }
0x1c6: {  	[tilespmem:s14+$0x160] =	vst v26;
	v60 =	vld.idx.msk [tilespmem:v58+s12+$0x0], $0xffff  }
0x1c7: {  	v26 =	vld.idx.msk [tilespmem:v56+s12+$0x0], $0xffff;
	[tilespmem:s14+$0x1E0] =	vst v21  }
0x1c8: {  	[tilespmem:s14+$0x60] =	vst v25;
	v61 =	vld.idx.msk [tilespmem:v22+s12+$0x0], $0xffff  }
0x1c9: {  	[tilespmem:s7+$0xF0] =	vst v16;
	v16 =	vld.idx.msk [tilespmem:v17+s12+$0x0], $0xffff  }
0x1ca: {  	v62 =	vld.idx.msk [tilespmem:v23+s13+$0x0], $0xffff;
	[tilespmem:s7+$0xFFFFF870] =	vst v59  }
0x1cb: {  	v20 =	vld.idx.msk [tilespmem:v24+s13+$0x0], $0xffff;
	[tilespmem:s14+$0xFFFFF8F0] =	vst v60  }
0x1cc: {  	[tilespmem:s14+$0xFFFFF970] =	vst v26;
	v18 =	vld.idx.msk [tilespmem:v58+s13+$0x0], $0xffff  }
0x1cd: {  	v19 =	vld.idx.msk [tilespmem:v56+s13+$0x0], $0xffff;
	[tilespmem:s14+$0xFFFFF9F0] =	vst v61  }
0x1ce: {  	[tilespmem:s14+$0xFFFFF870] =	vst v16;
	v63 =	vld.idx.msk [tilespmem:v22+s13+$0x0], $0xffff  }
0x1cf: {  	[tilespmem:s7+$0x1F0] =	vst v62;
	v16 =	vld.idx.msk [tilespmem:v17+s13+$0x0], $0xffff  }
0x1d0: {  	[tilespmem:s7+$0x70] =	vst v20  }
0x1d1: {  	[tilespmem:s14+$0xF0] =	vst v18  }
0x1d2: {  	s3 =	sshll.u32 s0, $0x10;
	[tilespmem:s14+$0x170] =	vst v19  }
0x1d3: {  	s3 =	sadd.s32 s8, s3;
	[tilespmem:s14+$0x1F0] =	vst v63  }
0x1d4: {  	s19 =	sor.u32 $0x4000, s3;
	[tilespmem:s14+$0x70] =	vst v16;
	s14 =	sadd.s32 s1, s3  }
0x1d5: {  	[hbm4b:s14+s2] =	stream.linear.scatter [tilespmem:s28], [sflag:$0x5], $0x400, $0x38;
	[tilespmem:$0x5A00] =	vst v63  }
0x1d6: {  	s23 =	sor.u32 $0x8000, s3;
	s7 =	sadd.s32 s1, s19  }
0x1d7: {  	[hbm4b:s7+s2] =	stream.linear.scatter [tilespmem:s29], [sflag:$0x5], $0x400, $0x38;
	[tilespmem:$0x5A00] =	vst v63  }
0x1d8: {  	s3 =	sor.u32 $0xC000, s3;
	s7 =	sadd.s32 s1, s23  }
0x1d9: {  	[hbm4b:s7+s2] =	stream.linear.scatter [tilespmem:s30], [sflag:$0x5], $0x400, $0x38;
	[tilespmem:$0x5A00] =	vst v63  }
0x1da: {  	p0 =	sgt.u32 s0, $0x17;
	s3 =	sadd.s32 s1, s3  }
0x1db: {  	[hbm4b:s3+s2] =	stream.linear.scatter [tilespmem:s31], [sflag:$0x5], $0x400, $0x38;
	[tilespmem:$0x5A00] =	vst v63  }
0x1dc: {  	s3 =	sshll.u32 @!p0 s0, $0x7  }
0x1dd: {  	s3 =	sand.u32 @!p0 $0x3FFFFF80, s3  }
0x1de: {  	s9 =	simm.s32 @!p0 $0x1A00;
	s7 =	simm.s32 @!p0 $0x80;
	s3 =	sadd.s32 @!p0 $0xE00, s3  }
0x1df: {  	[tilespmem:s9], [sflag:$0x1] =	stream.indirect.gather @!p0 [hbm4b:s5+s7], $0x10, s3, s7, $0xb8;
	[tilespmem:$0x5A00] =	vst v63  }
0x1e0: {  	s9 =	simm.s32 @!p0 $0x2A00  }
0x1e1: {  	[tilespmem:s9], [sflag:$0x3] =	stream.indirect.gather @!p0 [hbm4b:s6+s7], $0x10, s3, s7, $0xb8;
	[tilespmem:$0x5A00] =	vst v63  }
0x1e2: {  	p0 =	seq.s32 s4, $0x0  }
.Ltmp9:
0x1e3: {  	_ = 	snop;
	(pc) =	sbr.rel @p0 .LBB2_12-.Ltmp9, $1  }
0x1e4: {  	_ =	sdelay $0x3  }
.LBB2_9:
0x1e5: {  	s3 =	simm.s32 $0x1  }
0x1e6: {  	_ =	swait.ge [sflag:s17], $0x800;
	s9 =	simm.s32 $0x2;
	v16 =	vmov s3  }
0x1e7: {  	[sflag:s17] =	ssyncset.done $0x0;
	v17 =	vmov s9;
	v16 =	vand.u32 $0xD, v16  }
0x1e8: {  	[sflag:s17] =	ssyncadd.s32 $0xFFFFF800;
	v17 =	vand.u32 $0xE, v17;
	v16 =	vbroadcast v16, $0x0  }
0x1e9: {  	s10 =	simm.s32 $0x0;
	_ =	swait.ge [sflag:s18], $0x800;
	v23 =	vbroadcast v17, $0x0  }
0x1ea: {  	p0 =	slt.u32 s0, $0x2;
	s11 =	simm.s32 $0x3;
	v17 =	vmov s10;
	[sflag:s18] =	ssyncset.done $0x0;
	v18 =	vor.u32 v3, v16  }
0x1eb: {  	s4 =	simm.s32 @!p0 $0x6;
	v19 =	vmov s11;
	v17 =	vand.u32 $0xC, v17;
	[sflag:s18] =	ssyncadd.s32 $0xFFFFF800;
	v20 =	vor.u32 v3, v23  }
0x1ec: {  	v19 =	vand.u32 $0xF, v19;
	v17 =	vbroadcast v17, $0x0;
	_ =	swait.ge @!p0 [sflag:s4], $0x1000  }
0x1ed: {  	v22 =	vbroadcast v19, $0x0;
	[sflag:s4] =	ssyncset.done @!p0 $0x0  }
0x1ee: {  	v19 =	vor.u32 v3, v17;
	[sflag:s4] =	ssyncadd.s32 @!p0 $0xFFFFF000  }
0x1ef: {  	v21 =	vor.u32 v3, v22;
	v24 =	vld.idx.msk [tilespmem:v18+s15+$0x0], $0xffff  }
0x1f0: {  	v25 =	vld.idx.msk [tilespmem:v20+s15+$0x0], $0xffff;
	_ =	sdelay $0x2  }
0x1f1: {  	s4 =	simm.s32 $0x5200;
	v26 =	vld.idx.msk [tilespmem:v19+s15+$0x0], $0xffff  }
0x1f2: {  	v27 =	vld.idx.msk [tilespmem:v21+s15+$0x0], $0xffff;
	[tilespmem:s4+$0xFFFFF880] =	vst v24  }
0x1f3: {  	[tilespmem:s4+$0xFFFFF900] =	vst v25;
	v18 =	vld.idx.msk [tilespmem:v18+s16+$0x0], $0xffff  }
0x1f4: {  	v24 =	vor.u32 v9, v16;
	v20 =	vld.idx.msk [tilespmem:v20+s16+$0x0], $0xffff  }
0x1f5: {  	v25 =	vor.u32 v9, v23  }
0x1f6: {  	[tilespmem:s4+$0xFFFFF800] =	vst v26  }
0x1f7: {  	[tilespmem:s4+$0xFFFFF980] =	vst v27;
	v19 =	vld.idx.msk [tilespmem:v19+s16+$0x0], $0xffff  }
0x1f8: {  	v21 =	vld.idx.msk [tilespmem:v21+s16+$0x0], $0xffff;
	v26 =	vor.u32 v9, v17;
	[tilespmem:s4+$0x80] =	vst v18  }
0x1f9: {  	v18 =	vor.u32 v9, v22;
	[tilespmem:s4+$0x100] =	vst v20;
	v27 =	vld.idx.msk [tilespmem:v24+s15+$0x0], $0xffff  }
0x1fa: {  	v20 =	vld.idx.msk [tilespmem:v25+s15+$0x0], $0xffff;
	_ =	sdelay $0x1  }
0x1fb: {  	[tilespmem:s4+$0x0] =	vst v19  }
0x1fc: {  	[tilespmem:s4+$0x180] =	vst v21;
	v19 =	vld.idx.msk [tilespmem:v26+s15+$0x0], $0xffff  }
0x1fd: {  	v21 =	vld.idx.msk [tilespmem:v18+s15+$0x0], $0xffff;
	[tilespmem:s4+$0xFFFFF890] =	vst v27  }
0x1fe: {  	[tilespmem:s4+$0xFFFFF910] =	vst v20;
	v24 =	vld.idx.msk [tilespmem:v24+s16+$0x0], $0xffff  }
0x1ff: {  	v20 =	vld.idx.msk [tilespmem:v25+s16+$0x0], $0xffff;
	v25 =	vor.u32 v10, v16  }
0x200: {  	v27 =	vor.u32 v10, v23  }
0x201: {  	[tilespmem:s4+$0xFFFFF810] =	vst v19  }
0x202: {  	v19 =	vld.idx.msk [tilespmem:v26+s16+$0x0], $0xffff;
	[tilespmem:s4+$0xFFFFF990] =	vst v21  }
0x203: {  	v21 =	vor.u32 v10, v17;
	v18 =	vld.idx.msk [tilespmem:v18+s16+$0x0], $0xffff;
	[tilespmem:s4+$0x90] =	vst v24  }
0x204: {  	v24 =	vor.u32 v10, v22;
	[tilespmem:s4+$0x110] =	vst v20;
	v26 =	vld.idx.msk [tilespmem:v25+s15+$0x0], $0xffff  }
0x205: {  	v20 =	vld.idx.msk [tilespmem:v27+s15+$0x0], $0xffff;
	_ =	sdelay $0x1  }
0x206: {  	[tilespmem:s4+$0x10] =	vst v19  }
0x207: {  	[tilespmem:s4+$0x190] =	vst v18;
	v18 =	vld.idx.msk [tilespmem:v21+s15+$0x0], $0xffff  }
0x208: {  	v19 =	vld.idx.msk [tilespmem:v24+s15+$0x0], $0xffff;
	[tilespmem:s4+$0xFFFFF8A0] =	vst v26  }
0x209: {  	[tilespmem:s4+$0xFFFFF920] =	vst v20;
	v25 =	vld.idx.msk [tilespmem:v25+s16+$0x0], $0xffff  }
0x20a: {  	v26 =	vor.u32 v11, v16;
	v20 =	vld.idx.msk [tilespmem:v27+s16+$0x0], $0xffff  }
0x20b: {  	v27 =	vor.u32 v11, v23  }
0x20c: {  	[tilespmem:s4+$0xFFFFF820] =	vst v18  }
0x20d: {  	[tilespmem:s4+$0xFFFFF9A0] =	vst v19;
	v18 =	vld.idx.msk [tilespmem:v21+s16+$0x0], $0xffff  }
0x20e: {  	v21 =	vor.u32 v11, v17;
	v19 =	vld.idx.msk [tilespmem:v24+s16+$0x0], $0xffff;
	[tilespmem:s4+$0xA0] =	vst v25  }
0x20f: {  	v24 =	vor.u32 v11, v22;
	[tilespmem:s4+$0x120] =	vst v20;
	v25 =	vld.idx.msk [tilespmem:v26+s15+$0x0], $0xffff  }
0x210: {  	v20 =	vld.idx.msk [tilespmem:v27+s15+$0x0], $0xffff  }
0x211: {  	s14 =	simm.s32 $0x5  }
0x212: {  	[tilespmem:s4+$0x20] =	vst v18;
	v18 =	vmov s14  }
0x213: {  	[tilespmem:s4+$0x1A0] =	vst v19;
	v28 =	vld.idx.msk [tilespmem:v21+s15+$0x0], $0xffff;
	v18 =	vand.u32 $0xD, v18  }
0x214: {  	s19 =	simm.s32 $0x6;
	v29 =	vld.idx.msk [tilespmem:v24+s15+$0x0], $0xffff;
	v18 =	vbroadcast v18, $0x0;
	[tilespmem:s4+$0xFFFFF8B0] =	vst v25  }
0x215: {  	v19 =	vmov s19;
	[tilespmem:s4+$0xFFFFF930] =	vst v20;
	v25 =	vld.idx.msk [tilespmem:v26+s16+$0x0], $0xffff  }
0x216: {  	s23 =	simm.s32 $0x7;
	v19 =	vand.u32 $0xE, v19;
	v26 =	vld.idx.msk [tilespmem:v27+s16+$0x0], $0xffff;
	v31 =	vor.u32 v3, v18  }
0x217: {  	v20 =	vmov s23;
	v19 =	vbroadcast v19, $0x0;
	v27 =	vor.u32 v12, v16  }
0x218: {  	s7 =	simm.s32 $0x4;
	v30 =	vor.u32 v12, v23;
	v20 =	vand.u32 $0xF, v20;
	[tilespmem:s4+$0xFFFFF830] =	vst v28  }
0x219: {  	v32 =	vor.u32 v3, v19;
	v28 =	vmov s7;
	[tilespmem:s4+$0xFFFFF9B0] =	vst v29;
	v29 =	vld.idx.msk [tilespmem:v21+s16+$0x0], $0xffff;
	v21 =	vbroadcast v20, $0x0  }
0x21a: {  	v33 =	vor.u32 v12, v17;
	v28 =	vand.u32 $0xC, v28;
	v24 =	vld.idx.msk [tilespmem:v24+s16+$0x0], $0xffff;
	[tilespmem:s4+$0xB0] =	vst v25  }
0x21b: {  	v20 =	vbroadcast v28, $0x0;
	[tilespmem:s4+$0x130] =	vst v26;
	v26 =	vor.u32 v3, v21;
	v35 =	vld.idx.msk [tilespmem:v31+s15+$0x0], $0xffff  }
0x21c: {  	v37 =	vor.u32 v12, v22;
	v25 =	vld.idx.msk [tilespmem:v27+s15+$0x0], $0xffff  }
0x21d: {  	v28 =	vld.idx.msk [tilespmem:v30+s15+$0x0], $0xffff;
	v34 =	vor.u32 v3, v20  }
0x21e: {  	[tilespmem:s4+$0x30] =	vst v29;
	v29 =	vld.idx.msk [tilespmem:v32+s15+$0x0], $0xffff  }
0x21f: {  	v36 =	vld.idx.msk [tilespmem:v33+s15+$0x0], $0xffff  }
0x220: {  	s7 =	simm.s32 $0x5400;
	[tilespmem:s4+$0x1B0] =	vst v24;
	v24 =	vld.idx.msk [tilespmem:v26+s15+$0x0], $0xffff  }
0x221: {  	[tilespmem:s7+$0xFFFFF880] =	vst v35;
	v53 =	vld.idx.msk [tilespmem:v37+s15+$0x0], $0xffff  }
0x222: {  	[tilespmem:s4+$0xFFFFF940] =	vst v28;
	v28 =	vld.idx.msk [tilespmem:v34+s15+$0x0], $0xffff  }
0x223: {  	[tilespmem:s4+$0xFFFFF8C0] =	vst v25;
	v30 =	vld.idx.msk [tilespmem:v30+s16+$0x0], $0xffff  }
0x224: {  	[tilespmem:s7+$0xFFFFF900] =	vst v29;
	v29 =	vld.idx.msk [tilespmem:v31+s16+$0x0], $0xffff;
	v31 =	vor.u32 v13, v23  }
0x225: {  	v25 =	vor.u32 v9, v18;
	v32 =	vld.idx.msk [tilespmem:v32+s16+$0x0], $0xffff;
	[tilespmem:s4+$0xFFFFF840] =	vst v36  }
0x226: {  	v27 =	vld.idx.msk [tilespmem:v27+s16+$0x0], $0xffff;
	[tilespmem:s7+$0xFFFFF980] =	vst v24;
	v24 =	vor.u32 v9, v19  }
0x227: {  	v26 =	vld.idx.msk [tilespmem:v26+s16+$0x0], $0xffff;
	[tilespmem:s7+$0xFFFFF800] =	vst v28  }
0x228: {  	v28 =	vor.u32 v9, v21;
	v34 =	vld.idx.msk [tilespmem:v34+s16+$0x0], $0xffff;
	[tilespmem:s4+$0x140] =	vst v30  }
0x229: {  	v30 =	vor.u32 v9, v20;
	[tilespmem:s7+$0x80] =	vst v29;
	v29 =	vld.idx.msk [tilespmem:v31+s15+$0x0], $0xffff  }
0x22a: {  	v38 =	vld.idx.msk [tilespmem:v25+s15+$0x0], $0xffff;
	[tilespmem:s7+$0x100] =	vst v32  }
0x22b: {  	[tilespmem:s4+$0xFFFFF9C0] =	vst v53;
	v32 =	vld.idx.msk [tilespmem:v24+s15+$0x0], $0xffff  }
0x22c: {  	v35 =	vld.idx.msk [tilespmem:v37+s16+$0x0], $0xffff;
	[tilespmem:s7+$0x180] =	vst v26  }
0x22d: {  	[tilespmem:s7+$0x0] =	vst v34;
	v26 =	vld.idx.msk [tilespmem:v28+s15+$0x0], $0xffff  }
0x22e: {  	v34 =	vld.idx.msk [tilespmem:v30+s15+$0x0], $0xffff;
	[tilespmem:s4+$0xFFFFF950] =	vst v29  }
0x22f: {  	[tilespmem:s7+$0xFFFFF890] =	vst v38;
	v29 =	vld.idx.msk [tilespmem:v31+s16+$0x0], $0xffff  }
0x230: {  	v31 =	vor.u32 v14, v23;
	v25 =	vld.idx.msk [tilespmem:v25+s16+$0x0], $0xffff;
	[tilespmem:s7+$0xFFFFF910] =	vst v32  }
0x231: {  	v54 =	vor.u32 v10, v18;
	[tilespmem:s4+$0x1C0] =	vst v35;
	v24 =	vld.idx.msk [tilespmem:v24+s16+$0x0], $0xffff  }
0x232: {  	v35 =	vld.idx.msk [tilespmem:v33+s16+$0x0], $0xffff;
	[tilespmem:s7+$0xFFFFF990] =	vst v26;
	v26 =	vor.u32 v10, v19  }
0x233: {  	v55 =	vor.u32 v13, v22;
	[tilespmem:s7+$0xFFFFF810] =	vst v34;
	v28 =	vld.idx.msk [tilespmem:v28+s16+$0x0], $0xffff  }
0x234: {  	v56 =	vor.u32 v10, v21;
	v30 =	vld.idx.msk [tilespmem:v30+s16+$0x0], $0xffff;
	[tilespmem:s4+$0x150] =	vst v29  }
0x235: {  	v29 =	vor.u32 v10, v20;
	[tilespmem:s7+$0x90] =	vst v25;
	v25 =	vld.idx.msk [tilespmem:v31+s15+$0x0], $0xffff  }
0x236: {  	v57 =	vld.idx.msk [tilespmem:v54+s15+$0x0], $0xffff;
	[tilespmem:s7+$0x110] =	vst v24;
	v24 =	vor.u32 v13, v16  }
0x237: {  	[tilespmem:s4+$0xC0] =	vst v27;
	v58 =	vld.idx.msk [tilespmem:v26+s15+$0x0], $0xffff  }
0x238: {  	[tilespmem:s7+$0x190] =	vst v28;
	v28 =	vld.idx.msk [tilespmem:v55+s15+$0x0], $0xffff  }
0x239: {  	[tilespmem:s7+$0x10] =	vst v30;
	v30 =	vld.idx.msk [tilespmem:v56+s15+$0x0], $0xffff  }
0x23a: {  	v27 =	vld.idx.msk [tilespmem:v29+s15+$0x0], $0xffff;
	[tilespmem:s4+$0xFFFFF960] =	vst v25  }
0x23b: {  	v59 =	vld.idx.msk [tilespmem:v24+s15+$0x0], $0xffff;
	[tilespmem:s7+$0xFFFFF8A0] =	vst v57  }
0x23c: {  	v25 =	vld.idx.msk [tilespmem:v31+s16+$0x0], $0xffff;
	[tilespmem:s7+$0xFFFFF920] =	vst v58  }
0x23d: {  	v31 =	vld.idx.msk [tilespmem:v54+s16+$0x0], $0xffff;
	[tilespmem:s4+$0xFFFFF9D0] =	vst v28  }
0x23e: {  	v23 =	vor.u32 v15, v23;
	v26 =	vld.idx.msk [tilespmem:v26+s16+$0x0], $0xffff;
	[tilespmem:s7+$0xFFFFF9A0] =	vst v30  }
0x23f: {  	v60 =	vor.u32 v11, v18;
	v30 =	vld.idx.msk [tilespmem:v55+s16+$0x0], $0xffff;
	[tilespmem:s7+$0xFFFFF820] =	vst v27  }
0x240: {  	v61 =	vor.u32 v11, v19;
	v62 =	vld.idx.msk [tilespmem:v56+s16+$0x0], $0xffff;
	[tilespmem:s4+$0xFFFFF8D0] =	vst v59  }
0x241: {  	v63 =	vor.u32 v14, v22;
	v29 =	vld.idx.msk [tilespmem:v29+s16+$0x0], $0xffff;
	[tilespmem:s4+$0x160] =	vst v25  }
0x242: {  	v27 =	vor.u32 v11, v21;
	v24 =	vld.idx.msk [tilespmem:v24+s16+$0x0], $0xffff;
	[tilespmem:s7+$0xA0] =	vst v31  }
0x243: {  	v28 =	vor.u32 v11, v20;
	v25 =	vld.idx.msk [tilespmem:v23+s15+$0x0], $0xffff;
	[tilespmem:s7+$0x120] =	vst v26  }
0x244: {  	v31 =	vld.idx.msk [tilespmem:v60+s15+$0x0], $0xffff;
	[tilespmem:s4+$0x1D0] =	vst v30  }
0x245: {  	v26 =	vld.idx.msk [tilespmem:v61+s15+$0x0], $0xffff;
	[tilespmem:s7+$0x1A0] =	vst v62  }
0x246: {  	v30 =	vld.idx.msk [tilespmem:v63+s15+$0x0], $0xffff;
	[tilespmem:s7+$0x20] =	vst v29  }
0x247: {  	v39 =	vld.idx.msk [tilespmem:v27+s15+$0x0], $0xffff;
	[tilespmem:s4+$0xD0] =	vst v24  }
0x248: {  	v29 =	vor.u32 v14, v16;
	v40 =	vld.idx.msk [tilespmem:v28+s15+$0x0], $0xffff;
	[tilespmem:s4+$0xFFFFF970] =	vst v25  }
0x249: {  	[tilespmem:s7+$0xFFFFF8B0] =	vst v31;
	v34 =	vld.idx.msk [tilespmem:v23+s16+$0x0], $0xffff  }
0x24a: {  	v36 =	vld.idx.msk [tilespmem:v60+s16+$0x0], $0xffff;
	[tilespmem:s7+$0xFFFFF930] =	vst v26  }
0x24b: {  	v25 =	vor.u32 v13, v17;
	v24 =	vor.u32 v15, v17;
	v37 =	vld.idx.msk [tilespmem:v61+s16+$0x0], $0xffff;
	[tilespmem:s4+$0xFFFFF9E0] =	vst v30  }
0x24c: {  	v23 =	vor.u32 v15, v22;
	v22 =	vor.u32 v15, v21;
	[tilespmem:s7+$0xFFFFF9B0] =	vst v39;
	v33 =	vld.idx.msk [tilespmem:v63+s16+$0x0], $0xffff  }
0x24d: {  	s3 =	simm.s32 $0x8;
	s11 =	simm.s32 $0x5400;
	v31 =	vor.u32 v12, v18;
	v30 =	vor.u32 v12, v19;
	v32 =	vld.idx.msk [tilespmem:v29+s15+$0x0], $0xffff;
	[tilespmem:s7+$0xFFFFF830] =	vst v40  }
.LBB2_10:
0x24e: {  	s10 =	sadd.s32 $0x1, s3  }
0x24f: {  	v38 =	vmov s3;
	s14 =	sadd.s32 $0x3, s3;
	v39 =	vld.idx.msk [tilespmem:v28+s16+$0x0], $0xffff;
	v26 =	vor.u32 v12, v20;
	[tilespmem:s4+$0x40] =	vst v35;
	s19 =	smov.u32 s3;
	s9 =	sadd.s32 $0x4, s3  }
0x250: {  	p0 =	slt.u32 s3, $0xC;
	v28 =	vand.u32 $0xC, v38;
	v35 =	vmov s10;
	s10 =	sadd.s32 $0x2, s19;
	v38 =	vmov s14;
	v40 =	vld.idx.msk [tilespmem:v25+s15+$0x0], $0xffff;
	[tilespmem:s4+$0x170] =	vst v34  }
0x251: {  	v34 =	vand.u32 $0xD, v35;
	v35 =	vmov s10;
	v38 =	vand.u32 $0xF, v38;
	[tilespmem:s7+$0xB0] =	vst v36;
	v36 =	vld.idx.msk [tilespmem:v27+s16+$0x0], $0xffff  }
0x252: {  	v34 =	vbroadcast v34, $0x0;
	v35 =	vand.u32 $0xE, v35;
	v27 =	vbroadcast v38, $0x0;
	v38 =	vld.idx.msk [tilespmem:v31+s15+$0x0], $0xffff;
	[tilespmem:s7+$0x130] =	vst v37  }
0x253: {  	v41 =	vor.u32 v12, v21;
	v37 =	vbroadcast v28, $0x0;
	v28 =	vbroadcast v35, $0x0;
	v35 =	vld.idx.msk [tilespmem:v30+s15+$0x0], $0xffff;
	[tilespmem:s4+$0x1E0] =	vst v33  }
0x254: {  	v33 =	vor.u32 v3, v34;
	v42 =	vor.u32 v15, v27;
	[tilespmem:s4+$0xFFFFF8E0] =	vst v32;
	v32 =	vld.idx.msk [tilespmem:v23+s15+$0x0], $0xffff  }
0x255: {  	v43 =	vor.u32 v3, v28;
	[tilespmem:s7+$0x30] =	vst v39;
	v29 =	vld.idx.msk [tilespmem:v29+s16+$0x0], $0xffff  }
0x256: {  	v39 =	vor.u32 v3, v27;
	v44 =	vld.idx.msk [tilespmem:v26+s15+$0x0], $0xffff;
	[tilespmem:s4+$0xFFFFF850] =	vst v40  }
0x257: {  	[tilespmem:s7+$0x1B0] =	vst v36;
	v25 =	vld.idx.msk [tilespmem:v25+s16+$0x0], $0xffff  }
0x258: {  	[tilespmem:s7+$0xFFFFF8C0] =	vst v38;
	v36 =	vld.idx.msk [tilespmem:v41+s15+$0x0], $0xffff;
	v38 =	vor.u32 v15, v16;
	v16 =	vmov v18;
	v18 =	vmov v34  }
0x259: {  	v34 =	vor.u32 v3, v37;
	v40 =	vld.idx.msk [tilespmem:v33+s15+$0x0], $0xffff;
	[tilespmem:s7+$0xFFFFF940] =	vst v35;
	v35 =	vor.u32 v14, v17;
	v17 =	vmov v20  }
0x25a: {  	v20 =	vmov v37;
	v45 =	vld.idx.msk [tilespmem:v43+s15+$0x0], $0xffff;
	[tilespmem:s4+$0xFFFFF9F0] =	vst v32  }
0x25b: {  	v31 =	vld.idx.msk [tilespmem:v31+s16+$0x0], $0xffff;
	[tilespmem:s4+$0xE0] =	vst v29  }
0x25c: {  	v29 =	vld.idx.msk [tilespmem:v39+s15+$0x0], $0xffff;
	[tilespmem:s7+$0xFFFFF840] =	vst v44  }
0x25d: {  	[tilespmem:s4+$0x50] =	vst v25;
	v32 =	vld.idx.msk [tilespmem:v38+s15+$0x0], $0xffff  }
0x25e: {  	s7 =	sadd.s32 $0x200, s7;
	v37 =	vld.idx.msk [tilespmem:v34+s15+$0x0], $0xffff;
	[tilespmem:s11+$0xFFFFF9C0] =	vst v36  }
0x25f: {  	[tilespmem:s7+$0xFFFFF880] =	vst v40;
	v36 =	vld.idx.msk [tilespmem:v35+s15+$0x0], $0xffff  }
0x260: {  	[tilespmem:s7+$0xFFFFF900] =	vst v45;
	v30 =	vld.idx.msk [tilespmem:v30+s16+$0x0], $0xffff  }
0x261: {  	v25 =	vor.u32 v13, v17;
	v33 =	vld.idx.msk [tilespmem:v33+s16+$0x0], $0xffff;
	[tilespmem:s11+$0xC0] =	vst v31  }
0x262: {  	v31 =	vor.u32 v9, v18;
	v40 =	vld.idx.msk [tilespmem:v43+s16+$0x0], $0xffff;
	[tilespmem:s7+$0xFFFFF980] =	vst v29;
	v29 =	vor.u32 v13, v19  }
0x263: {  	v43 =	vor.u32 v9, v28;
	v39 =	vld.idx.msk [tilespmem:v39+s16+$0x0], $0xffff;
	[tilespmem:s4+$0xFFFFF8F0] =	vst v32  }
0x264: {  	v32 =	vor.u32 v9, v27;
	[tilespmem:s7+$0xFFFFF800] =	vst v37;
	v37 =	vld.idx.msk [tilespmem:v41+s16+$0x0], $0xffff  }
0x265: {  	v34 =	vld.idx.msk [tilespmem:v34+s16+$0x0], $0xffff;
	[tilespmem:s4+$0xFFFFF860] =	vst v36  }
0x266: {  	[tilespmem:s11+$0x140] =	vst v30;
	v30 =	vld.idx.msk [tilespmem:v35+s16+$0x0], $0xffff  }
0x267: {  	v35 =	vor.u32 v9, v20;
	[tilespmem:s7+$0x80] =	vst v33;
	v33 =	vld.idx.msk [tilespmem:v29+s15+$0x0], $0xffff  }
0x268: {  	v36 =	vld.idx.msk [tilespmem:v31+s15+$0x0], $0xffff;
	[tilespmem:s7+$0x100] =	vst v40  }
0x269: {  	v40 =	vld.idx.msk [tilespmem:v43+s15+$0x0], $0xffff;
	[tilespmem:s7+$0x180] =	vst v39  }
0x26a: {  	[tilespmem:s11+$0x1C0] =	vst v37;
	v37 =	vld.idx.msk [tilespmem:v38+s16+$0x0], $0xffff  }
0x26b: {  	[tilespmem:s7+$0x0] =	vst v34;
	v34 =	vld.idx.msk [tilespmem:v32+s15+$0x0], $0xffff  }
0x26c: {  	v38 =	vld.idx.msk [tilespmem:v35+s15+$0x0], $0xffff;
	[tilespmem:s4+$0x60] =	vst v30  }
0x26d: {  	[tilespmem:s11+$0xFFFFF950] =	vst v33;
	v30 =	vld.idx.msk [tilespmem:v24+s15+$0x0], $0xffff  }
0x26e: {  	[tilespmem:s7+$0xFFFFF890] =	vst v36;
	v29 =	vld.idx.msk [tilespmem:v29+s16+$0x0], $0xffff  }
0x26f: {  	v31 =	vld.idx.msk [tilespmem:v31+s16+$0x0], $0xffff;
	[tilespmem:s7+$0xFFFFF910] =	vst v40  }
0x270: {  	v36 =	vor.u32 v14, v19;
	v33 =	vld.idx.msk [tilespmem:v43+s16+$0x0], $0xffff;
	[tilespmem:s4+$0xF0] =	vst v37  }
0x271: {  	v37 =	vor.u32 v10, v18;
	[tilespmem:s7+$0xFFFFF990] =	vst v34;
	v34 =	vld.idx.msk [tilespmem:v23+s16+$0x0], $0xffff;
	v23 =	vmov v22;
	v22 =	vmov v42  }
0x272: {  	[tilespmem:s7+$0xFFFFF810] =	vst v38;
	v38 =	vor.u32 v10, v28;
	v32 =	vld.idx.msk [tilespmem:v32+s16+$0x0], $0xffff  }
0x273: {  	v39 =	vor.u32 v13, v21;
	v35 =	vld.idx.msk [tilespmem:v35+s16+$0x0], $0xffff;
	[tilespmem:s4+$0xFFFFF870] =	vst v30  }
0x274: {  	v30 =	vor.u32 v10, v27;
	[tilespmem:s11+$0x150] =	vst v29;
	v24 =	vld.idx.msk [tilespmem:v24+s16+$0x0], $0xffff  }
0x275: {  	v29 =	vor.u32 v10, v20;
	[tilespmem:s7+$0x90] =	vst v31;
	v31 =	vld.idx.msk [tilespmem:v36+s15+$0x0], $0xffff  }
0x276: {  	v40 =	vld.idx.msk [tilespmem:v37+s15+$0x0], $0xffff;
	[tilespmem:s7+$0x110] =	vst v33;
	v33 =	vor.u32 v13, v16  }
0x277: {  	v41 =	vld.idx.msk [tilespmem:v38+s15+$0x0], $0xffff;
	[tilespmem:s4+$0x1F0] =	vst v34  }
0x278: {  	[tilespmem:s7+$0x190] =	vst v32;
	v32 =	vld.idx.msk [tilespmem:v39+s15+$0x0], $0xffff  }
0x279: {  	[tilespmem:s7+$0x10] =	vst v35;
	v34 =	vld.idx.msk [tilespmem:v30+s15+$0x0], $0xffff  }
0x27a: {  	v35 =	vld.idx.msk [tilespmem:v29+s15+$0x0], $0xffff;
	[tilespmem:s4+$0x70] =	vst v24;
	s4 =	smov.u32 s11;
	s11 =	smov.u32 s7  }
0x27b: {  	v42 =	vld.idx.msk [tilespmem:v33+s15+$0x0], $0xffff;
	[tilespmem:s4+$0xFFFFF960] =	vst v31  }
0x27c: {  	[tilespmem:s7+$0xFFFFF8A0] =	vst v40;
	v31 =	vld.idx.msk [tilespmem:v36+s16+$0x0], $0xffff  }
0x27d: {  	v24 =	vor.u32 v15, v17;
	v36 =	vld.idx.msk [tilespmem:v37+s16+$0x0], $0xffff;
	[tilespmem:s7+$0xFFFFF920] =	vst v41  }
0x27e: {  	v37 =	vld.idx.msk [tilespmem:v38+s16+$0x0], $0xffff;
	v38 =	vor.u32 v15, v19;
	[tilespmem:s4+$0xFFFFF9D0] =	vst v32;
	v19 =	vmov v28  }
0x27f: {  	v32 =	vor.u32 v11, v18;
	[tilespmem:s7+$0xFFFFF9A0] =	vst v34;
	v34 =	vld.idx.msk [tilespmem:v39+s16+$0x0], $0xffff  }
0x280: {  	v39 =	vor.u32 v11, v19;
	[tilespmem:s7+$0xFFFFF820] =	vst v35;
	v30 =	vld.idx.msk [tilespmem:v30+s16+$0x0], $0xffff  }
0x281: {  	v40 =	vor.u32 v14, v21;
	v21 =	vmov v27;
	v29 =	vld.idx.msk [tilespmem:v29+s16+$0x0], $0xffff;
	[tilespmem:s4+$0xFFFFF8D0] =	vst v42  }
0x282: {  	v27 =	vor.u32 v11, v21;
	v33 =	vld.idx.msk [tilespmem:v33+s16+$0x0], $0xffff;
	[tilespmem:s4+$0x160] =	vst v31  }
0x283: {  	v28 =	vor.u32 v11, v20;
	[tilespmem:s7+$0xA0] =	vst v36;
	v31 =	vld.idx.msk [tilespmem:v38+s15+$0x0], $0xffff  }
0x284: {  	v36 =	vld.idx.msk [tilespmem:v32+s15+$0x0], $0xffff;
	[tilespmem:s7+$0x120] =	vst v37  }
0x285: {  	v37 =	vld.idx.msk [tilespmem:v39+s15+$0x0], $0xffff;
	[tilespmem:s4+$0x1D0] =	vst v34  }
0x286: {  	[tilespmem:s7+$0x1A0] =	vst v30;
	v30 =	vld.idx.msk [tilespmem:v40+s15+$0x0], $0xffff  }
0x287: {  	[tilespmem:s7+$0x20] =	vst v29;
	v41 =	vld.idx.msk [tilespmem:v27+s15+$0x0], $0xffff  }
0x288: {  	v42 =	vld.idx.msk [tilespmem:v28+s15+$0x0], $0xffff;
	[tilespmem:s4+$0xD0] =	vst v33  }
0x289: {  	v29 =	vor.u32 v14, v16;
	v35 =	vld.idx.msk [tilespmem:v26+s16+$0x0], $0xffff;
	[tilespmem:s4+$0xFFFFF970] =	vst v31  }
.Ltmp10:
0x28a: {  	[tilespmem:s7+$0xFFFFF8B0] =	vst v36;
	v34 =	vld.idx.msk [tilespmem:v38+s16+$0x0], $0xffff;
	(pc) =	sbr.rel @p0 .LBB2_10-.Ltmp10, $4  }
0x28b: {  	v36 =	vld.idx.msk [tilespmem:v32+s16+$0x0], $0xffff;
	[tilespmem:s7+$0xFFFFF930] =	vst v37  }
0x28c: {  	v37 =	vld.idx.msk [tilespmem:v39+s16+$0x0], $0xffff;
	[tilespmem:s4+$0xFFFFF9E0] =	vst v30  }
0x28d: {  	v31 =	vor.u32 v12, v18;
	[tilespmem:s7+$0xFFFFF9B0] =	vst v41;
	v33 =	vld.idx.msk [tilespmem:v40+s16+$0x0], $0xffff  }
0x28e: {  	s3 =	smov.u32 s9;
	v30 =	vor.u32 v12, v19;
	[tilespmem:s7+$0xFFFFF830] =	vst v42;
	v32 =	vld.idx.msk [tilespmem:v29+s15+$0x0], $0xffff  }
.Ltmp11:
0x28f: {  	_ = 	snop;
	(pc) =	sbr.rel .LBB2_11-.Ltmp11, $1  }
0x290: {  	_ =	sdelay $0x3  }
.LBB2_15:
0x291: {  	_ =	sfence.sel $0x180000  }
0x292: {  	[bflag:$0x0] =	sbarrier.arrive $0xFFFF  }
0x293: {  	_ =	strace $0x9000004A  }
0x294: {  	s0 =	stileid.u32;
	[bflag:$0x2] =	sbarrier.arrive $0xFFFF  }
0x295: {  	p0 =	sne.s32 s0, $0x0;
	s0 =	rddreg [dreg:$0x2]  }
0x296: {  	s0 =	sadd.s32 @!p0 $0x100000, s0  }
0x297: {  	[sflag:s0] =	ssyncadd.tile.s32 @!p0 $0x1;
	_ =	shalt  }
.Lfunc_end2:
_tile_overlayer_lowered:
.L_overlay_start_2:
0x298: {  	(tag) =	ssettag $0x2  }
0x299: {  	s0 =	rddreg [dreg:$0x0];
	s2 =	stileid.u32  }
0x29a: {  	s1 =	rddreg [dreg:$0x1];
	p0 =	sne.s32 s2, $0x0  }
0x29b: {  	s3 =	rddreg [dreg:$0x2];
	[bflag:$0x3] =	sbarrier.arrive $0xFFFF;
	s2 =	simm.s32 @!p0 $0x1C07  }
0x29c: {  	[timem:s3], [sflag:s2] =	dma.local @!p0 [hbm:s0], s1  }
0x29d: {  	s0 =	simm.s32 @!p0 $0x7  }
0x29e: {  	_ =	swait.ge @!p0 [sflag:s0], s1  }
0x29f: {  	s1 =	ssub.s32 @!p0 $0x0, s1;
	[sflag:s0] =	ssyncset.done @!p0 $0x0  }
0x2a0: {  	[sflag:s0] =	ssyncadd.s32 @!p0 s1  }
0x2a1: {  	[bflag:$0x3] =	sbarrier.arrive $0xFFFF  }
0x2a2: {  	_ =	shalt  }

</sc_bundles>
